<compile_context>
chip_gen: v7x
topology: tpu7x:2x2x1
jax: 0.10.2.dev20260603
libtpu: 0.0.44.dev20260713+nightly
codegen_flags: <defaults>
</compile_context>

<pallas_src>
import functools

import jax
import jax.numpy as jnp
from jax import lax
from jax.experimental import pallas as pl
from jax.experimental.pallas import tpu as pltpu
from jax.experimental.pallas import tpu_sc as plsc

N_NODES = 10000
N_EDGES = 320000
D = 128

NC = 2
NS = 16
NW = NC * NS
N_PAD = 10240
E_PAD = 327680
CHUNK = 128
TOT_CHUNKS = E_PAD // CHUNK
REAL_CHUNKS = N_EDGES // CHUNK
PAD_CHUNKS = TOT_CHUNKS - REAL_CHUNKS
W_CHUNKS = TOT_CHUNKS // NW
W_STAGE = 40
IDX_BUF = 40
SEAM = NW - 1
SEAM_REAL = REAL_CHUNKS - SEAM * W_CHUNKS
ROWS_PER_TILE = N_PAD // NS


def _sc_mesh():
    return plsc.VectorSubcoreMesh(core_axis_name="c", subcore_axis_name="s")


def _sc_hist(ei3, pad2):
    @functools.partial(
        pl.kernel,
        out_type=jax.ShapeDtypeStruct((NC, N_PAD), jnp.float32),
        mesh=_sc_mesh(),
        scratch_types=[
            pltpu.VMEM((88, CHUNK), jnp.int32),
            pltpu.VMEM((CHUNK,), jnp.float32),
            pltpu.VMEM((ROWS_PER_TILE,), jnp.float32),
            pltpu.VMEM_SHARED((N_PAD,), jnp.float32),
        ],
    )
    def hist_kernel(dst_hbm, pad_hbm, out_hbm, idx_v, ones_v, zrow_v, deg_sh):
        c = lax.axis_index("c")
        s = lax.axis_index("s")
        wid = c * NS + s
        def zb(i, carry):
            zrow_v[pl.ds(i * 16, 16)] = jnp.zeros((16,), jnp.float32)
            return carry

        lax.fori_loop(0, ROWS_PER_TILE // 16, zb, 0)
        pltpu.sync_copy(
            zrow_v, deg_sh.at[pl.ds(s * ROWS_PER_TILE, ROWS_PER_TILE)])
        for i in range(CHUNK // 16):
            ones_v[pl.ds(i * 16, 16)] = jnp.ones((16,), jnp.float32)

        @pl.when(wid != SEAM)
        def _():
            pltpu.sync_copy(dst_hbm.at[pl.ds(wid * W_CHUNKS, W_CHUNKS), 1],
                            idx_v.at[pl.ds(0, W_CHUNKS)])

        @pl.when(wid == SEAM)
        def _():
            pltpu.sync_copy(dst_hbm.at[pl.ds(SEAM * W_CHUNKS, SEAM_REAL), 1],
                            idx_v.at[pl.ds(0, SEAM_REAL)])
            pltpu.sync_copy(pad_hbm.at[pl.ds(0, PAD_CHUNKS)],
                            idx_v.at[pl.ds(24, PAD_CHUNKS)])

        plsc.subcore_barrier()

        def body(j, carry):
            pltpu.sync_copy(ones_v, deg_sh.at[idx_v.at[j]], add=True)
            return carry

        @pl.when(wid != SEAM)
        def _():
            lax.fori_loop(0, W_CHUNKS, body, 0)

        @pl.when(wid == SEAM)
        def _():
            lax.fori_loop(0, SEAM_REAL, body, 0)
            lax.fori_loop(24, 24 + PAD_CHUNKS, body, 0)

        plsc.subcore_barrier()
        pltpu.sync_copy(
            deg_sh.at[pl.ds(s * ROWS_PER_TILE, ROWS_PER_TILE)],
            out_hbm.at[c, pl.ds(s * ROWS_PER_TILE, ROWS_PER_TILE)],
        )

    return hist_kernel(ei3, pad2)


def _tc_scale_matmul(x, W, degT):
    blk = 1000
    grid = N_NODES // blk

    def body(x_ref, w_ref, dp_ref, o_ref):
        deg = jnp.sum(dp_ref[...], axis=1, keepdims=True) + 1.0
        dis = lax.rsqrt(deg)
        h = jnp.dot(x_ref[...], w_ref[...], preferred_element_type=jnp.float32)
        o_ref[...] = dis * h

    return pl.pallas_call(
        body,
        grid=(grid,),
        in_specs=[
            pl.BlockSpec((blk, D), lambda i: (i, 0)),
            pl.BlockSpec((D, D), lambda i: (0, 0)),
            pl.BlockSpec((blk, NC), lambda i: (i, 0)),
        ],
        out_specs=pl.BlockSpec((blk, D), lambda i: (i, 0)),
        out_shape=jax.ShapeDtypeStruct((N_PAD, D), jnp.float32),
    )(x, W, degT)


def _sc_agg(hp, ei3, pad2):
    @functools.partial(
        pl.kernel,
        out_type=jax.ShapeDtypeStruct((NC, N_PAD, D), jnp.float32),
        mesh=_sc_mesh(),
        scratch_types=[
            pltpu.VMEM((IDX_BUF, CHUNK), jnp.int32),
            pltpu.VMEM((IDX_BUF, CHUNK), jnp.int32),
            pltpu.VMEM((2, CHUNK, D), jnp.float32),
            pltpu.VMEM_SHARED((N_PAD, D), jnp.float32),
            pltpu.SemaphoreType.DMA,
            pltpu.SemaphoreType.DMA,
        ],
    )
    def agg_kernel(hp_hbm, ei_hbm, pad_hbm, out_hbm,
                   src_v, dst_v, rows_v, agg_sh, sem0, sem1):
        c = lax.axis_index("c")
        s = lax.axis_index("s")
        wid = c * NS + s
        sems = (sem0, sem1)

        def stage(sslice, dslice, base, n):
            pltpu.sync_copy(sslice(base, n), src_v.at[pl.ds(0, n)])
            pltpu.sync_copy(dslice(base, n), dst_v.at[pl.ds(0, n)])
            pltpu.async_copy(hp_hbm.at[src_v.at[0]], rows_v.at[0], sem0)
            pltpu.async_copy(hp_hbm.at[src_v.at[1]], rows_v.at[1], sem1)

            def pair(jb, carry):
                for buf in range(2):
                    j = 2 * jb + buf
                    pltpu.make_async_copy(hp_hbm.at[src_v.at[j]],
                                          rows_v.at[buf], sems[buf]).wait()
                    pltpu.sync_copy(rows_v.at[buf], agg_sh.at[dst_v.at[j]],
                                    add=True)
                    pltpu.async_copy(hp_hbm.at[src_v.at[j + 2]],
                                     rows_v.at[buf], sems[buf])
                return carry

            lax.fori_loop(0, n // 2 - 1, pair, 0)
            for buf in range(2):
                j = n - 2 + buf
                pltpu.make_async_copy(hp_hbm.at[src_v.at[j]],
                                      rows_v.at[buf], sems[buf]).wait()
                pltpu.sync_copy(rows_v.at[buf], agg_sh.at[dst_v.at[j]],
                                add=True)

        @pl.when(c == 0)
        def _():
            pltpu.sync_copy(
                hp_hbm.at[pl.ds(s * ROWS_PER_TILE, ROWS_PER_TILE)],
                agg_sh.at[pl.ds(s * ROWS_PER_TILE, ROWS_PER_TILE)],
            )

        @pl.when(c == 1)
        def _():
            def zb(r, carry):
                for i in range(D // 16):
                    rows_v[0, r, pl.ds(i * 16, 16)] = (
                        jnp.zeros((16,), jnp.float32))
                return carry

            lax.fori_loop(0, CHUNK, zb, 0)
            for k in range(ROWS_PER_TILE // CHUNK):
                pltpu.sync_copy(
                    rows_v.at[0],
                    agg_sh.at[pl.ds(s * ROWS_PER_TILE + k * CHUNK, CHUNK)])

        plsc.subcore_barrier()

        def ei_src(b, n):
            return ei_hbm.at[pl.ds(b, n), 0]

        def ei_dst(b, n):
            return ei_hbm.at[pl.ds(b, n), 1]

        def pad_sl(b, n):
            return pad_hbm.at[pl.ds(b, n)]

        @pl.when(wid != SEAM)
        def _():
            for st in range(W_CHUNKS // W_STAGE):
                stage(ei_src, ei_dst, wid * W_CHUNKS + st * W_STAGE,
                      W_STAGE)

        @pl.when(wid == SEAM)
        def _():
            stage(ei_src, ei_dst, SEAM * W_CHUNKS, SEAM_REAL)
            stage(pad_sl, pad_sl, 0, W_STAGE)
            stage(pad_sl, pad_sl, W_STAGE, PAD_CHUNKS - W_STAGE)

        plsc.subcore_barrier()
        pltpu.sync_copy(
            agg_sh.at[pl.ds(s * ROWS_PER_TILE, ROWS_PER_TILE)],
            out_hbm.at[c, pl.ds(s * ROWS_PER_TILE, ROWS_PER_TILE)],
        )

    return agg_kernel(hp, ei3, pad2)


def _tc_finish(agg_parts, degT, b2):
    blk = 1000
    grid = N_NODES // blk

    def body(a_ref, dp_ref, b_ref, o_ref):
        deg = jnp.sum(dp_ref[...], axis=1, keepdims=True) + 1.0
        dis = lax.rsqrt(deg)
        total = a_ref[0] + a_ref[1]
        o_ref[...] = jnp.maximum(dis * total + b_ref[...], 0.0)

    return pl.pallas_call(
        body,
        grid=(grid,),
        in_specs=[
            pl.BlockSpec((NC, blk, D), lambda i: (0, i, 0)),
            pl.BlockSpec((blk, NC), lambda i: (i, 0)),
            pl.BlockSpec((1, D), lambda i: (0, 0)),
        ],
        out_specs=pl.BlockSpec((blk, D), lambda i: (i, 0)),
        out_shape=jax.ShapeDtypeStruct((N_NODES, D), jnp.float32),
    )(agg_parts, degT, b2)


def kernel(x, edge_index, W, b):
    ei3 = jnp.transpose(
        edge_index.astype(jnp.int32).reshape(2, REAL_CHUNKS, CHUNK),
        (1, 0, 2))
    pad2 = (N_NODES + jnp.arange(PAD_CHUNKS * CHUNK, dtype=jnp.int32)
            % (N_PAD - N_NODES)).reshape(PAD_CHUNKS, CHUNK)

    deg_parts = _sc_hist(ei3, pad2)
    degT = deg_parts.T
    hp = _tc_scale_matmul(x, W, degT)
    agg_parts = _sc_agg(hp, ei3, pad2)
    return _tc_finish(agg_parts, degT, b.reshape(1, D))

# --- scband reference (transcript-rebuilt; emitter-appended) ---
"""Pipeline reference for scband-gcnmodel-20504173871639 (READ-ONLY COPY).

The authoritative reference and input builder live on the scoring server;
editing this copy changes nothing except your own understanding.
"""

import jax, jax.numpy as jnp
import numpy as np

N_NODES = 10000
N_EDGES = 320000
D_IN = 128
D_OUT = 128


def setup_inputs(seed: int = 0) -> dict:
    key = jax.random.key(seed)
    k1, k2, k3 = jax.random.split(key, 3)
    x = jax.random.normal(k1, (N_NODES, D_IN), dtype=jnp.float32)
    edge_index = jax.random.randint(k2, (2, N_EDGES), 0, N_NODES, dtype=jnp.int64)
    # GCNConv learned parameters (glorot-scaled)
    scale = float(np.sqrt(2.0 / (D_IN + D_OUT)))
    W = jax.random.normal(k3, (D_IN, D_OUT), dtype=jnp.float32) * scale
    b = jnp.zeros((D_OUT,), dtype=jnp.float32)
    return {"x": x, "edge_index": edge_index, "W": W, "b": b}


def _gcn_conv(x, edge_index, edge_weight, W, b):
    # Faithful PyG GCNConv: add self-loops, symmetric normalization,
    # linear transform, scatter-add aggregation at destination nodes.
    n = x.shape[0]
    src = edge_index[0]
    dst = edge_index[1]
    loop = jnp.arange(n, dtype=edge_index.dtype)
    src = jnp.concatenate([src, loop])
    dst = jnp.concatenate([dst, loop])
    ew = jnp.concatenate([edge_weight, jnp.ones((n,), dtype=x.dtype)])
    deg = jnp.zeros((n,), dtype=x.dtype).at[dst].add(ew)
    deg_inv_sqrt = jnp.where(deg > 0, deg ** -0.5, 0.0)
    norm = deg_inv_sqrt[src] * ew * deg_inv_sqrt[dst]
    h = x @ W
    msgs = norm[:, None] * jnp.take(h, src, axis=0)
    out = jnp.zeros_like(h).at[dst].add(msgs)
    return out + b


def reference(x, edge_index, W, b):
    edge_weight = jnp.ones((edge_index.shape[1],), dtype=x.dtype)
    h = _gcn_conv(x, edge_index, edge_weight, W, b)
    return jax.nn.relu(h)

if __name__ == "__main__":
    import jax
    _d = setup_inputs()
    print(jax.jit(kernel)(*tuple(_d.values())))

</pallas_src>

<mosaic_0001>
#map = affine_map<(d0, d1) -> (0, 0, 0)>
#map1 = affine_map<(d0, d1) -> (0, 0)>
module attributes {stable_mosaic.version = 14 : i64} {
  func.func @hist_kernel(%arg0: i32, %arg1: i32, %arg2: memref<2500x2x128xi32, #tpu.memory_space<hbm>>, %arg3: memref<60x128xi32, #tpu.memory_space<hbm>>, %arg4: memref<2x10240xf32, #tpu.memory_space<hbm>>, %arg5: memref<88x128xi32, #tpu.memory_space<vmem>>, %arg6: memref<128xf32, #tpu.memory_space<vmem>>, %arg7: memref<640xf32, #tpu.memory_space<vmem>>, %arg8: memref<10240xf32, #tpu.memory_space<vmem_shared>>) attributes {dimension_semantics = [#tpu.dimension_semantics<core_parallel>, #tpu.dimension_semantics<subcore_parallel>], iteration_bounds = array<i64: 2, 16>, scalar_prefetch = 0 : i64, scratch_operands = 4 : i64, tpu.core_type = #tpu.core_type<sc_vector_subcore>, window_params = [{transform_indices = #map}, {transform_indices = #map1}, {transform_indices = #map1}]} {
    %mul3A = arith.constant 16 : i32
    %mul3A_0 = arith.muli %arg0, %mul3A : i32
    %add3A = arith.addi %mul3A_0, %arg1 : i32
    %scan3A = arith.constant 0 : i32
    %scan3A_1 = arith.constant 0 : i32
    %scan3A_2 = arith.constant 40 : i32
    %scan3A_3 = arith.addi %scan3A_1, %scan3A_2 : i32
    %scan3A_4 = arith.constant 1 : i32
    scf.for %scan3A_75 = %scan3A_1 to %scan3A_3 step %scan3A_4  : i32 {
      %broadcast_in_dim3A_76 = arith.constant 0.000000e+00 : f32
      %broadcast_in_dim3A_77 = vector.broadcast %broadcast_in_dim3A_76 : f32 to vector<16xf32>
      %mul3A_78 = arith.constant 16 : i32
      %mul3A_79 = arith.muli %scan3A_75, %mul3A_78 : i32
      %swap3A_80 = arith.index_cast %mul3A_79 : i32 to index
      %swap3A_81 = tpu.vector_load %arg7[%swap3A_80] {strides = array<i32>} : memref<640xf32, #tpu.memory_space<vmem>>, vector<16xf32>,
      %swap3A_82 = vector.shape_cast %swap3A_81 : vector<16xf32> to vector<16xf32>
      %swap3A_83 = vector.shape_cast %broadcast_in_dim3A_77 : vector<16xf32> to vector<16xf32>
      tpu.vector_store %arg7[%swap3A_80], %swap3A_83 {strides = array<i32>} : memref<640xf32, #tpu.memory_space<vmem>>, vector<16xf32>,
    }
    %scan3A_5 = arith.constant 40 : i32
    %mul3A_6 = arith.constant 640 : i32
    %mul3A_7 = arith.muli %arg1, %mul3A_6 : i32
    "tpu.region"() ({
      %run_scoped3A = tpu.sem_alloc : memref<!tpu.dma_semaphore, #tpu.memory_space<semaphore_mem>>
      %dma_start3A = tpu.memref_slice %arg8[%mul3A_7] : memref<10240xf32, #tpu.memory_space<vmem_shared>> -> memref<640xf32, #tpu.memory_space<vmem_shared>>
      %dma_start3A_75 = tpu.memref_slice %arg8[%mul3A_7] : memref<10240xf32, #tpu.memory_space<vmem_shared>> -> memref<640xf32, #tpu.memory_space<vmem_shared>>
      tpu.enqueue_dma source(%arg7 : memref<640xf32, #tpu.memory_space<vmem>>) target(%dma_start3A_75 : memref<640xf32, #tpu.memory_space<vmem_shared>>) target_semaphore(%run_scoped3A : memref<!tpu.dma_semaphore, #tpu.memory_space<semaphore_mem>>)
      %dma_wait3A = tpu.memref_slice %arg8[%mul3A_7] : memref<10240xf32, #tpu.memory_space<vmem_shared>> -> memref<640xf32, #tpu.memory_space<vmem_shared>>
      %dma_wait3A_76 = tpu.memref_slice %arg8[%mul3A_7] : memref<10240xf32, #tpu.memory_space<vmem_shared>> -> memref<640xf32, #tpu.memory_space<vmem_shared>>
      tpu.wait_dma2 semaphore(%run_scoped3A : memref<!tpu.dma_semaphore, #tpu.memory_space<semaphore_mem>>) src(%arg7 : memref<640xf32, #tpu.memory_space<vmem>>) dst(%dma_wait3A_76 : memref<640xf32, #tpu.memory_space<vmem_shared>>)
      tpu.yield
    }) : () -> ()
    %broadcast_in_dim3A = arith.constant 1.000000e+00 : f32
    %broadcast_in_dim3A_8 = vector.broadcast %broadcast_in_dim3A : f32 to vector<16xf32>
    %swap3A = arith.constant 0 : index
    %swap3A_9 = tpu.vector_load %arg6[%swap3A] {strides = array<i32>} : memref<128xf32, #tpu.memory_space<vmem>>, vector<16xf32>,
    %swap3A_10 = vector.shape_cast %swap3A_9 : vector<16xf32> to vector<16xf32>
    %swap3A_11 = vector.shape_cast %broadcast_in_dim3A_8 : vector<16xf32> to vector<16xf32>
    tpu.vector_store %arg6[%swap3A], %swap3A_11 {strides = array<i32>} : memref<128xf32, #tpu.memory_space<vmem>>, vector<16xf32>,
    %broadcast_in_dim3A_12 = arith.constant 1.000000e+00 : f32
    %broadcast_in_dim3A_13 = vector.broadcast %broadcast_in_dim3A_12 : f32 to vector<16xf32>
    %swap3A_14 = arith.constant 16 : index
    %swap3A_15 = tpu.vector_load %arg6[%swap3A_14] {strides = array<i32>} : memref<128xf32, #tpu.memory_space<vmem>>, vector<16xf32>,
    %swap3A_16 = vector.shape_cast %swap3A_15 : vector<16xf32> to vector<16xf32>
    %swap3A_17 = vector.shape_cast %broadcast_in_dim3A_13 : vector<16xf32> to vector<16xf32>
    tpu.vector_store %arg6[%swap3A_14], %swap3A_17 {strides = array<i32>} : memref<128xf32, #tpu.memory_space<vmem>>, vector<16xf32>,
    %broadcast_in_dim3A_18 = arith.constant 1.000000e+00 : f32
    %broadcast_in_dim3A_19 = vector.broadcast %broadcast_in_dim3A_18 : f32 to vector<16xf32>
    %swap3A_20 = arith.constant 32 : index
    %swap3A_21 = tpu.vector_load %arg6[%swap3A_20] {strides = array<i32>} : memref<128xf32, #tpu.memory_space<vmem>>, vector<16xf32>,
    %swap3A_22 = vector.shape_cast %swap3A_21 : vector<16xf32> to vector<16xf32>
    %swap3A_23 = vector.shape_cast %broadcast_in_dim3A_19 : vector<16xf32> to vector<16xf32>
    tpu.vector_store %arg6[%swap3A_20], %swap3A_23 {strides = array<i32>} : memref<128xf32, #tpu.memory_space<vmem>>, vector<16xf32>,
    %broadcast_in_dim3A_24 = arith.constant 1.000000e+00 : f32
    %broadcast_in_dim3A_25 = vector.broadcast %broadcast_in_dim3A_24 : f32 to vector<16xf32>
    %swap3A_26 = arith.constant 48 : index
    %swap3A_27 = tpu.vector_load %arg6[%swap3A_26] {strides = array<i32>} : memref<128xf32, #tpu.memory_space<vmem>>, vector<16xf32>,
    %swap3A_28 = vector.shape_cast %swap3A_27 : vector<16xf32> to vector<16xf32>
    %swap3A_29 = vector.shape_cast %broadcast_in_dim3A_25 : vector<16xf32> to vector<16xf32>
    tpu.vector_store %arg6[%swap3A_26], %swap3A_29 {strides = array<i32>} : memref<128xf32, #tpu.memory_space<vmem>>, vector<16xf32>,
    %broadcast_in_dim3A_30 = arith.constant 1.000000e+00 : f32
    %broadcast_in_dim3A_31 = vector.broadcast %broadcast_in_dim3A_30 : f32 to vector<16xf32>
    %swap3A_32 = arith.constant 64 : index
    %swap3A_33 = tpu.vector_load %arg6[%swap3A_32] {strides = array<i32>} : memref<128xf32, #tpu.memory_space<vmem>>, vector<16xf32>,
    %swap3A_34 = vector.shape_cast %swap3A_33 : vector<16xf32> to vector<16xf32>
    %swap3A_35 = vector.shape_cast %broadcast_in_dim3A_31 : vector<16xf32> to vector<16xf32>
    tpu.vector_store %arg6[%swap3A_32], %swap3A_35 {strides = array<i32>} : memref<128xf32, #tpu.memory_space<vmem>>, vector<16xf32>,
    %broadcast_in_dim3A_36 = arith.constant 1.000000e+00 : f32
    %broadcast_in_dim3A_37 = vector.broadcast %broadcast_in_dim3A_36 : f32 to vector<16xf32>
    %swap3A_38 = arith.constant 80 : index
    %swap3A_39 = tpu.vector_load %arg6[%swap3A_38] {strides = array<i32>} : memref<128xf32, #tpu.memory_space<vmem>>, vector<16xf32>,
    %swap3A_40 = vector.shape_cast %swap3A_39 : vector<16xf32> to vector<16xf32>
    %swap3A_41 = vector.shape_cast %broadcast_in_dim3A_37 : vector<16xf32> to vector<16xf32>
    tpu.vector_store %arg6[%swap3A_38], %swap3A_41 {strides = array<i32>} : memref<128xf32, #tpu.memory_space<vmem>>, vector<16xf32>,
    %broadcast_in_dim3A_42 = arith.constant 1.000000e+00 : f32
    %broadcast_in_dim3A_43 = vector.broadcast %broadcast_in_dim3A_42 : f32 to vector<16xf32>
    %swap3A_44 = arith.constant 96 : index
    %swap3A_45 = tpu.vector_load %arg6[%swap3A_44] {strides = array<i32>} : memref<128xf32, #tpu.memory_space<vmem>>, vector<16xf32>,
    %swap3A_46 = vector.shape_cast %swap3A_45 : vector<16xf32> to vector<16xf32>
    %swap3A_47 = vector.shape_cast %broadcast_in_dim3A_43 : vector<16xf32> to vector<16xf32>
    tpu.vector_store %arg6[%swap3A_44], %swap3A_47 {strides = array<i32>} : memref<128xf32, #tpu.memory_space<vmem>>, vector<16xf32>,
    %broadcast_in_dim3A_48 = arith.constant 1.000000e+00 : f32
    %broadcast_in_dim3A_49 = vector.broadcast %broadcast_in_dim3A_48 : f32 to vector<16xf32>
    %swap3A_50 = arith.constant 112 : index
    %swap3A_51 = tpu.vector_load %arg6[%swap3A_50] {strides = array<i32>} : memref<128xf32, #tpu.memory_space<vmem>>, vector<16xf32>,
    %swap3A_52 = vector.shape_cast %swap3A_51 : vector<16xf32> to vector<16xf32>
    %swap3A_53 = vector.shape_cast %broadcast_in_dim3A_49 : vector<16xf32> to vector<16xf32>
    tpu.vector_store %arg6[%swap3A_50], %swap3A_53 {strides = array<i32>} : memref<128xf32, #tpu.memory_space<vmem>>, vector<16xf32>,
    %ne3A = arith.constant 31 : i32
    %ne3A_54 = arith.cmpi ne, %add3A, %ne3A : i32
    %convert_element_type3A = arith.extui %ne3A_54 : i1 to i32
    %cond3A = arith.constant 0 : i32
    %cond3A_55 = arith.cmpi ne, %convert_element_type3A, %cond3A : i32
    scf.if %cond3A_55 {
      %mul3A_75 = arith.constant 80 : i32
      %mul3A_76 = arith.muli %add3A, %mul3A_75 : i32
      %run_scoped3A = arith.constant 1 : i32
      "tpu.region"() ({
        %run_scoped3A_77 = tpu.sem_alloc : memref<!tpu.dma_semaphore, #tpu.memory_space<semaphore_mem>>
        %dma_start3A = arith.constant 0 : i32
        %dma_start3A_78 = arith.constant 0 : i32
        %dma_start3A_79 = tpu.memref_slice %arg5[%dma_start3A, %dma_start3A_78] : memref<88x128xi32, #tpu.memory_space<vmem>> -> memref<80x128xi32, #tpu.memory_space<vmem>>
        %dma_start3A_80 = arith.constant 0 : i32
        %dma_start3A_81 = tpu.memref_slice %arg2[%mul3A_76, %run_scoped3A, %dma_start3A_80] : memref<2500x2x128xi32, #tpu.memory_space<hbm>> -> memref<80x1x128xi32, #tpu.memory_space<hbm>>
        %dma_start3A_82 = tpu.memref_squeeze %dma_start3A_81 : memref<80x1x128xi32, #tpu.memory_space<hbm>> -> memref<80x128xi32, #tpu.memory_space<hbm>>
        %dma_start3A_83 = arith.constant 0 : i32
        %dma_start3A_84 = arith.constant 0 : i32
        %dma_start3A_85 = tpu.memref_slice %arg5[%dma_start3A_83, %dma_start3A_84] : memref<88x128xi32, #tpu.memory_space<vmem>> -> memref<80x128xi32, #tpu.memory_space<vmem>>
        %dma_start3A_86 = arith.constant 0 : i32
        %dma_start3A_87 = tpu.memref_slice %arg2[%mul3A_76, %run_scoped3A, %dma_start3A_86] : memref<2500x2x128xi32, #tpu.memory_space<hbm>> -> memref<80x1x128xi32, #tpu.memory_space<hbm>>
        %dma_start3A_88 = tpu.memref_squeeze %dma_start3A_87 : memref<80x1x128xi32, #tpu.memory_space<hbm>> -> memref<80x128xi32, #tpu.memory_space<hbm>>
        tpu.enqueue_dma source(%dma_start3A_88 : memref<80x128xi32, #tpu.memory_space<hbm>>) target(%dma_start3A_85 : memref<80x128xi32, #tpu.memory_space<vmem>>) target_semaphore(%run_scoped3A_77 : memref<!tpu.dma_semaphore, #tpu.memory_space<semaphore_mem>>)
        %dma_wait3A = arith.constant 0 : i32
        %dma_wait3A_89 = arith.constant 0 : i32
        %dma_wait3A_90 = tpu.memref_slice %arg5[%dma_wait3A, %dma_wait3A_89] : memref<88x128xi32, #tpu.memory_space<vmem>> -> memref<80x128xi32, #tpu.memory_space<vmem>>
        %dma_wait3A_91 = arith.constant 0 : i32
        %dma_wait3A_92 = tpu.memref_slice %arg2[%mul3A_76, %run_scoped3A, %dma_wait3A_91] : memref<2500x2x128xi32, #tpu.memory_space<hbm>> -> memref<80x1x128xi32, #tpu.memory_space<hbm>>
        %dma_wait3A_93 = tpu.memref_squeeze %dma_wait3A_92 : memref<80x1x128xi32, #tpu.memory_space<hbm>> -> memref<80x128xi32, #tpu.memory_space<hbm>>
        %dma_wait3A_94 = arith.constant 0 : i32
        %dma_wait3A_95 = arith.constant 0 : i32
        %dma_wait3A_96 = tpu.memref_slice %arg5[%dma_wait3A_94, %dma_wait3A_95] : memref<88x128xi32, #tpu.memory_space<vmem>> -> memref<80x128xi32, #tpu.memory_space<vmem>>
        %dma_wait3A_97 = arith.constant 0 : i32
        %dma_wait3A_98 = tpu.memref_slice %arg2[%mul3A_76, %run_scoped3A, %dma_wait3A_97] : memref<2500x2x128xi32, #tpu.memory_space<hbm>> -> memref<80x1x128xi32, #tpu.memory_space<hbm>>
        %dma_wait3A_99 = tpu.memref_squeeze %dma_wait3A_98 : memref<80x1x128xi32, #tpu.memory_space<hbm>> -> memref<80x128xi32, #tpu.memory_space<hbm>>
        tpu.wait_dma2 semaphore(%run_scoped3A_77 : memref<!tpu.dma_semaphore, #tpu.memory_space<semaphore_mem>>) src(%dma_wait3A_99 : memref<80x128xi32, #tpu.memory_space<hbm>>) dst(%dma_wait3A_96 : memref<80x128xi32, #tpu.memory_space<vmem>>)
        tpu.yield
      }) : () -> ()
    } else {
    }
    %eq3A = arith.constant 31 : i32
    %eq3A_56 = arith.cmpi eq, %add3A, %eq3A : i32
    %convert_element_type3A_57 = arith.extui %eq3A_56 : i1 to i32
    %cond3A_58 = arith.constant 0 : i32
    %cond3A_59 = arith.cmpi ne, %convert_element_type3A_57, %cond3A_58 : i32
    scf.if %cond3A_59 {
      %run_scoped3A = arith.constant 1 : i32
      "tpu.region"() ({
        %run_scoped3A_75 = tpu.sem_alloc : memref<!tpu.dma_semaphore, #tpu.memory_space<semaphore_mem>>
        %dma_start3A = arith.constant 0 : i32
        %dma_start3A_76 = arith.constant 0 : i32
        %dma_start3A_77 = tpu.memref_slice %arg5[%dma_start3A, %dma_start3A_76] : memref<88x128xi32, #tpu.memory_space<vmem>> -> memref<20x128xi32, #tpu.memory_space<vmem>>
        %dma_start3A_78 = arith.constant 2480 : i32
        %dma_start3A_79 = arith.constant 0 : i32
        %dma_start3A_80 = tpu.memref_slice %arg2[%dma_start3A_78, %run_scoped3A, %dma_start3A_79] : memref<2500x2x128xi32, #tpu.memory_space<hbm>> -> memref<20x1x128xi32, #tpu.memory_space<hbm>>
        %dma_start3A_81 = tpu.memref_squeeze %dma_start3A_80 : memref<20x1x128xi32, #tpu.memory_space<hbm>> -> memref<20x128xi32, #tpu.memory_space<hbm>>
        %dma_start3A_82 = arith.constant 0 : i32
        %dma_start3A_83 = arith.constant 0 : i32
        %dma_start3A_84 = tpu.memref_slice %arg5[%dma_start3A_82, %dma_start3A_83] : memref<88x128xi32, #tpu.memory_space<vmem>> -> memref<20x128xi32, #tpu.memory_space<vmem>>
        %dma_start3A_85 = arith.constant 2480 : i32
        %dma_start3A_86 = arith.constant 0 : i32
        %dma_start3A_87 = tpu.memref_slice %arg2[%dma_start3A_85, %run_scoped3A, %dma_start3A_86] : memref<2500x2x128xi32, #tpu.memory_space<hbm>> -> memref<20x1x128xi32, #tpu.memory_space<hbm>>
        %dma_start3A_88 = tpu.memref_squeeze %dma_start3A_87 : memref<20x1x128xi32, #tpu.memory_space<hbm>> -> memref<20x128xi32, #tpu.memory_space<hbm>>
        tpu.enqueue_dma source(%dma_start3A_88 : memref<20x128xi32, #tpu.memory_space<hbm>>) target(%dma_start3A_84 : memref<20x128xi32, #tpu.memory_space<vmem>>) target_semaphore(%run_scoped3A_75 : memref<!tpu.dma_semaphore, #tpu.memory_space<semaphore_mem>>)
        %dma_wait3A = arith.constant 0 : i32
        %dma_wait3A_89 = arith.constant 0 : i32
        %dma_wait3A_90 = tpu.memref_slice %arg5[%dma_wait3A, %dma_wait3A_89] : memref<88x128xi32, #tpu.memory_space<vmem>> -> memref<20x128xi32, #tpu.memory_space<vmem>>
        %dma_wait3A_91 = arith.constant 2480 : i32
        %dma_wait3A_92 = arith.constant 0 : i32
        %dma_wait3A_93 = tpu.memref_slice %arg2[%dma_wait3A_91, %run_scoped3A, %dma_wait3A_92] : memref<2500x2x128xi32, #tpu.memory_space<hbm>> -> memref<20x1x128xi32, #tpu.memory_space<hbm>>
        %dma_wait3A_94 = tpu.memref_squeeze %dma_wait3A_93 : memref<20x1x128xi32, #tpu.memory_space<hbm>> -> memref<20x128xi32, #tpu.memory_space<hbm>>
        %dma_wait3A_95 = arith.constant 0 : i32
        %dma_wait3A_96 = arith.constant 0 : i32
        %dma_wait3A_97 = tpu.memref_slice %arg5[%dma_wait3A_95, %dma_wait3A_96] : memref<88x128xi32, #tpu.memory_space<vmem>> -> memref<20x128xi32, #tpu.memory_space<vmem>>
        %dma_wait3A_98 = arith.constant 2480 : i32
        %dma_wait3A_99 = arith.constant 0 : i32
        %dma_wait3A_100 = tpu.memref_slice %arg2[%dma_wait3A_98, %run_scoped3A, %dma_wait3A_99] : memref<2500x2x128xi32, #tpu.memory_space<hbm>> -> memref<20x1x128xi32, #tpu.memory_space<hbm>>
        %dma_wait3A_101 = tpu.memref_squeeze %dma_wait3A_100 : memref<20x1x128xi32, #tpu.memory_space<hbm>> -> memref<20x128xi32, #tpu.memory_space<hbm>>
        tpu.wait_dma2 semaphore(%run_scoped3A_75 : memref<!tpu.dma_semaphore, #tpu.memory_space<semaphore_mem>>) src(%dma_wait3A_101 : memref<20x128xi32, #tpu.memory_space<hbm>>) dst(%dma_wait3A_97 : memref<20x128xi32, #tpu.memory_space<vmem>>)
        tpu.yield
      }) : () -> ()
      "tpu.region"() ({
        %run_scoped3A_75 = tpu.sem_alloc : memref<!tpu.dma_semaphore, #tpu.memory_space<semaphore_mem>>
        %dma_start3A = arith.constant 24 : i32
        %dma_start3A_76 = arith.constant 0 : i32
        %dma_start3A_77 = tpu.memref_slice %arg5[%dma_start3A, %dma_start3A_76] : memref<88x128xi32, #tpu.memory_space<vmem>> -> memref<60x128xi32, #tpu.memory_space<vmem>>
        %dma_start3A_78 = arith.constant 0 : i32
        %dma_start3A_79 = arith.constant 0 : i32
        %dma_start3A_80 = tpu.memref_slice %arg3[%dma_start3A_78, %dma_start3A_79] : memref<60x128xi32, #tpu.memory_space<hbm>> -> memref<60x128xi32, #tpu.memory_space<hbm>>
        %dma_start3A_81 = arith.constant 24 : i32
        %dma_start3A_82 = arith.constant 0 : i32
        %dma_start3A_83 = tpu.memref_slice %arg5[%dma_start3A_81, %dma_start3A_82] : memref<88x128xi32, #tpu.memory_space<vmem>> -> memref<60x128xi32, #tpu.memory_space<vmem>>
        %dma_start3A_84 = arith.constant 0 : i32
        %dma_start3A_85 = arith.constant 0 : i32
        %dma_start3A_86 = tpu.memref_slice %arg3[%dma_start3A_84, %dma_start3A_85] : memref<60x128xi32, #tpu.memory_space<hbm>> -> memref<60x128xi32, #tpu.memory_space<hbm>>
        tpu.enqueue_dma source(%dma_start3A_86 : memref<60x128xi32, #tpu.memory_space<hbm>>) target(%dma_start3A_83 : memref<60x128xi32, #tpu.memory_space<vmem>>) target_semaphore(%run_scoped3A_75 : memref<!tpu.dma_semaphore, #tpu.memory_space<semaphore_mem>>)
        %dma_wait3A = arith.constant 24 : i32
        %dma_wait3A_87 = arith.constant 0 : i32
        %dma_wait3A_88 = tpu.memref_slice %arg5[%dma_wait3A, %dma_wait3A_87] : memref<88x128xi32, #tpu.memory_space<vmem>> -> memref<60x128xi32, #tpu.memory_space<vmem>>
        %dma_wait3A_89 = arith.constant 0 : i32
        %dma_wait3A_90 = arith.constant 0 : i32
        %dma_wait3A_91 = tpu.memref_slice %arg3[%dma_wait3A_89, %dma_wait3A_90] : memref<60x128xi32, #tpu.memory_space<hbm>> -> memref<60x128xi32, #tpu.memory_space<hbm>>
        %dma_wait3A_92 = arith.constant 24 : i32
        %dma_wait3A_93 = arith.constant 0 : i32
        %dma_wait3A_94 = tpu.memref_slice %arg5[%dma_wait3A_92, %dma_wait3A_93] : memref<88x128xi32, #tpu.memory_space<vmem>> -> memref<60x128xi32, #tpu.memory_space<vmem>>
        %dma_wait3A_95 = arith.constant 0 : i32
        %dma_wait3A_96 = arith.constant 0 : i32
        %dma_wait3A_97 = tpu.memref_slice %arg3[%dma_wait3A_95, %dma_wait3A_96] : memref<60x128xi32, #tpu.memory_space<hbm>> -> memref<60x128xi32, #tpu.memory_space<hbm>>
        tpu.wait_dma2 semaphore(%run_scoped3A_75 : memref<!tpu.dma_semaphore, #tpu.memory_space<semaphore_mem>>) src(%dma_wait3A_97 : memref<60x128xi32, #tpu.memory_space<hbm>>) dst(%dma_wait3A_94 : memref<60x128xi32, #tpu.memory_space<vmem>>)
        tpu.yield
      }) : () -> ()
    } else {
    }
    %barrier3A = arith.constant 0 : index
    tpu.barrier barrier_id(%barrier3A)
    %ne3A_60 = arith.constant 31 : i32
    %ne3A_61 = arith.cmpi ne, %add3A, %ne3A_60 : i32
    %convert_element_type3A_62 = arith.extui %ne3A_61 : i1 to i32
    %cond3A_63 = arith.constant 0 : i32
    %cond3A_64 = arith.cmpi ne, %convert_element_type3A_62, %cond3A_63 : i32
    scf.if %cond3A_64 {
      %scan3A_75 = arith.constant 0 : i32
      %scan3A_76 = arith.constant 0 : i32
      %scan3A_77 = arith.constant 80 : i32
      %scan3A_78 = arith.addi %scan3A_76, %scan3A_77 : i32
      %scan3A_79 = arith.constant 1 : i32
      scf.for %scan3A_81 = %scan3A_76 to %scan3A_78 step %scan3A_79  : i32 {
        "tpu.region"() ({
          %run_scoped3A = tpu.sem_alloc : memref<!tpu.dma_semaphore, #tpu.memory_space<semaphore_mem>>
          %dma_start3A = arith.constant 0 : i32
          %dma_start3A_82 = tpu.memref_slice %arg5[%scan3A_81, %dma_start3A] : memref<88x128xi32, #tpu.memory_space<vmem>> -> memref<1x128xi32, #tpu.memory_space<vmem>>
          %dma_start3A_83 = tpu.memref_squeeze %dma_start3A_82 : memref<1x128xi32, #tpu.memory_space<vmem>> -> memref<128xi32, #tpu.memory_space<vmem>>
          %dma_start3A_84 = arith.constant 0 : i32
          %dma_start3A_85 = tpu.memref_slice %arg8[%dma_start3A_84] : memref<10240xf32, #tpu.memory_space<vmem_shared>> -> memref<10240xf32, #tpu.memory_space<vmem_shared>>
          tpu.enqueue_indirect_dma source(%arg6 : memref<128xf32, #tpu.memory_space<vmem>>) target(%dma_start3A_85 : memref<10240xf32, #tpu.memory_space<vmem_shared>>) offsets(%dma_start3A_83 : memref<128xi32, #tpu.memory_space<vmem>>) semaphore(%run_scoped3A : memref<!tpu.dma_semaphore, #tpu.memory_space<semaphore_mem>>) {add = true}
          %dma_wait3A = arith.constant 0 : i32
          %dma_wait3A_86 = tpu.memref_slice %arg5[%scan3A_81, %dma_wait3A] : memref<88x128xi32, #tpu.memory_space<vmem>> -> memref<1x128xi32, #tpu.memory_space<vmem>>
          %dma_wait3A_87 = tpu.memref_squeeze %dma_wait3A_86 : memref<1x128xi32, #tpu.memory_space<vmem>> -> memref<128xi32, #tpu.memory_space<vmem>>
          %dma_wait3A_88 = arith.constant 0 : i32
          %dma_wait3A_89 = tpu.memref_slice %arg8[%dma_wait3A_88] : memref<10240xf32, #tpu.memory_space<vmem_shared>> -> memref<10240xf32, #tpu.memory_space<vmem_shared>>
          tpu.wait_indirect_dma semaphore(%run_scoped3A : memref<!tpu.dma_semaphore, #tpu.memory_space<semaphore_mem>>) src(%arg6 : memref<128xf32, #tpu.memory_space<vmem>>) dst(%dma_wait3A_89 : memref<10240xf32, #tpu.memory_space<vmem_shared>>)
          tpu.yield
        }) : () -> ()
      }
      %scan3A_80 = arith.constant 80 : i32
    } else {
    }
    %eq3A_65 = arith.constant 31 : i32
    %eq3A_66 = arith.cmpi eq, %add3A, %eq3A_65 : i32
    %convert_element_type3A_67 = arith.extui %eq3A_66 : i1 to i32
    %cond3A_68 = arith.constant 0 : i32
    %cond3A_69 = arith.cmpi ne, %convert_element_type3A_67, %cond3A_68 : i32
    scf.if %cond3A_69 {
      %scan3A_75 = arith.constant 0 : i32
      %scan3A_76 = arith.constant 0 : i32
      %scan3A_77 = arith.constant 20 : i32
      %scan3A_78 = arith.addi %scan3A_76, %scan3A_77 : i32
      %scan3A_79 = arith.constant 1 : i32
      scf.for %scan3A_87 = %scan3A_76 to %scan3A_78 step %scan3A_79  : i32 {
        "tpu.region"() ({
          %run_scoped3A = tpu.sem_alloc : memref<!tpu.dma_semaphore, #tpu.memory_space<semaphore_mem>>
          %dma_start3A = arith.constant 0 : i32
          %dma_start3A_88 = tpu.memref_slice %arg5[%scan3A_87, %dma_start3A] : memref<88x128xi32, #tpu.memory_space<vmem>> -> memref<1x128xi32, #tpu.memory_space<vmem>>
          %dma_start3A_89 = tpu.memref_squeeze %dma_start3A_88 : memref<1x128xi32, #tpu.memory_space<vmem>> -> memref<128xi32, #tpu.memory_space<vmem>>
          %dma_start3A_90 = arith.constant 0 : i32
          %dma_start3A_91 = tpu.memref_slice %arg8[%dma_start3A_90] : memref<10240xf32, #tpu.memory_space<vmem_shared>> -> memref<10240xf32, #tpu.memory_space<vmem_shared>>
          tpu.enqueue_indirect_dma source(%arg6 : memref<128xf32, #tpu.memory_space<vmem>>) target(%dma_start3A_91 : memref<10240xf32, #tpu.memory_space<vmem_shared>>) offsets(%dma_start3A_89 : memref<128xi32, #tpu.memory_space<vmem>>) semaphore(%run_scoped3A : memref<!tpu.dma_semaphore, #tpu.memory_space<semaphore_mem>>) {add = true}
          %dma_wait3A = arith.constant 0 : i32
          %dma_wait3A_92 = tpu.memref_slice %arg5[%scan3A_87, %dma_wait3A] : memref<88x128xi32, #tpu.memory_space<vmem>> -> memref<1x128xi32, #tpu.memory_space<vmem>>
          %dma_wait3A_93 = tpu.memref_squeeze %dma_wait3A_92 : memref<1x128xi32, #tpu.memory_space<vmem>> -> memref<128xi32, #tpu.memory_space<vmem>>
          %dma_wait3A_94 = arith.constant 0 : i32
          %dma_wait3A_95 = tpu.memref_slice %arg8[%dma_wait3A_94] : memref<10240xf32, #tpu.memory_space<vmem_shared>> -> memref<10240xf32, #tpu.memory_space<vmem_shared>>
          tpu.wait_indirect_dma semaphore(%run_scoped3A : memref<!tpu.dma_semaphore, #tpu.memory_space<semaphore_mem>>) src(%arg6 : memref<128xf32, #tpu.memory_space<vmem>>) dst(%dma_wait3A_95 : memref<10240xf32, #tpu.memory_space<vmem_shared>>)
          tpu.yield
        }) : () -> ()
      }
      %scan3A_80 = arith.constant 20 : i32
      %scan3A_81 = arith.constant 0 : i32
      %scan3A_82 = arith.constant 24 : i32
      %scan3A_83 = arith.constant 60 : i32
      %scan3A_84 = arith.addi %scan3A_82, %scan3A_83 : i32
      %scan3A_85 = arith.constant 1 : i32
      scf.for %scan3A_87 = %scan3A_82 to %scan3A_84 step %scan3A_85  : i32 {
        "tpu.region"() ({
          %run_scoped3A = tpu.sem_alloc : memref<!tpu.dma_semaphore, #tpu.memory_space<semaphore_mem>>
          %dma_start3A = arith.constant 0 : i32
          %dma_start3A_88 = tpu.memref_slice %arg5[%scan3A_87, %dma_start3A] : memref<88x128xi32, #tpu.memory_space<vmem>> -> memref<1x128xi32, #tpu.memory_space<vmem>>
          %dma_start3A_89 = tpu.memref_squeeze %dma_start3A_88 : memref<1x128xi32, #tpu.memory_space<vmem>> -> memref<128xi32, #tpu.memory_space<vmem>>
          %dma_start3A_90 = arith.constant 0 : i32
          %dma_start3A_91 = tpu.memref_slice %arg8[%dma_start3A_90] : memref<10240xf32, #tpu.memory_space<vmem_shared>> -> memref<10240xf32, #tpu.memory_space<vmem_shared>>
          tpu.enqueue_indirect_dma source(%arg6 : memref<128xf32, #tpu.memory_space<vmem>>) target(%dma_start3A_91 : memref<10240xf32, #tpu.memory_space<vmem_shared>>) offsets(%dma_start3A_89 : memref<128xi32, #tpu.memory_space<vmem>>) semaphore(%run_scoped3A : memref<!tpu.dma_semaphore, #tpu.memory_space<semaphore_mem>>) {add = true}
          %dma_wait3A = arith.constant 0 : i32
          %dma_wait3A_92 = tpu.memref_slice %arg5[%scan3A_87, %dma_wait3A] : memref<88x128xi32, #tpu.memory_space<vmem>> -> memref<1x128xi32, #tpu.memory_space<vmem>>
          %dma_wait3A_93 = tpu.memref_squeeze %dma_wait3A_92 : memref<1x128xi32, #tpu.memory_space<vmem>> -> memref<128xi32, #tpu.memory_space<vmem>>
          %dma_wait3A_94 = arith.constant 0 : i32
          %dma_wait3A_95 = tpu.memref_slice %arg8[%dma_wait3A_94] : memref<10240xf32, #tpu.memory_space<vmem_shared>> -> memref<10240xf32, #tpu.memory_space<vmem_shared>>
          tpu.wait_indirect_dma semaphore(%run_scoped3A : memref<!tpu.dma_semaphore, #tpu.memory_space<semaphore_mem>>) src(%arg6 : memref<128xf32, #tpu.memory_space<vmem>>) dst(%dma_wait3A_95 : memref<10240xf32, #tpu.memory_space<vmem_shared>>)
          tpu.yield
        }) : () -> ()
      }
      %scan3A_86 = arith.constant 60 : i32
    } else {
    }
    %barrier3A_70 = arith.constant 0 : index
    tpu.barrier barrier_id(%barrier3A_70)
    %mul3A_71 = arith.constant 640 : i32
    %mul3A_72 = arith.muli %arg1, %mul3A_71 : i32
    %mul3A_73 = arith.constant 640 : i32
    %mul3A_74 = arith.muli %arg1, %mul3A_73 : i32
    "tpu.region"() ({
      %run_scoped3A = tpu.sem_alloc : memref<!tpu.dma_semaphore, #tpu.memory_space<semaphore_mem>>
      %dma_start3A = tpu.memref_slice %arg4[%arg0, %mul3A_74] : memref<2x10240xf32, #tpu.memory_space<hbm>> -> memref<1x640xf32, #tpu.memory_space<hbm>>
      %dma_start3A_75 = tpu.memref_squeeze %dma_start3A : memref<1x640xf32, #tpu.memory_space<hbm>> -> memref<640xf32, #tpu.memory_space<hbm>>
      %dma_start3A_76 = tpu.memref_slice %arg8[%mul3A_72] : memref<10240xf32, #tpu.memory_space<vmem_shared>> -> memref<640xf32, #tpu.memory_space<vmem_shared>>
      tpu.enqueue_dma source(%dma_start3A_76 : memref<640xf32, #tpu.memory_space<vmem_shared>>) target(%dma_start3A_75 : memref<640xf32, #tpu.memory_space<hbm>>) target_semaphore(%run_scoped3A : memref<!tpu.dma_semaphore, #tpu.memory_space<semaphore_mem>>)
      %dma_wait3A = tpu.memref_slice %arg4[%arg0, %mul3A_74] : memref<2x10240xf32, #tpu.memory_space<hbm>> -> memref<1x640xf32, #tpu.memory_space<hbm>>
      %dma_wait3A_77 = tpu.memref_squeeze %dma_wait3A : memref<1x640xf32, #tpu.memory_space<hbm>> -> memref<640xf32, #tpu.memory_space<hbm>>
      %dma_wait3A_78 = tpu.memref_slice %arg8[%mul3A_72] : memref<10240xf32, #tpu.memory_space<vmem_shared>> -> memref<640xf32, #tpu.memory_space<vmem_shared>>
      tpu.wait_dma2 semaphore(%run_scoped3A : memref<!tpu.dma_semaphore, #tpu.memory_space<semaphore_mem>>) src(%dma_wait3A_78 : memref<640xf32, #tpu.memory_space<vmem_shared>>) dst(%dma_wait3A_77 : memref<640xf32, #tpu.memory_space<hbm>>)
      tpu.yield
    }) : () -> ()
    return
  }
}

#map = affine_map<(d0, d1) -> (0, 0)>
#map1 = affine_map<(d0, d1) -> (0, 0, 0)>
module attributes {stable_mosaic.version = 14 : i64} {
  func.func @agg_kernel(%arg0: i32, %arg1: i32, %arg2: memref<10240x128xf32, #tpu.memory_space<hbm>>, %arg3: memref<2500x2x128xi32, #tpu.memory_space<hbm>>, %arg4: memref<60x128xi32, #tpu.memory_space<hbm>>, %arg5: memref<2x10240x128xf32, #tpu.memory_space<hbm>>, %arg6: memref<40x128xi32, #tpu.memory_space<vmem>>, %arg7: memref<40x128xi32, #tpu.memory_space<vmem>>, %arg8: memref<2x128x128xf32, #tpu.memory_space<vmem>>, %arg9: memref<10240x128xf32, #tpu.memory_space<vmem_shared>>, %arg10: memref<!tpu.dma_semaphore, #tpu.memory_space<semaphore_mem>>, %arg11: memref<!tpu.dma_semaphore, #tpu.memory_space<semaphore_mem>>) attributes {dimension_semantics = [#tpu.dimension_semantics<core_parallel>, #tpu.dimension_semantics<subcore_parallel>], iteration_bounds = array<i64: 2, 16>, scalar_prefetch = 0 : i64, scratch_operands = 6 : i64, tpu.core_type = #tpu.core_type<sc_vector_subcore>, window_params = [{transform_indices = #map}, {transform_indices = #map1}, {transform_indices = #map}, {transform_indices = #map1}]} {
    %mul3A = arith.constant 16 : i32
    %mul3A_0 = arith.muli %arg0, %mul3A : i32
    %add3A = arith.addi %mul3A_0, %arg1 : i32
    %eq3A = arith.constant 0 : i32
    %eq3A_1 = arith.cmpi eq, %arg0, %eq3A : i32
    %convert_element_type3A = arith.extui %eq3A_1 : i1 to i32
    %cond3A = arith.constant 0 : i32
    %cond3A_2 = arith.cmpi ne, %convert_element_type3A, %cond3A : i32
    scf.if %cond3A_2 {
      %mul3A_22 = arith.constant 640 : i32
      %mul3A_23 = arith.muli %arg1, %mul3A_22 : i32
      %mul3A_24 = arith.constant 640 : i32
      %mul3A_25 = arith.muli %arg1, %mul3A_24 : i32
      "tpu.region"() ({
        %run_scoped3A = tpu.sem_alloc : memref<!tpu.dma_semaphore, #tpu.memory_space<semaphore_mem>>
        %dma_start3A = arith.constant 0 : i32
        %dma_start3A_26 = tpu.memref_slice %arg9[%mul3A_25, %dma_start3A] : memref<10240x128xf32, #tpu.memory_space<vmem_shared>> -> memref<640x128xf32, #tpu.memory_space<vmem_shared>>
        %dma_start3A_27 = arith.constant 0 : i32
        %dma_start3A_28 = tpu.memref_slice %arg2[%mul3A_23, %dma_start3A_27] : memref<10240x128xf32, #tpu.memory_space<hbm>> -> memref<640x128xf32, #tpu.memory_space<hbm>>
        tpu.enqueue_dma source(%dma_start3A_28 : memref<640x128xf32, #tpu.memory_space<hbm>>) target(%dma_start3A_26 : memref<640x128xf32, #tpu.memory_space<vmem_shared>>) target_semaphore(%run_scoped3A : memref<!tpu.dma_semaphore, #tpu.memory_space<semaphore_mem>>)
        %dma_wait3A = arith.constant 0 : i32
        %dma_wait3A_29 = tpu.memref_slice %arg9[%mul3A_25, %dma_wait3A] : memref<10240x128xf32, #tpu.memory_space<vmem_shared>> -> memref<640x128xf32, #tpu.memory_space<vmem_shared>>
        %dma_wait3A_30 = arith.constant 0 : i32
        %dma_wait3A_31 = tpu.memref_slice %arg2[%mul3A_23, %dma_wait3A_30] : memref<10240x128xf32, #tpu.memory_space<hbm>> -> memref<640x128xf32, #tpu.memory_space<hbm>>
        tpu.wait_dma2 semaphore(%run_scoped3A : memref<!tpu.dma_semaphore, #tpu.memory_space<semaphore_mem>>) src(%dma_wait3A_31 : memref<640x128xf32, #tpu.memory_space<hbm>>) dst(%dma_wait3A_29 : memref<640x128xf32, #tpu.memory_space<vmem_shared>>)
        tpu.yield
      }) : () -> ()
    } else {
    }
    %eq3A_3 = arith.constant 1 : i32
    %eq3A_4 = arith.cmpi eq, %arg0, %eq3A_3 : i32
    %convert_element_type3A_5 = arith.extui %eq3A_4 : i1 to i32
    %cond3A_6 = arith.constant 0 : i32
    %cond3A_7 = arith.cmpi ne, %convert_element_type3A_5, %cond3A_6 : i32
    scf.if %cond3A_7 {
      %scan3A = arith.constant 0 : i32
      %scan3A_22 = arith.constant 0 : i32
      %scan3A_23 = arith.constant 128 : i32
      %scan3A_24 = arith.addi %scan3A_22, %scan3A_23 : i32
      %scan3A_25 = arith.constant 1 : i32
      scf.for %scan3A_51 = %scan3A_22 to %scan3A_24 step %scan3A_25  : i32 {
        %broadcast_in_dim3A = arith.constant 0.000000e+00 : f32
        %broadcast_in_dim3A_52 = vector.broadcast %broadcast_in_dim3A : f32 to vector<16xf32>
        %swap3A = arith.constant 0 : i32
        %swap3A_53 = arith.index_cast %swap3A : i32 to index
        %swap3A_54 = arith.index_cast %scan3A_51 : i32 to index
        %swap3A_55 = arith.constant 0 : index
        %swap3A_56 = tpu.vector_load %arg8[%swap3A_53, %swap3A_54, %swap3A_55] {strides = array<i32>} : memref<2x128x128xf32, #tpu.memory_space<vmem>>, vector<1x1x16xf32>,
        %swap3A_57 = vector.shape_cast %swap3A_56 : vector<1x1x16xf32> to vector<16xf32>
        %swap3A_58 = vector.shape_cast %broadcast_in_dim3A_52 : vector<16xf32> to vector<1x1x16xf32>
        tpu.vector_store %arg8[%swap3A_53, %swap3A_54, %swap3A_55], %swap3A_58 {strides = array<i32>} : memref<2x128x128xf32, #tpu.memory_space<vmem>>, vector<1x1x16xf32>,
        %broadcast_in_dim3A_59 = arith.constant 0.000000e+00 : f32
        %broadcast_in_dim3A_60 = vector.broadcast %broadcast_in_dim3A_59 : f32 to vector<16xf32>
        %swap3A_61 = arith.constant 0 : i32
        %swap3A_62 = arith.index_cast %swap3A_61 : i32 to index
        %swap3A_63 = arith.index_cast %scan3A_51 : i32 to index
        %swap3A_64 = arith.constant 16 : index
        %swap3A_65 = tpu.vector_load %arg8[%swap3A_62, %swap3A_63, %swap3A_64] {strides = array<i32>} : memref<2x128x128xf32, #tpu.memory_space<vmem>>, vector<1x1x16xf32>,
        %swap3A_66 = vector.shape_cast %swap3A_65 : vector<1x1x16xf32> to vector<16xf32>
        %swap3A_67 = vector.shape_cast %broadcast_in_dim3A_60 : vector<16xf32> to vector<1x1x16xf32>
        tpu.vector_store %arg8[%swap3A_62, %swap3A_63, %swap3A_64], %swap3A_67 {strides = array<i32>} : memref<2x128x128xf32, #tpu.memory_space<vmem>>, vector<1x1x16xf32>,
        %broadcast_in_dim3A_68 = arith.constant 0.000000e+00 : f32
        %broadcast_in_dim3A_69 = vector.broadcast %broadcast_in_dim3A_68 : f32 to vector<16xf32>
        %swap3A_70 = arith.constant 0 : i32
        %swap3A_71 = arith.index_cast %swap3A_70 : i32 to index
        %swap3A_72 = arith.index_cast %scan3A_51 : i32 to index
        %swap3A_73 = arith.constant 32 : index
        %swap3A_74 = tpu.vector_load %arg8[%swap3A_71, %swap3A_72, %swap3A_73] {strides = array<i32>} : memref<2x128x128xf32, #tpu.memory_space<vmem>>, vector<1x1x16xf32>,
        %swap3A_75 = vector.shape_cast %swap3A_74 : vector<1x1x16xf32> to vector<16xf32>
        %swap3A_76 = vector.shape_cast %broadcast_in_dim3A_69 : vector<16xf32> to vector<1x1x16xf32>
        tpu.vector_store %arg8[%swap3A_71, %swap3A_72, %swap3A_73], %swap3A_76 {strides = array<i32>} : memref<2x128x128xf32, #tpu.memory_space<vmem>>, vector<1x1x16xf32>,
        %broadcast_in_dim3A_77 = arith.constant 0.000000e+00 : f32
        %broadcast_in_dim3A_78 = vector.broadcast %broadcast_in_dim3A_77 : f32 to vector<16xf32>
        %swap3A_79 = arith.constant 0 : i32
        %swap3A_80 = arith.index_cast %swap3A_79 : i32 to index
        %swap3A_81 = arith.index_cast %scan3A_51 : i32 to index
        %swap3A_82 = arith.constant 48 : index
        %swap3A_83 = tpu.vector_load %arg8[%swap3A_80, %swap3A_81, %swap3A_82] {strides = array<i32>} : memref<2x128x128xf32, #tpu.memory_space<vmem>>, vector<1x1x16xf32>,
        %swap3A_84 = vector.shape_cast %swap3A_83 : vector<1x1x16xf32> to vector<16xf32>
        %swap3A_85 = vector.shape_cast %broadcast_in_dim3A_78 : vector<16xf32> to vector<1x1x16xf32>
        tpu.vector_store %arg8[%swap3A_80, %swap3A_81, %swap3A_82], %swap3A_85 {strides = array<i32>} : memref<2x128x128xf32, #tpu.memory_space<vmem>>, vector<1x1x16xf32>,
        %broadcast_in_dim3A_86 = arith.constant 0.000000e+00 : f32
        %broadcast_in_dim3A_87 = vector.broadcast %broadcast_in_dim3A_86 : f32 to vector<16xf32>
        %swap3A_88 = arith.constant 0 : i32
        %swap3A_89 = arith.index_cast %swap3A_88 : i32 to index
        %swap3A_90 = arith.index_cast %scan3A_51 : i32 to index
        %swap3A_91 = arith.constant 64 : index
        %swap3A_92 = tpu.vector_load %arg8[%swap3A_89, %swap3A_90, %swap3A_91] {strides = array<i32>} : memref<2x128x128xf32, #tpu.memory_space<vmem>>, vector<1x1x16xf32>,
        %swap3A_93 = vector.shape_cast %swap3A_92 : vector<1x1x16xf32> to vector<16xf32>
        %swap3A_94 = vector.shape_cast %broadcast_in_dim3A_87 : vector<16xf32> to vector<1x1x16xf32>
        tpu.vector_store %arg8[%swap3A_89, %swap3A_90, %swap3A_91], %swap3A_94 {strides = array<i32>} : memref<2x128x128xf32, #tpu.memory_space<vmem>>, vector<1x1x16xf32>,
        %broadcast_in_dim3A_95 = arith.constant 0.000000e+00 : f32
        %broadcast_in_dim3A_96 = vector.broadcast %broadcast_in_dim3A_95 : f32 to vector<16xf32>
        %swap3A_97 = arith.constant 0 : i32
        %swap3A_98 = arith.index_cast %swap3A_97 : i32 to index
        %swap3A_99 = arith.index_cast %scan3A_51 : i32 to index
        %swap3A_100 = arith.constant 80 : index
        %swap3A_101 = tpu.vector_load %arg8[%swap3A_98, %swap3A_99, %swap3A_100] {strides = array<i32>} : memref<2x128x128xf32, #tpu.memory_space<vmem>>, vector<1x1x16xf32>,
        %swap3A_102 = vector.shape_cast %swap3A_101 : vector<1x1x16xf32> to vector<16xf32>
        %swap3A_103 = vector.shape_cast %broadcast_in_dim3A_96 : vector<16xf32> to vector<1x1x16xf32>
        tpu.vector_store %arg8[%swap3A_98, %swap3A_99, %swap3A_100], %swap3A_103 {strides = array<i32>} : memref<2x128x128xf32, #tpu.memory_space<vmem>>, vector<1x1x16xf32>,
        %broadcast_in_dim3A_104 = arith.constant 0.000000e+00 : f32
        %broadcast_in_dim3A_105 = vector.broadcast %broadcast_in_dim3A_104 : f32 to vector<16xf32>
        %swap3A_106 = arith.constant 0 : i32
        %swap3A_107 = arith.index_cast %swap3A_106 : i32 to index
        %swap3A_108 = arith.index_cast %scan3A_51 : i32 to index
        %swap3A_109 = arith.constant 96 : index
        %swap3A_110 = tpu.vector_load %arg8[%swap3A_107, %swap3A_108, %swap3A_109] {strides = array<i32>} : memref<2x128x128xf32, #tpu.memory_space<vmem>>, vector<1x1x16xf32>,
        %swap3A_111 = vector.shape_cast %swap3A_110 : vector<1x1x16xf32> to vector<16xf32>
        %swap3A_112 = vector.shape_cast %broadcast_in_dim3A_105 : vector<16xf32> to vector<1x1x16xf32>
        tpu.vector_store %arg8[%swap3A_107, %swap3A_108, %swap3A_109], %swap3A_112 {strides = array<i32>} : memref<2x128x128xf32, #tpu.memory_space<vmem>>, vector<1x1x16xf32>,
        %broadcast_in_dim3A_113 = arith.constant 0.000000e+00 : f32
        %broadcast_in_dim3A_114 = vector.broadcast %broadcast_in_dim3A_113 : f32 to vector<16xf32>
        %swap3A_115 = arith.constant 0 : i32
        %swap3A_116 = arith.index_cast %swap3A_115 : i32 to index
        %swap3A_117 = arith.index_cast %scan3A_51 : i32 to index
        %swap3A_118 = arith.constant 112 : index
        %swap3A_119 = tpu.vector_load %arg8[%swap3A_116, %swap3A_117, %swap3A_118] {strides = array<i32>} : memref<2x128x128xf32, #tpu.memory_space<vmem>>, vector<1x1x16xf32>,
        %swap3A_120 = vector.shape_cast %swap3A_119 : vector<1x1x16xf32> to vector<16xf32>
        %swap3A_121 = vector.shape_cast %broadcast_in_dim3A_114 : vector<16xf32> to vector<1x1x16xf32>
        tpu.vector_store %arg8[%swap3A_116, %swap3A_117, %swap3A_118], %swap3A_121 {strides = array<i32>} : memref<2x128x128xf32, #tpu.memory_space<vmem>>, vector<1x1x16xf32>,
      }
      %scan3A_26 = arith.constant 128 : i32
      %mul3A_27 = arith.constant 640 : i32
      %mul3A_28 = arith.muli %arg1, %mul3A_27 : i32
      %add3A_29 = arith.constant 0 : i32
      %add3A_30 = arith.addi %mul3A_28, %add3A_29 : i32
      %run_scoped3A = arith.constant 0 : i32
      "tpu.region"() ({
        %run_scoped3A_51 = tpu.sem_alloc : memref<!tpu.dma_semaphore, #tpu.memory_space<semaphore_mem>>
        %dma_start3A = arith.constant 0 : i32
        %dma_start3A_52 = arith.constant 0 : i32
        %dma_start3A_53 = tpu.memref_slice %arg8[%run_scoped3A, %dma_start3A, %dma_start3A_52] : memref<2x128x128xf32, #tpu.memory_space<vmem>> -> memref<1x128x128xf32, #tpu.memory_space<vmem>>
        %dma_start3A_54 = tpu.memref_squeeze %dma_start3A_53 : memref<1x128x128xf32, #tpu.memory_space<vmem>> -> memref<128x128xf32, #tpu.memory_space<vmem>>
        %dma_start3A_55 = arith.constant 0 : i32
        %dma_start3A_56 = tpu.memref_slice %arg9[%add3A_30, %dma_start3A_55] : memref<10240x128xf32, #tpu.memory_space<vmem_shared>> -> memref<128x128xf32, #tpu.memory_space<vmem_shared>>
        %dma_start3A_57 = arith.constant 0 : i32
        %dma_start3A_58 = tpu.memref_slice %arg9[%add3A_30, %dma_start3A_57] : memref<10240x128xf32, #tpu.memory_space<vmem_shared>> -> memref<128x128xf32, #tpu.memory_space<vmem_shared>>
        %dma_start3A_59 = arith.constant 0 : i32
        %dma_start3A_60 = arith.constant 0 : i32
        %dma_start3A_61 = tpu.memref_slice %arg8[%run_scoped3A, %dma_start3A_59, %dma_start3A_60] : memref<2x128x128xf32, #tpu.memory_space<vmem>> -> memref<1x128x128xf32, #tpu.memory_space<vmem>>
        %dma_start3A_62 = tpu.memref_squeeze %dma_start3A_61 : memref<1x128x128xf32, #tpu.memory_space<vmem>> -> memref<128x128xf32, #tpu.memory_space<vmem>>
        tpu.enqueue_dma source(%dma_start3A_62 : memref<128x128xf32, #tpu.memory_space<vmem>>) target(%dma_start3A_58 : memref<128x128xf32, #tpu.memory_space<vmem_shared>>) target_semaphore(%run_scoped3A_51 : memref<!tpu.dma_semaphore, #tpu.memory_space<semaphore_mem>>)
        %dma_wait3A = arith.constant 0 : i32
        %dma_wait3A_63 = arith.constant 0 : i32
        %dma_wait3A_64 = tpu.memref_slice %arg8[%run_scoped3A, %dma_wait3A, %dma_wait3A_63] : memref<2x128x128xf32, #tpu.memory_space<vmem>> -> memref<1x128x128xf32, #tpu.memory_space<vmem>>
        %dma_wait3A_65 = tpu.memref_squeeze %dma_wait3A_64 : memref<1x128x128xf32, #tpu.memory_space<vmem>> -> memref<128x128xf32, #tpu.memory_space<vmem>>
        %dma_wait3A_66 = arith.constant 0 : i32
        %dma_wait3A_67 = tpu.memref_slice %arg9[%add3A_30, %dma_wait3A_66] : memref<10240x128xf32, #tpu.memory_space<vmem_shared>> -> memref<128x128xf32, #tpu.memory_space<vmem_shared>>
        %dma_wait3A_68 = arith.constant 0 : i32
        %dma_wait3A_69 = tpu.memref_slice %arg9[%add3A_30, %dma_wait3A_68] : memref<10240x128xf32, #tpu.memory_space<vmem_shared>> -> memref<128x128xf32, #tpu.memory_space<vmem_shared>>
        %dma_wait3A_70 = arith.constant 0 : i32
        %dma_wait3A_71 = arith.constant 0 : i32
        %dma_wait3A_72 = tpu.memref_slice %arg8[%run_scoped3A, %dma_wait3A_70, %dma_wait3A_71] : memref<2x128x128xf32, #tpu.memory_space<vmem>> -> memref<1x128x128xf32, #tpu.memory_space<vmem>>
        %dma_wait3A_73 = tpu.memref_squeeze %dma_wait3A_72 : memref<1x128x128xf32, #tpu.memory_space<vmem>> -> memref<128x128xf32, #tpu.memory_space<vmem>>
        tpu.wait_dma2 semaphore(%run_scoped3A_51 : memref<!tpu.dma_semaphore, #tpu.memory_space<semaphore_mem>>) src(%dma_wait3A_73 : memref<128x128xf32, #tpu.memory_space<vmem>>) dst(%dma_wait3A_69 : memref<128x128xf32, #tpu.memory_space<vmem_shared>>)
        tpu.yield
      }) : () -> ()
      %mul3A_31 = arith.constant 640 : i32
      %mul3A_32 = arith.muli %arg1, %mul3A_31 : i32
      %add3A_33 = arith.constant 128 : i32
      %add3A_34 = arith.addi %mul3A_32, %add3A_33 : i32
      %run_scoped3A_35 = arith.constant 0 : i32
      "tpu.region"() ({
        %run_scoped3A_51 = tpu.sem_alloc : memref<!tpu.dma_semaphore, #tpu.memory_space<semaphore_mem>>
        %dma_start3A = arith.constant 0 : i32
        %dma_start3A_52 = arith.constant 0 : i32
        %dma_start3A_53 = tpu.memref_slice %arg8[%run_scoped3A_35, %dma_start3A, %dma_start3A_52] : memref<2x128x128xf32, #tpu.memory_space<vmem>> -> memref<1x128x128xf32, #tpu.memory_space<vmem>>
        %dma_start3A_54 = tpu.memref_squeeze %dma_start3A_53 : memref<1x128x128xf32, #tpu.memory_space<vmem>> -> memref<128x128xf32, #tpu.memory_space<vmem>>
        %dma_start3A_55 = arith.constant 0 : i32
        %dma_start3A_56 = tpu.memref_slice %arg9[%add3A_34, %dma_start3A_55] : memref<10240x128xf32, #tpu.memory_space<vmem_shared>> -> memref<128x128xf32, #tpu.memory_space<vmem_shared>>
        %dma_start3A_57 = arith.constant 0 : i32
        %dma_start3A_58 = tpu.memref_slice %arg9[%add3A_34, %dma_start3A_57] : memref<10240x128xf32, #tpu.memory_space<vmem_shared>> -> memref<128x128xf32, #tpu.memory_space<vmem_shared>>
        %dma_start3A_59 = arith.constant 0 : i32
        %dma_start3A_60 = arith.constant 0 : i32
        %dma_start3A_61 = tpu.memref_slice %arg8[%run_scoped3A_35, %dma_start3A_59, %dma_start3A_60] : memref<2x128x128xf32, #tpu.memory_space<vmem>> -> memref<1x128x128xf32, #tpu.memory_space<vmem>>
        %dma_start3A_62 = tpu.memref_squeeze %dma_start3A_61 : memref<1x128x128xf32, #tpu.memory_space<vmem>> -> memref<128x128xf32, #tpu.memory_space<vmem>>
        tpu.enqueue_dma source(%dma_start3A_62 : memref<128x128xf32, #tpu.memory_space<vmem>>) target(%dma_start3A_58 : memref<128x128xf32, #tpu.memory_space<vmem_shared>>) target_semaphore(%run_scoped3A_51 : memref<!tpu.dma_semaphore, #tpu.memory_space<semaphore_mem>>)
        %dma_wait3A = arith.constant 0 : i32
        %dma_wait3A_63 = arith.constant 0 : i32
        %dma_wait3A_64 = tpu.memref_slice %arg8[%run_scoped3A_35, %dma_wait3A, %dma_wait3A_63] : memref<2x128x128xf32, #tpu.memory_space<vmem>> -> memref<1x128x128xf32, #tpu.memory_space<vmem>>
        %dma_wait3A_65 = tpu.memref_squeeze %dma_wait3A_64 : memref<1x128x128xf32, #tpu.memory_space<vmem>> -> memref<128x128xf32, #tpu.memory_space<vmem>>
        %dma_wait3A_66 = arith.constant 0 : i32
        %dma_wait3A_67 = tpu.memref_slice %arg9[%add3A_34, %dma_wait3A_66] : memref<10240x128xf32, #tpu.memory_space<vmem_shared>> -> memref<128x128xf32, #tpu.memory_space<vmem_shared>>
        %dma_wait3A_68 = arith.constant 0 : i32
        %dma_wait3A_69 = tpu.memref_slice %arg9[%add3A_34, %dma_wait3A_68] : memref<10240x128xf32, #tpu.memory_space<vmem_shared>> -> memref<128x128xf32, #tpu.memory_space<vmem_shared>>
        %dma_wait3A_70 = arith.constant 0 : i32
        %dma_wait3A_71 = arith.constant 0 : i32
        %dma_wait3A_72 = tpu.memref_slice %arg8[%run_scoped3A_35, %dma_wait3A_70, %dma_wait3A_71] : memref<2x128x128xf32, #tpu.memory_space<vmem>> -> memref<1x128x128xf32, #tpu.memory_space<vmem>>
        %dma_wait3A_73 = tpu.memref_squeeze %dma_wait3A_72 : memref<1x128x128xf32, #tpu.memory_space<vmem>> -> memref<128x128xf32, #tpu.memory_space<vmem>>
        tpu.wait_dma2 semaphore(%run_scoped3A_51 : memref<!tpu.dma_semaphore, #tpu.memory_space<semaphore_mem>>) src(%dma_wait3A_73 : memref<128x128xf32, #tpu.memory_space<vmem>>) dst(%dma_wait3A_69 : memref<128x128xf32, #tpu.memory_space<vmem_shared>>)
        tpu.yield
      }) : () -> ()
      %mul3A_36 = arith.constant 640 : i32
      %mul3A_37 = arith.muli %arg1, %mul3A_36 : i32
      %add3A_38 = arith.constant 256 : i32
      %add3A_39 = arith.addi %mul3A_37, %add3A_38 : i32
      %run_scoped3A_40 = arith.constant 0 : i32
      "tpu.region"() ({
        %run_scoped3A_51 = tpu.sem_alloc : memref<!tpu.dma_semaphore, #tpu.memory_space<semaphore_mem>>
        %dma_start3A = arith.constant 0 : i32
        %dma_start3A_52 = arith.constant 0 : i32
        %dma_start3A_53 = tpu.memref_slice %arg8[%run_scoped3A_40, %dma_start3A, %dma_start3A_52] : memref<2x128x128xf32, #tpu.memory_space<vmem>> -> memref<1x128x128xf32, #tpu.memory_space<vmem>>
        %dma_start3A_54 = tpu.memref_squeeze %dma_start3A_53 : memref<1x128x128xf32, #tpu.memory_space<vmem>> -> memref<128x128xf32, #tpu.memory_space<vmem>>
        %dma_start3A_55 = arith.constant 0 : i32
        %dma_start3A_56 = tpu.memref_slice %arg9[%add3A_39, %dma_start3A_55] : memref<10240x128xf32, #tpu.memory_space<vmem_shared>> -> memref<128x128xf32, #tpu.memory_space<vmem_shared>>
        %dma_start3A_57 = arith.constant 0 : i32
        %dma_start3A_58 = tpu.memref_slice %arg9[%add3A_39, %dma_start3A_57] : memref<10240x128xf32, #tpu.memory_space<vmem_shared>> -> memref<128x128xf32, #tpu.memory_space<vmem_shared>>
        %dma_start3A_59 = arith.constant 0 : i32
        %dma_start3A_60 = arith.constant 0 : i32
        %dma_start3A_61 = tpu.memref_slice %arg8[%run_scoped3A_40, %dma_start3A_59, %dma_start3A_60] : memref<2x128x128xf32, #tpu.memory_space<vmem>> -> memref<1x128x128xf32, #tpu.memory_space<vmem>>
        %dma_start3A_62 = tpu.memref_squeeze %dma_start3A_61 : memref<1x128x128xf32, #tpu.memory_space<vmem>> -> memref<128x128xf32, #tpu.memory_space<vmem>>
        tpu.enqueue_dma source(%dma_start3A_62 : memref<128x128xf32, #tpu.memory_space<vmem>>) target(%dma_start3A_58 : memref<128x128xf32, #tpu.memory_space<vmem_shared>>) target_semaphore(%run_scoped3A_51 : memref<!tpu.dma_semaphore, #tpu.memory_space<semaphore_mem>>)
        %dma_wait3A = arith.constant 0 : i32
        %dma_wait3A_63 = arith.constant 0 : i32
        %dma_wait3A_64 = tpu.memref_slice %arg8[%run_scoped3A_40, %dma_wait3A, %dma_wait3A_63] : memref<2x128x128xf32, #tpu.memory_space<vmem>> -> memref<1x128x128xf32, #tpu.memory_space<vmem>>
        %dma_wait3A_65 = tpu.memref_squeeze %dma_wait3A_64 : memref<1x128x128xf32, #tpu.memory_space<vmem>> -> memref<128x128xf32, #tpu.memory_space<vmem>>
        %dma_wait3A_66 = arith.constant 0 : i32
        %dma_wait3A_67 = tpu.memref_slice %arg9[%add3A_39, %dma_wait3A_66] : memref<10240x128xf32, #tpu.memory_space<vmem_shared>> -> memref<128x128xf32, #tpu.memory_space<vmem_shared>>
        %dma_wait3A_68 = arith.constant 0 : i32
        %dma_wait3A_69 = tpu.memref_slice %arg9[%add3A_39, %dma_wait3A_68] : memref<10240x128xf32, #tpu.memory_space<vmem_shared>> -> memref<128x128xf32, #tpu.memory_space<vmem_shared>>
        %dma_wait3A_70 = arith.constant 0 : i32
        %dma_wait3A_71 = arith.constant 0 : i32
        %dma_wait3A_72 = tpu.memref_slice %arg8[%run_scoped3A_40, %dma_wait3A_70, %dma_wait3A_71] : memref<2x128x128xf32, #tpu.memory_space<vmem>> -> memref<1x128x128xf32, #tpu.memory_space<vmem>>
        %dma_wait3A_73 = tpu.memref_squeeze %dma_wait3A_72 : memref<1x128x128xf32, #tpu.memory_space<vmem>> -> memref<128x128xf32, #tpu.memory_space<vmem>>
        tpu.wait_dma2 semaphore(%run_scoped3A_51 : memref<!tpu.dma_semaphore, #tpu.memory_space<semaphore_mem>>) src(%dma_wait3A_73 : memref<128x128xf32, #tpu.memory_space<vmem>>) dst(%dma_wait3A_69 : memref<128x128xf32, #tpu.memory_space<vmem_shared>>)
        tpu.yield
      }) : () -> ()
      %mul3A_41 = arith.constant 640 : i32
      %mul3A_42 = arith.muli %arg1, %mul3A_41 : i32
      %add3A_43 = arith.constant 384 : i32
      %add3A_44 = arith.addi %mul3A_42, %add3A_43 : i32
      %run_scoped3A_45 = arith.constant 0 : i32
      "tpu.region"() ({
        %run_scoped3A_51 = tpu.sem_alloc : memref<!tpu.dma_semaphore, #tpu.memory_space<semaphore_mem>>
        %dma_start3A = arith.constant 0 : i32
        %dma_start3A_52 = arith.constant 0 : i32
        %dma_start3A_53 = tpu.memref_slice %arg8[%run_scoped3A_45, %dma_start3A, %dma_start3A_52] : memref<2x128x128xf32, #tpu.memory_space<vmem>> -> memref<1x128x128xf32, #tpu.memory_space<vmem>>
        %dma_start3A_54 = tpu.memref_squeeze %dma_start3A_53 : memref<1x128x128xf32, #tpu.memory_space<vmem>> -> memref<128x128xf32, #tpu.memory_space<vmem>>
        %dma_start3A_55 = arith.constant 0 : i32
        %dma_start3A_56 = tpu.memref_slice %arg9[%add3A_44, %dma_start3A_55] : memref<10240x128xf32, #tpu.memory_space<vmem_shared>> -> memref<128x128xf32, #tpu.memory_space<vmem_shared>>
        %dma_start3A_57 = arith.constant 0 : i32
        %dma_start3A_58 = tpu.memref_slice %arg9[%add3A_44, %dma_start3A_57] : memref<10240x128xf32, #tpu.memory_space<vmem_shared>> -> memref<128x128xf32, #tpu.memory_space<vmem_shared>>
        %dma_start3A_59 = arith.constant 0 : i32
        %dma_start3A_60 = arith.constant 0 : i32
        %dma_start3A_61 = tpu.memref_slice %arg8[%run_scoped3A_45, %dma_start3A_59, %dma_start3A_60] : memref<2x128x128xf32, #tpu.memory_space<vmem>> -> memref<1x128x128xf32, #tpu.memory_space<vmem>>
        %dma_start3A_62 = tpu.memref_squeeze %dma_start3A_61 : memref<1x128x128xf32, #tpu.memory_space<vmem>> -> memref<128x128xf32, #tpu.memory_space<vmem>>
        tpu.enqueue_dma source(%dma_start3A_62 : memref<128x128xf32, #tpu.memory_space<vmem>>) target(%dma_start3A_58 : memref<128x128xf32, #tpu.memory_space<vmem_shared>>) target_semaphore(%run_scoped3A_51 : memref<!tpu.dma_semaphore, #tpu.memory_space<semaphore_mem>>)
        %dma_wait3A = arith.constant 0 : i32
        %dma_wait3A_63 = arith.constant 0 : i32
        %dma_wait3A_64 = tpu.memref_slice %arg8[%run_scoped3A_45, %dma_wait3A, %dma_wait3A_63] : memref<2x128x128xf32, #tpu.memory_space<vmem>> -> memref<1x128x128xf32, #tpu.memory_space<vmem>>
        %dma_wait3A_65 = tpu.memref_squeeze %dma_wait3A_64 : memref<1x128x128xf32, #tpu.memory_space<vmem>> -> memref<128x128xf32, #tpu.memory_space<vmem>>
        %dma_wait3A_66 = arith.constant 0 : i32
        %dma_wait3A_67 = tpu.memref_slice %arg9[%add3A_44, %dma_wait3A_66] : memref<10240x128xf32, #tpu.memory_space<vmem_shared>> -> memref<128x128xf32, #tpu.memory_space<vmem_shared>>
        %dma_wait3A_68 = arith.constant 0 : i32
        %dma_wait3A_69 = tpu.memref_slice %arg9[%add3A_44, %dma_wait3A_68] : memref<10240x128xf32, #tpu.memory_space<vmem_shared>> -> memref<128x128xf32, #tpu.memory_space<vmem_shared>>
        %dma_wait3A_70 = arith.constant 0 : i32
        %dma_wait3A_71 = arith.constant 0 : i32
        %dma_wait3A_72 = tpu.memref_slice %arg8[%run_scoped3A_45, %dma_wait3A_70, %dma_wait3A_71] : memref<2x128x128xf32, #tpu.memory_space<vmem>> -> memref<1x128x128xf32, #tpu.memory_space<vmem>>
        %dma_wait3A_73 = tpu.memref_squeeze %dma_wait3A_72 : memref<1x128x128xf32, #tpu.memory_space<vmem>> -> memref<128x128xf32, #tpu.memory_space<vmem>>
        tpu.wait_dma2 semaphore(%run_scoped3A_51 : memref<!tpu.dma_semaphore, #tpu.memory_space<semaphore_mem>>) src(%dma_wait3A_73 : memref<128x128xf32, #tpu.memory_space<vmem>>) dst(%dma_wait3A_69 : memref<128x128xf32, #tpu.memory_space<vmem_shared>>)
        tpu.yield
      }) : () -> ()
      %mul3A_46 = arith.constant 640 : i32
      %mul3A_47 = arith.muli %arg1, %mul3A_46 : i32
      %add3A_48 = arith.constant 512 : i32
      %add3A_49 = arith.addi %mul3A_47, %add3A_48 : i32
      %run_scoped3A_50 = arith.constant 0 : i32
      "tpu.region"() ({
        %run_scoped3A_51 = tpu.sem_alloc : memref<!tpu.dma_semaphore, #tpu.memory_space<semaphore_mem>>
        %dma_start3A = arith.constant 0 : i32
        %dma_start3A_52 = arith.constant 0 : i32
        %dma_start3A_53 = tpu.memref_slice %arg8[%run_scoped3A_50, %dma_start3A, %dma_start3A_52] : memref<2x128x128xf32, #tpu.memory_space<vmem>> -> memref<1x128x128xf32, #tpu.memory_space<vmem>>
        %dma_start3A_54 = tpu.memref_squeeze %dma_start3A_53 : memref<1x128x128xf32, #tpu.memory_space<vmem>> -> memref<128x128xf32, #tpu.memory_space<vmem>>
        %dma_start3A_55 = arith.constant 0 : i32
        %dma_start3A_56 = tpu.memref_slice %arg9[%add3A_49, %dma_start3A_55] : memref<10240x128xf32, #tpu.memory_space<vmem_shared>> -> memref<128x128xf32, #tpu.memory_space<vmem_shared>>
        %dma_start3A_57 = arith.constant 0 : i32
        %dma_start3A_58 = tpu.memref_slice %arg9[%add3A_49, %dma_start3A_57] : memref<10240x128xf32, #tpu.memory_space<vmem_shared>> -> memref<128x128xf32, #tpu.memory_space<vmem_shared>>
        %dma_start3A_59 = arith.constant 0 : i32
        %dma_start3A_60 = arith.constant 0 : i32
        %dma_start3A_61 = tpu.memref_slice %arg8[%run_scoped3A_50, %dma_start3A_59, %dma_start3A_60] : memref<2x128x128xf32, #tpu.memory_space<vmem>> -> memref<1x128x128xf32, #tpu.memory_space<vmem>>
        %dma_start3A_62 = tpu.memref_squeeze %dma_start3A_61 : memref<1x128x128xf32, #tpu.memory_space<vmem>> -> memref<128x128xf32, #tpu.memory_space<vmem>>
        tpu.enqueue_dma source(%dma_start3A_62 : memref<128x128xf32, #tpu.memory_space<vmem>>) target(%dma_start3A_58 : memref<128x128xf32, #tpu.memory_space<vmem_shared>>) target_semaphore(%run_scoped3A_51 : memref<!tpu.dma_semaphore, #tpu.memory_space<semaphore_mem>>)
        %dma_wait3A = arith.constant 0 : i32
        %dma_wait3A_63 = arith.constant 0 : i32
        %dma_wait3A_64 = tpu.memref_slice %arg8[%run_scoped3A_50, %dma_wait3A, %dma_wait3A_63] : memref<2x128x128xf32, #tpu.memory_space<vmem>> -> memref<1x128x128xf32, #tpu.memory_space<vmem>>
        %dma_wait3A_65 = tpu.memref_squeeze %dma_wait3A_64 : memref<1x128x128xf32, #tpu.memory_space<vmem>> -> memref<128x128xf32, #tpu.memory_space<vmem>>
        %dma_wait3A_66 = arith.constant 0 : i32
        %dma_wait3A_67 = tpu.memref_slice %arg9[%add3A_49, %dma_wait3A_66] : memref<10240x128xf32, #tpu.memory_space<vmem_shared>> -> memref<128x128xf32, #tpu.memory_space<vmem_shared>>
        %dma_wait3A_68 = arith.constant 0 : i32
        %dma_wait3A_69 = tpu.memref_slice %arg9[%add3A_49, %dma_wait3A_68] : memref<10240x128xf32, #tpu.memory_space<vmem_shared>> -> memref<128x128xf32, #tpu.memory_space<vmem_shared>>
        %dma_wait3A_70 = arith.constant 0 : i32
        %dma_wait3A_71 = arith.constant 0 : i32
        %dma_wait3A_72 = tpu.memref_slice %arg8[%run_scoped3A_50, %dma_wait3A_70, %dma_wait3A_71] : memref<2x128x128xf32, #tpu.memory_space<vmem>> -> memref<1x128x128xf32, #tpu.memory_space<vmem>>
        %dma_wait3A_73 = tpu.memref_squeeze %dma_wait3A_72 : memref<1x128x128xf32, #tpu.memory_space<vmem>> -> memref<128x128xf32, #tpu.memory_space<vmem>>
        tpu.wait_dma2 semaphore(%run_scoped3A_51 : memref<!tpu.dma_semaphore, #tpu.memory_space<semaphore_mem>>) src(%dma_wait3A_73 : memref<128x128xf32, #tpu.memory_space<vmem>>) dst(%dma_wait3A_69 : memref<128x128xf32, #tpu.memory_space<vmem_shared>>)
        tpu.yield
      }) : () -> ()
    } else {
    }
    %barrier3A = arith.constant 0 : index
    tpu.barrier barrier_id(%barrier3A)
    %ne3A = arith.constant 31 : i32
    %ne3A_8 = arith.cmpi ne, %add3A, %ne3A : i32
    %convert_element_type3A_9 = arith.extui %ne3A_8 : i1 to i32
    %cond3A_10 = arith.constant 0 : i32
    %cond3A_11 = arith.cmpi ne, %convert_element_type3A_9, %cond3A_10 : i32
    scf.if %cond3A_11 {
      %mul3A_22 = arith.constant 80 : i32
      %mul3A_23 = arith.muli %add3A, %mul3A_22 : i32
      %add3A_24 = arith.constant 0 : i32
      %add3A_25 = arith.addi %mul3A_23, %add3A_24 : i32
      %run_scoped3A = arith.constant 0 : i32
      "tpu.region"() ({
        %run_scoped3A_146 = tpu.sem_alloc : memref<!tpu.dma_semaphore, #tpu.memory_space<semaphore_mem>>
        %dma_start3A_147 = arith.constant 0 : i32
        %dma_start3A_148 = arith.constant 0 : i32
        %dma_start3A_149 = tpu.memref_slice %arg6[%dma_start3A_147, %dma_start3A_148] : memref<40x128xi32, #tpu.memory_space<vmem>> -> memref<40x128xi32, #tpu.memory_space<vmem>>
        %dma_start3A_150 = arith.constant 0 : i32
        %dma_start3A_151 = tpu.memref_slice %arg3[%add3A_25, %run_scoped3A, %dma_start3A_150] : memref<2500x2x128xi32, #tpu.memory_space<hbm>> -> memref<40x1x128xi32, #tpu.memory_space<hbm>>
        %dma_start3A_152 = tpu.memref_squeeze %dma_start3A_151 : memref<40x1x128xi32, #tpu.memory_space<hbm>> -> memref<40x128xi32, #tpu.memory_space<hbm>>
        %dma_start3A_153 = arith.constant 0 : i32
        %dma_start3A_154 = arith.constant 0 : i32
        %dma_start3A_155 = tpu.memref_slice %arg6[%dma_start3A_153, %dma_start3A_154] : memref<40x128xi32, #tpu.memory_space<vmem>> -> memref<40x128xi32, #tpu.memory_space<vmem>>
        %dma_start3A_156 = arith.constant 0 : i32
        %dma_start3A_157 = tpu.memref_slice %arg3[%add3A_25, %run_scoped3A, %dma_start3A_156] : memref<2500x2x128xi32, #tpu.memory_space<hbm>> -> memref<40x1x128xi32, #tpu.memory_space<hbm>>
        %dma_start3A_158 = tpu.memref_squeeze %dma_start3A_157 : memref<40x1x128xi32, #tpu.memory_space<hbm>> -> memref<40x128xi32, #tpu.memory_space<hbm>>
        tpu.enqueue_dma source(%dma_start3A_158 : memref<40x128xi32, #tpu.memory_space<hbm>>) target(%dma_start3A_155 : memref<40x128xi32, #tpu.memory_space<vmem>>) target_semaphore(%run_scoped3A_146 : memref<!tpu.dma_semaphore, #tpu.memory_space<semaphore_mem>>)
        %dma_wait3A_159 = arith.constant 0 : i32
        %dma_wait3A_160 = arith.constant 0 : i32
        %dma_wait3A_161 = tpu.memref_slice %arg6[%dma_wait3A_159, %dma_wait3A_160] : memref<40x128xi32, #tpu.memory_space<vmem>> -> memref<40x128xi32, #tpu.memory_space<vmem>>
        %dma_wait3A_162 = arith.constant 0 : i32
        %dma_wait3A_163 = tpu.memref_slice %arg3[%add3A_25, %run_scoped3A, %dma_wait3A_162] : memref<2500x2x128xi32, #tpu.memory_space<hbm>> -> memref<40x1x128xi32, #tpu.memory_space<hbm>>
        %dma_wait3A_164 = tpu.memref_squeeze %dma_wait3A_163 : memref<40x1x128xi32, #tpu.memory_space<hbm>> -> memref<40x128xi32, #tpu.memory_space<hbm>>
        %dma_wait3A_165 = arith.constant 0 : i32
        %dma_wait3A_166 = arith.constant 0 : i32
        %dma_wait3A_167 = tpu.memref_slice %arg6[%dma_wait3A_165, %dma_wait3A_166] : memref<40x128xi32, #tpu.memory_space<vmem>> -> memref<40x128xi32, #tpu.memory_space<vmem>>
        %dma_wait3A_168 = arith.constant 0 : i32
        %dma_wait3A_169 = tpu.memref_slice %arg3[%add3A_25, %run_scoped3A, %dma_wait3A_168] : memref<2500x2x128xi32, #tpu.memory_space<hbm>> -> memref<40x1x128xi32, #tpu.memory_space<hbm>>
        %dma_wait3A_170 = tpu.memref_squeeze %dma_wait3A_169 : memref<40x1x128xi32, #tpu.memory_space<hbm>> -> memref<40x128xi32, #tpu.memory_space<hbm>>
        tpu.wait_dma2 semaphore(%run_scoped3A_146 : memref<!tpu.dma_semaphore, #tpu.memory_space<semaphore_mem>>) src(%dma_wait3A_170 : memref<40x128xi32, #tpu.memory_space<hbm>>) dst(%dma_wait3A_167 : memref<40x128xi32, #tpu.memory_space<vmem>>)
        tpu.yield
      }) : () -> ()
      %run_scoped3A_26 = arith.constant 1 : i32
      "tpu.region"() ({
        %run_scoped3A_146 = tpu.sem_alloc : memref<!tpu.dma_semaphore, #tpu.memory_space<semaphore_mem>>
        %dma_start3A_147 = arith.constant 0 : i32
        %dma_start3A_148 = arith.constant 0 : i32
        %dma_start3A_149 = tpu.memref_slice %arg7[%dma_start3A_147, %dma_start3A_148] : memref<40x128xi32, #tpu.memory_space<vmem>> -> memref<40x128xi32, #tpu.memory_space<vmem>>
        %dma_start3A_150 = arith.constant 0 : i32
        %dma_start3A_151 = tpu.memref_slice %arg3[%add3A_25, %run_scoped3A_26, %dma_start3A_150] : memref<2500x2x128xi32, #tpu.memory_space<hbm>> -> memref<40x1x128xi32, #tpu.memory_space<hbm>>
        %dma_start3A_152 = tpu.memref_squeeze %dma_start3A_151 : memref<40x1x128xi32, #tpu.memory_space<hbm>> -> memref<40x128xi32, #tpu.memory_space<hbm>>
        %dma_start3A_153 = arith.constant 0 : i32
        %dma_start3A_154 = arith.constant 0 : i32
        %dma_start3A_155 = tpu.memref_slice %arg7[%dma_start3A_153, %dma_start3A_154] : memref<40x128xi32, #tpu.memory_space<vmem>> -> memref<40x128xi32, #tpu.memory_space<vmem>>
        %dma_start3A_156 = arith.constant 0 : i32
        %dma_start3A_157 = tpu.memref_slice %arg3[%add3A_25, %run_scoped3A_26, %dma_start3A_156] : memref<2500x2x128xi32, #tpu.memory_space<hbm>> -> memref<40x1x128xi32, #tpu.memory_space<hbm>>
        %dma_start3A_158 = tpu.memref_squeeze %dma_start3A_157 : memref<40x1x128xi32, #tpu.memory_space<hbm>> -> memref<40x128xi32, #tpu.memory_space<hbm>>
        tpu.enqueue_dma source(%dma_start3A_158 : memref<40x128xi32, #tpu.memory_space<hbm>>) target(%dma_start3A_155 : memref<40x128xi32, #tpu.memory_space<vmem>>) target_semaphore(%run_scoped3A_146 : memref<!tpu.dma_semaphore, #tpu.memory_space<semaphore_mem>>)
        %dma_wait3A_159 = arith.constant 0 : i32
        %dma_wait3A_160 = arith.constant 0 : i32
        %dma_wait3A_161 = tpu.memref_slice %arg7[%dma_wait3A_159, %dma_wait3A_160] : memref<40x128xi32, #tpu.memory_space<vmem>> -> memref<40x128xi32, #tpu.memory_space<vmem>>
        %dma_wait3A_162 = arith.constant 0 : i32
        %dma_wait3A_163 = tpu.memref_slice %arg3[%add3A_25, %run_scoped3A_26, %dma_wait3A_162] : memref<2500x2x128xi32, #tpu.memory_space<hbm>> -> memref<40x1x128xi32, #tpu.memory_space<hbm>>
        %dma_wait3A_164 = tpu.memref_squeeze %dma_wait3A_163 : memref<40x1x128xi32, #tpu.memory_space<hbm>> -> memref<40x128xi32, #tpu.memory_space<hbm>>
        %dma_wait3A_165 = arith.constant 0 : i32
        %dma_wait3A_166 = arith.constant 0 : i32
        %dma_wait3A_167 = tpu.memref_slice %arg7[%dma_wait3A_165, %dma_wait3A_166] : memref<40x128xi32, #tpu.memory_space<vmem>> -> memref<40x128xi32, #tpu.memory_space<vmem>>
        %dma_wait3A_168 = arith.constant 0 : i32
        %dma_wait3A_169 = tpu.memref_slice %arg3[%add3A_25, %run_scoped3A_26, %dma_wait3A_168] : memref<2500x2x128xi32, #tpu.memory_space<hbm>> -> memref<40x1x128xi32, #tpu.memory_space<hbm>>
        %dma_wait3A_170 = tpu.memref_squeeze %dma_wait3A_169 : memref<40x1x128xi32, #tpu.memory_space<hbm>> -> memref<40x128xi32, #tpu.memory_space<hbm>>
        tpu.wait_dma2 semaphore(%run_scoped3A_146 : memref<!tpu.dma_semaphore, #tpu.memory_space<semaphore_mem>>) src(%dma_wait3A_170 : memref<40x128xi32, #tpu.memory_space<hbm>>) dst(%dma_wait3A_167 : memref<40x128xi32, #tpu.memory_space<vmem>>)
        tpu.yield
      }) : () -> ()
      %dma_start3A = arith.constant 0 : i32
      %dma_start3A_27 = arith.constant 0 : i32
      %dma_start3A_28 = arith.constant 0 : i32
      %dma_start3A_29 = arith.constant 0 : i32
      %dma_start3A_30 = tpu.memref_slice %arg8[%dma_start3A_27, %dma_start3A_28, %dma_start3A_29] : memref<2x128x128xf32, #tpu.memory_space<vmem>> -> memref<1x128x128xf32, #tpu.memory_space<vmem>>
      %dma_start3A_31 = tpu.memref_squeeze %dma_start3A_30 : memref<1x128x128xf32, #tpu.memory_space<vmem>> -> memref<128x128xf32, #tpu.memory_space<vmem>>
      %dma_start3A_32 = arith.constant 0 : i32
      %dma_start3A_33 = tpu.memref_slice %arg6[%dma_start3A, %dma_start3A_32] : memref<40x128xi32, #tpu.memory_space<vmem>> -> memref<1x128xi32, #tpu.memory_space<vmem>>
      %dma_start3A_34 = tpu.memref_squeeze %dma_start3A_33 : memref<1x128xi32, #tpu.memory_space<vmem>> -> memref<128xi32, #tpu.memory_space<vmem>>
      %dma_start3A_35 = arith.constant 0 : i32
      %dma_start3A_36 = arith.constant 0 : i32
      %dma_start3A_37 = tpu.memref_slice %arg2[%dma_start3A_35, %dma_start3A_36] : memref<10240x128xf32, #tpu.memory_space<hbm>> -> memref<10240x128xf32, #tpu.memory_space<hbm>>
      tpu.enqueue_indirect_dma source(%dma_start3A_37 : memref<10240x128xf32, #tpu.memory_space<hbm>>) target(%dma_start3A_31 : memref<128x128xf32, #tpu.memory_space<vmem>>) offsets(%dma_start3A_34 : memref<128xi32, #tpu.memory_space<vmem>>) semaphore(%arg10 : memref<!tpu.dma_semaphore, #tpu.memory_space<semaphore_mem>>)
      %dma_start3A_38 = arith.constant 1 : i32
      %dma_start3A_39 = arith.constant 1 : i32
      %dma_start3A_40 = arith.constant 0 : i32
      %dma_start3A_41 = arith.constant 0 : i32
      %dma_start3A_42 = tpu.memref_slice %arg8[%dma_start3A_39, %dma_start3A_40, %dma_start3A_41] : memref<2x128x128xf32, #tpu.memory_space<vmem>> -> memref<1x128x128xf32, #tpu.memory_space<vmem>>
      %dma_start3A_43 = tpu.memref_squeeze %dma_start3A_42 : memref<1x128x128xf32, #tpu.memory_space<vmem>> -> memref<128x128xf32, #tpu.memory_space<vmem>>
      %dma_start3A_44 = arith.constant 0 : i32
      %dma_start3A_45 = tpu.memref_slice %arg6[%dma_start3A_38, %dma_start3A_44] : memref<40x128xi32, #tpu.memory_space<vmem>> -> memref<1x128xi32, #tpu.memory_space<vmem>>
      %dma_start3A_46 = tpu.memref_squeeze %dma_start3A_45 : memref<1x128xi32, #tpu.memory_space<vmem>> -> memref<128xi32, #tpu.memory_space<vmem>>
      %dma_start3A_47 = arith.constant 0 : i32
      %dma_start3A_48 = arith.constant 0 : i32
      %dma_start3A_49 = tpu.memref_slice %arg2[%dma_start3A_47, %dma_start3A_48] : memref<10240x128xf32, #tpu.memory_space<hbm>> -> memref<10240x128xf32, #tpu.memory_space<hbm>>
      tpu.enqueue_indirect_dma source(%dma_start3A_49 : memref<10240x128xf32, #tpu.memory_space<hbm>>) target(%dma_start3A_43 : memref<128x128xf32, #tpu.memory_space<vmem>>) offsets(%dma_start3A_46 : memref<128xi32, #tpu.memory_space<vmem>>) semaphore(%arg11 : memref<!tpu.dma_semaphore, #tpu.memory_space<semaphore_mem>>)
      %scan3A = arith.constant 0 : i32
      %scan3A_50 = arith.constant 0 : i32
      %scan3A_51 = arith.constant 19 : i32
      %scan3A_52 = arith.addi %scan3A_50, %scan3A_51 : i32
      %scan3A_53 = arith.constant 1 : i32
      scf.for %scan3A_146 = %scan3A_50 to %scan3A_52 step %scan3A_53  : i32 {
        %mul3A_147 = arith.constant 2 : i32
        %mul3A_148 = arith.muli %mul3A_147, %scan3A_146 : i32
        %add3A_149 = arith.constant 0 : i32
        %add3A_150 = arith.addi %mul3A_148, %add3A_149 : i32
        %dma_wait3A_151 = arith.constant 0 : i32
        %dma_wait3A_152 = arith.constant 0 : i32
        %dma_wait3A_153 = arith.constant 0 : i32
        %dma_wait3A_154 = tpu.memref_slice %arg8[%dma_wait3A_151, %dma_wait3A_152, %dma_wait3A_153] : memref<2x128x128xf32, #tpu.memory_space<vmem>> -> memref<1x128x128xf32, #tpu.memory_space<vmem>>
        %dma_wait3A_155 = tpu.memref_squeeze %dma_wait3A_154 : memref<1x128x128xf32, #tpu.memory_space<vmem>> -> memref<128x128xf32, #tpu.memory_space<vmem>>
        %dma_wait3A_156 = arith.constant 0 : i32
        %dma_wait3A_157 = tpu.memref_slice %arg6[%add3A_150, %dma_wait3A_156] : memref<40x128xi32, #tpu.memory_space<vmem>> -> memref<1x128xi32, #tpu.memory_space<vmem>>
        %dma_wait3A_158 = tpu.memref_squeeze %dma_wait3A_157 : memref<1x128xi32, #tpu.memory_space<vmem>> -> memref<128xi32, #tpu.memory_space<vmem>>
        %dma_wait3A_159 = arith.constant 0 : i32
        %dma_wait3A_160 = arith.constant 0 : i32
        %dma_wait3A_161 = tpu.memref_slice %arg2[%dma_wait3A_159, %dma_wait3A_160] : memref<10240x128xf32, #tpu.memory_space<hbm>> -> memref<10240x128xf32, #tpu.memory_space<hbm>>
        tpu.wait_indirect_dma semaphore(%arg10 : memref<!tpu.dma_semaphore, #tpu.memory_space<semaphore_mem>>) src(%dma_wait3A_161 : memref<10240x128xf32, #tpu.memory_space<hbm>>) dst(%dma_wait3A_155 : memref<128x128xf32, #tpu.memory_space<vmem>>)
        %run_scoped3A_162 = arith.constant 0 : i32
        "tpu.region"() ({
          %run_scoped3A_205 = tpu.sem_alloc : memref<!tpu.dma_semaphore, #tpu.memory_space<semaphore_mem>>
          %dma_start3A_206 = arith.constant 0 : i32
          %dma_start3A_207 = arith.constant 0 : i32
          %dma_start3A_208 = tpu.memref_slice %arg8[%run_scoped3A_162, %dma_start3A_206, %dma_start3A_207] : memref<2x128x128xf32, #tpu.memory_space<vmem>> -> memref<1x128x128xf32, #tpu.memory_space<vmem>>
          %dma_start3A_209 = tpu.memref_squeeze %dma_start3A_208 : memref<1x128x128xf32, #tpu.memory_space<vmem>> -> memref<128x128xf32, #tpu.memory_space<vmem>>
          %dma_start3A_210 = arith.constant 0 : i32
          %dma_start3A_211 = tpu.memref_slice %arg7[%add3A_150, %dma_start3A_210] : memref<40x128xi32, #tpu.memory_space<vmem>> -> memref<1x128xi32, #tpu.memory_space<vmem>>
          %dma_start3A_212 = tpu.memref_squeeze %dma_start3A_211 : memref<1x128xi32, #tpu.memory_space<vmem>> -> memref<128xi32, #tpu.memory_space<vmem>>
          %dma_start3A_213 = arith.constant 0 : i32
          %dma_start3A_214 = arith.constant 0 : i32
          %dma_start3A_215 = tpu.memref_slice %arg9[%dma_start3A_213, %dma_start3A_214] : memref<10240x128xf32, #tpu.memory_space<vmem_shared>> -> memref<10240x128xf32, #tpu.memory_space<vmem_shared>>
          tpu.enqueue_indirect_dma source(%dma_start3A_209 : memref<128x128xf32, #tpu.memory_space<vmem>>) target(%dma_start3A_215 : memref<10240x128xf32, #tpu.memory_space<vmem_shared>>) offsets(%dma_start3A_212 : memref<128xi32, #tpu.memory_space<vmem>>) semaphore(%run_scoped3A_205 : memref<!tpu.dma_semaphore, #tpu.memory_space<semaphore_mem>>) {add = true}
          %dma_wait3A_216 = arith.constant 0 : i32
          %dma_wait3A_217 = arith.constant 0 : i32
          %dma_wait3A_218 = tpu.memref_slice %arg8[%run_scoped3A_162, %dma_wait3A_216, %dma_wait3A_217] : memref<2x128x128xf32, #tpu.memory_space<vmem>> -> memref<1x128x128xf32, #tpu.memory_space<vmem>>
          %dma_wait3A_219 = tpu.memref_squeeze %dma_wait3A_218 : memref<1x128x128xf32, #tpu.memory_space<vmem>> -> memref<128x128xf32, #tpu.memory_space<vmem>>
          %dma_wait3A_220 = arith.constant 0 : i32
          %dma_wait3A_221 = tpu.memref_slice %arg7[%add3A_150, %dma_wait3A_220] : memref<40x128xi32, #tpu.memory_space<vmem>> -> memref<1x128xi32, #tpu.memory_space<vmem>>
          %dma_wait3A_222 = tpu.memref_squeeze %dma_wait3A_221 : memref<1x128xi32, #tpu.memory_space<vmem>> -> memref<128xi32, #tpu.memory_space<vmem>>
          %dma_wait3A_223 = arith.constant 0 : i32
          %dma_wait3A_224 = arith.constant 0 : i32
          %dma_wait3A_225 = tpu.memref_slice %arg9[%dma_wait3A_223, %dma_wait3A_224] : memref<10240x128xf32, #tpu.memory_space<vmem_shared>> -> memref<10240x128xf32, #tpu.memory_space<vmem_shared>>
          tpu.wait_indirect_dma semaphore(%run_scoped3A_205 : memref<!tpu.dma_semaphore, #tpu.memory_space<semaphore_mem>>) src(%dma_wait3A_219 : memref<128x128xf32, #tpu.memory_space<vmem>>) dst(%dma_wait3A_225 : memref<10240x128xf32, #tpu.memory_space<vmem_shared>>)
          tpu.yield
        }) : () -> ()
        %add3A_163 = arith.constant 2 : i32
        %add3A_164 = arith.addi %add3A_150, %add3A_163 : i32
        %dma_start3A_165 = arith.constant 0 : i32
        %dma_start3A_166 = arith.constant 0 : i32
        %dma_start3A_167 = arith.constant 0 : i32
        %dma_start3A_168 = tpu.memref_slice %arg8[%dma_start3A_165, %dma_start3A_166, %dma_start3A_167] : memref<2x128x128xf32, #tpu.memory_space<vmem>> -> memref<1x128x128xf32, #tpu.memory_space<vmem>>
        %dma_start3A_169 = tpu.memref_squeeze %dma_start3A_168 : memref<1x128x128xf32, #tpu.memory_space<vmem>> -> memref<128x128xf32, #tpu.memory_space<vmem>>
        %dma_start3A_170 = arith.constant 0 : i32
        %dma_start3A_171 = tpu.memref_slice %arg6[%add3A_164, %dma_start3A_170] : memref<40x128xi32, #tpu.memory_space<vmem>> -> memref<1x128xi32, #tpu.memory_space<vmem>>
        %dma_start3A_172 = tpu.memref_squeeze %dma_start3A_171 : memref<1x128xi32, #tpu.memory_space<vmem>> -> memref<128xi32, #tpu.memory_space<vmem>>
        %dma_start3A_173 = arith.constant 0 : i32
        %dma_start3A_174 = arith.constant 0 : i32
        %dma_start3A_175 = tpu.memref_slice %arg2[%dma_start3A_173, %dma_start3A_174] : memref<10240x128xf32, #tpu.memory_space<hbm>> -> memref<10240x128xf32, #tpu.memory_space<hbm>>
        tpu.enqueue_indirect_dma source(%dma_start3A_175 : memref<10240x128xf32, #tpu.memory_space<hbm>>) target(%dma_start3A_169 : memref<128x128xf32, #tpu.memory_space<vmem>>) offsets(%dma_start3A_172 : memref<128xi32, #tpu.memory_space<vmem>>) semaphore(%arg10 : memref<!tpu.dma_semaphore, #tpu.memory_space<semaphore_mem>>)
        %mul3A_176 = arith.constant 2 : i32
        %mul3A_177 = arith.muli %mul3A_176, %scan3A_146 : i32
        %add3A_178 = arith.constant 1 : i32
        %add3A_179 = arith.addi %mul3A_177, %add3A_178 : i32
        %dma_wait3A_180 = arith.constant 1 : i32
        %dma_wait3A_181 = arith.constant 0 : i32
        %dma_wait3A_182 = arith.constant 0 : i32
        %dma_wait3A_183 = tpu.memref_slice %arg8[%dma_wait3A_180, %dma_wait3A_181, %dma_wait3A_182] : memref<2x128x128xf32, #tpu.memory_space<vmem>> -> memref<1x128x128xf32, #tpu.memory_space<vmem>>
        %dma_wait3A_184 = tpu.memref_squeeze %dma_wait3A_183 : memref<1x128x128xf32, #tpu.memory_space<vmem>> -> memref<128x128xf32, #tpu.memory_space<vmem>>
        %dma_wait3A_185 = arith.constant 0 : i32
        %dma_wait3A_186 = tpu.memref_slice %arg6[%add3A_179, %dma_wait3A_185] : memref<40x128xi32, #tpu.memory_space<vmem>> -> memref<1x128xi32, #tpu.memory_space<vmem>>
        %dma_wait3A_187 = tpu.memref_squeeze %dma_wait3A_186 : memref<1x128xi32, #tpu.memory_space<vmem>> -> memref<128xi32, #tpu.memory_space<vmem>>
        %dma_wait3A_188 = arith.constant 0 : i32
        %dma_wait3A_189 = arith.constant 0 : i32
        %dma_wait3A_190 = tpu.memref_slice %arg2[%dma_wait3A_188, %dma_wait3A_189] : memref<10240x128xf32, #tpu.memory_space<hbm>> -> memref<10240x128xf32, #tpu.memory_space<hbm>>
        tpu.wait_indirect_dma semaphore(%arg11 : memref<!tpu.dma_semaphore, #tpu.memory_space<semaphore_mem>>) src(%dma_wait3A_190 : memref<10240x128xf32, #tpu.memory_space<hbm>>) dst(%dma_wait3A_184 : memref<128x128xf32, #tpu.memory_space<vmem>>)
        %run_scoped3A_191 = arith.constant 1 : i32
        "tpu.region"() ({
          %run_scoped3A_205 = tpu.sem_alloc : memref<!tpu.dma_semaphore, #tpu.memory_space<semaphore_mem>>
          %dma_start3A_206 = arith.constant 0 : i32
          %dma_start3A_207 = arith.constant 0 : i32
          %dma_start3A_208 = tpu.memref_slice %arg8[%run_scoped3A_191, %dma_start3A_206, %dma_start3A_207] : memref<2x128x128xf32, #tpu.memory_space<vmem>> -> memref<1x128x128xf32, #tpu.memory_space<vmem>>
          %dma_start3A_209 = tpu.memref_squeeze %dma_start3A_208 : memref<1x128x128xf32, #tpu.memory_space<vmem>> -> memref<128x128xf32, #tpu.memory_space<vmem>>
          %dma_start3A_210 = arith.constant 0 : i32
          %dma_start3A_211 = tpu.memref_slice %arg7[%add3A_179, %dma_start3A_210] : memref<40x128xi32, #tpu.memory_space<vmem>> -> memref<1x128xi32, #tpu.memory_space<vmem>>
          %dma_start3A_212 = tpu.memref_squeeze %dma_start3A_211 : memref<1x128xi32, #tpu.memory_space<vmem>> -> memref<128xi32, #tpu.memory_space<vmem>>
          %dma_start3A_213 = arith.constant 0 : i32
          %dma_start3A_214 = arith.constant 0 : i32
          %dma_start3A_215 = tpu.memref_slice %arg9[%dma_start3A_213, %dma_start3A_214] : memref<10240x128xf32, #tpu.memory_space<vmem_shared>> -> memref<10240x128xf32, #tpu.memory_space<vmem_shared>>
          tpu.enqueue_indirect_dma source(%dma_start3A_209 : memref<128x128xf32, #tpu.memory_space<vmem>>) target(%dma_start3A_215 : memref<10240x128xf32, #tpu.memory_space<vmem_shared>>) offsets(%dma_start3A_212 : memref<128xi32, #tpu.memory_space<vmem>>) semaphore(%run_scoped3A_205 : memref<!tpu.dma_semaphore, #tpu.memory_space<semaphore_mem>>) {add = true}
          %dma_wait3A_216 = arith.constant 0 : i32
          %dma_wait3A_217 = arith.constant 0 : i32
          %dma_wait3A_218 = tpu.memref_slice %arg8[%run_scoped3A_191, %dma_wait3A_216, %dma_wait3A_217] : memref<2x128x128xf32, #tpu.memory_space<vmem>> -> memref<1x128x128xf32, #tpu.memory_space<vmem>>
          %dma_wait3A_219 = tpu.memref_squeeze %dma_wait3A_218 : memref<1x128x128xf32, #tpu.memory_space<vmem>> -> memref<128x128xf32, #tpu.memory_space<vmem>>
          %dma_wait3A_220 = arith.constant 0 : i32
          %dma_wait3A_221 = tpu.memref_slice %arg7[%add3A_179, %dma_wait3A_220] : memref<40x128xi32, #tpu.memory_space<vmem>> -> memref<1x128xi32, #tpu.memory_space<vmem>>
          %dma_wait3A_222 = tpu.memref_squeeze %dma_wait3A_221 : memref<1x128xi32, #tpu.memory_space<vmem>> -> memref<128xi32, #tpu.memory_space<vmem>>
          %dma_wait3A_223 = arith.constant 0 : i32
          %dma_wait3A_224 = arith.constant 0 : i32
          %dma_wait3A_225 = tpu.memref_slice %arg9[%dma_wait3A_223, %dma_wait3A_224] : memref<10240x128xf32, #tpu.memory_space<vmem_shared>> -> memref<10240x128xf32, #tpu.memory_space<vmem_shared>>
          tpu.wait_indirect_dma semaphore(%run_scoped3A_205 : memref<!tpu.dma_semaphore, #tpu.memory_space<semaphore_mem>>) src(%dma_wait3A_219 : memref<128x128xf32, #tpu.memory_space<vmem>>) dst(%dma_wait3A_225 : memref<10240x128xf32, #tpu.memory_space<vmem_shared>>)
          tpu.yield
        }) : () -> ()
        %add3A_192 = arith.constant 2 : i32
        %add3A_193 = arith.addi %add3A_179, %add3A_192 : i32
        %dma_start3A_194 = arith.constant 1 : i32
        %dma_start3A_195 = arith.constant 0 : i32
        %dma_start3A_196 = arith.constant 0 : i32
        %dma_start3A_197 = tpu.memref_slice %arg8[%dma_start3A_194, %dma_start3A_195, %dma_start3A_196] : memref<2x128x128xf32, #tpu.memory_space<vmem>> -> memref<1x128x128xf32, #tpu.memory_space<vmem>>
        %dma_start3A_198 = tpu.memref_squeeze %dma_start3A_197 : memref<1x128x128xf32, #tpu.memory_space<vmem>> -> memref<128x128xf32, #tpu.memory_space<vmem>>
        %dma_start3A_199 = arith.constant 0 : i32
        %dma_start3A_200 = tpu.memref_slice %arg6[%add3A_193, %dma_start3A_199] : memref<40x128xi32, #tpu.memory_space<vmem>> -> memref<1x128xi32, #tpu.memory_space<vmem>>
        %dma_start3A_201 = tpu.memref_squeeze %dma_start3A_200 : memref<1x128xi32, #tpu.memory_space<vmem>> -> memref<128xi32, #tpu.memory_space<vmem>>
        %dma_start3A_202 = arith.constant 0 : i32
        %dma_start3A_203 = arith.constant 0 : i32
        %dma_start3A_204 = tpu.memref_slice %arg2[%dma_start3A_202, %dma_start3A_203] : memref<10240x128xf32, #tpu.memory_space<hbm>> -> memref<10240x128xf32, #tpu.memory_space<hbm>>
        tpu.enqueue_indirect_dma source(%dma_start3A_204 : memref<10240x128xf32, #tpu.memory_space<hbm>>) target(%dma_start3A_198 : memref<128x128xf32, #tpu.memory_space<vmem>>) offsets(%dma_start3A_201 : memref<128xi32, #tpu.memory_space<vmem>>) semaphore(%arg11 : memref<!tpu.dma_semaphore, #tpu.memory_space<semaphore_mem>>)
      }
      %scan3A_54 = arith.constant 19 : i32
      %dma_wait3A = arith.constant 38 : i32
      %dma_wait3A_55 = arith.constant 0 : i32
      %dma_wait3A_56 = arith.constant 0 : i32
      %dma_wait3A_57 = arith.constant 0 : i32
      %dma_wait3A_58 = tpu.memref_slice %arg8[%dma_wait3A_55, %dma_wait3A_56, %dma_wait3A_57] : memref<2x128x128xf32, #tpu.memory_space<vmem>> -> memref<1x128x128xf32, #tpu.memory_space<vmem>>
      %dma_wait3A_59 = tpu.memref_squeeze %dma_wait3A_58 : memref<1x128x128xf32, #tpu.memory_space<vmem>> -> memref<128x128xf32, #tpu.memory_space<vmem>>
      %dma_wait3A_60 = arith.constant 0 : i32
      %dma_wait3A_61 = tpu.memref_slice %arg6[%dma_wait3A, %dma_wait3A_60] : memref<40x128xi32, #tpu.memory_space<vmem>> -> memref<1x128xi32, #tpu.memory_space<vmem>>
      %dma_wait3A_62 = tpu.memref_squeeze %dma_wait3A_61 : memref<1x128xi32, #tpu.memory_space<vmem>> -> memref<128xi32, #tpu.memory_space<vmem>>
      %dma_wait3A_63 = arith.constant 0 : i32
      %dma_wait3A_64 = arith.constant 0 : i32
      %dma_wait3A_65 = tpu.memref_slice %arg2[%dma_wait3A_63, %dma_wait3A_64] : memref<10240x128xf32, #tpu.memory_space<hbm>> -> memref<10240x128xf32, #tpu.memory_space<hbm>>
      tpu.wait_indirect_dma semaphore(%arg10 : memref<!tpu.dma_semaphore, #tpu.memory_space<semaphore_mem>>) src(%dma_wait3A_65 : memref<10240x128xf32, #tpu.memory_space<hbm>>) dst(%dma_wait3A_59 : memref<128x128xf32, #tpu.memory_space<vmem>>)
      %run_scoped3A_66 = arith.constant 0 : i32
      %run_scoped3A_67 = arith.constant 38 : i32
      "tpu.region"() ({
        %run_scoped3A_146 = tpu.sem_alloc : memref<!tpu.dma_semaphore, #tpu.memory_space<semaphore_mem>>
        %dma_start3A_147 = arith.constant 0 : i32
        %dma_start3A_148 = arith.constant 0 : i32
        %dma_start3A_149 = tpu.memref_slice %arg8[%run_scoped3A_66, %dma_start3A_147, %dma_start3A_148] : memref<2x128x128xf32, #tpu.memory_space<vmem>> -> memref<1x128x128xf32, #tpu.memory_space<vmem>>
        %dma_start3A_150 = tpu.memref_squeeze %dma_start3A_149 : memref<1x128x128xf32, #tpu.memory_space<vmem>> -> memref<128x128xf32, #tpu.memory_space<vmem>>
        %dma_start3A_151 = arith.constant 0 : i32
        %dma_start3A_152 = tpu.memref_slice %arg7[%run_scoped3A_67, %dma_start3A_151] : memref<40x128xi32, #tpu.memory_space<vmem>> -> memref<1x128xi32, #tpu.memory_space<vmem>>
        %dma_start3A_153 = tpu.memref_squeeze %dma_start3A_152 : memref<1x128xi32, #tpu.memory_space<vmem>> -> memref<128xi32, #tpu.memory_space<vmem>>
        %dma_start3A_154 = arith.constant 0 : i32
        %dma_start3A_155 = arith.constant 0 : i32
        %dma_start3A_156 = tpu.memref_slice %arg9[%dma_start3A_154, %dma_start3A_155] : memref<10240x128xf32, #tpu.memory_space<vmem_shared>> -> memref<10240x128xf32, #tpu.memory_space<vmem_shared>>
        tpu.enqueue_indirect_dma source(%dma_start3A_150 : memref<128x128xf32, #tpu.memory_space<vmem>>) target(%dma_start3A_156 : memref<10240x128xf32, #tpu.memory_space<vmem_shared>>) offsets(%dma_start3A_153 : memref<128xi32, #tpu.memory_space<vmem>>) semaphore(%run_scoped3A_146 : memref<!tpu.dma_semaphore, #tpu.memory_space<semaphore_mem>>) {add = true}
        %dma_wait3A_157 = arith.constant 0 : i32
        %dma_wait3A_158 = arith.constant 0 : i32
        %dma_wait3A_159 = tpu.memref_slice %arg8[%run_scoped3A_66, %dma_wait3A_157, %dma_wait3A_158] : memref<2x128x128xf32, #tpu.memory_space<vmem>> -> memref<1x128x128xf32, #tpu.memory_space<vmem>>
        %dma_wait3A_160 = tpu.memref_squeeze %dma_wait3A_159 : memref<1x128x128xf32, #tpu.memory_space<vmem>> -> memref<128x128xf32, #tpu.memory_space<vmem>>
        %dma_wait3A_161 = arith.constant 0 : i32
        %dma_wait3A_162 = tpu.memref_slice %arg7[%run_scoped3A_67, %dma_wait3A_161] : memref<40x128xi32, #tpu.memory_space<vmem>> -> memref<1x128xi32, #tpu.memory_space<vmem>>
        %dma_wait3A_163 = tpu.memref_squeeze %dma_wait3A_162 : memref<1x128xi32, #tpu.memory_space<vmem>> -> memref<128xi32, #tpu.memory_space<vmem>>
        %dma_wait3A_164 = arith.constant 0 : i32
        %dma_wait3A_165 = arith.constant 0 : i32
        %dma_wait3A_166 = tpu.memref_slice %arg9[%dma_wait3A_164, %dma_wait3A_165] : memref<10240x128xf32, #tpu.memory_space<vmem_shared>> -> memref<10240x128xf32, #tpu.memory_space<vmem_shared>>
        tpu.wait_indirect_dma semaphore(%run_scoped3A_146 : memref<!tpu.dma_semaphore, #tpu.memory_space<semaphore_mem>>) src(%dma_wait3A_160 : memref<128x128xf32, #tpu.memory_space<vmem>>) dst(%dma_wait3A_166 : memref<10240x128xf32, #tpu.memory_space<vmem_shared>>)
        tpu.yield
      }) : () -> ()
      %dma_wait3A_68 = arith.constant 39 : i32
      %dma_wait3A_69 = arith.constant 1 : i32
      %dma_wait3A_70 = arith.constant 0 : i32
      %dma_wait3A_71 = arith.constant 0 : i32
      %dma_wait3A_72 = tpu.memref_slice %arg8[%dma_wait3A_69, %dma_wait3A_70, %dma_wait3A_71] : memref<2x128x128xf32, #tpu.memory_space<vmem>> -> memref<1x128x128xf32, #tpu.memory_space<vmem>>
      %dma_wait3A_73 = tpu.memref_squeeze %dma_wait3A_72 : memref<1x128x128xf32, #tpu.memory_space<vmem>> -> memref<128x128xf32, #tpu.memory_space<vmem>>
      %dma_wait3A_74 = arith.constant 0 : i32
      %dma_wait3A_75 = tpu.memref_slice %arg6[%dma_wait3A_68, %dma_wait3A_74] : memref<40x128xi32, #tpu.memory_space<vmem>> -> memref<1x128xi32, #tpu.memory_space<vmem>>
      %dma_wait3A_76 = tpu.memref_squeeze %dma_wait3A_75 : memref<1x128xi32, #tpu.memory_space<vmem>> -> memref<128xi32, #tpu.memory_space<vmem>>
      %dma_wait3A_77 = arith.constant 0 : i32
      %dma_wait3A_78 = arith.constant 0 : i32
      %dma_wait3A_79 = tpu.memref_slice %arg2[%dma_wait3A_77, %dma_wait3A_78] : memref<10240x128xf32, #tpu.memory_space<hbm>> -> memref<10240x128xf32, #tpu.memory_space<hbm>>
      tpu.wait_indirect_dma semaphore(%arg11 : memref<!tpu.dma_semaphore, #tpu.memory_space<semaphore_mem>>) src(%dma_wait3A_79 : memref<10240x128xf32, #tpu.memory_space<hbm>>) dst(%dma_wait3A_73 : memref<128x128xf32, #tpu.memory_space<vmem>>)
      %run_scoped3A_80 = arith.constant 1 : i32
      %run_scoped3A_81 = arith.constant 39 : i32
      "tpu.region"() ({
        %run_scoped3A_146 = tpu.sem_alloc : memref<!tpu.dma_semaphore, #tpu.memory_space<semaphore_mem>>
        %dma_start3A_147 = arith.constant 0 : i32
        %dma_start3A_148 = arith.constant 0 : i32
        %dma_start3A_149 = tpu.memref_slice %arg8[%run_scoped3A_80, %dma_start3A_147, %dma_start3A_148] : memref<2x128x128xf32, #tpu.memory_space<vmem>> -> memref<1x128x128xf32, #tpu.memory_space<vmem>>
        %dma_start3A_150 = tpu.memref_squeeze %dma_start3A_149 : memref<1x128x128xf32, #tpu.memory_space<vmem>> -> memref<128x128xf32, #tpu.memory_space<vmem>>
        %dma_start3A_151 = arith.constant 0 : i32
        %dma_start3A_152 = tpu.memref_slice %arg7[%run_scoped3A_81, %dma_start3A_151] : memref<40x128xi32, #tpu.memory_space<vmem>> -> memref<1x128xi32, #tpu.memory_space<vmem>>
        %dma_start3A_153 = tpu.memref_squeeze %dma_start3A_152 : memref<1x128xi32, #tpu.memory_space<vmem>> -> memref<128xi32, #tpu.memory_space<vmem>>
        %dma_start3A_154 = arith.constant 0 : i32
        %dma_start3A_155 = arith.constant 0 : i32
        %dma_start3A_156 = tpu.memref_slice %arg9[%dma_start3A_154, %dma_start3A_155] : memref<10240x128xf32, #tpu.memory_space<vmem_shared>> -> memref<10240x128xf32, #tpu.memory_space<vmem_shared>>
        tpu.enqueue_indirect_dma source(%dma_start3A_150 : memref<128x128xf32, #tpu.memory_space<vmem>>) target(%dma_start3A_156 : memref<10240x128xf32, #tpu.memory_space<vmem_shared>>) offsets(%dma_start3A_153 : memref<128xi32, #tpu.memory_space<vmem>>) semaphore(%run_scoped3A_146 : memref<!tpu.dma_semaphore, #tpu.memory_space<semaphore_mem>>) {add = true}
        %dma_wait3A_157 = arith.constant 0 : i32
        %dma_wait3A_158 = arith.constant 0 : i32
        %dma_wait3A_159 = tpu.memref_slice %arg8[%run_scoped3A_80, %dma_wait3A_157, %dma_wait3A_158] : memref<2x128x128xf32, #tpu.memory_space<vmem>> -> memref<1x128x128xf32, #tpu.memory_space<vmem>>
        %dma_wait3A_160 = tpu.memref_squeeze %dma_wait3A_159 : memref<1x128x128xf32, #tpu.memory_space<vmem>> -> memref<128x128xf32, #tpu.memory_space<vmem>>
        %dma_wait3A_161 = arith.constant 0 : i32
        %dma_wait3A_162 = tpu.memref_slice %arg7[%run_scoped3A_81, %dma_wait3A_161] : memref<40x128xi32, #tpu.memory_space<vmem>> -> memref<1x128xi32, #tpu.memory_space<vmem>>
        %dma_wait3A_163 = tpu.memref_squeeze %dma_wait3A_162 : memref<1x128xi32, #tpu.memory_space<vmem>> -> memref<128xi32, #tpu.memory_space<vmem>>
        %dma_wait3A_164 = arith.constant 0 : i32
        %dma_wait3A_165 = arith.constant 0 : i32
        %dma_wait3A_166 = tpu.memref_slice %arg9[%dma_wait3A_164, %dma_wait3A_165] : memref<10240x128xf32, #tpu.memory_space<vmem_shared>> -> memref<10240x128xf32, #tpu.memory_space<vmem_shared>>
        tpu.wait_indirect_dma semaphore(%run_scoped3A_146 : memref<!tpu.dma_semaphore, #tpu.memory_space<semaphore_mem>>) src(%dma_wait3A_160 : memref<128x128xf32, #tpu.memory_space<vmem>>) dst(%dma_wait3A_166 : memref<10240x128xf32, #tpu.memory_space<vmem_shared>>)
        tpu.yield
      }) : () -> ()
      %mul3A_82 = arith.constant 80 : i32
      %mul3A_83 = arith.muli %add3A, %mul3A_82 : i32
      %add3A_84 = arith.constant 40 : i32
      %add3A_85 = arith.addi %mul3A_83, %add3A_84 : i32
      %run_scoped3A_86 = arith.constant 0 : i32
      "tpu.region"() ({
        %run_scoped3A_146 = tpu.sem_alloc : memref<!tpu.dma_semaphore, #tpu.memory_space<semaphore_mem>>
        %dma_start3A_147 = arith.constant 0 : i32
        %dma_start3A_148 = arith.constant 0 : i32
        %dma_start3A_149 = tpu.memref_slice %arg6[%dma_start3A_147, %dma_start3A_148] : memref<40x128xi32, #tpu.memory_space<vmem>> -> memref<40x128xi32, #tpu.memory_space<vmem>>
        %dma_start3A_150 = arith.constant 0 : i32
        %dma_start3A_151 = tpu.memref_slice %arg3[%add3A_85, %run_scoped3A_86, %dma_start3A_150] : memref<2500x2x128xi32, #tpu.memory_space<hbm>> -> memref<40x1x128xi32, #tpu.memory_space<hbm>>
        %dma_start3A_152 = tpu.memref_squeeze %dma_start3A_151 : memref<40x1x128xi32, #tpu.memory_space<hbm>> -> memref<40x128xi32, #tpu.memory_space<hbm>>
        %dma_start3A_153 = arith.constant 0 : i32
        %dma_start3A_154 = arith.constant 0 : i32
        %dma_start3A_155 = tpu.memref_slice %arg6[%dma_start3A_153, %dma_start3A_154] : memref<40x128xi32, #tpu.memory_space<vmem>> -> memref<40x128xi32, #tpu.memory_space<vmem>>
        %dma_start3A_156 = arith.constant 0 : i32
        %dma_start3A_157 = tpu.memref_slice %arg3[%add3A_85, %run_scoped3A_86, %dma_start3A_156] : memref<2500x2x128xi32, #tpu.memory_space<hbm>> -> memref<40x1x128xi32, #tpu.memory_space<hbm>>
        %dma_start3A_158 = tpu.memref_squeeze %dma_start3A_157 : memref<40x1x128xi32, #tpu.memory_space<hbm>> -> memref<40x128xi32, #tpu.memory_space<hbm>>
        tpu.enqueue_dma source(%dma_start3A_158 : memref<40x128xi32, #tpu.memory_space<hbm>>) target(%dma_start3A_155 : memref<40x128xi32, #tpu.memory_space<vmem>>) target_semaphore(%run_scoped3A_146 : memref<!tpu.dma_semaphore, #tpu.memory_space<semaphore_mem>>)
        %dma_wait3A_159 = arith.constant 0 : i32
        %dma_wait3A_160 = arith.constant 0 : i32
        %dma_wait3A_161 = tpu.memref_slice %arg6[%dma_wait3A_159, %dma_wait3A_160] : memref<40x128xi32, #tpu.memory_space<vmem>> -> memref<40x128xi32, #tpu.memory_space<vmem>>
        %dma_wait3A_162 = arith.constant 0 : i32
        %dma_wait3A_163 = tpu.memref_slice %arg3[%add3A_85, %run_scoped3A_86, %dma_wait3A_162] : memref<2500x2x128xi32, #tpu.memory_space<hbm>> -> memref<40x1x128xi32, #tpu.memory_space<hbm>>
        %dma_wait3A_164 = tpu.memref_squeeze %dma_wait3A_163 : memref<40x1x128xi32, #tpu.memory_space<hbm>> -> memref<40x128xi32, #tpu.memory_space<hbm>>
        %dma_wait3A_165 = arith.constant 0 : i32
        %dma_wait3A_166 = arith.constant 0 : i32
        %dma_wait3A_167 = tpu.memref_slice %arg6[%dma_wait3A_165, %dma_wait3A_166] : memref<40x128xi32, #tpu.memory_space<vmem>> -> memref<40x128xi32, #tpu.memory_space<vmem>>
        %dma_wait3A_168 = arith.constant 0 : i32
        %dma_wait3A_169 = tpu.memref_slice %arg3[%add3A_85, %run_scoped3A_86, %dma_wait3A_168] : memref<2500x2x128xi32, #tpu.memory_space<hbm>> -> memref<40x1x128xi32, #tpu.memory_space<hbm>>
        %dma_wait3A_170 = tpu.memref_squeeze %dma_wait3A_169 : memref<40x1x128xi32, #tpu.memory_space<hbm>> -> memref<40x128xi32, #tpu.memory_space<hbm>>
        tpu.wait_dma2 semaphore(%run_scoped3A_146 : memref<!tpu.dma_semaphore, #tpu.memory_space<semaphore_mem>>) src(%dma_wait3A_170 : memref<40x128xi32, #tpu.memory_space<hbm>>) dst(%dma_wait3A_167 : memref<40x128xi32, #tpu.memory_space<vmem>>)
        tpu.yield
      }) : () -> ()
      %run_scoped3A_87 = arith.constant 1 : i32
      "tpu.region"() ({
        %run_scoped3A_146 = tpu.sem_alloc : memref<!tpu.dma_semaphore, #tpu.memory_space<semaphore_mem>>
        %dma_start3A_147 = arith.constant 0 : i32
        %dma_start3A_148 = arith.constant 0 : i32
        %dma_start3A_149 = tpu.memref_slice %arg7[%dma_start3A_147, %dma_start3A_148] : memref<40x128xi32, #tpu.memory_space<vmem>> -> memref<40x128xi32, #tpu.memory_space<vmem>>
        %dma_start3A_150 = arith.constant 0 : i32
        %dma_start3A_151 = tpu.memref_slice %arg3[%add3A_85, %run_scoped3A_87, %dma_start3A_150] : memref<2500x2x128xi32, #tpu.memory_space<hbm>> -> memref<40x1x128xi32, #tpu.memory_space<hbm>>
        %dma_start3A_152 = tpu.memref_squeeze %dma_start3A_151 : memref<40x1x128xi32, #tpu.memory_space<hbm>> -> memref<40x128xi32, #tpu.memory_space<hbm>>
        %dma_start3A_153 = arith.constant 0 : i32
        %dma_start3A_154 = arith.constant 0 : i32
        %dma_start3A_155 = tpu.memref_slice %arg7[%dma_start3A_153, %dma_start3A_154] : memref<40x128xi32, #tpu.memory_space<vmem>> -> memref<40x128xi32, #tpu.memory_space<vmem>>
        %dma_start3A_156 = arith.constant 0 : i32
        %dma_start3A_157 = tpu.memref_slice %arg3[%add3A_85, %run_scoped3A_87, %dma_start3A_156] : memref<2500x2x128xi32, #tpu.memory_space<hbm>> -> memref<40x1x128xi32, #tpu.memory_space<hbm>>
        %dma_start3A_158 = tpu.memref_squeeze %dma_start3A_157 : memref<40x1x128xi32, #tpu.memory_space<hbm>> -> memref<40x128xi32, #tpu.memory_space<hbm>>
        tpu.enqueue_dma source(%dma_start3A_158 : memref<40x128xi32, #tpu.memory_space<hbm>>) target(%dma_start3A_155 : memref<40x128xi32, #tpu.memory_space<vmem>>) target_semaphore(%run_scoped3A_146 : memref<!tpu.dma_semaphore, #tpu.memory_space<semaphore_mem>>)
        %dma_wait3A_159 = arith.constant 0 : i32
        %dma_wait3A_160 = arith.constant 0 : i32
        %dma_wait3A_161 = tpu.memref_slice %arg7[%dma_wait3A_159, %dma_wait3A_160] : memref<40x128xi32, #tpu.memory_space<vmem>> -> memref<40x128xi32, #tpu.memory_space<vmem>>
        %dma_wait3A_162 = arith.constant 0 : i32
        %dma_wait3A_163 = tpu.memref_slice %arg3[%add3A_85, %run_scoped3A_87, %dma_wait3A_162] : memref<2500x2x128xi32, #tpu.memory_space<hbm>> -> memref<40x1x128xi32, #tpu.memory_space<hbm>>
        %dma_wait3A_164 = tpu.memref_squeeze %dma_wait3A_163 : memref<40x1x128xi32, #tpu.memory_space<hbm>> -> memref<40x128xi32, #tpu.memory_space<hbm>>
        %dma_wait3A_165 = arith.constant 0 : i32
        %dma_wait3A_166 = arith.constant 0 : i32
        %dma_wait3A_167 = tpu.memref_slice %arg7[%dma_wait3A_165, %dma_wait3A_166] : memref<40x128xi32, #tpu.memory_space<vmem>> -> memref<40x128xi32, #tpu.memory_space<vmem>>
        %dma_wait3A_168 = arith.constant 0 : i32
        %dma_wait3A_169 = tpu.memref_slice %arg3[%add3A_85, %run_scoped3A_87, %dma_wait3A_168] : memref<2500x2x128xi32, #tpu.memory_space<hbm>> -> memref<40x1x128xi32, #tpu.memory_space<hbm>>
        %dma_wait3A_170 = tpu.memref_squeeze %dma_wait3A_169 : memref<40x1x128xi32, #tpu.memory_space<hbm>> -> memref<40x128xi32, #tpu.memory_space<hbm>>
        tpu.wait_dma2 semaphore(%run_scoped3A_146 : memref<!tpu.dma_semaphore, #tpu.memory_space<semaphore_mem>>) src(%dma_wait3A_170 : memref<40x128xi32, #tpu.memory_space<hbm>>) dst(%dma_wait3A_167 : memref<40x128xi32, #tpu.memory_space<vmem>>)
        tpu.yield
      }) : () -> ()
      %dma_start3A_88 = arith.constant 0 : i32
      %dma_start3A_89 = arith.constant 0 : i32
      %dma_start3A_90 = arith.constant 0 : i32
      %dma_start3A_91 = arith.constant 0 : i32
      %dma_start3A_92 = tpu.memref_slice %arg8[%dma_start3A_89, %dma_start3A_90, %dma_start3A_91] : memref<2x128x128xf32, #tpu.memory_space<vmem>> -> memref<1x128x128xf32, #tpu.memory_space<vmem>>
      %dma_start3A_93 = tpu.memref_squeeze %dma_start3A_92 : memref<1x128x128xf32, #tpu.memory_space<vmem>> -> memref<128x128xf32, #tpu.memory_space<vmem>>
      %dma_start3A_94 = arith.constant 0 : i32
      %dma_start3A_95 = tpu.memref_slice %arg6[%dma_start3A_88, %dma_start3A_94] : memref<40x128xi32, #tpu.memory_space<vmem>> -> memref<1x128xi32, #tpu.memory_space<vmem>>
      %dma_start3A_96 = tpu.memref_squeeze %dma_start3A_95 : memref<1x128xi32, #tpu.memory_space<vmem>> -> memref<128xi32, #tpu.memory_space<vmem>>
      %dma_start3A_97 = arith.constant 0 : i32
      %dma_start3A_98 = arith.constant 0 : i32
      %dma_start3A_99 = tpu.memref_slice %arg2[%dma_start3A_97, %dma_start3A_98] : memref<10240x128xf32, #tpu.memory_space<hbm>> -> memref<10240x128xf32, #tpu.memory_space<hbm>>
      tpu.enqueue_indirect_dma source(%dma_start3A_99 : memref<10240x128xf32, #tpu.memory_space<hbm>>) target(%dma_start3A_93 : memref<128x128xf32, #tpu.memory_space<vmem>>) offsets(%dma_start3A_96 : memref<128xi32, #tpu.memory_space<vmem>>) semaphore(%arg10 : memref<!tpu.dma_semaphore, #tpu.memory_space<semaphore_mem>>)
      %dma_start3A_100 = arith.constant 1 : i32
      %dma_start3A_101 = arith.constant 1 : i32
      %dma_start3A_102 = arith.constant 0 : i32
      %dma_start3A_103 = arith.constant 0 : i32
      %dma_start3A_104 = tpu.memref_slice %arg8[%dma_start3A_101, %dma_start3A_102, %dma_start3A_103] : memref<2x128x128xf32, #tpu.memory_space<vmem>> -> memref<1x128x128xf32, #tpu.memory_space<vmem>>
      %dma_start3A_105 = tpu.memref_squeeze %dma_start3A_104 : memref<1x128x128xf32, #tpu.memory_space<vmem>> -> memref<128x128xf32, #tpu.memory_space<vmem>>
      %dma_start3A_106 = arith.constant 0 : i32
      %dma_start3A_107 = tpu.memref_slice %arg6[%dma_start3A_100, %dma_start3A_106] : memref<40x128xi32, #tpu.memory_space<vmem>> -> memref<1x128xi32, #tpu.memory_space<vmem>>
      %dma_start3A_108 = tpu.memref_squeeze %dma_start3A_107 : memref<1x128xi32, #tpu.memory_space<vmem>> -> memref<128xi32, #tpu.memory_space<vmem>>
      %dma_start3A_109 = arith.constant 0 : i32
      %dma_start3A_110 = arith.constant 0 : i32
      %dma_start3A_111 = tpu.memref_slice %arg2[%dma_start3A_109, %dma_start3A_110] : memref<10240x128xf32, #tpu.memory_space<hbm>> -> memref<10240x128xf32, #tpu.memory_space<hbm>>
      tpu.enqueue_indirect_dma source(%dma_start3A_111 : memref<10240x128xf32, #tpu.memory_space<hbm>>) target(%dma_start3A_105 : memref<128x128xf32, #tpu.memory_space<vmem>>) offsets(%dma_start3A_108 : memref<128xi32, #tpu.memory_space<vmem>>) semaphore(%arg11 : memref<!tpu.dma_semaphore, #tpu.memory_space<semaphore_mem>>)
      %scan3A_112 = arith.constant 0 : i32
      %scan3A_113 = arith.constant 0 : i32
      %scan3A_114 = arith.constant 19 : i32
      %scan3A_115 = arith.addi %scan3A_113, %scan3A_114 : i32
      %scan3A_116 = arith.constant 1 : i32
      scf.for %scan3A_146 = %scan3A_113 to %scan3A_115 step %scan3A_116  : i32 {
        %mul3A_147 = arith.constant 2 : i32
        %mul3A_148 = arith.muli %mul3A_147, %scan3A_146 : i32
        %add3A_149 = arith.constant 0 : i32
        %add3A_150 = arith.addi %mul3A_148, %add3A_149 : i32
        %dma_wait3A_151 = arith.constant 0 : i32
        %dma_wait3A_152 = arith.constant 0 : i32
        %dma_wait3A_153 = arith.constant 0 : i32
        %dma_wait3A_154 = tpu.memref_slice %arg8[%dma_wait3A_151, %dma_wait3A_152, %dma_wait3A_153] : memref<2x128x128xf32, #tpu.memory_space<vmem>> -> memref<1x128x128xf32, #tpu.memory_space<vmem>>
        %dma_wait3A_155 = tpu.memref_squeeze %dma_wait3A_154 : memref<1x128x128xf32, #tpu.memory_space<vmem>> -> memref<128x128xf32, #tpu.memory_space<vmem>>
        %dma_wait3A_156 = arith.constant 0 : i32
        %dma_wait3A_157 = tpu.memref_slice %arg6[%add3A_150, %dma_wait3A_156] : memref<40x128xi32, #tpu.memory_space<vmem>> -> memref<1x128xi32, #tpu.memory_space<vmem>>
        %dma_wait3A_158 = tpu.memref_squeeze %dma_wait3A_157 : memref<1x128xi32, #tpu.memory_space<vmem>> -> memref<128xi32, #tpu.memory_space<vmem>>
        %dma_wait3A_159 = arith.constant 0 : i32
        %dma_wait3A_160 = arith.constant 0 : i32
        %dma_wait3A_161 = tpu.memref_slice %arg2[%dma_wait3A_159, %dma_wait3A_160] : memref<10240x128xf32, #tpu.memory_space<hbm>> -> memref<10240x128xf32, #tpu.memory_space<hbm>>
        tpu.wait_indirect_dma semaphore(%arg10 : memref<!tpu.dma_semaphore, #tpu.memory_space<semaphore_mem>>) src(%dma_wait3A_161 : memref<10240x128xf32, #tpu.memory_space<hbm>>) dst(%dma_wait3A_155 : memref<128x128xf32, #tpu.memory_space<vmem>>)
        %run_scoped3A_162 = arith.constant 0 : i32
        "tpu.region"() ({
          %run_scoped3A_205 = tpu.sem_alloc : memref<!tpu.dma_semaphore, #tpu.memory_space<semaphore_mem>>
          %dma_start3A_206 = arith.constant 0 : i32
          %dma_start3A_207 = arith.constant 0 : i32
          %dma_start3A_208 = tpu.memref_slice %arg8[%run_scoped3A_162, %dma_start3A_206, %dma_start3A_207] : memref<2x128x128xf32, #tpu.memory_space<vmem>> -> memref<1x128x128xf32, #tpu.memory_space<vmem>>
          %dma_start3A_209 = tpu.memref_squeeze %dma_start3A_208 : memref<1x128x128xf32, #tpu.memory_space<vmem>> -> memref<128x128xf32, #tpu.memory_space<vmem>>
          %dma_start3A_210 = arith.constant 0 : i32
          %dma_start3A_211 = tpu.memref_slice %arg7[%add3A_150, %dma_start3A_210] : memref<40x128xi32, #tpu.memory_space<vmem>> -> memref<1x128xi32, #tpu.memory_space<vmem>>
          %dma_start3A_212 = tpu.memref_squeeze %dma_start3A_211 : memref<1x128xi32, #tpu.memory_space<vmem>> -> memref<128xi32, #tpu.memory_space<vmem>>
          %dma_start3A_213 = arith.constant 0 : i32
          %dma_start3A_214 = arith.constant 0 : i32
          %dma_start3A_215 = tpu.memref_slice %arg9[%dma_start3A_213, %dma_start3A_214] : memref<10240x128xf32, #tpu.memory_space<vmem_shared>> -> memref<10240x128xf32, #tpu.memory_space<vmem_shared>>
          tpu.enqueue_indirect_dma source(%dma_start3A_209 : memref<128x128xf32, #tpu.memory_space<vmem>>) target(%dma_start3A_215 : memref<10240x128xf32, #tpu.memory_space<vmem_shared>>) offsets(%dma_start3A_212 : memref<128xi32, #tpu.memory_space<vmem>>) semaphore(%run_scoped3A_205 : memref<!tpu.dma_semaphore, #tpu.memory_space<semaphore_mem>>) {add = true}
          %dma_wait3A_216 = arith.constant 0 : i32
          %dma_wait3A_217 = arith.constant 0 : i32
          %dma_wait3A_218 = tpu.memref_slice %arg8[%run_scoped3A_162, %dma_wait3A_216, %dma_wait3A_217] : memref<2x128x128xf32, #tpu.memory_space<vmem>> -> memref<1x128x128xf32, #tpu.memory_space<vmem>>
          %dma_wait3A_219 = tpu.memref_squeeze %dma_wait3A_218 : memref<1x128x128xf32, #tpu.memory_space<vmem>> -> memref<128x128xf32, #tpu.memory_space<vmem>>
          %dma_wait3A_220 = arith.constant 0 : i32
          %dma_wait3A_221 = tpu.memref_slice %arg7[%add3A_150, %dma_wait3A_220] : memref<40x128xi32, #tpu.memory_space<vmem>> -> memref<1x128xi32, #tpu.memory_space<vmem>>
          %dma_wait3A_222 = tpu.memref_squeeze %dma_wait3A_221 : memref<1x128xi32, #tpu.memory_space<vmem>> -> memref<128xi32, #tpu.memory_space<vmem>>
          %dma_wait3A_223 = arith.constant 0 : i32
          %dma_wait3A_224 = arith.constant 0 : i32
          %dma_wait3A_225 = tpu.memref_slice %arg9[%dma_wait3A_223, %dma_wait3A_224] : memref<10240x128xf32, #tpu.memory_space<vmem_shared>> -> memref<10240x128xf32, #tpu.memory_space<vmem_shared>>
          tpu.wait_indirect_dma semaphore(%run_scoped3A_205 : memref<!tpu.dma_semaphore, #tpu.memory_space<semaphore_mem>>) src(%dma_wait3A_219 : memref<128x128xf32, #tpu.memory_space<vmem>>) dst(%dma_wait3A_225 : memref<10240x128xf32, #tpu.memory_space<vmem_shared>>)
          tpu.yield
        }) : () -> ()
        %add3A_163 = arith.constant 2 : i32
        %add3A_164 = arith.addi %add3A_150, %add3A_163 : i32
        %dma_start3A_165 = arith.constant 0 : i32
        %dma_start3A_166 = arith.constant 0 : i32
        %dma_start3A_167 = arith.constant 0 : i32
        %dma_start3A_168 = tpu.memref_slice %arg8[%dma_start3A_165, %dma_start3A_166, %dma_start3A_167] : memref<2x128x128xf32, #tpu.memory_space<vmem>> -> memref<1x128x128xf32, #tpu.memory_space<vmem>>
        %dma_start3A_169 = tpu.memref_squeeze %dma_start3A_168 : memref<1x128x128xf32, #tpu.memory_space<vmem>> -> memref<128x128xf32, #tpu.memory_space<vmem>>
        %dma_start3A_170 = arith.constant 0 : i32
        %dma_start3A_171 = tpu.memref_slice %arg6[%add3A_164, %dma_start3A_170] : memref<40x128xi32, #tpu.memory_space<vmem>> -> memref<1x128xi32, #tpu.memory_space<vmem>>
        %dma_start3A_172 = tpu.memref_squeeze %dma_start3A_171 : memref<1x128xi32, #tpu.memory_space<vmem>> -> memref<128xi32, #tpu.memory_space<vmem>>
        %dma_start3A_173 = arith.constant 0 : i32
        %dma_start3A_174 = arith.constant 0 : i32
        %dma_start3A_175 = tpu.memref_slice %arg2[%dma_start3A_173, %dma_start3A_174] : memref<10240x128xf32, #tpu.memory_space<hbm>> -> memref<10240x128xf32, #tpu.memory_space<hbm>>
        tpu.enqueue_indirect_dma source(%dma_start3A_175 : memref<10240x128xf32, #tpu.memory_space<hbm>>) target(%dma_start3A_169 : memref<128x128xf32, #tpu.memory_space<vmem>>) offsets(%dma_start3A_172 : memref<128xi32, #tpu.memory_space<vmem>>) semaphore(%arg10 : memref<!tpu.dma_semaphore, #tpu.memory_space<semaphore_mem>>)
        %mul3A_176 = arith.constant 2 : i32
        %mul3A_177 = arith.muli %mul3A_176, %scan3A_146 : i32
        %add3A_178 = arith.constant 1 : i32
        %add3A_179 = arith.addi %mul3A_177, %add3A_178 : i32
        %dma_wait3A_180 = arith.constant 1 : i32
        %dma_wait3A_181 = arith.constant 0 : i32
        %dma_wait3A_182 = arith.constant 0 : i32
        %dma_wait3A_183 = tpu.memref_slice %arg8[%dma_wait3A_180, %dma_wait3A_181, %dma_wait3A_182] : memref<2x128x128xf32, #tpu.memory_space<vmem>> -> memref<1x128x128xf32, #tpu.memory_space<vmem>>
        %dma_wait3A_184 = tpu.memref_squeeze %dma_wait3A_183 : memref<1x128x128xf32, #tpu.memory_space<vmem>> -> memref<128x128xf32, #tpu.memory_space<vmem>>
        %dma_wait3A_185 = arith.constant 0 : i32
        %dma_wait3A_186 = tpu.memref_slice %arg6[%add3A_179, %dma_wait3A_185] : memref<40x128xi32, #tpu.memory_space<vmem>> -> memref<1x128xi32, #tpu.memory_space<vmem>>
        %dma_wait3A_187 = tpu.memref_squeeze %dma_wait3A_186 : memref<1x128xi32, #tpu.memory_space<vmem>> -> memref<128xi32, #tpu.memory_space<vmem>>
        %dma_wait3A_188 = arith.constant 0 : i32
        %dma_wait3A_189 = arith.constant 0 : i32
        %dma_wait3A_190 = tpu.memref_slice %arg2[%dma_wait3A_188, %dma_wait3A_189] : memref<10240x128xf32, #tpu.memory_space<hbm>> -> memref<10240x128xf32, #tpu.memory_space<hbm>>
        tpu.wait_indirect_dma semaphore(%arg11 : memref<!tpu.dma_semaphore, #tpu.memory_space<semaphore_mem>>) src(%dma_wait3A_190 : memref<10240x128xf32, #tpu.memory_space<hbm>>) dst(%dma_wait3A_184 : memref<128x128xf32, #tpu.memory_space<vmem>>)
        %run_scoped3A_191 = arith.constant 1 : i32
        "tpu.region"() ({
          %run_scoped3A_205 = tpu.sem_alloc : memref<!tpu.dma_semaphore, #tpu.memory_space<semaphore_mem>>
          %dma_start3A_206 = arith.constant 0 : i32
          %dma_start3A_207 = arith.constant 0 : i32
          %dma_start3A_208 = tpu.memref_slice %arg8[%run_scoped3A_191, %dma_start3A_206, %dma_start3A_207] : memref<2x128x128xf32, #tpu.memory_space<vmem>> -> memref<1x128x128xf32, #tpu.memory_space<vmem>>
          %dma_start3A_209 = tpu.memref_squeeze %dma_start3A_208 : memref<1x128x128xf32, #tpu.memory_space<vmem>> -> memref<128x128xf32, #tpu.memory_space<vmem>>
          %dma_start3A_210 = arith.constant 0 : i32
          %dma_start3A_211 = tpu.memref_slice %arg7[%add3A_179, %dma_start3A_210] : memref<40x128xi32, #tpu.memory_space<vmem>> -> memref<1x128xi32, #tpu.memory_space<vmem>>
          %dma_start3A_212 = tpu.memref_squeeze %dma_start3A_211 : memref<1x128xi32, #tpu.memory_space<vmem>> -> memref<128xi32, #tpu.memory_space<vmem>>
          %dma_start3A_213 = arith.constant 0 : i32
          %dma_start3A_214 = arith.constant 0 : i32
          %dma_start3A_215 = tpu.memref_slice %arg9[%dma_start3A_213, %dma_start3A_214] : memref<10240x128xf32, #tpu.memory_space<vmem_shared>> -> memref<10240x128xf32, #tpu.memory_space<vmem_shared>>
          tpu.enqueue_indirect_dma source(%dma_start3A_209 : memref<128x128xf32, #tpu.memory_space<vmem>>) target(%dma_start3A_215 : memref<10240x128xf32, #tpu.memory_space<vmem_shared>>) offsets(%dma_start3A_212 : memref<128xi32, #tpu.memory_space<vmem>>) semaphore(%run_scoped3A_205 : memref<!tpu.dma_semaphore, #tpu.memory_space<semaphore_mem>>) {add = true}
          %dma_wait3A_216 = arith.constant 0 : i32
          %dma_wait3A_217 = arith.constant 0 : i32
          %dma_wait3A_218 = tpu.memref_slice %arg8[%run_scoped3A_191, %dma_wait3A_216, %dma_wait3A_217] : memref<2x128x128xf32, #tpu.memory_space<vmem>> -> memref<1x128x128xf32, #tpu.memory_space<vmem>>
          %dma_wait3A_219 = tpu.memref_squeeze %dma_wait3A_218 : memref<1x128x128xf32, #tpu.memory_space<vmem>> -> memref<128x128xf32, #tpu.memory_space<vmem>>
          %dma_wait3A_220 = arith.constant 0 : i32
          %dma_wait3A_221 = tpu.memref_slice %arg7[%add3A_179, %dma_wait3A_220] : memref<40x128xi32, #tpu.memory_space<vmem>> -> memref<1x128xi32, #tpu.memory_space<vmem>>
          %dma_wait3A_222 = tpu.memref_squeeze %dma_wait3A_221 : memref<1x128xi32, #tpu.memory_space<vmem>> -> memref<128xi32, #tpu.memory_space<vmem>>
          %dma_wait3A_223 = arith.constant 0 : i32
          %dma_wait3A_224 = arith.constant 0 : i32
          %dma_wait3A_225 = tpu.memref_slice %arg9[%dma_wait3A_223, %dma_wait3A_224] : memref<10240x128xf32, #tpu.memory_space<vmem_shared>> -> memref<10240x128xf32, #tpu.memory_space<vmem_shared>>
          tpu.wait_indirect_dma semaphore(%run_scoped3A_205 : memref<!tpu.dma_semaphore, #tpu.memory_space<semaphore_mem>>) src(%dma_wait3A_219 : memref<128x128xf32, #tpu.memory_space<vmem>>) dst(%dma_wait3A_225 : memref<10240x128xf32, #tpu.memory_space<vmem_shared>>)
          tpu.yield
        }) : () -> ()
        %add3A_192 = arith.constant 2 : i32
        %add3A_193 = arith.addi %add3A_179, %add3A_192 : i32
        %dma_start3A_194 = arith.constant 1 : i32
        %dma_start3A_195 = arith.constant 0 : i32
        %dma_start3A_196 = arith.constant 0 : i32
        %dma_start3A_197 = tpu.memref_slice %arg8[%dma_start3A_194, %dma_start3A_195, %dma_start3A_196] : memref<2x128x128xf32, #tpu.memory_space<vmem>> -> memref<1x128x128xf32, #tpu.memory_space<vmem>>
        %dma_start3A_198 = tpu.memref_squeeze %dma_start3A_197 : memref<1x128x128xf32, #tpu.memory_space<vmem>> -> memref<128x128xf32, #tpu.memory_space<vmem>>
        %dma_start3A_199 = arith.constant 0 : i32
        %dma_start3A_200 = tpu.memref_slice %arg6[%add3A_193, %dma_start3A_199] : memref<40x128xi32, #tpu.memory_space<vmem>> -> memref<1x128xi32, #tpu.memory_space<vmem>>
        %dma_start3A_201 = tpu.memref_squeeze %dma_start3A_200 : memref<1x128xi32, #tpu.memory_space<vmem>> -> memref<128xi32, #tpu.memory_space<vmem>>
        %dma_start3A_202 = arith.constant 0 : i32
        %dma_start3A_203 = arith.constant 0 : i32
        %dma_start3A_204 = tpu.memref_slice %arg2[%dma_start3A_202, %dma_start3A_203] : memref<10240x128xf32, #tpu.memory_space<hbm>> -> memref<10240x128xf32, #tpu.memory_space<hbm>>
        tpu.enqueue_indirect_dma source(%dma_start3A_204 : memref<10240x128xf32, #tpu.memory_space<hbm>>) target(%dma_start3A_198 : memref<128x128xf32, #tpu.memory_space<vmem>>) offsets(%dma_start3A_201 : memref<128xi32, #tpu.memory_space<vmem>>) semaphore(%arg11 : memref<!tpu.dma_semaphore, #tpu.memory_space<semaphore_mem>>)
      }
      %scan3A_117 = arith.constant 19 : i32
      %dma_wait3A_118 = arith.constant 38 : i32
      %dma_wait3A_119 = arith.constant 0 : i32
      %dma_wait3A_120 = arith.constant 0 : i32
      %dma_wait3A_121 = arith.constant 0 : i32
      %dma_wait3A_122 = tpu.memref_slice %arg8[%dma_wait3A_119, %dma_wait3A_120, %dma_wait3A_121] : memref<2x128x128xf32, #tpu.memory_space<vmem>> -> memref<1x128x128xf32, #tpu.memory_space<vmem>>
      %dma_wait3A_123 = tpu.memref_squeeze %dma_wait3A_122 : memref<1x128x128xf32, #tpu.memory_space<vmem>> -> memref<128x128xf32, #tpu.memory_space<vmem>>
      %dma_wait3A_124 = arith.constant 0 : i32
      %dma_wait3A_125 = tpu.memref_slice %arg6[%dma_wait3A_118, %dma_wait3A_124] : memref<40x128xi32, #tpu.memory_space<vmem>> -> memref<1x128xi32, #tpu.memory_space<vmem>>
      %dma_wait3A_126 = tpu.memref_squeeze %dma_wait3A_125 : memref<1x128xi32, #tpu.memory_space<vmem>> -> memref<128xi32, #tpu.memory_space<vmem>>
      %dma_wait3A_127 = arith.constant 0 : i32
      %dma_wait3A_128 = arith.constant 0 : i32
      %dma_wait3A_129 = tpu.memref_slice %arg2[%dma_wait3A_127, %dma_wait3A_128] : memref<10240x128xf32, #tpu.memory_space<hbm>> -> memref<10240x128xf32, #tpu.memory_space<hbm>>
      tpu.wait_indirect_dma semaphore(%arg10 : memref<!tpu.dma_semaphore, #tpu.memory_space<semaphore_mem>>) src(%dma_wait3A_129 : memref<10240x128xf32, #tpu.memory_space<hbm>>) dst(%dma_wait3A_123 : memref<128x128xf32, #tpu.memory_space<vmem>>)
      %run_scoped3A_130 = arith.constant 0 : i32
      %run_scoped3A_131 = arith.constant 38 : i32
      "tpu.region"() ({
        %run_scoped3A_146 = tpu.sem_alloc : memref<!tpu.dma_semaphore, #tpu.memory_space<semaphore_mem>>
        %dma_start3A_147 = arith.constant 0 : i32
        %dma_start3A_148 = arith.constant 0 : i32
        %dma_start3A_149 = tpu.memref_slice %arg8[%run_scoped3A_130, %dma_start3A_147, %dma_start3A_148] : memref<2x128x128xf32, #tpu.memory_space<vmem>> -> memref<1x128x128xf32, #tpu.memory_space<vmem>>
        %dma_start3A_150 = tpu.memref_squeeze %dma_start3A_149 : memref<1x128x128xf32, #tpu.memory_space<vmem>> -> memref<128x128xf32, #tpu.memory_space<vmem>>
        %dma_start3A_151 = arith.constant 0 : i32
        %dma_start3A_152 = tpu.memref_slice %arg7[%run_scoped3A_131, %dma_start3A_151] : memref<40x128xi32, #tpu.memory_space<vmem>> -> memref<1x128xi32, #tpu.memory_space<vmem>>
        %dma_start3A_153 = tpu.memref_squeeze %dma_start3A_152 : memref<1x128xi32, #tpu.memory_space<vmem>> -> memref<128xi32, #tpu.memory_space<vmem>>
        %dma_start3A_154 = arith.constant 0 : i32
        %dma_start3A_155 = arith.constant 0 : i32
        %dma_start3A_156 = tpu.memref_slice %arg9[%dma_start3A_154, %dma_start3A_155] : memref<10240x128xf32, #tpu.memory_space<vmem_shared>> -> memref<10240x128xf32, #tpu.memory_space<vmem_shared>>
        tpu.enqueue_indirect_dma source(%dma_start3A_150 : memref<128x128xf32, #tpu.memory_space<vmem>>) target(%dma_start3A_156 : memref<10240x128xf32, #tpu.memory_space<vmem_shared>>) offsets(%dma_start3A_153 : memref<128xi32, #tpu.memory_space<vmem>>) semaphore(%run_scoped3A_146 : memref<!tpu.dma_semaphore, #tpu.memory_space<semaphore_mem>>) {add = true}
        %dma_wait3A_157 = arith.constant 0 : i32
        %dma_wait3A_158 = arith.constant 0 : i32
        %dma_wait3A_159 = tpu.memref_slice %arg8[%run_scoped3A_130, %dma_wait3A_157, %dma_wait3A_158] : memref<2x128x128xf32, #tpu.memory_space<vmem>> -> memref<1x128x128xf32, #tpu.memory_space<vmem>>
        %dma_wait3A_160 = tpu.memref_squeeze %dma_wait3A_159 : memref<1x128x128xf32, #tpu.memory_space<vmem>> -> memref<128x128xf32, #tpu.memory_space<vmem>>
        %dma_wait3A_161 = arith.constant 0 : i32
        %dma_wait3A_162 = tpu.memref_slice %arg7[%run_scoped3A_131, %dma_wait3A_161] : memref<40x128xi32, #tpu.memory_space<vmem>> -> memref<1x128xi32, #tpu.memory_space<vmem>>
        %dma_wait3A_163 = tpu.memref_squeeze %dma_wait3A_162 : memref<1x128xi32, #tpu.memory_space<vmem>> -> memref<128xi32, #tpu.memory_space<vmem>>
        %dma_wait3A_164 = arith.constant 0 : i32
        %dma_wait3A_165 = arith.constant 0 : i32
        %dma_wait3A_166 = tpu.memref_slice %arg9[%dma_wait3A_164, %dma_wait3A_165] : memref<10240x128xf32, #tpu.memory_space<vmem_shared>> -> memref<10240x128xf32, #tpu.memory_space<vmem_shared>>
        tpu.wait_indirect_dma semaphore(%run_scoped3A_146 : memref<!tpu.dma_semaphore, #tpu.memory_space<semaphore_mem>>) src(%dma_wait3A_160 : memref<128x128xf32, #tpu.memory_space<vmem>>) dst(%dma_wait3A_166 : memref<10240x128xf32, #tpu.memory_space<vmem_shared>>)
        tpu.yield
      }) : () -> ()
      %dma_wait3A_132 = arith.constant 39 : i32
      %dma_wait3A_133 = arith.constant 1 : i32
      %dma_wait3A_134 = arith.constant 0 : i32
      %dma_wait3A_135 = arith.constant 0 : i32
      %dma_wait3A_136 = tpu.memref_slice %arg8[%dma_wait3A_133, %dma_wait3A_134, %dma_wait3A_135] : memref<2x128x128xf32, #tpu.memory_space<vmem>> -> memref<1x128x128xf32, #tpu.memory_space<vmem>>
      %dma_wait3A_137 = tpu.memref_squeeze %dma_wait3A_136 : memref<1x128x128xf32, #tpu.memory_space<vmem>> -> memref<128x128xf32, #tpu.memory_space<vmem>>
      %dma_wait3A_138 = arith.constant 0 : i32
      %dma_wait3A_139 = tpu.memref_slice %arg6[%dma_wait3A_132, %dma_wait3A_138] : memref<40x128xi32, #tpu.memory_space<vmem>> -> memref<1x128xi32, #tpu.memory_space<vmem>>
      %dma_wait3A_140 = tpu.memref_squeeze %dma_wait3A_139 : memref<1x128xi32, #tpu.memory_space<vmem>> -> memref<128xi32, #tpu.memory_space<vmem>>
      %dma_wait3A_141 = arith.constant 0 : i32
      %dma_wait3A_142 = arith.constant 0 : i32
      %dma_wait3A_143 = tpu.memref_slice %arg2[%dma_wait3A_141, %dma_wait3A_142] : memref<10240x128xf32, #tpu.memory_space<hbm>> -> memref<10240x128xf32, #tpu.memory_space<hbm>>
      tpu.wait_indirect_dma semaphore(%arg11 : memref<!tpu.dma_semaphore, #tpu.memory_space<semaphore_mem>>) src(%dma_wait3A_143 : memref<10240x128xf32, #tpu.memory_space<hbm>>) dst(%dma_wait3A_137 : memref<128x128xf32, #tpu.memory_space<vmem>>)
      %run_scoped3A_144 = arith.constant 1 : i32
      %run_scoped3A_145 = arith.constant 39 : i32
      "tpu.region"() ({
        %run_scoped3A_146 = tpu.sem_alloc : memref<!tpu.dma_semaphore, #tpu.memory_space<semaphore_mem>>
        %dma_start3A_147 = arith.constant 0 : i32
        %dma_start3A_148 = arith.constant 0 : i32
        %dma_start3A_149 = tpu.memref_slice %arg8[%run_scoped3A_144, %dma_start3A_147, %dma_start3A_148] : memref<2x128x128xf32, #tpu.memory_space<vmem>> -> memref<1x128x128xf32, #tpu.memory_space<vmem>>
        %dma_start3A_150 = tpu.memref_squeeze %dma_start3A_149 : memref<1x128x128xf32, #tpu.memory_space<vmem>> -> memref<128x128xf32, #tpu.memory_space<vmem>>
        %dma_start3A_151 = arith.constant 0 : i32
        %dma_start3A_152 = tpu.memref_slice %arg7[%run_scoped3A_145, %dma_start3A_151] : memref<40x128xi32, #tpu.memory_space<vmem>> -> memref<1x128xi32, #tpu.memory_space<vmem>>
        %dma_start3A_153 = tpu.memref_squeeze %dma_start3A_152 : memref<1x128xi32, #tpu.memory_space<vmem>> -> memref<128xi32, #tpu.memory_space<vmem>>
        %dma_start3A_154 = arith.constant 0 : i32
        %dma_start3A_155 = arith.constant 0 : i32
        %dma_start3A_156 = tpu.memref_slice %arg9[%dma_start3A_154, %dma_start3A_155] : memref<10240x128xf32, #tpu.memory_space<vmem_shared>> -> memref<10240x128xf32, #tpu.memory_space<vmem_shared>>
        tpu.enqueue_indirect_dma source(%dma_start3A_150 : memref<128x128xf32, #tpu.memory_space<vmem>>) target(%dma_start3A_156 : memref<10240x128xf32, #tpu.memory_space<vmem_shared>>) offsets(%dma_start3A_153 : memref<128xi32, #tpu.memory_space<vmem>>) semaphore(%run_scoped3A_146 : memref<!tpu.dma_semaphore, #tpu.memory_space<semaphore_mem>>) {add = true}
        %dma_wait3A_157 = arith.constant 0 : i32
        %dma_wait3A_158 = arith.constant 0 : i32
        %dma_wait3A_159 = tpu.memref_slice %arg8[%run_scoped3A_144, %dma_wait3A_157, %dma_wait3A_158] : memref<2x128x128xf32, #tpu.memory_space<vmem>> -> memref<1x128x128xf32, #tpu.memory_space<vmem>>
        %dma_wait3A_160 = tpu.memref_squeeze %dma_wait3A_159 : memref<1x128x128xf32, #tpu.memory_space<vmem>> -> memref<128x128xf32, #tpu.memory_space<vmem>>
        %dma_wait3A_161 = arith.constant 0 : i32
        %dma_wait3A_162 = tpu.memref_slice %arg7[%run_scoped3A_145, %dma_wait3A_161] : memref<40x128xi32, #tpu.memory_space<vmem>> -> memref<1x128xi32, #tpu.memory_space<vmem>>
        %dma_wait3A_163 = tpu.memref_squeeze %dma_wait3A_162 : memref<1x128xi32, #tpu.memory_space<vmem>> -> memref<128xi32, #tpu.memory_space<vmem>>
        %dma_wait3A_164 = arith.constant 0 : i32
        %dma_wait3A_165 = arith.constant 0 : i32
        %dma_wait3A_166 = tpu.memref_slice %arg9[%dma_wait3A_164, %dma_wait3A_165] : memref<10240x128xf32, #tpu.memory_space<vmem_shared>> -> memref<10240x128xf32, #tpu.memory_space<vmem_shared>>
        tpu.wait_indirect_dma semaphore(%run_scoped3A_146 : memref<!tpu.dma_semaphore, #tpu.memory_space<semaphore_mem>>) src(%dma_wait3A_160 : memref<128x128xf32, #tpu.memory_space<vmem>>) dst(%dma_wait3A_166 : memref<10240x128xf32, #tpu.memory_space<vmem_shared>>)
        tpu.yield
      }) : () -> ()
    } else {
    }
    %eq3A_12 = arith.constant 31 : i32
    %eq3A_13 = arith.cmpi eq, %add3A, %eq3A_12 : i32
    %convert_element_type3A_14 = arith.extui %eq3A_13 : i1 to i32
    %cond3A_15 = arith.constant 0 : i32
    %cond3A_16 = arith.cmpi ne, %convert_element_type3A_14, %cond3A_15 : i32
    scf.if %cond3A_16 {
      %run_scoped3A = arith.constant 0 : i32
      "tpu.region"() ({
        %run_scoped3A_194 = tpu.sem_alloc : memref<!tpu.dma_semaphore, #tpu.memory_space<semaphore_mem>>
        %dma_start3A_195 = arith.constant 0 : i32
        %dma_start3A_196 = arith.constant 0 : i32
        %dma_start3A_197 = tpu.memref_slice %arg6[%dma_start3A_195, %dma_start3A_196] : memref<40x128xi32, #tpu.memory_space<vmem>> -> memref<20x128xi32, #tpu.memory_space<vmem>>
        %dma_start3A_198 = arith.constant 2480 : i32
        %dma_start3A_199 = arith.constant 0 : i32
        %dma_start3A_200 = tpu.memref_slice %arg3[%dma_start3A_198, %run_scoped3A, %dma_start3A_199] : memref<2500x2x128xi32, #tpu.memory_space<hbm>> -> memref<20x1x128xi32, #tpu.memory_space<hbm>>
        %dma_start3A_201 = tpu.memref_squeeze %dma_start3A_200 : memref<20x1x128xi32, #tpu.memory_space<hbm>> -> memref<20x128xi32, #tpu.memory_space<hbm>>
        %dma_start3A_202 = arith.constant 0 : i32
        %dma_start3A_203 = arith.constant 0 : i32
        %dma_start3A_204 = tpu.memref_slice %arg6[%dma_start3A_202, %dma_start3A_203] : memref<40x128xi32, #tpu.memory_space<vmem>> -> memref<20x128xi32, #tpu.memory_space<vmem>>
        %dma_start3A_205 = arith.constant 2480 : i32
        %dma_start3A_206 = arith.constant 0 : i32
        %dma_start3A_207 = tpu.memref_slice %arg3[%dma_start3A_205, %run_scoped3A, %dma_start3A_206] : memref<2500x2x128xi32, #tpu.memory_space<hbm>> -> memref<20x1x128xi32, #tpu.memory_space<hbm>>
        %dma_start3A_208 = tpu.memref_squeeze %dma_start3A_207 : memref<20x1x128xi32, #tpu.memory_space<hbm>> -> memref<20x128xi32, #tpu.memory_space<hbm>>
        tpu.enqueue_dma source(%dma_start3A_208 : memref<20x128xi32, #tpu.memory_space<hbm>>) target(%dma_start3A_204 : memref<20x128xi32, #tpu.memory_space<vmem>>) target_semaphore(%run_scoped3A_194 : memref<!tpu.dma_semaphore, #tpu.memory_space<semaphore_mem>>)
        %dma_wait3A_209 = arith.constant 0 : i32
        %dma_wait3A_210 = arith.constant 0 : i32
        %dma_wait3A_211 = tpu.memref_slice %arg6[%dma_wait3A_209, %dma_wait3A_210] : memref<40x128xi32, #tpu.memory_space<vmem>> -> memref<20x128xi32, #tpu.memory_space<vmem>>
        %dma_wait3A_212 = arith.constant 2480 : i32
        %dma_wait3A_213 = arith.constant 0 : i32
        %dma_wait3A_214 = tpu.memref_slice %arg3[%dma_wait3A_212, %run_scoped3A, %dma_wait3A_213] : memref<2500x2x128xi32, #tpu.memory_space<hbm>> -> memref<20x1x128xi32, #tpu.memory_space<hbm>>
        %dma_wait3A_215 = tpu.memref_squeeze %dma_wait3A_214 : memref<20x1x128xi32, #tpu.memory_space<hbm>> -> memref<20x128xi32, #tpu.memory_space<hbm>>
        %dma_wait3A_216 = arith.constant 0 : i32
        %dma_wait3A_217 = arith.constant 0 : i32
        %dma_wait3A_218 = tpu.memref_slice %arg6[%dma_wait3A_216, %dma_wait3A_217] : memref<40x128xi32, #tpu.memory_space<vmem>> -> memref<20x128xi32, #tpu.memory_space<vmem>>
        %dma_wait3A_219 = arith.constant 2480 : i32
        %dma_wait3A_220 = arith.constant 0 : i32
        %dma_wait3A_221 = tpu.memref_slice %arg3[%dma_wait3A_219, %run_scoped3A, %dma_wait3A_220] : memref<2500x2x128xi32, #tpu.memory_space<hbm>> -> memref<20x1x128xi32, #tpu.memory_space<hbm>>
        %dma_wait3A_222 = tpu.memref_squeeze %dma_wait3A_221 : memref<20x1x128xi32, #tpu.memory_space<hbm>> -> memref<20x128xi32, #tpu.memory_space<hbm>>
        tpu.wait_dma2 semaphore(%run_scoped3A_194 : memref<!tpu.dma_semaphore, #tpu.memory_space<semaphore_mem>>) src(%dma_wait3A_222 : memref<20x128xi32, #tpu.memory_space<hbm>>) dst(%dma_wait3A_218 : memref<20x128xi32, #tpu.memory_space<vmem>>)
        tpu.yield
      }) : () -> ()
      %run_scoped3A_22 = arith.constant 1 : i32
      "tpu.region"() ({
        %run_scoped3A_194 = tpu.sem_alloc : memref<!tpu.dma_semaphore, #tpu.memory_space<semaphore_mem>>
        %dma_start3A_195 = arith.constant 0 : i32
        %dma_start3A_196 = arith.constant 0 : i32
        %dma_start3A_197 = tpu.memref_slice %arg7[%dma_start3A_195, %dma_start3A_196] : memref<40x128xi32, #tpu.memory_space<vmem>> -> memref<20x128xi32, #tpu.memory_space<vmem>>
        %dma_start3A_198 = arith.constant 2480 : i32
        %dma_start3A_199 = arith.constant 0 : i32
        %dma_start3A_200 = tpu.memref_slice %arg3[%dma_start3A_198, %run_scoped3A_22, %dma_start3A_199] : memref<2500x2x128xi32, #tpu.memory_space<hbm>> -> memref<20x1x128xi32, #tpu.memory_space<hbm>>
        %dma_start3A_201 = tpu.memref_squeeze %dma_start3A_200 : memref<20x1x128xi32, #tpu.memory_space<hbm>> -> memref<20x128xi32, #tpu.memory_space<hbm>>
        %dma_start3A_202 = arith.constant 0 : i32
        %dma_start3A_203 = arith.constant 0 : i32
        %dma_start3A_204 = tpu.memref_slice %arg7[%dma_start3A_202, %dma_start3A_203] : memref<40x128xi32, #tpu.memory_space<vmem>> -> memref<20x128xi32, #tpu.memory_space<vmem>>
        %dma_start3A_205 = arith.constant 2480 : i32
        %dma_start3A_206 = arith.constant 0 : i32
        %dma_start3A_207 = tpu.memref_slice %arg3[%dma_start3A_205, %run_scoped3A_22, %dma_start3A_206] : memref<2500x2x128xi32, #tpu.memory_space<hbm>> -> memref<20x1x128xi32, #tpu.memory_space<hbm>>
        %dma_start3A_208 = tpu.memref_squeeze %dma_start3A_207 : memref<20x1x128xi32, #tpu.memory_space<hbm>> -> memref<20x128xi32, #tpu.memory_space<hbm>>
        tpu.enqueue_dma source(%dma_start3A_208 : memref<20x128xi32, #tpu.memory_space<hbm>>) target(%dma_start3A_204 : memref<20x128xi32, #tpu.memory_space<vmem>>) target_semaphore(%run_scoped3A_194 : memref<!tpu.dma_semaphore, #tpu.memory_space<semaphore_mem>>)
        %dma_wait3A_209 = arith.constant 0 : i32
        %dma_wait3A_210 = arith.constant 0 : i32
        %dma_wait3A_211 = tpu.memref_slice %arg7[%dma_wait3A_209, %dma_wait3A_210] : memref<40x128xi32, #tpu.memory_space<vmem>> -> memref<20x128xi32, #tpu.memory_space<vmem>>
        %dma_wait3A_212 = arith.constant 2480 : i32
        %dma_wait3A_213 = arith.constant 0 : i32
        %dma_wait3A_214 = tpu.memref_slice %arg3[%dma_wait3A_212, %run_scoped3A_22, %dma_wait3A_213] : memref<2500x2x128xi32, #tpu.memory_space<hbm>> -> memref<20x1x128xi32, #tpu.memory_space<hbm>>
        %dma_wait3A_215 = tpu.memref_squeeze %dma_wait3A_214 : memref<20x1x128xi32, #tpu.memory_space<hbm>> -> memref<20x128xi32, #tpu.memory_space<hbm>>
        %dma_wait3A_216 = arith.constant 0 : i32
        %dma_wait3A_217 = arith.constant 0 : i32
        %dma_wait3A_218 = tpu.memref_slice %arg7[%dma_wait3A_216, %dma_wait3A_217] : memref<40x128xi32, #tpu.memory_space<vmem>> -> memref<20x128xi32, #tpu.memory_space<vmem>>
        %dma_wait3A_219 = arith.constant 2480 : i32
        %dma_wait3A_220 = arith.constant 0 : i32
        %dma_wait3A_221 = tpu.memref_slice %arg3[%dma_wait3A_219, %run_scoped3A_22, %dma_wait3A_220] : memref<2500x2x128xi32, #tpu.memory_space<hbm>> -> memref<20x1x128xi32, #tpu.memory_space<hbm>>
        %dma_wait3A_222 = tpu.memref_squeeze %dma_wait3A_221 : memref<20x1x128xi32, #tpu.memory_space<hbm>> -> memref<20x128xi32, #tpu.memory_space<hbm>>
        tpu.wait_dma2 semaphore(%run_scoped3A_194 : memref<!tpu.dma_semaphore, #tpu.memory_space<semaphore_mem>>) src(%dma_wait3A_222 : memref<20x128xi32, #tpu.memory_space<hbm>>) dst(%dma_wait3A_218 : memref<20x128xi32, #tpu.memory_space<vmem>>)
        tpu.yield
      }) : () -> ()
      %dma_start3A = arith.constant 0 : i32
      %dma_start3A_23 = arith.constant 0 : i32
      %dma_start3A_24 = arith.constant 0 : i32
      %dma_start3A_25 = arith.constant 0 : i32
      %dma_start3A_26 = tpu.memref_slice %arg8[%dma_start3A_23, %dma_start3A_24, %dma_start3A_25] : memref<2x128x128xf32, #tpu.memory_space<vmem>> -> memref<1x128x128xf32, #tpu.memory_space<vmem>>
      %dma_start3A_27 = tpu.memref_squeeze %dma_start3A_26 : memref<1x128x128xf32, #tpu.memory_space<vmem>> -> memref<128x128xf32, #tpu.memory_space<vmem>>
      %dma_start3A_28 = arith.constant 0 : i32
      %dma_start3A_29 = tpu.memref_slice %arg6[%dma_start3A, %dma_start3A_28] : memref<40x128xi32, #tpu.memory_space<vmem>> -> memref<1x128xi32, #tpu.memory_space<vmem>>
      %dma_start3A_30 = tpu.memref_squeeze %dma_start3A_29 : memref<1x128xi32, #tpu.memory_space<vmem>> -> memref<128xi32, #tpu.memory_space<vmem>>
      %dma_start3A_31 = arith.constant 0 : i32
      %dma_start3A_32 = arith.constant 0 : i32
      %dma_start3A_33 = tpu.memref_slice %arg2[%dma_start3A_31, %dma_start3A_32] : memref<10240x128xf32, #tpu.memory_space<hbm>> -> memref<10240x128xf32, #tpu.memory_space<hbm>>
      tpu.enqueue_indirect_dma source(%dma_start3A_33 : memref<10240x128xf32, #tpu.memory_space<hbm>>) target(%dma_start3A_27 : memref<128x128xf32, #tpu.memory_space<vmem>>) offsets(%dma_start3A_30 : memref<128xi32, #tpu.memory_space<vmem>>) semaphore(%arg10 : memref<!tpu.dma_semaphore, #tpu.memory_space<semaphore_mem>>)
      %dma_start3A_34 = arith.constant 1 : i32
      %dma_start3A_35 = arith.constant 1 : i32
      %dma_start3A_36 = arith.constant 0 : i32
      %dma_start3A_37 = arith.constant 0 : i32
      %dma_start3A_38 = tpu.memref_slice %arg8[%dma_start3A_35, %dma_start3A_36, %dma_start3A_37] : memref<2x128x128xf32, #tpu.memory_space<vmem>> -> memref<1x128x128xf32, #tpu.memory_space<vmem>>
      %dma_start3A_39 = tpu.memref_squeeze %dma_start3A_38 : memref<1x128x128xf32, #tpu.memory_space<vmem>> -> memref<128x128xf32, #tpu.memory_space<vmem>>
      %dma_start3A_40 = arith.constant 0 : i32
      %dma_start3A_41 = tpu.memref_slice %arg6[%dma_start3A_34, %dma_start3A_40] : memref<40x128xi32, #tpu.memory_space<vmem>> -> memref<1x128xi32, #tpu.memory_space<vmem>>
      %dma_start3A_42 = tpu.memref_squeeze %dma_start3A_41 : memref<1x128xi32, #tpu.memory_space<vmem>> -> memref<128xi32, #tpu.memory_space<vmem>>
      %dma_start3A_43 = arith.constant 0 : i32
      %dma_start3A_44 = arith.constant 0 : i32
      %dma_start3A_45 = tpu.memref_slice %arg2[%dma_start3A_43, %dma_start3A_44] : memref<10240x128xf32, #tpu.memory_space<hbm>> -> memref<10240x128xf32, #tpu.memory_space<hbm>>
      tpu.enqueue_indirect_dma source(%dma_start3A_45 : memref<10240x128xf32, #tpu.memory_space<hbm>>) target(%dma_start3A_39 : memref<128x128xf32, #tpu.memory_space<vmem>>) offsets(%dma_start3A_42 : memref<128xi32, #tpu.memory_space<vmem>>) semaphore(%arg11 : memref<!tpu.dma_semaphore, #tpu.memory_space<semaphore_mem>>)
      %scan3A = arith.constant 0 : i32
      %scan3A_46 = arith.constant 0 : i32
      %scan3A_47 = arith.constant 9 : i32
      %scan3A_48 = arith.addi %scan3A_46, %scan3A_47 : i32
      %scan3A_49 = arith.constant 1 : i32
      scf.for %scan3A_194 = %scan3A_46 to %scan3A_48 step %scan3A_49  : i32 {
        %mul3A_195 = arith.constant 2 : i32
        %mul3A_196 = arith.muli %mul3A_195, %scan3A_194 : i32
        %add3A_197 = arith.constant 0 : i32
        %add3A_198 = arith.addi %mul3A_196, %add3A_197 : i32
        %dma_wait3A_199 = arith.constant 0 : i32
        %dma_wait3A_200 = arith.constant 0 : i32
        %dma_wait3A_201 = arith.constant 0 : i32
        %dma_wait3A_202 = tpu.memref_slice %arg8[%dma_wait3A_199, %dma_wait3A_200, %dma_wait3A_201] : memref<2x128x128xf32, #tpu.memory_space<vmem>> -> memref<1x128x128xf32, #tpu.memory_space<vmem>>
        %dma_wait3A_203 = tpu.memref_squeeze %dma_wait3A_202 : memref<1x128x128xf32, #tpu.memory_space<vmem>> -> memref<128x128xf32, #tpu.memory_space<vmem>>
        %dma_wait3A_204 = arith.constant 0 : i32
        %dma_wait3A_205 = tpu.memref_slice %arg6[%add3A_198, %dma_wait3A_204] : memref<40x128xi32, #tpu.memory_space<vmem>> -> memref<1x128xi32, #tpu.memory_space<vmem>>
        %dma_wait3A_206 = tpu.memref_squeeze %dma_wait3A_205 : memref<1x128xi32, #tpu.memory_space<vmem>> -> memref<128xi32, #tpu.memory_space<vmem>>
        %dma_wait3A_207 = arith.constant 0 : i32
        %dma_wait3A_208 = arith.constant 0 : i32
        %dma_wait3A_209 = tpu.memref_slice %arg2[%dma_wait3A_207, %dma_wait3A_208] : memref<10240x128xf32, #tpu.memory_space<hbm>> -> memref<10240x128xf32, #tpu.memory_space<hbm>>
        tpu.wait_indirect_dma semaphore(%arg10 : memref<!tpu.dma_semaphore, #tpu.memory_space<semaphore_mem>>) src(%dma_wait3A_209 : memref<10240x128xf32, #tpu.memory_space<hbm>>) dst(%dma_wait3A_203 : memref<128x128xf32, #tpu.memory_space<vmem>>)
        %run_scoped3A_210 = arith.constant 0 : i32
        "tpu.region"() ({
          %run_scoped3A_253 = tpu.sem_alloc : memref<!tpu.dma_semaphore, #tpu.memory_space<semaphore_mem>>
          %dma_start3A_254 = arith.constant 0 : i32
          %dma_start3A_255 = arith.constant 0 : i32
          %dma_start3A_256 = tpu.memref_slice %arg8[%run_scoped3A_210, %dma_start3A_254, %dma_start3A_255] : memref<2x128x128xf32, #tpu.memory_space<vmem>> -> memref<1x128x128xf32, #tpu.memory_space<vmem>>
          %dma_start3A_257 = tpu.memref_squeeze %dma_start3A_256 : memref<1x128x128xf32, #tpu.memory_space<vmem>> -> memref<128x128xf32, #tpu.memory_space<vmem>>
          %dma_start3A_258 = arith.constant 0 : i32
          %dma_start3A_259 = tpu.memref_slice %arg7[%add3A_198, %dma_start3A_258] : memref<40x128xi32, #tpu.memory_space<vmem>> -> memref<1x128xi32, #tpu.memory_space<vmem>>
          %dma_start3A_260 = tpu.memref_squeeze %dma_start3A_259 : memref<1x128xi32, #tpu.memory_space<vmem>> -> memref<128xi32, #tpu.memory_space<vmem>>
          %dma_start3A_261 = arith.constant 0 : i32
          %dma_start3A_262 = arith.constant 0 : i32
          %dma_start3A_263 = tpu.memref_slice %arg9[%dma_start3A_261, %dma_start3A_262] : memref<10240x128xf32, #tpu.memory_space<vmem_shared>> -> memref<10240x128xf32, #tpu.memory_space<vmem_shared>>
          tpu.enqueue_indirect_dma source(%dma_start3A_257 : memref<128x128xf32, #tpu.memory_space<vmem>>) target(%dma_start3A_263 : memref<10240x128xf32, #tpu.memory_space<vmem_shared>>) offsets(%dma_start3A_260 : memref<128xi32, #tpu.memory_space<vmem>>) semaphore(%run_scoped3A_253 : memref<!tpu.dma_semaphore, #tpu.memory_space<semaphore_mem>>) {add = true}
          %dma_wait3A_264 = arith.constant 0 : i32
          %dma_wait3A_265 = arith.constant 0 : i32
          %dma_wait3A_266 = tpu.memref_slice %arg8[%run_scoped3A_210, %dma_wait3A_264, %dma_wait3A_265] : memref<2x128x128xf32, #tpu.memory_space<vmem>> -> memref<1x128x128xf32, #tpu.memory_space<vmem>>
          %dma_wait3A_267 = tpu.memref_squeeze %dma_wait3A_266 : memref<1x128x128xf32, #tpu.memory_space<vmem>> -> memref<128x128xf32, #tpu.memory_space<vmem>>
          %dma_wait3A_268 = arith.constant 0 : i32
          %dma_wait3A_269 = tpu.memref_slice %arg7[%add3A_198, %dma_wait3A_268] : memref<40x128xi32, #tpu.memory_space<vmem>> -> memref<1x128xi32, #tpu.memory_space<vmem>>
          %dma_wait3A_270 = tpu.memref_squeeze %dma_wait3A_269 : memref<1x128xi32, #tpu.memory_space<vmem>> -> memref<128xi32, #tpu.memory_space<vmem>>
          %dma_wait3A_271 = arith.constant 0 : i32
          %dma_wait3A_272 = arith.constant 0 : i32
          %dma_wait3A_273 = tpu.memref_slice %arg9[%dma_wait3A_271, %dma_wait3A_272] : memref<10240x128xf32, #tpu.memory_space<vmem_shared>> -> memref<10240x128xf32, #tpu.memory_space<vmem_shared>>
          tpu.wait_indirect_dma semaphore(%run_scoped3A_253 : memref<!tpu.dma_semaphore, #tpu.memory_space<semaphore_mem>>) src(%dma_wait3A_267 : memref<128x128xf32, #tpu.memory_space<vmem>>) dst(%dma_wait3A_273 : memref<10240x128xf32, #tpu.memory_space<vmem_shared>>)
          tpu.yield
        }) : () -> ()
        %add3A_211 = arith.constant 2 : i32
        %add3A_212 = arith.addi %add3A_198, %add3A_211 : i32
        %dma_start3A_213 = arith.constant 0 : i32
        %dma_start3A_214 = arith.constant 0 : i32
        %dma_start3A_215 = arith.constant 0 : i32
        %dma_start3A_216 = tpu.memref_slice %arg8[%dma_start3A_213, %dma_start3A_214, %dma_start3A_215] : memref<2x128x128xf32, #tpu.memory_space<vmem>> -> memref<1x128x128xf32, #tpu.memory_space<vmem>>
        %dma_start3A_217 = tpu.memref_squeeze %dma_start3A_216 : memref<1x128x128xf32, #tpu.memory_space<vmem>> -> memref<128x128xf32, #tpu.memory_space<vmem>>
        %dma_start3A_218 = arith.constant 0 : i32
        %dma_start3A_219 = tpu.memref_slice %arg6[%add3A_212, %dma_start3A_218] : memref<40x128xi32, #tpu.memory_space<vmem>> -> memref<1x128xi32, #tpu.memory_space<vmem>>
        %dma_start3A_220 = tpu.memref_squeeze %dma_start3A_219 : memref<1x128xi32, #tpu.memory_space<vmem>> -> memref<128xi32, #tpu.memory_space<vmem>>
        %dma_start3A_221 = arith.constant 0 : i32
        %dma_start3A_222 = arith.constant 0 : i32
        %dma_start3A_223 = tpu.memref_slice %arg2[%dma_start3A_221, %dma_start3A_222] : memref<10240x128xf32, #tpu.memory_space<hbm>> -> memref<10240x128xf32, #tpu.memory_space<hbm>>
        tpu.enqueue_indirect_dma source(%dma_start3A_223 : memref<10240x128xf32, #tpu.memory_space<hbm>>) target(%dma_start3A_217 : memref<128x128xf32, #tpu.memory_space<vmem>>) offsets(%dma_start3A_220 : memref<128xi32, #tpu.memory_space<vmem>>) semaphore(%arg10 : memref<!tpu.dma_semaphore, #tpu.memory_space<semaphore_mem>>)
        %mul3A_224 = arith.constant 2 : i32
        %mul3A_225 = arith.muli %mul3A_224, %scan3A_194 : i32
        %add3A_226 = arith.constant 1 : i32
        %add3A_227 = arith.addi %mul3A_225, %add3A_226 : i32
        %dma_wait3A_228 = arith.constant 1 : i32
        %dma_wait3A_229 = arith.constant 0 : i32
        %dma_wait3A_230 = arith.constant 0 : i32
        %dma_wait3A_231 = tpu.memref_slice %arg8[%dma_wait3A_228, %dma_wait3A_229, %dma_wait3A_230] : memref<2x128x128xf32, #tpu.memory_space<vmem>> -> memref<1x128x128xf32, #tpu.memory_space<vmem>>
        %dma_wait3A_232 = tpu.memref_squeeze %dma_wait3A_231 : memref<1x128x128xf32, #tpu.memory_space<vmem>> -> memref<128x128xf32, #tpu.memory_space<vmem>>
        %dma_wait3A_233 = arith.constant 0 : i32
        %dma_wait3A_234 = tpu.memref_slice %arg6[%add3A_227, %dma_wait3A_233] : memref<40x128xi32, #tpu.memory_space<vmem>> -> memref<1x128xi32, #tpu.memory_space<vmem>>
        %dma_wait3A_235 = tpu.memref_squeeze %dma_wait3A_234 : memref<1x128xi32, #tpu.memory_space<vmem>> -> memref<128xi32, #tpu.memory_space<vmem>>
        %dma_wait3A_236 = arith.constant 0 : i32
        %dma_wait3A_237 = arith.constant 0 : i32
        %dma_wait3A_238 = tpu.memref_slice %arg2[%dma_wait3A_236, %dma_wait3A_237] : memref<10240x128xf32, #tpu.memory_space<hbm>> -> memref<10240x128xf32, #tpu.memory_space<hbm>>
        tpu.wait_indirect_dma semaphore(%arg11 : memref<!tpu.dma_semaphore, #tpu.memory_space<semaphore_mem>>) src(%dma_wait3A_238 : memref<10240x128xf32, #tpu.memory_space<hbm>>) dst(%dma_wait3A_232 : memref<128x128xf32, #tpu.memory_space<vmem>>)
        %run_scoped3A_239 = arith.constant 1 : i32
        "tpu.region"() ({
          %run_scoped3A_253 = tpu.sem_alloc : memref<!tpu.dma_semaphore, #tpu.memory_space<semaphore_mem>>
          %dma_start3A_254 = arith.constant 0 : i32
          %dma_start3A_255 = arith.constant 0 : i32
          %dma_start3A_256 = tpu.memref_slice %arg8[%run_scoped3A_239, %dma_start3A_254, %dma_start3A_255] : memref<2x128x128xf32, #tpu.memory_space<vmem>> -> memref<1x128x128xf32, #tpu.memory_space<vmem>>
          %dma_start3A_257 = tpu.memref_squeeze %dma_start3A_256 : memref<1x128x128xf32, #tpu.memory_space<vmem>> -> memref<128x128xf32, #tpu.memory_space<vmem>>
          %dma_start3A_258 = arith.constant 0 : i32
          %dma_start3A_259 = tpu.memref_slice %arg7[%add3A_227, %dma_start3A_258] : memref<40x128xi32, #tpu.memory_space<vmem>> -> memref<1x128xi32, #tpu.memory_space<vmem>>
          %dma_start3A_260 = tpu.memref_squeeze %dma_start3A_259 : memref<1x128xi32, #tpu.memory_space<vmem>> -> memref<128xi32, #tpu.memory_space<vmem>>
          %dma_start3A_261 = arith.constant 0 : i32
          %dma_start3A_262 = arith.constant 0 : i32
          %dma_start3A_263 = tpu.memref_slice %arg9[%dma_start3A_261, %dma_start3A_262] : memref<10240x128xf32, #tpu.memory_space<vmem_shared>> -> memref<10240x128xf32, #tpu.memory_space<vmem_shared>>
          tpu.enqueue_indirect_dma source(%dma_start3A_257 : memref<128x128xf32, #tpu.memory_space<vmem>>) target(%dma_start3A_263 : memref<10240x128xf32, #tpu.memory_space<vmem_shared>>) offsets(%dma_start3A_260 : memref<128xi32, #tpu.memory_space<vmem>>) semaphore(%run_scoped3A_253 : memref<!tpu.dma_semaphore, #tpu.memory_space<semaphore_mem>>) {add = true}
          %dma_wait3A_264 = arith.constant 0 : i32
          %dma_wait3A_265 = arith.constant 0 : i32
          %dma_wait3A_266 = tpu.memref_slice %arg8[%run_scoped3A_239, %dma_wait3A_264, %dma_wait3A_265] : memref<2x128x128xf32, #tpu.memory_space<vmem>> -> memref<1x128x128xf32, #tpu.memory_space<vmem>>
          %dma_wait3A_267 = tpu.memref_squeeze %dma_wait3A_266 : memref<1x128x128xf32, #tpu.memory_space<vmem>> -> memref<128x128xf32, #tpu.memory_space<vmem>>
          %dma_wait3A_268 = arith.constant 0 : i32
          %dma_wait3A_269 = tpu.memref_slice %arg7[%add3A_227, %dma_wait3A_268] : memref<40x128xi32, #tpu.memory_space<vmem>> -> memref<1x128xi32, #tpu.memory_space<vmem>>
          %dma_wait3A_270 = tpu.memref_squeeze %dma_wait3A_269 : memref<1x128xi32, #tpu.memory_space<vmem>> -> memref<128xi32, #tpu.memory_space<vmem>>
          %dma_wait3A_271 = arith.constant 0 : i32
          %dma_wait3A_272 = arith.constant 0 : i32
          %dma_wait3A_273 = tpu.memref_slice %arg9[%dma_wait3A_271, %dma_wait3A_272] : memref<10240x128xf32, #tpu.memory_space<vmem_shared>> -> memref<10240x128xf32, #tpu.memory_space<vmem_shared>>
          tpu.wait_indirect_dma semaphore(%run_scoped3A_253 : memref<!tpu.dma_semaphore, #tpu.memory_space<semaphore_mem>>) src(%dma_wait3A_267 : memref<128x128xf32, #tpu.memory_space<vmem>>) dst(%dma_wait3A_273 : memref<10240x128xf32, #tpu.memory_space<vmem_shared>>)
          tpu.yield
        }) : () -> ()
        %add3A_240 = arith.constant 2 : i32
        %add3A_241 = arith.addi %add3A_227, %add3A_240 : i32
        %dma_start3A_242 = arith.constant 1 : i32
        %dma_start3A_243 = arith.constant 0 : i32
        %dma_start3A_244 = arith.constant 0 : i32
        %dma_start3A_245 = tpu.memref_slice %arg8[%dma_start3A_242, %dma_start3A_243, %dma_start3A_244] : memref<2x128x128xf32, #tpu.memory_space<vmem>> -> memref<1x128x128xf32, #tpu.memory_space<vmem>>
        %dma_start3A_246 = tpu.memref_squeeze %dma_start3A_245 : memref<1x128x128xf32, #tpu.memory_space<vmem>> -> memref<128x128xf32, #tpu.memory_space<vmem>>
        %dma_start3A_247 = arith.constant 0 : i32
        %dma_start3A_248 = tpu.memref_slice %arg6[%add3A_241, %dma_start3A_247] : memref<40x128xi32, #tpu.memory_space<vmem>> -> memref<1x128xi32, #tpu.memory_space<vmem>>
        %dma_start3A_249 = tpu.memref_squeeze %dma_start3A_248 : memref<1x128xi32, #tpu.memory_space<vmem>> -> memref<128xi32, #tpu.memory_space<vmem>>
        %dma_start3A_250 = arith.constant 0 : i32
        %dma_start3A_251 = arith.constant 0 : i32
        %dma_start3A_252 = tpu.memref_slice %arg2[%dma_start3A_250, %dma_start3A_251] : memref<10240x128xf32, #tpu.memory_space<hbm>> -> memref<10240x128xf32, #tpu.memory_space<hbm>>
        tpu.enqueue_indirect_dma source(%dma_start3A_252 : memref<10240x128xf32, #tpu.memory_space<hbm>>) target(%dma_start3A_246 : memref<128x128xf32, #tpu.memory_space<vmem>>) offsets(%dma_start3A_249 : memref<128xi32, #tpu.memory_space<vmem>>) semaphore(%arg11 : memref<!tpu.dma_semaphore, #tpu.memory_space<semaphore_mem>>)
      }
      %scan3A_50 = arith.constant 9 : i32
      %dma_wait3A = arith.constant 18 : i32
      %dma_wait3A_51 = arith.constant 0 : i32
      %dma_wait3A_52 = arith.constant 0 : i32
      %dma_wait3A_53 = arith.constant 0 : i32
      %dma_wait3A_54 = tpu.memref_slice %arg8[%dma_wait3A_51, %dma_wait3A_52, %dma_wait3A_53] : memref<2x128x128xf32, #tpu.memory_space<vmem>> -> memref<1x128x128xf32, #tpu.memory_space<vmem>>
      %dma_wait3A_55 = tpu.memref_squeeze %dma_wait3A_54 : memref<1x128x128xf32, #tpu.memory_space<vmem>> -> memref<128x128xf32, #tpu.memory_space<vmem>>
      %dma_wait3A_56 = arith.constant 0 : i32
      %dma_wait3A_57 = tpu.memref_slice %arg6[%dma_wait3A, %dma_wait3A_56] : memref<40x128xi32, #tpu.memory_space<vmem>> -> memref<1x128xi32, #tpu.memory_space<vmem>>
      %dma_wait3A_58 = tpu.memref_squeeze %dma_wait3A_57 : memref<1x128xi32, #tpu.memory_space<vmem>> -> memref<128xi32, #tpu.memory_space<vmem>>
      %dma_wait3A_59 = arith.constant 0 : i32
      %dma_wait3A_60 = arith.constant 0 : i32
      %dma_wait3A_61 = tpu.memref_slice %arg2[%dma_wait3A_59, %dma_wait3A_60] : memref<10240x128xf32, #tpu.memory_space<hbm>> -> memref<10240x128xf32, #tpu.memory_space<hbm>>
      tpu.wait_indirect_dma semaphore(%arg10 : memref<!tpu.dma_semaphore, #tpu.memory_space<semaphore_mem>>) src(%dma_wait3A_61 : memref<10240x128xf32, #tpu.memory_space<hbm>>) dst(%dma_wait3A_55 : memref<128x128xf32, #tpu.memory_space<vmem>>)
      %run_scoped3A_62 = arith.constant 0 : i32
      %run_scoped3A_63 = arith.constant 18 : i32
      "tpu.region"() ({
        %run_scoped3A_194 = tpu.sem_alloc : memref<!tpu.dma_semaphore, #tpu.memory_space<semaphore_mem>>
        %dma_start3A_195 = arith.constant 0 : i32
        %dma_start3A_196 = arith.constant 0 : i32
        %dma_start3A_197 = tpu.memref_slice %arg8[%run_scoped3A_62, %dma_start3A_195, %dma_start3A_196] : memref<2x128x128xf32, #tpu.memory_space<vmem>> -> memref<1x128x128xf32, #tpu.memory_space<vmem>>
        %dma_start3A_198 = tpu.memref_squeeze %dma_start3A_197 : memref<1x128x128xf32, #tpu.memory_space<vmem>> -> memref<128x128xf32, #tpu.memory_space<vmem>>
        %dma_start3A_199 = arith.constant 0 : i32
        %dma_start3A_200 = tpu.memref_slice %arg7[%run_scoped3A_63, %dma_start3A_199] : memref<40x128xi32, #tpu.memory_space<vmem>> -> memref<1x128xi32, #tpu.memory_space<vmem>>
        %dma_start3A_201 = tpu.memref_squeeze %dma_start3A_200 : memref<1x128xi32, #tpu.memory_space<vmem>> -> memref<128xi32, #tpu.memory_space<vmem>>
        %dma_start3A_202 = arith.constant 0 : i32
        %dma_start3A_203 = arith.constant 0 : i32
        %dma_start3A_204 = tpu.memref_slice %arg9[%dma_start3A_202, %dma_start3A_203] : memref<10240x128xf32, #tpu.memory_space<vmem_shared>> -> memref<10240x128xf32, #tpu.memory_space<vmem_shared>>
        tpu.enqueue_indirect_dma source(%dma_start3A_198 : memref<128x128xf32, #tpu.memory_space<vmem>>) target(%dma_start3A_204 : memref<10240x128xf32, #tpu.memory_space<vmem_shared>>) offsets(%dma_start3A_201 : memref<128xi32, #tpu.memory_space<vmem>>) semaphore(%run_scoped3A_194 : memref<!tpu.dma_semaphore, #tpu.memory_space<semaphore_mem>>) {add = true}
        %dma_wait3A_205 = arith.constant 0 : i32
        %dma_wait3A_206 = arith.constant 0 : i32
        %dma_wait3A_207 = tpu.memref_slice %arg8[%run_scoped3A_62, %dma_wait3A_205, %dma_wait3A_206] : memref<2x128x128xf32, #tpu.memory_space<vmem>> -> memref<1x128x128xf32, #tpu.memory_space<vmem>>
        %dma_wait3A_208 = tpu.memref_squeeze %dma_wait3A_207 : memref<1x128x128xf32, #tpu.memory_space<vmem>> -> memref<128x128xf32, #tpu.memory_space<vmem>>
        %dma_wait3A_209 = arith.constant 0 : i32
        %dma_wait3A_210 = tpu.memref_slice %arg7[%run_scoped3A_63, %dma_wait3A_209] : memref<40x128xi32, #tpu.memory_space<vmem>> -> memref<1x128xi32, #tpu.memory_space<vmem>>
        %dma_wait3A_211 = tpu.memref_squeeze %dma_wait3A_210 : memref<1x128xi32, #tpu.memory_space<vmem>> -> memref<128xi32, #tpu.memory_space<vmem>>
        %dma_wait3A_212 = arith.constant 0 : i32
        %dma_wait3A_213 = arith.constant 0 : i32
        %dma_wait3A_214 = tpu.memref_slice %arg9[%dma_wait3A_212, %dma_wait3A_213] : memref<10240x128xf32, #tpu.memory_space<vmem_shared>> -> memref<10240x128xf32, #tpu.memory_space<vmem_shared>>
        tpu.wait_indirect_dma semaphore(%run_scoped3A_194 : memref<!tpu.dma_semaphore, #tpu.memory_space<semaphore_mem>>) src(%dma_wait3A_208 : memref<128x128xf32, #tpu.memory_space<vmem>>) dst(%dma_wait3A_214 : memref<10240x128xf32, #tpu.memory_space<vmem_shared>>)
        tpu.yield
      }) : () -> ()
      %dma_wait3A_64 = arith.constant 19 : i32
      %dma_wait3A_65 = arith.constant 1 : i32
      %dma_wait3A_66 = arith.constant 0 : i32
      %dma_wait3A_67 = arith.constant 0 : i32
      %dma_wait3A_68 = tpu.memref_slice %arg8[%dma_wait3A_65, %dma_wait3A_66, %dma_wait3A_67] : memref<2x128x128xf32, #tpu.memory_space<vmem>> -> memref<1x128x128xf32, #tpu.memory_space<vmem>>
      %dma_wait3A_69 = tpu.memref_squeeze %dma_wait3A_68 : memref<1x128x128xf32, #tpu.memory_space<vmem>> -> memref<128x128xf32, #tpu.memory_space<vmem>>
      %dma_wait3A_70 = arith.constant 0 : i32
      %dma_wait3A_71 = tpu.memref_slice %arg6[%dma_wait3A_64, %dma_wait3A_70] : memref<40x128xi32, #tpu.memory_space<vmem>> -> memref<1x128xi32, #tpu.memory_space<vmem>>
      %dma_wait3A_72 = tpu.memref_squeeze %dma_wait3A_71 : memref<1x128xi32, #tpu.memory_space<vmem>> -> memref<128xi32, #tpu.memory_space<vmem>>
      %dma_wait3A_73 = arith.constant 0 : i32
      %dma_wait3A_74 = arith.constant 0 : i32
      %dma_wait3A_75 = tpu.memref_slice %arg2[%dma_wait3A_73, %dma_wait3A_74] : memref<10240x128xf32, #tpu.memory_space<hbm>> -> memref<10240x128xf32, #tpu.memory_space<hbm>>
      tpu.wait_indirect_dma semaphore(%arg11 : memref<!tpu.dma_semaphore, #tpu.memory_space<semaphore_mem>>) src(%dma_wait3A_75 : memref<10240x128xf32, #tpu.memory_space<hbm>>) dst(%dma_wait3A_69 : memref<128x128xf32, #tpu.memory_space<vmem>>)
      %run_scoped3A_76 = arith.constant 1 : i32
      %run_scoped3A_77 = arith.constant 19 : i32
      "tpu.region"() ({
        %run_scoped3A_194 = tpu.sem_alloc : memref<!tpu.dma_semaphore, #tpu.memory_space<semaphore_mem>>
        %dma_start3A_195 = arith.constant 0 : i32
        %dma_start3A_196 = arith.constant 0 : i32
        %dma_start3A_197 = tpu.memref_slice %arg8[%run_scoped3A_76, %dma_start3A_195, %dma_start3A_196] : memref<2x128x128xf32, #tpu.memory_space<vmem>> -> memref<1x128x128xf32, #tpu.memory_space<vmem>>
        %dma_start3A_198 = tpu.memref_squeeze %dma_start3A_197 : memref<1x128x128xf32, #tpu.memory_space<vmem>> -> memref<128x128xf32, #tpu.memory_space<vmem>>
        %dma_start3A_199 = arith.constant 0 : i32
        %dma_start3A_200 = tpu.memref_slice %arg7[%run_scoped3A_77, %dma_start3A_199] : memref<40x128xi32, #tpu.memory_space<vmem>> -> memref<1x128xi32, #tpu.memory_space<vmem>>
        %dma_start3A_201 = tpu.memref_squeeze %dma_start3A_200 : memref<1x128xi32, #tpu.memory_space<vmem>> -> memref<128xi32, #tpu.memory_space<vmem>>
        %dma_start3A_202 = arith.constant 0 : i32
        %dma_start3A_203 = arith.constant 0 : i32
        %dma_start3A_204 = tpu.memref_slice %arg9[%dma_start3A_202, %dma_start3A_203] : memref<10240x128xf32, #tpu.memory_space<vmem_shared>> -> memref<10240x128xf32, #tpu.memory_space<vmem_shared>>
        tpu.enqueue_indirect_dma source(%dma_start3A_198 : memref<128x128xf32, #tpu.memory_space<vmem>>) target(%dma_start3A_204 : memref<10240x128xf32, #tpu.memory_space<vmem_shared>>) offsets(%dma_start3A_201 : memref<128xi32, #tpu.memory_space<vmem>>) semaphore(%run_scoped3A_194 : memref<!tpu.dma_semaphore, #tpu.memory_space<semaphore_mem>>) {add = true}
        %dma_wait3A_205 = arith.constant 0 : i32
        %dma_wait3A_206 = arith.constant 0 : i32
        %dma_wait3A_207 = tpu.memref_slice %arg8[%run_scoped3A_76, %dma_wait3A_205, %dma_wait3A_206] : memref<2x128x128xf32, #tpu.memory_space<vmem>> -> memref<1x128x128xf32, #tpu.memory_space<vmem>>
        %dma_wait3A_208 = tpu.memref_squeeze %dma_wait3A_207 : memref<1x128x128xf32, #tpu.memory_space<vmem>> -> memref<128x128xf32, #tpu.memory_space<vmem>>
        %dma_wait3A_209 = arith.constant 0 : i32
        %dma_wait3A_210 = tpu.memref_slice %arg7[%run_scoped3A_77, %dma_wait3A_209] : memref<40x128xi32, #tpu.memory_space<vmem>> -> memref<1x128xi32, #tpu.memory_space<vmem>>
        %dma_wait3A_211 = tpu.memref_squeeze %dma_wait3A_210 : memref<1x128xi32, #tpu.memory_space<vmem>> -> memref<128xi32, #tpu.memory_space<vmem>>
        %dma_wait3A_212 = arith.constant 0 : i32
        %dma_wait3A_213 = arith.constant 0 : i32
        %dma_wait3A_214 = tpu.memref_slice %arg9[%dma_wait3A_212, %dma_wait3A_213] : memref<10240x128xf32, #tpu.memory_space<vmem_shared>> -> memref<10240x128xf32, #tpu.memory_space<vmem_shared>>
        tpu.wait_indirect_dma semaphore(%run_scoped3A_194 : memref<!tpu.dma_semaphore, #tpu.memory_space<semaphore_mem>>) src(%dma_wait3A_208 : memref<128x128xf32, #tpu.memory_space<vmem>>) dst(%dma_wait3A_214 : memref<10240x128xf32, #tpu.memory_space<vmem_shared>>)
        tpu.yield
      }) : () -> ()
      "tpu.region"() ({
        %run_scoped3A_194 = tpu.sem_alloc : memref<!tpu.dma_semaphore, #tpu.memory_space<semaphore_mem>>
        %dma_start3A_195 = arith.constant 0 : i32
        %dma_start3A_196 = arith.constant 0 : i32
        %dma_start3A_197 = tpu.memref_slice %arg6[%dma_start3A_195, %dma_start3A_196] : memref<40x128xi32, #tpu.memory_space<vmem>> -> memref<40x128xi32, #tpu.memory_space<vmem>>
        %dma_start3A_198 = arith.constant 0 : i32
        %dma_start3A_199 = arith.constant 0 : i32
        %dma_start3A_200 = tpu.memref_slice %arg4[%dma_start3A_198, %dma_start3A_199] : memref<60x128xi32, #tpu.memory_space<hbm>> -> memref<40x128xi32, #tpu.memory_space<hbm>>
        %dma_start3A_201 = arith.constant 0 : i32
        %dma_start3A_202 = arith.constant 0 : i32
        %dma_start3A_203 = tpu.memref_slice %arg6[%dma_start3A_201, %dma_start3A_202] : memref<40x128xi32, #tpu.memory_space<vmem>> -> memref<40x128xi32, #tpu.memory_space<vmem>>
        %dma_start3A_204 = arith.constant 0 : i32
        %dma_start3A_205 = arith.constant 0 : i32
        %dma_start3A_206 = tpu.memref_slice %arg4[%dma_start3A_204, %dma_start3A_205] : memref<60x128xi32, #tpu.memory_space<hbm>> -> memref<40x128xi32, #tpu.memory_space<hbm>>
        tpu.enqueue_dma source(%dma_start3A_206 : memref<40x128xi32, #tpu.memory_space<hbm>>) target(%dma_start3A_203 : memref<40x128xi32, #tpu.memory_space<vmem>>) target_semaphore(%run_scoped3A_194 : memref<!tpu.dma_semaphore, #tpu.memory_space<semaphore_mem>>)
        %dma_wait3A_207 = arith.constant 0 : i32
        %dma_wait3A_208 = arith.constant 0 : i32
        %dma_wait3A_209 = tpu.memref_slice %arg6[%dma_wait3A_207, %dma_wait3A_208] : memref<40x128xi32, #tpu.memory_space<vmem>> -> memref<40x128xi32, #tpu.memory_space<vmem>>
        %dma_wait3A_210 = arith.constant 0 : i32
        %dma_wait3A_211 = arith.constant 0 : i32
        %dma_wait3A_212 = tpu.memref_slice %arg4[%dma_wait3A_210, %dma_wait3A_211] : memref<60x128xi32, #tpu.memory_space<hbm>> -> memref<40x128xi32, #tpu.memory_space<hbm>>
        %dma_wait3A_213 = arith.constant 0 : i32
        %dma_wait3A_214 = arith.constant 0 : i32
        %dma_wait3A_215 = tpu.memref_slice %arg6[%dma_wait3A_213, %dma_wait3A_214] : memref<40x128xi32, #tpu.memory_space<vmem>> -> memref<40x128xi32, #tpu.memory_space<vmem>>
        %dma_wait3A_216 = arith.constant 0 : i32
        %dma_wait3A_217 = arith.constant 0 : i32
        %dma_wait3A_218 = tpu.memref_slice %arg4[%dma_wait3A_216, %dma_wait3A_217] : memref<60x128xi32, #tpu.memory_space<hbm>> -> memref<40x128xi32, #tpu.memory_space<hbm>>
        tpu.wait_dma2 semaphore(%run_scoped3A_194 : memref<!tpu.dma_semaphore, #tpu.memory_space<semaphore_mem>>) src(%dma_wait3A_218 : memref<40x128xi32, #tpu.memory_space<hbm>>) dst(%dma_wait3A_215 : memref<40x128xi32, #tpu.memory_space<vmem>>)
        tpu.yield
      }) : () -> ()
      "tpu.region"() ({
        %run_scoped3A_194 = tpu.sem_alloc : memref<!tpu.dma_semaphore, #tpu.memory_space<semaphore_mem>>
        %dma_start3A_195 = arith.constant 0 : i32
        %dma_start3A_196 = arith.constant 0 : i32
        %dma_start3A_197 = tpu.memref_slice %arg7[%dma_start3A_195, %dma_start3A_196] : memref<40x128xi32, #tpu.memory_space<vmem>> -> memref<40x128xi32, #tpu.memory_space<vmem>>
        %dma_start3A_198 = arith.constant 0 : i32
        %dma_start3A_199 = arith.constant 0 : i32
        %dma_start3A_200 = tpu.memref_slice %arg4[%dma_start3A_198, %dma_start3A_199] : memref<60x128xi32, #tpu.memory_space<hbm>> -> memref<40x128xi32, #tpu.memory_space<hbm>>
        %dma_start3A_201 = arith.constant 0 : i32
        %dma_start3A_202 = arith.constant 0 : i32
        %dma_start3A_203 = tpu.memref_slice %arg7[%dma_start3A_201, %dma_start3A_202] : memref<40x128xi32, #tpu.memory_space<vmem>> -> memref<40x128xi32, #tpu.memory_space<vmem>>
        %dma_start3A_204 = arith.constant 0 : i32
        %dma_start3A_205 = arith.constant 0 : i32
        %dma_start3A_206 = tpu.memref_slice %arg4[%dma_start3A_204, %dma_start3A_205] : memref<60x128xi32, #tpu.memory_space<hbm>> -> memref<40x128xi32, #tpu.memory_space<hbm>>
        tpu.enqueue_dma source(%dma_start3A_206 : memref<40x128xi32, #tpu.memory_space<hbm>>) target(%dma_start3A_203 : memref<40x128xi32, #tpu.memory_space<vmem>>) target_semaphore(%run_scoped3A_194 : memref<!tpu.dma_semaphore, #tpu.memory_space<semaphore_mem>>)
        %dma_wait3A_207 = arith.constant 0 : i32
        %dma_wait3A_208 = arith.constant 0 : i32
        %dma_wait3A_209 = tpu.memref_slice %arg7[%dma_wait3A_207, %dma_wait3A_208] : memref<40x128xi32, #tpu.memory_space<vmem>> -> memref<40x128xi32, #tpu.memory_space<vmem>>
        %dma_wait3A_210 = arith.constant 0 : i32
        %dma_wait3A_211 = arith.constant 0 : i32
        %dma_wait3A_212 = tpu.memref_slice %arg4[%dma_wait3A_210, %dma_wait3A_211] : memref<60x128xi32, #tpu.memory_space<hbm>> -> memref<40x128xi32, #tpu.memory_space<hbm>>
        %dma_wait3A_213 = arith.constant 0 : i32
        %dma_wait3A_214 = arith.constant 0 : i32
        %dma_wait3A_215 = tpu.memref_slice %arg7[%dma_wait3A_213, %dma_wait3A_214] : memref<40x128xi32, #tpu.memory_space<vmem>> -> memref<40x128xi32, #tpu.memory_space<vmem>>
        %dma_wait3A_216 = arith.constant 0 : i32
        %dma_wait3A_217 = arith.constant 0 : i32
        %dma_wait3A_218 = tpu.memref_slice %arg4[%dma_wait3A_216, %dma_wait3A_217] : memref<60x128xi32, #tpu.memory_space<hbm>> -> memref<40x128xi32, #tpu.memory_space<hbm>>
        tpu.wait_dma2 semaphore(%run_scoped3A_194 : memref<!tpu.dma_semaphore, #tpu.memory_space<semaphore_mem>>) src(%dma_wait3A_218 : memref<40x128xi32, #tpu.memory_space<hbm>>) dst(%dma_wait3A_215 : memref<40x128xi32, #tpu.memory_space<vmem>>)
        tpu.yield
      }) : () -> ()
      %dma_start3A_78 = arith.constant 0 : i32
      %dma_start3A_79 = arith.constant 0 : i32
      %dma_start3A_80 = arith.constant 0 : i32
      %dma_start3A_81 = arith.constant 0 : i32
      %dma_start3A_82 = tpu.memref_slice %arg8[%dma_start3A_79, %dma_start3A_80, %dma_start3A_81] : memref<2x128x128xf32, #tpu.memory_space<vmem>> -> memref<1x128x128xf32, #tpu.memory_space<vmem>>
      %dma_start3A_83 = tpu.memref_squeeze %dma_start3A_82 : memref<1x128x128xf32, #tpu.memory_space<vmem>> -> memref<128x128xf32, #tpu.memory_space<vmem>>
      %dma_start3A_84 = arith.constant 0 : i32
      %dma_start3A_85 = tpu.memref_slice %arg6[%dma_start3A_78, %dma_start3A_84] : memref<40x128xi32, #tpu.memory_space<vmem>> -> memref<1x128xi32, #tpu.memory_space<vmem>>
      %dma_start3A_86 = tpu.memref_squeeze %dma_start3A_85 : memref<1x128xi32, #tpu.memory_space<vmem>> -> memref<128xi32, #tpu.memory_space<vmem>>
      %dma_start3A_87 = arith.constant 0 : i32
      %dma_start3A_88 = arith.constant 0 : i32
      %dma_start3A_89 = tpu.memref_slice %arg2[%dma_start3A_87, %dma_start3A_88] : memref<10240x128xf32, #tpu.memory_space<hbm>> -> memref<10240x128xf32, #tpu.memory_space<hbm>>
      tpu.enqueue_indirect_dma source(%dma_start3A_89 : memref<10240x128xf32, #tpu.memory_space<hbm>>) target(%dma_start3A_83 : memref<128x128xf32, #tpu.memory_space<vmem>>) offsets(%dma_start3A_86 : memref<128xi32, #tpu.memory_space<vmem>>) semaphore(%arg10 : memref<!tpu.dma_semaphore, #tpu.memory_space<semaphore_mem>>)
      %dma_start3A_90 = arith.constant 1 : i32
      %dma_start3A_91 = arith.constant 1 : i32
      %dma_start3A_92 = arith.constant 0 : i32
      %dma_start3A_93 = arith.constant 0 : i32
      %dma_start3A_94 = tpu.memref_slice %arg8[%dma_start3A_91, %dma_start3A_92, %dma_start3A_93] : memref<2x128x128xf32, #tpu.memory_space<vmem>> -> memref<1x128x128xf32, #tpu.memory_space<vmem>>
      %dma_start3A_95 = tpu.memref_squeeze %dma_start3A_94 : memref<1x128x128xf32, #tpu.memory_space<vmem>> -> memref<128x128xf32, #tpu.memory_space<vmem>>
      %dma_start3A_96 = arith.constant 0 : i32
      %dma_start3A_97 = tpu.memref_slice %arg6[%dma_start3A_90, %dma_start3A_96] : memref<40x128xi32, #tpu.memory_space<vmem>> -> memref<1x128xi32, #tpu.memory_space<vmem>>
      %dma_start3A_98 = tpu.memref_squeeze %dma_start3A_97 : memref<1x128xi32, #tpu.memory_space<vmem>> -> memref<128xi32, #tpu.memory_space<vmem>>
      %dma_start3A_99 = arith.constant 0 : i32
      %dma_start3A_100 = arith.constant 0 : i32
      %dma_start3A_101 = tpu.memref_slice %arg2[%dma_start3A_99, %dma_start3A_100] : memref<10240x128xf32, #tpu.memory_space<hbm>> -> memref<10240x128xf32, #tpu.memory_space<hbm>>
      tpu.enqueue_indirect_dma source(%dma_start3A_101 : memref<10240x128xf32, #tpu.memory_space<hbm>>) target(%dma_start3A_95 : memref<128x128xf32, #tpu.memory_space<vmem>>) offsets(%dma_start3A_98 : memref<128xi32, #tpu.memory_space<vmem>>) semaphore(%arg11 : memref<!tpu.dma_semaphore, #tpu.memory_space<semaphore_mem>>)
      %scan3A_102 = arith.constant 0 : i32
      %scan3A_103 = arith.constant 0 : i32
      %scan3A_104 = arith.constant 19 : i32
      %scan3A_105 = arith.addi %scan3A_103, %scan3A_104 : i32
      %scan3A_106 = arith.constant 1 : i32
      scf.for %scan3A_194 = %scan3A_103 to %scan3A_105 step %scan3A_106  : i32 {
        %mul3A_195 = arith.constant 2 : i32
        %mul3A_196 = arith.muli %mul3A_195, %scan3A_194 : i32
        %add3A_197 = arith.constant 0 : i32
        %add3A_198 = arith.addi %mul3A_196, %add3A_197 : i32
        %dma_wait3A_199 = arith.constant 0 : i32
        %dma_wait3A_200 = arith.constant 0 : i32
        %dma_wait3A_201 = arith.constant 0 : i32
        %dma_wait3A_202 = tpu.memref_slice %arg8[%dma_wait3A_199, %dma_wait3A_200, %dma_wait3A_201] : memref<2x128x128xf32, #tpu.memory_space<vmem>> -> memref<1x128x128xf32, #tpu.memory_space<vmem>>
        %dma_wait3A_203 = tpu.memref_squeeze %dma_wait3A_202 : memref<1x128x128xf32, #tpu.memory_space<vmem>> -> memref<128x128xf32, #tpu.memory_space<vmem>>
        %dma_wait3A_204 = arith.constant 0 : i32
        %dma_wait3A_205 = tpu.memref_slice %arg6[%add3A_198, %dma_wait3A_204] : memref<40x128xi32, #tpu.memory_space<vmem>> -> memref<1x128xi32, #tpu.memory_space<vmem>>
        %dma_wait3A_206 = tpu.memref_squeeze %dma_wait3A_205 : memref<1x128xi32, #tpu.memory_space<vmem>> -> memref<128xi32, #tpu.memory_space<vmem>>
        %dma_wait3A_207 = arith.constant 0 : i32
        %dma_wait3A_208 = arith.constant 0 : i32
        %dma_wait3A_209 = tpu.memref_slice %arg2[%dma_wait3A_207, %dma_wait3A_208] : memref<10240x128xf32, #tpu.memory_space<hbm>> -> memref<10240x128xf32, #tpu.memory_space<hbm>>
        tpu.wait_indirect_dma semaphore(%arg10 : memref<!tpu.dma_semaphore, #tpu.memory_space<semaphore_mem>>) src(%dma_wait3A_209 : memref<10240x128xf32, #tpu.memory_space<hbm>>) dst(%dma_wait3A_203 : memref<128x128xf32, #tpu.memory_space<vmem>>)
        %run_scoped3A_210 = arith.constant 0 : i32
        "tpu.region"() ({
          %run_scoped3A_253 = tpu.sem_alloc : memref<!tpu.dma_semaphore, #tpu.memory_space<semaphore_mem>>
          %dma_start3A_254 = arith.constant 0 : i32
          %dma_start3A_255 = arith.constant 0 : i32
          %dma_start3A_256 = tpu.memref_slice %arg8[%run_scoped3A_210, %dma_start3A_254, %dma_start3A_255] : memref<2x128x128xf32, #tpu.memory_space<vmem>> -> memref<1x128x128xf32, #tpu.memory_space<vmem>>
          %dma_start3A_257 = tpu.memref_squeeze %dma_start3A_256 : memref<1x128x128xf32, #tpu.memory_space<vmem>> -> memref<128x128xf32, #tpu.memory_space<vmem>>
          %dma_start3A_258 = arith.constant 0 : i32
          %dma_start3A_259 = tpu.memref_slice %arg7[%add3A_198, %dma_start3A_258] : memref<40x128xi32, #tpu.memory_space<vmem>> -> memref<1x128xi32, #tpu.memory_space<vmem>>
          %dma_start3A_260 = tpu.memref_squeeze %dma_start3A_259 : memref<1x128xi32, #tpu.memory_space<vmem>> -> memref<128xi32, #tpu.memory_space<vmem>>
          %dma_start3A_261 = arith.constant 0 : i32
          %dma_start3A_262 = arith.constant 0 : i32
          %dma_start3A_263 = tpu.memref_slice %arg9[%dma_start3A_261, %dma_start3A_262] : memref<10240x128xf32, #tpu.memory_space<vmem_shared>> -> memref<10240x128xf32, #tpu.memory_space<vmem_shared>>
          tpu.enqueue_indirect_dma source(%dma_start3A_257 : memref<128x128xf32, #tpu.memory_space<vmem>>) target(%dma_start3A_263 : memref<10240x128xf32, #tpu.memory_space<vmem_shared>>) offsets(%dma_start3A_260 : memref<128xi32, #tpu.memory_space<vmem>>) semaphore(%run_scoped3A_253 : memref<!tpu.dma_semaphore, #tpu.memory_space<semaphore_mem>>) {add = true}
          %dma_wait3A_264 = arith.constant 0 : i32
          %dma_wait3A_265 = arith.constant 0 : i32
          %dma_wait3A_266 = tpu.memref_slice %arg8[%run_scoped3A_210, %dma_wait3A_264, %dma_wait3A_265] : memref<2x128x128xf32, #tpu.memory_space<vmem>> -> memref<1x128x128xf32, #tpu.memory_space<vmem>>
          %dma_wait3A_267 = tpu.memref_squeeze %dma_wait3A_266 : memref<1x128x128xf32, #tpu.memory_space<vmem>> -> memref<128x128xf32, #tpu.memory_space<vmem>>
          %dma_wait3A_268 = arith.constant 0 : i32
          %dma_wait3A_269 = tpu.memref_slice %arg7[%add3A_198, %dma_wait3A_268] : memref<40x128xi32, #tpu.memory_space<vmem>> -> memref<1x128xi32, #tpu.memory_space<vmem>>
          %dma_wait3A_270 = tpu.memref_squeeze %dma_wait3A_269 : memref<1x128xi32, #tpu.memory_space<vmem>> -> memref<128xi32, #tpu.memory_space<vmem>>
          %dma_wait3A_271 = arith.constant 0 : i32
          %dma_wait3A_272 = arith.constant 0 : i32
          %dma_wait3A_273 = tpu.memref_slice %arg9[%dma_wait3A_271, %dma_wait3A_272] : memref<10240x128xf32, #tpu.memory_space<vmem_shared>> -> memref<10240x128xf32, #tpu.memory_space<vmem_shared>>
          tpu.wait_indirect_dma semaphore(%run_scoped3A_253 : memref<!tpu.dma_semaphore, #tpu.memory_space<semaphore_mem>>) src(%dma_wait3A_267 : memref<128x128xf32, #tpu.memory_space<vmem>>) dst(%dma_wait3A_273 : memref<10240x128xf32, #tpu.memory_space<vmem_shared>>)
          tpu.yield
        }) : () -> ()
        %add3A_211 = arith.constant 2 : i32
        %add3A_212 = arith.addi %add3A_198, %add3A_211 : i32
        %dma_start3A_213 = arith.constant 0 : i32
        %dma_start3A_214 = arith.constant 0 : i32
        %dma_start3A_215 = arith.constant 0 : i32
        %dma_start3A_216 = tpu.memref_slice %arg8[%dma_start3A_213, %dma_start3A_214, %dma_start3A_215] : memref<2x128x128xf32, #tpu.memory_space<vmem>> -> memref<1x128x128xf32, #tpu.memory_space<vmem>>
        %dma_start3A_217 = tpu.memref_squeeze %dma_start3A_216 : memref<1x128x128xf32, #tpu.memory_space<vmem>> -> memref<128x128xf32, #tpu.memory_space<vmem>>
        %dma_start3A_218 = arith.constant 0 : i32
        %dma_start3A_219 = tpu.memref_slice %arg6[%add3A_212, %dma_start3A_218] : memref<40x128xi32, #tpu.memory_space<vmem>> -> memref<1x128xi32, #tpu.memory_space<vmem>>
        %dma_start3A_220 = tpu.memref_squeeze %dma_start3A_219 : memref<1x128xi32, #tpu.memory_space<vmem>> -> memref<128xi32, #tpu.memory_space<vmem>>
        %dma_start3A_221 = arith.constant 0 : i32
        %dma_start3A_222 = arith.constant 0 : i32
        %dma_start3A_223 = tpu.memref_slice %arg2[%dma_start3A_221, %dma_start3A_222] : memref<10240x128xf32, #tpu.memory_space<hbm>> -> memref<10240x128xf32, #tpu.memory_space<hbm>>
        tpu.enqueue_indirect_dma source(%dma_start3A_223 : memref<10240x128xf32, #tpu.memory_space<hbm>>) target(%dma_start3A_217 : memref<128x128xf32, #tpu.memory_space<vmem>>) offsets(%dma_start3A_220 : memref<128xi32, #tpu.memory_space<vmem>>) semaphore(%arg10 : memref<!tpu.dma_semaphore, #tpu.memory_space<semaphore_mem>>)
        %mul3A_224 = arith.constant 2 : i32
        %mul3A_225 = arith.muli %mul3A_224, %scan3A_194 : i32
        %add3A_226 = arith.constant 1 : i32
        %add3A_227 = arith.addi %mul3A_225, %add3A_226 : i32
        %dma_wait3A_228 = arith.constant 1 : i32
        %dma_wait3A_229 = arith.constant 0 : i32
        %dma_wait3A_230 = arith.constant 0 : i32
        %dma_wait3A_231 = tpu.memref_slice %arg8[%dma_wait3A_228, %dma_wait3A_229, %dma_wait3A_230] : memref<2x128x128xf32, #tpu.memory_space<vmem>> -> memref<1x128x128xf32, #tpu.memory_space<vmem>>
        %dma_wait3A_232 = tpu.memref_squeeze %dma_wait3A_231 : memref<1x128x128xf32, #tpu.memory_space<vmem>> -> memref<128x128xf32, #tpu.memory_space<vmem>>
        %dma_wait3A_233 = arith.constant 0 : i32
        %dma_wait3A_234 = tpu.memref_slice %arg6[%add3A_227, %dma_wait3A_233] : memref<40x128xi32, #tpu.memory_space<vmem>> -> memref<1x128xi32, #tpu.memory_space<vmem>>
        %dma_wait3A_235 = tpu.memref_squeeze %dma_wait3A_234 : memref<1x128xi32, #tpu.memory_space<vmem>> -> memref<128xi32, #tpu.memory_space<vmem>>
        %dma_wait3A_236 = arith.constant 0 : i32
        %dma_wait3A_237 = arith.constant 0 : i32
        %dma_wait3A_238 = tpu.memref_slice %arg2[%dma_wait3A_236, %dma_wait3A_237] : memref<10240x128xf32, #tpu.memory_space<hbm>> -> memref<10240x128xf32, #tpu.memory_space<hbm>>
        tpu.wait_indirect_dma semaphore(%arg11 : memref<!tpu.dma_semaphore, #tpu.memory_space<semaphore_mem>>) src(%dma_wait3A_238 : memref<10240x128xf32, #tpu.memory_space<hbm>>) dst(%dma_wait3A_232 : memref<128x128xf32, #tpu.memory_space<vmem>>)
        %run_scoped3A_239 = arith.constant 1 : i32
        "tpu.region"() ({
          %run_scoped3A_253 = tpu.sem_alloc : memref<!tpu.dma_semaphore, #tpu.memory_space<semaphore_mem>>
          %dma_start3A_254 = arith.constant 0 : i32
          %dma_start3A_255 = arith.constant 0 : i32
          %dma_start3A_256 = tpu.memref_slice %arg8[%run_scoped3A_239, %dma_start3A_254, %dma_start3A_255] : memref<2x128x128xf32, #tpu.memory_space<vmem>> -> memref<1x128x128xf32, #tpu.memory_space<vmem>>
          %dma_start3A_257 = tpu.memref_squeeze %dma_start3A_256 : memref<1x128x128xf32, #tpu.memory_space<vmem>> -> memref<128x128xf32, #tpu.memory_space<vmem>>
          %dma_start3A_258 = arith.constant 0 : i32
          %dma_start3A_259 = tpu.memref_slice %arg7[%add3A_227, %dma_start3A_258] : memref<40x128xi32, #tpu.memory_space<vmem>> -> memref<1x128xi32, #tpu.memory_space<vmem>>
          %dma_start3A_260 = tpu.memref_squeeze %dma_start3A_259 : memref<1x128xi32, #tpu.memory_space<vmem>> -> memref<128xi32, #tpu.memory_space<vmem>>
          %dma_start3A_261 = arith.constant 0 : i32
          %dma_start3A_262 = arith.constant 0 : i32
          %dma_start3A_263 = tpu.memref_slice %arg9[%dma_start3A_261, %dma_start3A_262] : memref<10240x128xf32, #tpu.memory_space<vmem_shared>> -> memref<10240x128xf32, #tpu.memory_space<vmem_shared>>
          tpu.enqueue_indirect_dma source(%dma_start3A_257 : memref<128x128xf32, #tpu.memory_space<vmem>>) target(%dma_start3A_263 : memref<10240x128xf32, #tpu.memory_space<vmem_shared>>) offsets(%dma_start3A_260 : memref<128xi32, #tpu.memory_space<vmem>>) semaphore(%run_scoped3A_253 : memref<!tpu.dma_semaphore, #tpu.memory_space<semaphore_mem>>) {add = true}
          %dma_wait3A_264 = arith.constant 0 : i32
          %dma_wait3A_265 = arith.constant 0 : i32
          %dma_wait3A_266 = tpu.memref_slice %arg8[%run_scoped3A_239, %dma_wait3A_264, %dma_wait3A_265] : memref<2x128x128xf32, #tpu.memory_space<vmem>> -> memref<1x128x128xf32, #tpu.memory_space<vmem>>
          %dma_wait3A_267 = tpu.memref_squeeze %dma_wait3A_266 : memref<1x128x128xf32, #tpu.memory_space<vmem>> -> memref<128x128xf32, #tpu.memory_space<vmem>>
          %dma_wait3A_268 = arith.constant 0 : i32
          %dma_wait3A_269 = tpu.memref_slice %arg7[%add3A_227, %dma_wait3A_268] : memref<40x128xi32, #tpu.memory_space<vmem>> -> memref<1x128xi32, #tpu.memory_space<vmem>>
          %dma_wait3A_270 = tpu.memref_squeeze %dma_wait3A_269 : memref<1x128xi32, #tpu.memory_space<vmem>> -> memref<128xi32, #tpu.memory_space<vmem>>
          %dma_wait3A_271 = arith.constant 0 : i32
          %dma_wait3A_272 = arith.constant 0 : i32
          %dma_wait3A_273 = tpu.memref_slice %arg9[%dma_wait3A_271, %dma_wait3A_272] : memref<10240x128xf32, #tpu.memory_space<vmem_shared>> -> memref<10240x128xf32, #tpu.memory_space<vmem_shared>>
          tpu.wait_indirect_dma semaphore(%run_scoped3A_253 : memref<!tpu.dma_semaphore, #tpu.memory_space<semaphore_mem>>) src(%dma_wait3A_267 : memref<128x128xf32, #tpu.memory_space<vmem>>) dst(%dma_wait3A_273 : memref<10240x128xf32, #tpu.memory_space<vmem_shared>>)
          tpu.yield
        }) : () -> ()
        %add3A_240 = arith.constant 2 : i32
        %add3A_241 = arith.addi %add3A_227, %add3A_240 : i32
        %dma_start3A_242 = arith.constant 1 : i32
        %dma_start3A_243 = arith.constant 0 : i32
        %dma_start3A_244 = arith.constant 0 : i32
        %dma_start3A_245 = tpu.memref_slice %arg8[%dma_start3A_242, %dma_start3A_243, %dma_start3A_244] : memref<2x128x128xf32, #tpu.memory_space<vmem>> -> memref<1x128x128xf32, #tpu.memory_space<vmem>>
        %dma_start3A_246 = tpu.memref_squeeze %dma_start3A_245 : memref<1x128x128xf32, #tpu.memory_space<vmem>> -> memref<128x128xf32, #tpu.memory_space<vmem>>
        %dma_start3A_247 = arith.constant 0 : i32
        %dma_start3A_248 = tpu.memref_slice %arg6[%add3A_241, %dma_start3A_247] : memref<40x128xi32, #tpu.memory_space<vmem>> -> memref<1x128xi32, #tpu.memory_space<vmem>>
        %dma_start3A_249 = tpu.memref_squeeze %dma_start3A_248 : memref<1x128xi32, #tpu.memory_space<vmem>> -> memref<128xi32, #tpu.memory_space<vmem>>
        %dma_start3A_250 = arith.constant 0 : i32
        %dma_start3A_251 = arith.constant 0 : i32
        %dma_start3A_252 = tpu.memref_slice %arg2[%dma_start3A_250, %dma_start3A_251] : memref<10240x128xf32, #tpu.memory_space<hbm>> -> memref<10240x128xf32, #tpu.memory_space<hbm>>
        tpu.enqueue_indirect_dma source(%dma_start3A_252 : memref<10240x128xf32, #tpu.memory_space<hbm>>) target(%dma_start3A_246 : memref<128x128xf32, #tpu.memory_space<vmem>>) offsets(%dma_start3A_249 : memref<128xi32, #tpu.memory_space<vmem>>) semaphore(%arg11 : memref<!tpu.dma_semaphore, #tpu.memory_space<semaphore_mem>>)
      }
      %scan3A_107 = arith.constant 19 : i32
      %dma_wait3A_108 = arith.constant 38 : i32
      %dma_wait3A_109 = arith.constant 0 : i32
      %dma_wait3A_110 = arith.constant 0 : i32
      %dma_wait3A_111 = arith.constant 0 : i32
      %dma_wait3A_112 = tpu.memref_slice %arg8[%dma_wait3A_109, %dma_wait3A_110, %dma_wait3A_111] : memref<2x128x128xf32, #tpu.memory_space<vmem>> -> memref<1x128x128xf32, #tpu.memory_space<vmem>>
      %dma_wait3A_113 = tpu.memref_squeeze %dma_wait3A_112 : memref<1x128x128xf32, #tpu.memory_space<vmem>> -> memref<128x128xf32, #tpu.memory_space<vmem>>
      %dma_wait3A_114 = arith.constant 0 : i32
      %dma_wait3A_115 = tpu.memref_slice %arg6[%dma_wait3A_108, %dma_wait3A_114] : memref<40x128xi32, #tpu.memory_space<vmem>> -> memref<1x128xi32, #tpu.memory_space<vmem>>
      %dma_wait3A_116 = tpu.memref_squeeze %dma_wait3A_115 : memref<1x128xi32, #tpu.memory_space<vmem>> -> memref<128xi32, #tpu.memory_space<vmem>>
      %dma_wait3A_117 = arith.constant 0 : i32
      %dma_wait3A_118 = arith.constant 0 : i32
      %dma_wait3A_119 = tpu.memref_slice %arg2[%dma_wait3A_117, %dma_wait3A_118] : memref<10240x128xf32, #tpu.memory_space<hbm>> -> memref<10240x128xf32, #tpu.memory_space<hbm>>
      tpu.wait_indirect_dma semaphore(%arg10 : memref<!tpu.dma_semaphore, #tpu.memory_space<semaphore_mem>>) src(%dma_wait3A_119 : memref<10240x128xf32, #tpu.memory_space<hbm>>) dst(%dma_wait3A_113 : memref<128x128xf32, #tpu.memory_space<vmem>>)
      %run_scoped3A_120 = arith.constant 0 : i32
      %run_scoped3A_121 = arith.constant 38 : i32
      "tpu.region"() ({
        %run_scoped3A_194 = tpu.sem_alloc : memref<!tpu.dma_semaphore, #tpu.memory_space<semaphore_mem>>
        %dma_start3A_195 = arith.constant 0 : i32
        %dma_start3A_196 = arith.constant 0 : i32
        %dma_start3A_197 = tpu.memref_slice %arg8[%run_scoped3A_120, %dma_start3A_195, %dma_start3A_196] : memref<2x128x128xf32, #tpu.memory_space<vmem>> -> memref<1x128x128xf32, #tpu.memory_space<vmem>>
        %dma_start3A_198 = tpu.memref_squeeze %dma_start3A_197 : memref<1x128x128xf32, #tpu.memory_space<vmem>> -> memref<128x128xf32, #tpu.memory_space<vmem>>
        %dma_start3A_199 = arith.constant 0 : i32
        %dma_start3A_200 = tpu.memref_slice %arg7[%run_scoped3A_121, %dma_start3A_199] : memref<40x128xi32, #tpu.memory_space<vmem>> -> memref<1x128xi32, #tpu.memory_space<vmem>>
        %dma_start3A_201 = tpu.memref_squeeze %dma_start3A_200 : memref<1x128xi32, #tpu.memory_space<vmem>> -> memref<128xi32, #tpu.memory_space<vmem>>
        %dma_start3A_202 = arith.constant 0 : i32
        %dma_start3A_203 = arith.constant 0 : i32
        %dma_start3A_204 = tpu.memref_slice %arg9[%dma_start3A_202, %dma_start3A_203] : memref<10240x128xf32, #tpu.memory_space<vmem_shared>> -> memref<10240x128xf32, #tpu.memory_space<vmem_shared>>
        tpu.enqueue_indirect_dma source(%dma_start3A_198 : memref<128x128xf32, #tpu.memory_space<vmem>>) target(%dma_start3A_204 : memref<10240x128xf32, #tpu.memory_space<vmem_shared>>) offsets(%dma_start3A_201 : memref<128xi32, #tpu.memory_space<vmem>>) semaphore(%run_scoped3A_194 : memref<!tpu.dma_semaphore, #tpu.memory_space<semaphore_mem>>) {add = true}
        %dma_wait3A_205 = arith.constant 0 : i32
        %dma_wait3A_206 = arith.constant 0 : i32
        %dma_wait3A_207 = tpu.memref_slice %arg8[%run_scoped3A_120, %dma_wait3A_205, %dma_wait3A_206] : memref<2x128x128xf32, #tpu.memory_space<vmem>> -> memref<1x128x128xf32, #tpu.memory_space<vmem>>
        %dma_wait3A_208 = tpu.memref_squeeze %dma_wait3A_207 : memref<1x128x128xf32, #tpu.memory_space<vmem>> -> memref<128x128xf32, #tpu.memory_space<vmem>>
        %dma_wait3A_209 = arith.constant 0 : i32
        %dma_wait3A_210 = tpu.memref_slice %arg7[%run_scoped3A_121, %dma_wait3A_209] : memref<40x128xi32, #tpu.memory_space<vmem>> -> memref<1x128xi32, #tpu.memory_space<vmem>>
        %dma_wait3A_211 = tpu.memref_squeeze %dma_wait3A_210 : memref<1x128xi32, #tpu.memory_space<vmem>> -> memref<128xi32, #tpu.memory_space<vmem>>
        %dma_wait3A_212 = arith.constant 0 : i32
        %dma_wait3A_213 = arith.constant 0 : i32
        %dma_wait3A_214 = tpu.memref_slice %arg9[%dma_wait3A_212, %dma_wait3A_213] : memref<10240x128xf32, #tpu.memory_space<vmem_shared>> -> memref<10240x128xf32, #tpu.memory_space<vmem_shared>>
        tpu.wait_indirect_dma semaphore(%run_scoped3A_194 : memref<!tpu.dma_semaphore, #tpu.memory_space<semaphore_mem>>) src(%dma_wait3A_208 : memref<128x128xf32, #tpu.memory_space<vmem>>) dst(%dma_wait3A_214 : memref<10240x128xf32, #tpu.memory_space<vmem_shared>>)
        tpu.yield
      }) : () -> ()
      %dma_wait3A_122 = arith.constant 39 : i32
      %dma_wait3A_123 = arith.constant 1 : i32
      %dma_wait3A_124 = arith.constant 0 : i32
      %dma_wait3A_125 = arith.constant 0 : i32
      %dma_wait3A_126 = tpu.memref_slice %arg8[%dma_wait3A_123, %dma_wait3A_124, %dma_wait3A_125] : memref<2x128x128xf32, #tpu.memory_space<vmem>> -> memref<1x128x128xf32, #tpu.memory_space<vmem>>
      %dma_wait3A_127 = tpu.memref_squeeze %dma_wait3A_126 : memref<1x128x128xf32, #tpu.memory_space<vmem>> -> memref<128x128xf32, #tpu.memory_space<vmem>>
      %dma_wait3A_128 = arith.constant 0 : i32
      %dma_wait3A_129 = tpu.memref_slice %arg6[%dma_wait3A_122, %dma_wait3A_128] : memref<40x128xi32, #tpu.memory_space<vmem>> -> memref<1x128xi32, #tpu.memory_space<vmem>>
      %dma_wait3A_130 = tpu.memref_squeeze %dma_wait3A_129 : memref<1x128xi32, #tpu.memory_space<vmem>> -> memref<128xi32, #tpu.memory_space<vmem>>
      %dma_wait3A_131 = arith.constant 0 : i32
      %dma_wait3A_132 = arith.constant 0 : i32
      %dma_wait3A_133 = tpu.memref_slice %arg2[%dma_wait3A_131, %dma_wait3A_132] : memref<10240x128xf32, #tpu.memory_space<hbm>> -> memref<10240x128xf32, #tpu.memory_space<hbm>>
      tpu.wait_indirect_dma semaphore(%arg11 : memref<!tpu.dma_semaphore, #tpu.memory_space<semaphore_mem>>) src(%dma_wait3A_133 : memref<10240x128xf32, #tpu.memory_space<hbm>>) dst(%dma_wait3A_127 : memref<128x128xf32, #tpu.memory_space<vmem>>)
      %run_scoped3A_134 = arith.constant 1 : i32
      %run_scoped3A_135 = arith.constant 39 : i32
      "tpu.region"() ({
        %run_scoped3A_194 = tpu.sem_alloc : memref<!tpu.dma_semaphore, #tpu.memory_space<semaphore_mem>>
        %dma_start3A_195 = arith.constant 0 : i32
        %dma_start3A_196 = arith.constant 0 : i32
        %dma_start3A_197 = tpu.memref_slice %arg8[%run_scoped3A_134, %dma_start3A_195, %dma_start3A_196] : memref<2x128x128xf32, #tpu.memory_space<vmem>> -> memref<1x128x128xf32, #tpu.memory_space<vmem>>
        %dma_start3A_198 = tpu.memref_squeeze %dma_start3A_197 : memref<1x128x128xf32, #tpu.memory_space<vmem>> -> memref<128x128xf32, #tpu.memory_space<vmem>>
        %dma_start3A_199 = arith.constant 0 : i32
        %dma_start3A_200 = tpu.memref_slice %arg7[%run_scoped3A_135, %dma_start3A_199] : memref<40x128xi32, #tpu.memory_space<vmem>> -> memref<1x128xi32, #tpu.memory_space<vmem>>
        %dma_start3A_201 = tpu.memref_squeeze %dma_start3A_200 : memref<1x128xi32, #tpu.memory_space<vmem>> -> memref<128xi32, #tpu.memory_space<vmem>>
        %dma_start3A_202 = arith.constant 0 : i32
        %dma_start3A_203 = arith.constant 0 : i32
        %dma_start3A_204 = tpu.memref_slice %arg9[%dma_start3A_202, %dma_start3A_203] : memref<10240x128xf32, #tpu.memory_space<vmem_shared>> -> memref<10240x128xf32, #tpu.memory_space<vmem_shared>>
        tpu.enqueue_indirect_dma source(%dma_start3A_198 : memref<128x128xf32, #tpu.memory_space<vmem>>) target(%dma_start3A_204 : memref<10240x128xf32, #tpu.memory_space<vmem_shared>>) offsets(%dma_start3A_201 : memref<128xi32, #tpu.memory_space<vmem>>) semaphore(%run_scoped3A_194 : memref<!tpu.dma_semaphore, #tpu.memory_space<semaphore_mem>>) {add = true}
        %dma_wait3A_205 = arith.constant 0 : i32
        %dma_wait3A_206 = arith.constant 0 : i32
        %dma_wait3A_207 = tpu.memref_slice %arg8[%run_scoped3A_134, %dma_wait3A_205, %dma_wait3A_206] : memref<2x128x128xf32, #tpu.memory_space<vmem>> -> memref<1x128x128xf32, #tpu.memory_space<vmem>>
        %dma_wait3A_208 = tpu.memref_squeeze %dma_wait3A_207 : memref<1x128x128xf32, #tpu.memory_space<vmem>> -> memref<128x128xf32, #tpu.memory_space<vmem>>
        %dma_wait3A_209 = arith.constant 0 : i32
        %dma_wait3A_210 = tpu.memref_slice %arg7[%run_scoped3A_135, %dma_wait3A_209] : memref<40x128xi32, #tpu.memory_space<vmem>> -> memref<1x128xi32, #tpu.memory_space<vmem>>
        %dma_wait3A_211 = tpu.memref_squeeze %dma_wait3A_210 : memref<1x128xi32, #tpu.memory_space<vmem>> -> memref<128xi32, #tpu.memory_space<vmem>>
        %dma_wait3A_212 = arith.constant 0 : i32
        %dma_wait3A_213 = arith.constant 0 : i32
        %dma_wait3A_214 = tpu.memref_slice %arg9[%dma_wait3A_212, %dma_wait3A_213] : memref<10240x128xf32, #tpu.memory_space<vmem_shared>> -> memref<10240x128xf32, #tpu.memory_space<vmem_shared>>
        tpu.wait_indirect_dma semaphore(%run_scoped3A_194 : memref<!tpu.dma_semaphore, #tpu.memory_space<semaphore_mem>>) src(%dma_wait3A_208 : memref<128x128xf32, #tpu.memory_space<vmem>>) dst(%dma_wait3A_214 : memref<10240x128xf32, #tpu.memory_space<vmem_shared>>)
        tpu.yield
      }) : () -> ()
      "tpu.region"() ({
        %run_scoped3A_194 = tpu.sem_alloc : memref<!tpu.dma_semaphore, #tpu.memory_space<semaphore_mem>>
        %dma_start3A_195 = arith.constant 0 : i32
        %dma_start3A_196 = arith.constant 0 : i32
        %dma_start3A_197 = tpu.memref_slice %arg6[%dma_start3A_195, %dma_start3A_196] : memref<40x128xi32, #tpu.memory_space<vmem>> -> memref<20x128xi32, #tpu.memory_space<vmem>>
        %dma_start3A_198 = arith.constant 40 : i32
        %dma_start3A_199 = arith.constant 0 : i32
        %dma_start3A_200 = tpu.memref_slice %arg4[%dma_start3A_198, %dma_start3A_199] : memref<60x128xi32, #tpu.memory_space<hbm>> -> memref<20x128xi32, #tpu.memory_space<hbm>>
        %dma_start3A_201 = arith.constant 0 : i32
        %dma_start3A_202 = arith.constant 0 : i32
        %dma_start3A_203 = tpu.memref_slice %arg6[%dma_start3A_201, %dma_start3A_202] : memref<40x128xi32, #tpu.memory_space<vmem>> -> memref<20x128xi32, #tpu.memory_space<vmem>>
        %dma_start3A_204 = arith.constant 40 : i32
        %dma_start3A_205 = arith.constant 0 : i32
        %dma_start3A_206 = tpu.memref_slice %arg4[%dma_start3A_204, %dma_start3A_205] : memref<60x128xi32, #tpu.memory_space<hbm>> -> memref<20x128xi32, #tpu.memory_space<hbm>>
        tpu.enqueue_dma source(%dma_start3A_206 : memref<20x128xi32, #tpu.memory_space<hbm>>) target(%dma_start3A_203 : memref<20x128xi32, #tpu.memory_space<vmem>>) target_semaphore(%run_scoped3A_194 : memref<!tpu.dma_semaphore, #tpu.memory_space<semaphore_mem>>)
        %dma_wait3A_207 = arith.constant 0 : i32
        %dma_wait3A_208 = arith.constant 0 : i32
        %dma_wait3A_209 = tpu.memref_slice %arg6[%dma_wait3A_207, %dma_wait3A_208] : memref<40x128xi32, #tpu.memory_space<vmem>> -> memref<20x128xi32, #tpu.memory_space<vmem>>
        %dma_wait3A_210 = arith.constant 40 : i32
        %dma_wait3A_211 = arith.constant 0 : i32
        %dma_wait3A_212 = tpu.memref_slice %arg4[%dma_wait3A_210, %dma_wait3A_211] : memref<60x128xi32, #tpu.memory_space<hbm>> -> memref<20x128xi32, #tpu.memory_space<hbm>>
        %dma_wait3A_213 = arith.constant 0 : i32
        %dma_wait3A_214 = arith.constant 0 : i32
        %dma_wait3A_215 = tpu.memref_slice %arg6[%dma_wait3A_213, %dma_wait3A_214] : memref<40x128xi32, #tpu.memory_space<vmem>> -> memref<20x128xi32, #tpu.memory_space<vmem>>
        %dma_wait3A_216 = arith.constant 40 : i32
        %dma_wait3A_217 = arith.constant 0 : i32
        %dma_wait3A_218 = tpu.memref_slice %arg4[%dma_wait3A_216, %dma_wait3A_217] : memref<60x128xi32, #tpu.memory_space<hbm>> -> memref<20x128xi32, #tpu.memory_space<hbm>>
        tpu.wait_dma2 semaphore(%run_scoped3A_194 : memref<!tpu.dma_semaphore, #tpu.memory_space<semaphore_mem>>) src(%dma_wait3A_218 : memref<20x128xi32, #tpu.memory_space<hbm>>) dst(%dma_wait3A_215 : memref<20x128xi32, #tpu.memory_space<vmem>>)
        tpu.yield
      }) : () -> ()
      "tpu.region"() ({
        %run_scoped3A_194 = tpu.sem_alloc : memref<!tpu.dma_semaphore, #tpu.memory_space<semaphore_mem>>
        %dma_start3A_195 = arith.constant 0 : i32
        %dma_start3A_196 = arith.constant 0 : i32
        %dma_start3A_197 = tpu.memref_slice %arg7[%dma_start3A_195, %dma_start3A_196] : memref<40x128xi32, #tpu.memory_space<vmem>> -> memref<20x128xi32, #tpu.memory_space<vmem>>
        %dma_start3A_198 = arith.constant 40 : i32
        %dma_start3A_199 = arith.constant 0 : i32
        %dma_start3A_200 = tpu.memref_slice %arg4[%dma_start3A_198, %dma_start3A_199] : memref<60x128xi32, #tpu.memory_space<hbm>> -> memref<20x128xi32, #tpu.memory_space<hbm>>
        %dma_start3A_201 = arith.constant 0 : i32
        %dma_start3A_202 = arith.constant 0 : i32
        %dma_start3A_203 = tpu.memref_slice %arg7[%dma_start3A_201, %dma_start3A_202] : memref<40x128xi32, #tpu.memory_space<vmem>> -> memref<20x128xi32, #tpu.memory_space<vmem>>
        %dma_start3A_204 = arith.constant 40 : i32
        %dma_start3A_205 = arith.constant 0 : i32
        %dma_start3A_206 = tpu.memref_slice %arg4[%dma_start3A_204, %dma_start3A_205] : memref<60x128xi32, #tpu.memory_space<hbm>> -> memref<20x128xi32, #tpu.memory_space<hbm>>
        tpu.enqueue_dma source(%dma_start3A_206 : memref<20x128xi32, #tpu.memory_space<hbm>>) target(%dma_start3A_203 : memref<20x128xi32, #tpu.memory_space<vmem>>) target_semaphore(%run_scoped3A_194 : memref<!tpu.dma_semaphore, #tpu.memory_space<semaphore_mem>>)
        %dma_wait3A_207 = arith.constant 0 : i32
        %dma_wait3A_208 = arith.constant 0 : i32
        %dma_wait3A_209 = tpu.memref_slice %arg7[%dma_wait3A_207, %dma_wait3A_208] : memref<40x128xi32, #tpu.memory_space<vmem>> -> memref<20x128xi32, #tpu.memory_space<vmem>>
        %dma_wait3A_210 = arith.constant 40 : i32
        %dma_wait3A_211 = arith.constant 0 : i32
        %dma_wait3A_212 = tpu.memref_slice %arg4[%dma_wait3A_210, %dma_wait3A_211] : memref<60x128xi32, #tpu.memory_space<hbm>> -> memref<20x128xi32, #tpu.memory_space<hbm>>
        %dma_wait3A_213 = arith.constant 0 : i32
        %dma_wait3A_214 = arith.constant 0 : i32
        %dma_wait3A_215 = tpu.memref_slice %arg7[%dma_wait3A_213, %dma_wait3A_214] : memref<40x128xi32, #tpu.memory_space<vmem>> -> memref<20x128xi32, #tpu.memory_space<vmem>>
        %dma_wait3A_216 = arith.constant 40 : i32
        %dma_wait3A_217 = arith.constant 0 : i32
        %dma_wait3A_218 = tpu.memref_slice %arg4[%dma_wait3A_216, %dma_wait3A_217] : memref<60x128xi32, #tpu.memory_space<hbm>> -> memref<20x128xi32, #tpu.memory_space<hbm>>
        tpu.wait_dma2 semaphore(%run_scoped3A_194 : memref<!tpu.dma_semaphore, #tpu.memory_space<semaphore_mem>>) src(%dma_wait3A_218 : memref<20x128xi32, #tpu.memory_space<hbm>>) dst(%dma_wait3A_215 : memref<20x128xi32, #tpu.memory_space<vmem>>)
        tpu.yield
      }) : () -> ()
      %dma_start3A_136 = arith.constant 0 : i32
      %dma_start3A_137 = arith.constant 0 : i32
      %dma_start3A_138 = arith.constant 0 : i32
      %dma_start3A_139 = arith.constant 0 : i32
      %dma_start3A_140 = tpu.memref_slice %arg8[%dma_start3A_137, %dma_start3A_138, %dma_start3A_139] : memref<2x128x128xf32, #tpu.memory_space<vmem>> -> memref<1x128x128xf32, #tpu.memory_space<vmem>>
      %dma_start3A_141 = tpu.memref_squeeze %dma_start3A_140 : memref<1x128x128xf32, #tpu.memory_space<vmem>> -> memref<128x128xf32, #tpu.memory_space<vmem>>
      %dma_start3A_142 = arith.constant 0 : i32
      %dma_start3A_143 = tpu.memref_slice %arg6[%dma_start3A_136, %dma_start3A_142] : memref<40x128xi32, #tpu.memory_space<vmem>> -> memref<1x128xi32, #tpu.memory_space<vmem>>
      %dma_start3A_144 = tpu.memref_squeeze %dma_start3A_143 : memref<1x128xi32, #tpu.memory_space<vmem>> -> memref<128xi32, #tpu.memory_space<vmem>>
      %dma_start3A_145 = arith.constant 0 : i32
      %dma_start3A_146 = arith.constant 0 : i32
      %dma_start3A_147 = tpu.memref_slice %arg2[%dma_start3A_145, %dma_start3A_146] : memref<10240x128xf32, #tpu.memory_space<hbm>> -> memref<10240x128xf32, #tpu.memory_space<hbm>>
      tpu.enqueue_indirect_dma source(%dma_start3A_147 : memref<10240x128xf32, #tpu.memory_space<hbm>>) target(%dma_start3A_141 : memref<128x128xf32, #tpu.memory_space<vmem>>) offsets(%dma_start3A_144 : memref<128xi32, #tpu.memory_space<vmem>>) semaphore(%arg10 : memref<!tpu.dma_semaphore, #tpu.memory_space<semaphore_mem>>)
      %dma_start3A_148 = arith.constant 1 : i32
      %dma_start3A_149 = arith.constant 1 : i32
      %dma_start3A_150 = arith.constant 0 : i32
      %dma_start3A_151 = arith.constant 0 : i32
      %dma_start3A_152 = tpu.memref_slice %arg8[%dma_start3A_149, %dma_start3A_150, %dma_start3A_151] : memref<2x128x128xf32, #tpu.memory_space<vmem>> -> memref<1x128x128xf32, #tpu.memory_space<vmem>>
      %dma_start3A_153 = tpu.memref_squeeze %dma_start3A_152 : memref<1x128x128xf32, #tpu.memory_space<vmem>> -> memref<128x128xf32, #tpu.memory_space<vmem>>
      %dma_start3A_154 = arith.constant 0 : i32
      %dma_start3A_155 = tpu.memref_slice %arg6[%dma_start3A_148, %dma_start3A_154] : memref<40x128xi32, #tpu.memory_space<vmem>> -> memref<1x128xi32, #tpu.memory_space<vmem>>
      %dma_start3A_156 = tpu.memref_squeeze %dma_start3A_155 : memref<1x128xi32, #tpu.memory_space<vmem>> -> memref<128xi32, #tpu.memory_space<vmem>>
      %dma_start3A_157 = arith.constant 0 : i32
      %dma_start3A_158 = arith.constant 0 : i32
      %dma_start3A_159 = tpu.memref_slice %arg2[%dma_start3A_157, %dma_start3A_158] : memref<10240x128xf32, #tpu.memory_space<hbm>> -> memref<10240x128xf32, #tpu.memory_space<hbm>>
      tpu.enqueue_indirect_dma source(%dma_start3A_159 : memref<10240x128xf32, #tpu.memory_space<hbm>>) target(%dma_start3A_153 : memref<128x128xf32, #tpu.memory_space<vmem>>) offsets(%dma_start3A_156 : memref<128xi32, #tpu.memory_space<vmem>>) semaphore(%arg11 : memref<!tpu.dma_semaphore, #tpu.memory_space<semaphore_mem>>)
      %scan3A_160 = arith.constant 0 : i32
      %scan3A_161 = arith.constant 0 : i32
      %scan3A_162 = arith.constant 9 : i32
      %scan3A_163 = arith.addi %scan3A_161, %scan3A_162 : i32
      %scan3A_164 = arith.constant 1 : i32
      scf.for %scan3A_194 = %scan3A_161 to %scan3A_163 step %scan3A_164  : i32 {
        %mul3A_195 = arith.constant 2 : i32
        %mul3A_196 = arith.muli %mul3A_195, %scan3A_194 : i32
        %add3A_197 = arith.constant 0 : i32
        %add3A_198 = arith.addi %mul3A_196, %add3A_197 : i32
        %dma_wait3A_199 = arith.constant 0 : i32
        %dma_wait3A_200 = arith.constant 0 : i32
        %dma_wait3A_201 = arith.constant 0 : i32
        %dma_wait3A_202 = tpu.memref_slice %arg8[%dma_wait3A_199, %dma_wait3A_200, %dma_wait3A_201] : memref<2x128x128xf32, #tpu.memory_space<vmem>> -> memref<1x128x128xf32, #tpu.memory_space<vmem>>
        %dma_wait3A_203 = tpu.memref_squeeze %dma_wait3A_202 : memref<1x128x128xf32, #tpu.memory_space<vmem>> -> memref<128x128xf32, #tpu.memory_space<vmem>>
        %dma_wait3A_204 = arith.constant 0 : i32
        %dma_wait3A_205 = tpu.memref_slice %arg6[%add3A_198, %dma_wait3A_204] : memref<40x128xi32, #tpu.memory_space<vmem>> -> memref<1x128xi32, #tpu.memory_space<vmem>>
        %dma_wait3A_206 = tpu.memref_squeeze %dma_wait3A_205 : memref<1x128xi32, #tpu.memory_space<vmem>> -> memref<128xi32, #tpu.memory_space<vmem>>
        %dma_wait3A_207 = arith.constant 0 : i32
        %dma_wait3A_208 = arith.constant 0 : i32
        %dma_wait3A_209 = tpu.memref_slice %arg2[%dma_wait3A_207, %dma_wait3A_208] : memref<10240x128xf32, #tpu.memory_space<hbm>> -> memref<10240x128xf32, #tpu.memory_space<hbm>>
        tpu.wait_indirect_dma semaphore(%arg10 : memref<!tpu.dma_semaphore, #tpu.memory_space<semaphore_mem>>) src(%dma_wait3A_209 : memref<10240x128xf32, #tpu.memory_space<hbm>>) dst(%dma_wait3A_203 : memref<128x128xf32, #tpu.memory_space<vmem>>)
        %run_scoped3A_210 = arith.constant 0 : i32
        "tpu.region"() ({
          %run_scoped3A_253 = tpu.sem_alloc : memref<!tpu.dma_semaphore, #tpu.memory_space<semaphore_mem>>
          %dma_start3A_254 = arith.constant 0 : i32
          %dma_start3A_255 = arith.constant 0 : i32
          %dma_start3A_256 = tpu.memref_slice %arg8[%run_scoped3A_210, %dma_start3A_254, %dma_start3A_255] : memref<2x128x128xf32, #tpu.memory_space<vmem>> -> memref<1x128x128xf32, #tpu.memory_space<vmem>>
          %dma_start3A_257 = tpu.memref_squeeze %dma_start3A_256 : memref<1x128x128xf32, #tpu.memory_space<vmem>> -> memref<128x128xf32, #tpu.memory_space<vmem>>
          %dma_start3A_258 = arith.constant 0 : i32
          %dma_start3A_259 = tpu.memref_slice %arg7[%add3A_198, %dma_start3A_258] : memref<40x128xi32, #tpu.memory_space<vmem>> -> memref<1x128xi32, #tpu.memory_space<vmem>>
          %dma_start3A_260 = tpu.memref_squeeze %dma_start3A_259 : memref<1x128xi32, #tpu.memory_space<vmem>> -> memref<128xi32, #tpu.memory_space<vmem>>
          %dma_start3A_261 = arith.constant 0 : i32
          %dma_start3A_262 = arith.constant 0 : i32
          %dma_start3A_263 = tpu.memref_slice %arg9[%dma_start3A_261, %dma_start3A_262] : memref<10240x128xf32, #tpu.memory_space<vmem_shared>> -> memref<10240x128xf32, #tpu.memory_space<vmem_shared>>
          tpu.enqueue_indirect_dma source(%dma_start3A_257 : memref<128x128xf32, #tpu.memory_space<vmem>>) target(%dma_start3A_263 : memref<10240x128xf32, #tpu.memory_space<vmem_shared>>) offsets(%dma_start3A_260 : memref<128xi32, #tpu.memory_space<vmem>>) semaphore(%run_scoped3A_253 : memref<!tpu.dma_semaphore, #tpu.memory_space<semaphore_mem>>) {add = true}
          %dma_wait3A_264 = arith.constant 0 : i32
          %dma_wait3A_265 = arith.constant 0 : i32
          %dma_wait3A_266 = tpu.memref_slice %arg8[%run_scoped3A_210, %dma_wait3A_264, %dma_wait3A_265] : memref<2x128x128xf32, #tpu.memory_space<vmem>> -> memref<1x128x128xf32, #tpu.memory_space<vmem>>
          %dma_wait3A_267 = tpu.memref_squeeze %dma_wait3A_266 : memref<1x128x128xf32, #tpu.memory_space<vmem>> -> memref<128x128xf32, #tpu.memory_space<vmem>>
          %dma_wait3A_268 = arith.constant 0 : i32
          %dma_wait3A_269 = tpu.memref_slice %arg7[%add3A_198, %dma_wait3A_268] : memref<40x128xi32, #tpu.memory_space<vmem>> -> memref<1x128xi32, #tpu.memory_space<vmem>>
          %dma_wait3A_270 = tpu.memref_squeeze %dma_wait3A_269 : memref<1x128xi32, #tpu.memory_space<vmem>> -> memref<128xi32, #tpu.memory_space<vmem>>
          %dma_wait3A_271 = arith.constant 0 : i32
          %dma_wait3A_272 = arith.constant 0 : i32
          %dma_wait3A_273 = tpu.memref_slice %arg9[%dma_wait3A_271, %dma_wait3A_272] : memref<10240x128xf32, #tpu.memory_space<vmem_shared>> -> memref<10240x128xf32, #tpu.memory_space<vmem_shared>>
          tpu.wait_indirect_dma semaphore(%run_scoped3A_253 : memref<!tpu.dma_semaphore, #tpu.memory_space<semaphore_mem>>) src(%dma_wait3A_267 : memref<128x128xf32, #tpu.memory_space<vmem>>) dst(%dma_wait3A_273 : memref<10240x128xf32, #tpu.memory_space<vmem_shared>>)
          tpu.yield
        }) : () -> ()
        %add3A_211 = arith.constant 2 : i32
        %add3A_212 = arith.addi %add3A_198, %add3A_211 : i32
        %dma_start3A_213 = arith.constant 0 : i32
        %dma_start3A_214 = arith.constant 0 : i32
        %dma_start3A_215 = arith.constant 0 : i32
        %dma_start3A_216 = tpu.memref_slice %arg8[%dma_start3A_213, %dma_start3A_214, %dma_start3A_215] : memref<2x128x128xf32, #tpu.memory_space<vmem>> -> memref<1x128x128xf32, #tpu.memory_space<vmem>>
        %dma_start3A_217 = tpu.memref_squeeze %dma_start3A_216 : memref<1x128x128xf32, #tpu.memory_space<vmem>> -> memref<128x128xf32, #tpu.memory_space<vmem>>
        %dma_start3A_218 = arith.constant 0 : i32
        %dma_start3A_219 = tpu.memref_slice %arg6[%add3A_212, %dma_start3A_218] : memref<40x128xi32, #tpu.memory_space<vmem>> -> memref<1x128xi32, #tpu.memory_space<vmem>>
        %dma_start3A_220 = tpu.memref_squeeze %dma_start3A_219 : memref<1x128xi32, #tpu.memory_space<vmem>> -> memref<128xi32, #tpu.memory_space<vmem>>
        %dma_start3A_221 = arith.constant 0 : i32
        %dma_start3A_222 = arith.constant 0 : i32
        %dma_start3A_223 = tpu.memref_slice %arg2[%dma_start3A_221, %dma_start3A_222] : memref<10240x128xf32, #tpu.memory_space<hbm>> -> memref<10240x128xf32, #tpu.memory_space<hbm>>
        tpu.enqueue_indirect_dma source(%dma_start3A_223 : memref<10240x128xf32, #tpu.memory_space<hbm>>) target(%dma_start3A_217 : memref<128x128xf32, #tpu.memory_space<vmem>>) offsets(%dma_start3A_220 : memref<128xi32, #tpu.memory_space<vmem>>) semaphore(%arg10 : memref<!tpu.dma_semaphore, #tpu.memory_space<semaphore_mem>>)
        %mul3A_224 = arith.constant 2 : i32
        %mul3A_225 = arith.muli %mul3A_224, %scan3A_194 : i32
        %add3A_226 = arith.constant 1 : i32
        %add3A_227 = arith.addi %mul3A_225, %add3A_226 : i32
        %dma_wait3A_228 = arith.constant 1 : i32
        %dma_wait3A_229 = arith.constant 0 : i32
        %dma_wait3A_230 = arith.constant 0 : i32
        %dma_wait3A_231 = tpu.memref_slice %arg8[%dma_wait3A_228, %dma_wait3A_229, %dma_wait3A_230] : memref<2x128x128xf32, #tpu.memory_space<vmem>> -> memref<1x128x128xf32, #tpu.memory_space<vmem>>
        %dma_wait3A_232 = tpu.memref_squeeze %dma_wait3A_231 : memref<1x128x128xf32, #tpu.memory_space<vmem>> -> memref<128x128xf32, #tpu.memory_space<vmem>>
        %dma_wait3A_233 = arith.constant 0 : i32
        %dma_wait3A_234 = tpu.memref_slice %arg6[%add3A_227, %dma_wait3A_233] : memref<40x128xi32, #tpu.memory_space<vmem>> -> memref<1x128xi32, #tpu.memory_space<vmem>>
        %dma_wait3A_235 = tpu.memref_squeeze %dma_wait3A_234 : memref<1x128xi32, #tpu.memory_space<vmem>> -> memref<128xi32, #tpu.memory_space<vmem>>
        %dma_wait3A_236 = arith.constant 0 : i32
        %dma_wait3A_237 = arith.constant 0 : i32
        %dma_wait3A_238 = tpu.memref_slice %arg2[%dma_wait3A_236, %dma_wait3A_237] : memref<10240x128xf32, #tpu.memory_space<hbm>> -> memref<10240x128xf32, #tpu.memory_space<hbm>>
        tpu.wait_indirect_dma semaphore(%arg11 : memref<!tpu.dma_semaphore, #tpu.memory_space<semaphore_mem>>) src(%dma_wait3A_238 : memref<10240x128xf32, #tpu.memory_space<hbm>>) dst(%dma_wait3A_232 : memref<128x128xf32, #tpu.memory_space<vmem>>)
        %run_scoped3A_239 = arith.constant 1 : i32
        "tpu.region"() ({
          %run_scoped3A_253 = tpu.sem_alloc : memref<!tpu.dma_semaphore, #tpu.memory_space<semaphore_mem>>
          %dma_start3A_254 = arith.constant 0 : i32
          %dma_start3A_255 = arith.constant 0 : i32
          %dma_start3A_256 = tpu.memref_slice %arg8[%run_scoped3A_239, %dma_start3A_254, %dma_start3A_255] : memref<2x128x128xf32, #tpu.memory_space<vmem>> -> memref<1x128x128xf32, #tpu.memory_space<vmem>>
          %dma_start3A_257 = tpu.memref_squeeze %dma_start3A_256 : memref<1x128x128xf32, #tpu.memory_space<vmem>> -> memref<128x128xf32, #tpu.memory_space<vmem>>
          %dma_start3A_258 = arith.constant 0 : i32
          %dma_start3A_259 = tpu.memref_slice %arg7[%add3A_227, %dma_start3A_258] : memref<40x128xi32, #tpu.memory_space<vmem>> -> memref<1x128xi32, #tpu.memory_space<vmem>>
          %dma_start3A_260 = tpu.memref_squeeze %dma_start3A_259 : memref<1x128xi32, #tpu.memory_space<vmem>> -> memref<128xi32, #tpu.memory_space<vmem>>
          %dma_start3A_261 = arith.constant 0 : i32
          %dma_start3A_262 = arith.constant 0 : i32
          %dma_start3A_263 = tpu.memref_slice %arg9[%dma_start3A_261, %dma_start3A_262] : memref<10240x128xf32, #tpu.memory_space<vmem_shared>> -> memref<10240x128xf32, #tpu.memory_space<vmem_shared>>
          tpu.enqueue_indirect_dma source(%dma_start3A_257 : memref<128x128xf32, #tpu.memory_space<vmem>>) target(%dma_start3A_263 : memref<10240x128xf32, #tpu.memory_space<vmem_shared>>) offsets(%dma_start3A_260 : memref<128xi32, #tpu.memory_space<vmem>>) semaphore(%run_scoped3A_253 : memref<!tpu.dma_semaphore, #tpu.memory_space<semaphore_mem>>) {add = true}
          %dma_wait3A_264 = arith.constant 0 : i32
          %dma_wait3A_265 = arith.constant 0 : i32
          %dma_wait3A_266 = tpu.memref_slice %arg8[%run_scoped3A_239, %dma_wait3A_264, %dma_wait3A_265] : memref<2x128x128xf32, #tpu.memory_space<vmem>> -> memref<1x128x128xf32, #tpu.memory_space<vmem>>
          %dma_wait3A_267 = tpu.memref_squeeze %dma_wait3A_266 : memref<1x128x128xf32, #tpu.memory_space<vmem>> -> memref<128x128xf32, #tpu.memory_space<vmem>>
          %dma_wait3A_268 = arith.constant 0 : i32
          %dma_wait3A_269 = tpu.memref_slice %arg7[%add3A_227, %dma_wait3A_268] : memref<40x128xi32, #tpu.memory_space<vmem>> -> memref<1x128xi32, #tpu.memory_space<vmem>>
          %dma_wait3A_270 = tpu.memref_squeeze %dma_wait3A_269 : memref<1x128xi32, #tpu.memory_space<vmem>> -> memref<128xi32, #tpu.memory_space<vmem>>
          %dma_wait3A_271 = arith.constant 0 : i32
          %dma_wait3A_272 = arith.constant 0 : i32
          %dma_wait3A_273 = tpu.memref_slice %arg9[%dma_wait3A_271, %dma_wait3A_272] : memref<10240x128xf32, #tpu.memory_space<vmem_shared>> -> memref<10240x128xf32, #tpu.memory_space<vmem_shared>>
          tpu.wait_indirect_dma semaphore(%run_scoped3A_253 : memref<!tpu.dma_semaphore, #tpu.memory_space<semaphore_mem>>) src(%dma_wait3A_267 : memref<128x128xf32, #tpu.memory_space<vmem>>) dst(%dma_wait3A_273 : memref<10240x128xf32, #tpu.memory_space<vmem_shared>>)
          tpu.yield
        }) : () -> ()
        %add3A_240 = arith.constant 2 : i32
        %add3A_241 = arith.addi %add3A_227, %add3A_240 : i32
        %dma_start3A_242 = arith.constant 1 : i32
        %dma_start3A_243 = arith.constant 0 : i32
        %dma_start3A_244 = arith.constant 0 : i32
        %dma_start3A_245 = tpu.memref_slice %arg8[%dma_start3A_242, %dma_start3A_243, %dma_start3A_244] : memref<2x128x128xf32, #tpu.memory_space<vmem>> -> memref<1x128x128xf32, #tpu.memory_space<vmem>>
        %dma_start3A_246 = tpu.memref_squeeze %dma_start3A_245 : memref<1x128x128xf32, #tpu.memory_space<vmem>> -> memref<128x128xf32, #tpu.memory_space<vmem>>
        %dma_start3A_247 = arith.constant 0 : i32
        %dma_start3A_248 = tpu.memref_slice %arg6[%add3A_241, %dma_start3A_247] : memref<40x128xi32, #tpu.memory_space<vmem>> -> memref<1x128xi32, #tpu.memory_space<vmem>>
        %dma_start3A_249 = tpu.memref_squeeze %dma_start3A_248 : memref<1x128xi32, #tpu.memory_space<vmem>> -> memref<128xi32, #tpu.memory_space<vmem>>
        %dma_start3A_250 = arith.constant 0 : i32
        %dma_start3A_251 = arith.constant 0 : i32
        %dma_start3A_252 = tpu.memref_slice %arg2[%dma_start3A_250, %dma_start3A_251] : memref<10240x128xf32, #tpu.memory_space<hbm>> -> memref<10240x128xf32, #tpu.memory_space<hbm>>
        tpu.enqueue_indirect_dma source(%dma_start3A_252 : memref<10240x128xf32, #tpu.memory_space<hbm>>) target(%dma_start3A_246 : memref<128x128xf32, #tpu.memory_space<vmem>>) offsets(%dma_start3A_249 : memref<128xi32, #tpu.memory_space<vmem>>) semaphore(%arg11 : memref<!tpu.dma_semaphore, #tpu.memory_space<semaphore_mem>>)
      }
      %scan3A_165 = arith.constant 9 : i32
      %dma_wait3A_166 = arith.constant 18 : i32
      %dma_wait3A_167 = arith.constant 0 : i32
      %dma_wait3A_168 = arith.constant 0 : i32
      %dma_wait3A_169 = arith.constant 0 : i32
      %dma_wait3A_170 = tpu.memref_slice %arg8[%dma_wait3A_167, %dma_wait3A_168, %dma_wait3A_169] : memref<2x128x128xf32, #tpu.memory_space<vmem>> -> memref<1x128x128xf32, #tpu.memory_space<vmem>>
      %dma_wait3A_171 = tpu.memref_squeeze %dma_wait3A_170 : memref<1x128x128xf32, #tpu.memory_space<vmem>> -> memref<128x128xf32, #tpu.memory_space<vmem>>
      %dma_wait3A_172 = arith.constant 0 : i32
      %dma_wait3A_173 = tpu.memref_slice %arg6[%dma_wait3A_166, %dma_wait3A_172] : memref<40x128xi32, #tpu.memory_space<vmem>> -> memref<1x128xi32, #tpu.memory_space<vmem>>
      %dma_wait3A_174 = tpu.memref_squeeze %dma_wait3A_173 : memref<1x128xi32, #tpu.memory_space<vmem>> -> memref<128xi32, #tpu.memory_space<vmem>>
      %dma_wait3A_175 = arith.constant 0 : i32
      %dma_wait3A_176 = arith.constant 0 : i32
      %dma_wait3A_177 = tpu.memref_slice %arg2[%dma_wait3A_175, %dma_wait3A_176] : memref<10240x128xf32, #tpu.memory_space<hbm>> -> memref<10240x128xf32, #tpu.memory_space<hbm>>
      tpu.wait_indirect_dma semaphore(%arg10 : memref<!tpu.dma_semaphore, #tpu.memory_space<semaphore_mem>>) src(%dma_wait3A_177 : memref<10240x128xf32, #tpu.memory_space<hbm>>) dst(%dma_wait3A_171 : memref<128x128xf32, #tpu.memory_space<vmem>>)
      %run_scoped3A_178 = arith.constant 0 : i32
      %run_scoped3A_179 = arith.constant 18 : i32
      "tpu.region"() ({
        %run_scoped3A_194 = tpu.sem_alloc : memref<!tpu.dma_semaphore, #tpu.memory_space<semaphore_mem>>
        %dma_start3A_195 = arith.constant 0 : i32
        %dma_start3A_196 = arith.constant 0 : i32
        %dma_start3A_197 = tpu.memref_slice %arg8[%run_scoped3A_178, %dma_start3A_195, %dma_start3A_196] : memref<2x128x128xf32, #tpu.memory_space<vmem>> -> memref<1x128x128xf32, #tpu.memory_space<vmem>>
        %dma_start3A_198 = tpu.memref_squeeze %dma_start3A_197 : memref<1x128x128xf32, #tpu.memory_space<vmem>> -> memref<128x128xf32, #tpu.memory_space<vmem>>
        %dma_start3A_199 = arith.constant 0 : i32
        %dma_start3A_200 = tpu.memref_slice %arg7[%run_scoped3A_179, %dma_start3A_199] : memref<40x128xi32, #tpu.memory_space<vmem>> -> memref<1x128xi32, #tpu.memory_space<vmem>>
        %dma_start3A_201 = tpu.memref_squeeze %dma_start3A_200 : memref<1x128xi32, #tpu.memory_space<vmem>> -> memref<128xi32, #tpu.memory_space<vmem>>
        %dma_start3A_202 = arith.constant 0 : i32
        %dma_start3A_203 = arith.constant 0 : i32
        %dma_start3A_204 = tpu.memref_slice %arg9[%dma_start3A_202, %dma_start3A_203] : memref<10240x128xf32, #tpu.memory_space<vmem_shared>> -> memref<10240x128xf32, #tpu.memory_space<vmem_shared>>
        tpu.enqueue_indirect_dma source(%dma_start3A_198 : memref<128x128xf32, #tpu.memory_space<vmem>>) target(%dma_start3A_204 : memref<10240x128xf32, #tpu.memory_space<vmem_shared>>) offsets(%dma_start3A_201 : memref<128xi32, #tpu.memory_space<vmem>>) semaphore(%run_scoped3A_194 : memref<!tpu.dma_semaphore, #tpu.memory_space<semaphore_mem>>) {add = true}
        %dma_wait3A_205 = arith.constant 0 : i32
        %dma_wait3A_206 = arith.constant 0 : i32
        %dma_wait3A_207 = tpu.memref_slice %arg8[%run_scoped3A_178, %dma_wait3A_205, %dma_wait3A_206] : memref<2x128x128xf32, #tpu.memory_space<vmem>> -> memref<1x128x128xf32, #tpu.memory_space<vmem>>
        %dma_wait3A_208 = tpu.memref_squeeze %dma_wait3A_207 : memref<1x128x128xf32, #tpu.memory_space<vmem>> -> memref<128x128xf32, #tpu.memory_space<vmem>>
        %dma_wait3A_209 = arith.constant 0 : i32
        %dma_wait3A_210 = tpu.memref_slice %arg7[%run_scoped3A_179, %dma_wait3A_209] : memref<40x128xi32, #tpu.memory_space<vmem>> -> memref<1x128xi32, #tpu.memory_space<vmem>>
        %dma_wait3A_211 = tpu.memref_squeeze %dma_wait3A_210 : memref<1x128xi32, #tpu.memory_space<vmem>> -> memref<128xi32, #tpu.memory_space<vmem>>
        %dma_wait3A_212 = arith.constant 0 : i32
        %dma_wait3A_213 = arith.constant 0 : i32
        %dma_wait3A_214 = tpu.memref_slice %arg9[%dma_wait3A_212, %dma_wait3A_213] : memref<10240x128xf32, #tpu.memory_space<vmem_shared>> -> memref<10240x128xf32, #tpu.memory_space<vmem_shared>>
        tpu.wait_indirect_dma semaphore(%run_scoped3A_194 : memref<!tpu.dma_semaphore, #tpu.memory_space<semaphore_mem>>) src(%dma_wait3A_208 : memref<128x128xf32, #tpu.memory_space<vmem>>) dst(%dma_wait3A_214 : memref<10240x128xf32, #tpu.memory_space<vmem_shared>>)
        tpu.yield
      }) : () -> ()
      %dma_wait3A_180 = arith.constant 19 : i32
      %dma_wait3A_181 = arith.constant 1 : i32
      %dma_wait3A_182 = arith.constant 0 : i32
      %dma_wait3A_183 = arith.constant 0 : i32
      %dma_wait3A_184 = tpu.memref_slice %arg8[%dma_wait3A_181, %dma_wait3A_182, %dma_wait3A_183] : memref<2x128x128xf32, #tpu.memory_space<vmem>> -> memref<1x128x128xf32, #tpu.memory_space<vmem>>
      %dma_wait3A_185 = tpu.memref_squeeze %dma_wait3A_184 : memref<1x128x128xf32, #tpu.memory_space<vmem>> -> memref<128x128xf32, #tpu.memory_space<vmem>>
      %dma_wait3A_186 = arith.constant 0 : i32
      %dma_wait3A_187 = tpu.memref_slice %arg6[%dma_wait3A_180, %dma_wait3A_186] : memref<40x128xi32, #tpu.memory_space<vmem>> -> memref<1x128xi32, #tpu.memory_space<vmem>>
      %dma_wait3A_188 = tpu.memref_squeeze %dma_wait3A_187 : memref<1x128xi32, #tpu.memory_space<vmem>> -> memref<128xi32, #tpu.memory_space<vmem>>
      %dma_wait3A_189 = arith.constant 0 : i32
      %dma_wait3A_190 = arith.constant 0 : i32
      %dma_wait3A_191 = tpu.memref_slice %arg2[%dma_wait3A_189, %dma_wait3A_190] : memref<10240x128xf32, #tpu.memory_space<hbm>> -> memref<10240x128xf32, #tpu.memory_space<hbm>>
      tpu.wait_indirect_dma semaphore(%arg11 : memref<!tpu.dma_semaphore, #tpu.memory_space<semaphore_mem>>) src(%dma_wait3A_191 : memref<10240x128xf32, #tpu.memory_space<hbm>>) dst(%dma_wait3A_185 : memref<128x128xf32, #tpu.memory_space<vmem>>)
      %run_scoped3A_192 = arith.constant 1 : i32
      %run_scoped3A_193 = arith.constant 19 : i32
      "tpu.region"() ({
        %run_scoped3A_194 = tpu.sem_alloc : memref<!tpu.dma_semaphore, #tpu.memory_space<semaphore_mem>>
        %dma_start3A_195 = arith.constant 0 : i32
        %dma_start3A_196 = arith.constant 0 : i32
        %dma_start3A_197 = tpu.memref_slice %arg8[%run_scoped3A_192, %dma_start3A_195, %dma_start3A_196] : memref<2x128x128xf32, #tpu.memory_space<vmem>> -> memref<1x128x128xf32, #tpu.memory_space<vmem>>
        %dma_start3A_198 = tpu.memref_squeeze %dma_start3A_197 : memref<1x128x128xf32, #tpu.memory_space<vmem>> -> memref<128x128xf32, #tpu.memory_space<vmem>>
        %dma_start3A_199 = arith.constant 0 : i32
        %dma_start3A_200 = tpu.memref_slice %arg7[%run_scoped3A_193, %dma_start3A_199] : memref<40x128xi32, #tpu.memory_space<vmem>> -> memref<1x128xi32, #tpu.memory_space<vmem>>
        %dma_start3A_201 = tpu.memref_squeeze %dma_start3A_200 : memref<1x128xi32, #tpu.memory_space<vmem>> -> memref<128xi32, #tpu.memory_space<vmem>>
        %dma_start3A_202 = arith.constant 0 : i32
        %dma_start3A_203 = arith.constant 0 : i32
        %dma_start3A_204 = tpu.memref_slice %arg9[%dma_start3A_202, %dma_start3A_203] : memref<10240x128xf32, #tpu.memory_space<vmem_shared>> -> memref<10240x128xf32, #tpu.memory_space<vmem_shared>>
        tpu.enqueue_indirect_dma source(%dma_start3A_198 : memref<128x128xf32, #tpu.memory_space<vmem>>) target(%dma_start3A_204 : memref<10240x128xf32, #tpu.memory_space<vmem_shared>>) offsets(%dma_start3A_201 : memref<128xi32, #tpu.memory_space<vmem>>) semaphore(%run_scoped3A_194 : memref<!tpu.dma_semaphore, #tpu.memory_space<semaphore_mem>>) {add = true}
        %dma_wait3A_205 = arith.constant 0 : i32
        %dma_wait3A_206 = arith.constant 0 : i32
        %dma_wait3A_207 = tpu.memref_slice %arg8[%run_scoped3A_192, %dma_wait3A_205, %dma_wait3A_206] : memref<2x128x128xf32, #tpu.memory_space<vmem>> -> memref<1x128x128xf32, #tpu.memory_space<vmem>>
        %dma_wait3A_208 = tpu.memref_squeeze %dma_wait3A_207 : memref<1x128x128xf32, #tpu.memory_space<vmem>> -> memref<128x128xf32, #tpu.memory_space<vmem>>
        %dma_wait3A_209 = arith.constant 0 : i32
        %dma_wait3A_210 = tpu.memref_slice %arg7[%run_scoped3A_193, %dma_wait3A_209] : memref<40x128xi32, #tpu.memory_space<vmem>> -> memref<1x128xi32, #tpu.memory_space<vmem>>
        %dma_wait3A_211 = tpu.memref_squeeze %dma_wait3A_210 : memref<1x128xi32, #tpu.memory_space<vmem>> -> memref<128xi32, #tpu.memory_space<vmem>>
        %dma_wait3A_212 = arith.constant 0 : i32
        %dma_wait3A_213 = arith.constant 0 : i32
        %dma_wait3A_214 = tpu.memref_slice %arg9[%dma_wait3A_212, %dma_wait3A_213] : memref<10240x128xf32, #tpu.memory_space<vmem_shared>> -> memref<10240x128xf32, #tpu.memory_space<vmem_shared>>
        tpu.wait_indirect_dma semaphore(%run_scoped3A_194 : memref<!tpu.dma_semaphore, #tpu.memory_space<semaphore_mem>>) src(%dma_wait3A_208 : memref<128x128xf32, #tpu.memory_space<vmem>>) dst(%dma_wait3A_214 : memref<10240x128xf32, #tpu.memory_space<vmem_shared>>)
        tpu.yield
      }) : () -> ()
    } else {
    }
    %barrier3A_17 = arith.constant 0 : index
    tpu.barrier barrier_id(%barrier3A_17)
    %mul3A_18 = arith.constant 640 : i32
    %mul3A_19 = arith.muli %arg1, %mul3A_18 : i32
    %mul3A_20 = arith.constant 640 : i32
    %mul3A_21 = arith.muli %arg1, %mul3A_20 : i32
    "tpu.region"() ({
      %run_scoped3A = tpu.sem_alloc : memref<!tpu.dma_semaphore, #tpu.memory_space<semaphore_mem>>
      %dma_start3A = arith.constant 0 : i32
      %dma_start3A_22 = tpu.memref_slice %arg5[%arg0, %mul3A_21, %dma_start3A] : memref<2x10240x128xf32, #tpu.memory_space<hbm>> -> memref<1x640x128xf32, #tpu.memory_space<hbm>>
      %dma_start3A_23 = tpu.memref_squeeze %dma_start3A_22 : memref<1x640x128xf32, #tpu.memory_space<hbm>> -> memref<640x128xf32, #tpu.memory_space<hbm>>
      %dma_start3A_24 = arith.constant 0 : i32
      %dma_start3A_25 = tpu.memref_slice %arg9[%mul3A_19, %dma_start3A_24] : memref<10240x128xf32, #tpu.memory_space<vmem_shared>> -> memref<640x128xf32, #tpu.memory_space<vmem_shared>>
      tpu.enqueue_dma source(%dma_start3A_25 : memref<640x128xf32, #tpu.memory_space<vmem_shared>>) target(%dma_start3A_23 : memref<640x128xf32, #tpu.memory_space<hbm>>) target_semaphore(%run_scoped3A : memref<!tpu.dma_semaphore, #tpu.memory_space<semaphore_mem>>)
      %dma_wait3A = arith.constant 0 : i32
      %dma_wait3A_26 = tpu.memref_slice %arg5[%arg0, %mul3A_21, %dma_wait3A] : memref<2x10240x128xf32, #tpu.memory_space<hbm>> -> memref<1x640x128xf32, #tpu.memory_space<hbm>>
      %dma_wait3A_27 = tpu.memref_squeeze %dma_wait3A_26 : memref<1x640x128xf32, #tpu.memory_space<hbm>> -> memref<640x128xf32, #tpu.memory_space<hbm>>
      %dma_wait3A_28 = arith.constant 0 : i32
      %dma_wait3A_29 = tpu.memref_slice %arg9[%mul3A_19, %dma_wait3A_28] : memref<10240x128xf32, #tpu.memory_space<vmem_shared>> -> memref<640x128xf32, #tpu.memory_space<vmem_shared>>
      tpu.wait_dma2 semaphore(%run_scoped3A : memref<!tpu.dma_semaphore, #tpu.memory_space<semaphore_mem>>) src(%dma_wait3A_29 : memref<640x128xf32, #tpu.memory_space<vmem_shared>>) dst(%dma_wait3A_27 : memref<640x128xf32, #tpu.memory_space<hbm>>)
      tpu.yield
    }) : () -> ()
    return
  }
}

module attributes {stable_mosaic.version = 14 : i64} {
  func.func @body(%arg0: i32, %arg1: memref<2x1000x128xf32, #tpu.memory_space<vmem>>, %arg2: memref<1000x2xf32, #tpu.memory_space<vmem>>, %arg3: memref<1x128xf32, #tpu.memory_space<vmem>>, %arg4: memref<1000x128xf32, #tpu.memory_space<vmem>>) attributes {dimension_semantics = [#tpu.dimension_semantics<arbitrary>], iteration_bounds = array<i64: 10>, scalar_prefetch = 0 : i64, scratch_operands = 0 : i64, tpu.core_type = #tpu.core_type<tc>, window_params = [{transform_indices = @transform_0, window_bounds = array<i64: 2, 1000, 128>}, {transform_indices = @transform_1, window_bounds = array<i64: 1000, 2>}, {pipeline_mode = #tpu.pipeline_mode<synchronous>, transform_indices = @transform_2, window_bounds = array<i64: 1, 128>}, {transform_indices = @transform_3, window_bounds = array<i64: 1000, 128>}]} {
    %get3A = arith.constant 0 : index
    %get3A_0 = arith.constant 0 : index
    %get3A_1 = vector.load %arg2[%get3A, %get3A_0] : memref<1000x2xf32, #tpu.memory_space<vmem>>, vector<1000x2xf32>
    %reduce_sum3A = arith.constant dense<0.000000e+00> : vector<1000xf32>
    %reduce_sum3A_2 = vector.multi_reduction <add>, %get3A_1, %reduce_sum3A [1] : vector<1000x2xf32> to vector<1000xf32>
    %broadcast_in_dim3A = vector.shape_cast %reduce_sum3A_2 : vector<1000xf32> to vector<1000x1xf32>
    %add3A = arith.constant 1.000000e+00 : f32
    %add3A_3 = vector.broadcast %add3A : f32 to vector<1000x1xf32>
    %add3A_4 = arith.addf %broadcast_in_dim3A, %add3A_3 : vector<1000x1xf32>
    %rsqrt3A = math.rsqrt %add3A_4 : vector<1000x1xf32>
    %get3A_5 = arith.constant 0 : index
    %get3A_6 = arith.constant 0 : index
    %get3A_7 = arith.constant 0 : index
    %get3A_8 = vector.load %arg1[%get3A_5, %get3A_6, %get3A_7] : memref<2x1000x128xf32, #tpu.memory_space<vmem>>, vector<1x1000x128xf32>
    %get3A_9 = vector.shape_cast %get3A_8 : vector<1x1000x128xf32> to vector<1000x128xf32>
    %get3A_10 = arith.constant 1 : index
    %get3A_11 = arith.constant 0 : index
    %get3A_12 = arith.constant 0 : index
    %get3A_13 = vector.load %arg1[%get3A_10, %get3A_11, %get3A_12] : memref<2x1000x128xf32, #tpu.memory_space<vmem>>, vector<1x1000x128xf32>
    %get3A_14 = vector.shape_cast %get3A_13 : vector<1x1000x128xf32> to vector<1000x128xf32>
    %add3A_15 = arith.addf %get3A_9, %get3A_14 : vector<1000x128xf32>
    %mul3A = vector.broadcast %rsqrt3A : vector<1000x1xf32> to vector<1000x128xf32>
    %mul3A_16 = arith.mulf %mul3A, %add3A_15 : vector<1000x128xf32>
    %get3A_17 = arith.constant 0 : index
    %get3A_18 = arith.constant 0 : index
    %get3A_19 = vector.load %arg3[%get3A_17, %get3A_18] : memref<1x128xf32, #tpu.memory_space<vmem>>, vector<1x128xf32>
    %add3A_20 = vector.broadcast %get3A_19 : vector<1x128xf32> to vector<1000x128xf32>
    %add3A_21 = arith.addf %mul3A_16, %add3A_20 : vector<1000x128xf32>
    %max3A = arith.constant 0.000000e+00 : f32
    %max3A_22 = vector.broadcast %max3A : f32 to vector<1000x128xf32>
    %max3A_23 = arith.maximumf %add3A_21, %max3A_22 : vector<1000x128xf32>
    %swap3A = arith.constant 0 : index
    %swap3A_24 = arith.constant 0 : index
    %swap3A_25 = vector.load %arg4[%swap3A, %swap3A_24] : memref<1000x128xf32, #tpu.memory_space<vmem>>, vector<1000x128xf32>
    tpu.vector_store %arg4[%swap3A, %swap3A_24], %max3A_23 {strides = array<i32>} : memref<1000x128xf32, #tpu.memory_space<vmem>>, vector<1000x128xf32>,
    return
  }
  func.func @transform_0(%arg0: i32) -> (i32, i32, i32) {
    %c0_i32 = arith.constant 0 : i32
    %c0_i32_0 = arith.constant 0 : i32
    %c0_i32_1 = arith.constant 0 : i32
    return %c0_i32, %arg0, %c0_i32_0 : i32, i32, i32
  }
  func.func @transform_1(%arg0: i32) -> (i32, i32) {
    %c0_i32 = arith.constant 0 : i32
    %c0_i32_0 = arith.constant 0 : i32
    return %arg0, %c0_i32 : i32, i32
  }
  func.func @transform_2(%arg0: i32) -> (i32, i32) {
    %c0_i32 = arith.constant 0 : i32
    %c0_i32_0 = arith.constant 0 : i32
    %c0_i32_1 = arith.constant 0 : i32
    return %c0_i32, %c0_i32_0 : i32, i32
  }
  func.func @transform_3(%arg0: i32) -> (i32, i32) {
    %c0_i32 = arith.constant 0 : i32
    %c0_i32_0 = arith.constant 0 : i32
    return %arg0, %c0_i32 : i32, i32
  }
}

module attributes {stable_mosaic.version = 14 : i64} {
  func.func @body(%arg0: i32, %arg1: memref<1000x128xf32, #tpu.memory_space<vmem>>, %arg2: memref<128x128xf32, #tpu.memory_space<vmem>>, %arg3: memref<1000x2xf32, #tpu.memory_space<vmem>>, %arg4: memref<1000x128xf32, #tpu.memory_space<vmem>>) attributes {dimension_semantics = [#tpu.dimension_semantics<arbitrary>], iteration_bounds = array<i64: 10>, scalar_prefetch = 0 : i64, scratch_operands = 0 : i64, tpu.core_type = #tpu.core_type<tc>, window_params = [{transform_indices = @transform_0, window_bounds = array<i64: 1000, 128>}, {pipeline_mode = #tpu.pipeline_mode<synchronous>, transform_indices = @transform_1, window_bounds = array<i64: 128, 128>}, {transform_indices = @transform_2, window_bounds = array<i64: 1000, 2>}, {transform_indices = @transform_3, window_bounds = array<i64: 1000, 128>}]} {
    %get3A = arith.constant 0 : index
    %get3A_0 = arith.constant 0 : index
    %get3A_1 = vector.load %arg3[%get3A, %get3A_0] : memref<1000x2xf32, #tpu.memory_space<vmem>>, vector<1000x2xf32>
    %reduce_sum3A = arith.constant dense<0.000000e+00> : vector<1000xf32>
    %reduce_sum3A_2 = vector.multi_reduction <add>, %get3A_1, %reduce_sum3A [1] : vector<1000x2xf32> to vector<1000xf32>
    %broadcast_in_dim3A = vector.shape_cast %reduce_sum3A_2 : vector<1000xf32> to vector<1000x1xf32>
    %add3A = arith.constant 1.000000e+00 : f32
    %add3A_3 = vector.broadcast %add3A : f32 to vector<1000x1xf32>
    %add3A_4 = arith.addf %broadcast_in_dim3A, %add3A_3 : vector<1000x1xf32>
    %rsqrt3A = math.rsqrt %add3A_4 : vector<1000x1xf32>
    %get3A_5 = arith.constant 0 : index
    %get3A_6 = arith.constant 0 : index
    %get3A_7 = vector.load %arg1[%get3A_5, %get3A_6] : memref<1000x128xf32, #tpu.memory_space<vmem>>, vector<1000x128xf32>
    %get3A_8 = arith.constant 0 : index
    %get3A_9 = arith.constant 0 : index
    %get3A_10 = vector.load %arg2[%get3A_8, %get3A_9] : memref<128x128xf32, #tpu.memory_space<vmem>>, vector<128x128xf32>
    %dot_general3A = arith.constant dense<0.000000e+00> : vector<1000x128xf32>
    %dot_general3A_11 = tpu.matmul %get3A_7, %get3A_10, %dot_general3A {dimension_numbers = #tpu.dot_dimension_numbers<[1], [0], [0], [1], [0, 0, 1, 1], [], []>, transpose_lhs_hint = false} : vector<1000x128xf32>, vector<128x128xf32>, vector<1000x128xf32> -> vector<1000x128xf32>
    %mul3A = vector.broadcast %rsqrt3A : vector<1000x1xf32> to vector<1000x128xf32>
    %mul3A_12 = arith.mulf %mul3A, %dot_general3A_11 : vector<1000x128xf32>
    %swap3A = arith.constant 0 : index
    %swap3A_13 = arith.constant 0 : index
    %swap3A_14 = vector.load %arg4[%swap3A, %swap3A_13] : memref<1000x128xf32, #tpu.memory_space<vmem>>, vector<1000x128xf32>
    tpu.vector_store %arg4[%swap3A, %swap3A_13], %mul3A_12 {strides = array<i32>} : memref<1000x128xf32, #tpu.memory_space<vmem>>, vector<1000x128xf32>,
    return
  }
  func.func @transform_0(%arg0: i32) -> (i32, i32) {
    %c0_i32 = arith.constant 0 : i32
    %c0_i32_0 = arith.constant 0 : i32
    return %arg0, %c0_i32 : i32, i32
  }
  func.func @transform_1(%arg0: i32) -> (i32, i32) {
    %c0_i32 = arith.constant 0 : i32
    %c0_i32_0 = arith.constant 0 : i32
    %c0_i32_1 = arith.constant 0 : i32
    return %c0_i32, %c0_i32_0 : i32, i32
  }
  func.func @transform_2(%arg0: i32) -> (i32, i32) {
    %c0_i32 = arith.constant 0 : i32
    %c0_i32_0 = arith.constant 0 : i32
    return %arg0, %c0_i32 : i32, i32
  }
  func.func @transform_3(%arg0: i32) -> (i32, i32) {
    %c0_i32 = arith.constant 0 : i32
    %c0_i32_0 = arith.constant 0 : i32
    return %arg0, %c0_i32 : i32, i32
  }
}

</mosaic_0001>

<sc_bundles>
// kernel: kernel.6.cloned.1.call-start
scs
__scs_entry_jumppad:
0x0: {  	(pc) =	sbr.rel $0x88, $3  }
0x1: {  	(tag) =	ssettag $0x0;
	lr =	simm.s32 $0x1  }
0x2: {  	[smem:$0x3F9D] =	sst lr;
	_ =	strace $0xD0000000  }
0x3: {  	_ = 	snop  }
0x4: {  	_ = 	snop  }
0x5: {  	_ = 	snop  }
0x6: {  	_ = 	snop  }
0x7: {  	_ = 	snop  }
__scs_overlays_trampoline_lowered:
0x8: {  	[smem:$0x3FAC] =	sst s0  }
0x9: {  	[smem:$0x3FAD] =	sst s1  }
0xa: {  	[smem:$0x3FAE] =	sst s2  }
0xb: {  	[smem:$0x3FAF] =	sst s3  }
0xc: {  	[smem:$0x3FB0] =	sst s4  }
0xd: {  	[smem:$0x3FB1] =	sst s5  }
0xe: {  	[smem:$0x3FB2] =	sst s6  }
0xf: {  	[smem:$0x3FB3] =	sst s7  }
0x10: {  	[smem:$0x3FB4] =	sst s8  }
0x11: {  	[smem:$0x3FB5] =	sst s9;
	s0 =	simm.s32 @!p0 $0x0  }
0x12: {  	s1 =	sld [smem:$0x3F9B];
	s0 =	simm.s32 @p0 $0x1  }
0x13: {  	[smem:$0x3FB6] =	sst s0;
	s0 =	simm.s32 @!p1 $0x0  }
0x14: {  	s2 =	sld [smem:$0x3F9A];
	s0 =	simm.s32 @p1 $0x1  }
0x15: {  	[smem:$0x3FB7] =	sst s0;
	s0 =	simm.s32 @!p2 $0x0  }
0x16: {  	s3 =	sld [smem:$0x3FDB];
	s0 =	simm.s32 @p2 $0x1  }
0x17: {  	s4 =	simm.s32 $0x1BF5;
	[smem:$0x3FB9] =	sst s0  }
0x18: {  	s0 =	sld [smem:$0x3F9C];
	_ =	swait.ge [sflag:s4], $0x0  }
0x19: {  	s7 =	sld [smem:$0x3F9D]  }
0x1a: {  	s8 =	sadd.s32 $0xFFFFE003, lr  }
0x1b: {  	s9 =	sadd.s32 $0xFFFFFEF7, lr;
	s5 =	simm.s32 $0xFFFFFFFF;
	p2 =	slt.u32 s8, $0xFFFFF086  }
0x1c: {  	p1 =	slt.u32 s9, $0xF7A;
	s5 =	simm.s32 @!p2 $0x0  }
0x1d: {  	s5 =	simm.s32 @p1 $0x1;
	p0 =	seq.s32 s7, s2  }
0x1e: {  	s7 =	smul.u32 @!p0 $0xF7A, s2;
	p2 =	seq.s32 @!p0 s5, $0x0  }
0x1f: {  	s9 =	smul.u32 $0xF7A, s1;
	s8 =	simm.s32 @!p0 $0x1BF5;
	p2 =	por !p2, p0  }
0x20: {  	[sflag:s8] =	ssyncset.s32 @!p0 $0xFFFFF086;
	s6 =	sadd.s32 @!p0 s3, s7;
	s7 =	simm.s32 @!p0 $0x108  }
0x21: {  	s3 =	sadd.s32 s3, s9;
	s6 =	sadd.s32 @!p0 $0x88, s6;
	s7 =	simm.s32 @p2 $0x1082  }
0x22: {  	[simem:s7], [sflag:s8] =	dma.local @!p0 [hbm:s6], $0xF7A  }
0x23: {  	s9 =	sor.u32 $0xD0000000, s2;
	s6 =	simm.s32 $0x108;
	_ =	swait.ge @!p0 [sflag:s8], $0x0  }
0x24: {  	s3 =	sadd.s32 $0x88, s3;
	s6 =	simm.s32 @!p1 $0x1082;
	[sflag:s4] =	ssyncset.s32 $0xFFFFF086  }
0x25: {  	[simem:s6], [sflag:s4] =	dma.local [hbm:s3], $0xF7A  }
0x26: {  	[smem:$0x3F9D] =	sst s1;
	(tag) =	ssettag s2;
	_ =	strace s9  }
0x27: {  	s1 =	sld [smem:$0x3FAD]  }
0x28: {  	s2 =	sld [smem:$0x3FAE]  }
0x29: {  	s4 =	sld [smem:$0x3FB0]  }
0x2a: {  	p0 =	seq.s32 s5, $0x0;
	s5 =	sld [smem:$0x3FB1]  }
0x2b: {  	s6 =	sld [smem:$0x3FB2]  }
0x2c: {  	s7 =	sld [smem:$0x3FB3]  }
0x2d: {  	s3 =	simm.s32 $0x108;
	s8 =	sld [smem:$0x3FB4]  }
0x2e: {  	s3 =	simm.s32 @!p0 $0x1082;
	s9 =	sld [smem:$0x3FB5]  }
0x2f: {  	lr =	sadd.s32 s0, s3;
	s0 =	sld [smem:$0x3FAC]  }
0x30: {  	s3 =	sld [smem:$0x3FAF]  }
0x31: {  	[smem:$0x3FB8] =	sst s10  }
0x32: {  	s10 =	sld [smem:$0x3FB6];
	_ =	sdelay $0x3  }
0x33: {  	p0 =	seq.s32 s10, $0x1;
	s10 =	sld [smem:$0x3FB8];
	_ =	sdelay $0x3  }
0x34: {  	[smem:$0x3FB8] =	sst s10  }
0x35: {  	s10 =	sld [smem:$0x3FB7];
	_ =	sdelay $0x3  }
0x36: {  	p1 =	seq.s32 s10, $0x1;
	s10 =	sld [smem:$0x3FB8];
	_ =	sdelay $0x3  }
0x37: {  	[smem:$0x3FB8] =	sst s10  }
0x38: {  	s10 =	sld [smem:$0x3FB9]  }
0x39: {  	_ = 	snop;
	(pc) =	sbr.ind lr, $3  }
0x3a: {  	_ = 	snop  }
0x3b: {  	_ = 	snop  }
0x3c: {  	p2 =	seq.s32 s10, $0x1;
	s10 =	sld [smem:$0x3FB8]  }
0x3d: {  	_ =	shalt  }
0x3e: {  	_ =	shalt  }
0x3f: {  	_ =	shalt  }
0x40: {  	_ =	shalt  }
0x41: {  	_ =	shalt  }
0x42: {  	_ =	shalt  }
0x43: {  	_ =	shalt  }
0x44: {  	_ =	shalt  }
0x45: {  	_ =	shalt  }
0x46: {  	_ =	shalt  }
0x47: {  	_ =	shalt  }
0x48: {  	_ =	shalt  }
0x49: {  	_ =	shalt  }
0x4a: {  	_ =	shalt  }
0x4b: {  	_ =	shalt  }
0x4c: {  	_ =	shalt  }
0x4d: {  	_ =	shalt  }
0x4e: {  	_ =	shalt  }
0x4f: {  	_ =	shalt  }
0x50: {  	_ =	shalt  }
0x51: {  	_ =	shalt  }
0x52: {  	_ =	shalt  }
0x53: {  	_ =	shalt  }
0x54: {  	_ =	shalt  }
0x55: {  	_ =	shalt  }
0x56: {  	_ =	shalt  }
0x57: {  	_ =	shalt  }
0x58: {  	_ =	shalt  }
0x59: {  	_ =	shalt  }
0x5a: {  	_ =	shalt  }
0x5b: {  	_ =	shalt  }
0x5c: {  	_ =	shalt  }
0x5d: {  	_ =	shalt  }
0x5e: {  	_ =	shalt  }
0x5f: {  	_ =	shalt  }
0x60: {  	_ =	shalt  }
0x61: {  	_ =	shalt  }
0x62: {  	_ =	shalt  }
0x63: {  	_ =	shalt  }
0x64: {  	_ =	shalt  }
0x65: {  	_ =	shalt  }
0x66: {  	_ =	shalt  }
0x67: {  	_ =	shalt  }
0x68: {  	_ =	shalt  }
0x69: {  	_ =	shalt  }
0x6a: {  	_ =	shalt  }
0x6b: {  	_ =	shalt  }
0x6c: {  	_ =	shalt  }
0x6d: {  	_ =	shalt  }
0x6e: {  	_ =	shalt  }
0x6f: {  	_ =	shalt  }
0x70: {  	_ =	shalt  }
0x71: {  	_ =	shalt  }
0x72: {  	_ =	shalt  }
0x73: {  	_ =	shalt  }
0x74: {  	_ =	shalt  }
0x75: {  	_ =	shalt  }
0x76: {  	_ =	shalt  }
0x77: {  	_ =	shalt  }
0x78: {  	_ =	shalt  }
0x79: {  	_ =	shalt  }
0x7a: {  	_ =	shalt  }
0x7b: {  	_ =	shalt  }
0x7c: {  	_ =	shalt  }
0x7d: {  	_ =	shalt  }
0x7e: {  	_ =	shalt  }
0x7f: {  	_ =	shalt  }
0x80: {  	_ =	shalt  }
0x81: {  	_ =	shalt  }
0x82: {  	_ =	shalt  }
0x83: {  	_ =	shalt  }
0x84: {  	_ =	shalt  }
0x85: {  	_ =	shalt  }
0x86: {  	_ =	shalt  }
0x87: {  	_ =	shalt  }
.Lfunc_end0:
.L_simem_size_0:
called_computation_lowered:
.L_overlay_start_0:
0x88: {  	s2 =	sld [smem:$0x3FD9]  }
0x89: {  	s3 =	sld [smem:$0x3FFE];
	_ =	sdelay $0x1  }
0x8a: {  	s1 =	srdreg.scid  }
0x8b: {  	s0 =	sand.u32 $0x1, s1  }
0x8c: {  	s17 =	sshll.u32 s0, $0xA;
	s2 =	sadd.s32 s3, s2  }
0x8d: {  	s2 =	sadd.s32 s2, s17  }
0x8e: {  	[smem:$0x3FC4] =	sst s2  }
0x8f: {  	_ = 	snop  }
0x90: {  	s2 =	sld [smem:$0x3FC8]  }
0x91: {  	s18 =	sld [smem:$0x3FD0];
	(tm) =	ssettm $0x1  }
0x92: {  	s4 =	sld [smem:$0x3FFB];
	_ =	sdelay $0x3  }
0x93: {  	_ =	strace s4  }
0x94: {  	s4 =	sld [smem:$0x3FFC];
	_ =	sdelay $0x3  }
0x95: {  	_ =	strace s4  }
0x96: {  	s4 =	sld [smem:$0x3FFD];
	_ =	sdelay $0x3  }
0x97: {  	_ =	strace s4  }
0x98: {  	_ =	strace $0x8FFFFFFF  }
0x99: {  	s19 =	sld [smem:$0x3FDB];
	_ =	sdelay $0x1  }
0x9a: {  	s5 =	simm.s32 $_scs_section_size  }
0x9b: {  	s6 =	simm.s32 $_size__tile_overlayer_lowered;
	s7 =	simm.s32 $_tile_overlayer_lowered  }
0x9c: {  	s22 =	simm.s32 $0x1BFF;
	s21 =	sshll.u32 s7, $0x1;
	s4 =	sadd.s32 s5, s19  }
0x9d: {  	s8 =	simm.s32 $0x0;
	s20 =	sshll.u32 s6, $0x1;
	s6 =	sadd.s32 s21, s4  }
0x9e: {  	[timem:s8], [sflag:s22] =	dma.local [hbm:s6], s20  }
0x9f: {  	_ =	swait.ge [sflag:s22], s20  }
0xa0: {  	s5 =	ssub.s32 $0x0, s20;
	[sflag:s22] =	ssyncset.done $0x0  }
0xa1: {  	[sflag:s22] =	ssyncadd.s32 s5;
	_ =	sdelay $0x1  }
0xa2: {  	s23 =	simm.s32 $0x1B8B  }
0xa3: {  	_ =	swait.ge [sflag:s23], $0x1  }
0xa4: {  	[sflag:s23] =	ssyncset.done $0x0  }
0xa5: {  	s25 =	simm.s32 $0x1B8E;
	s24 =	sld [smem:$0x3FFE];
	[sflag:s23] =	ssyncadd.s32 $0xFFFFFFFF  }
0xa6: {  	s26 =	simm.s32 $execute0_lowered;
	[smem:$0x3FD2] =	sst s25  }
0xa7: {  	s6 =	sshll.u32 s26, $0x1;
	_ =	strace $0x80000046;
	[dreg:$0x1] =	wrdreg $0xFFFFFFFF  }
0xa8: {  	s28 =	simm.s32 $_size_execute0_lowered;
	s4 =	sadd.s32 s4, s6;
	[dreg:$0x0] =	wrdreg $0x0  }
0xa9: {  	s6 =	sshll.u32 s28, $0x1;
	[dreg:$0x2] =	wrdreg s4  }
0xaa: {  	[dreg:$0x3] =	wrdreg s6  }
0xab: {  	[dreg:$0x4] =	wrdreg $0xC0  }
0xac: {  	_ =	task [dreg:s8], $0x5FFFF  }
0xad: {  	[dreg:$0x1] =	wrdreg $0xFFFFFFFF  }
0xae: {  	[dreg:$0x0] =	wrdreg $0x60  }
0xaf: {  	[dreg:$0x2] =	wrdreg s2  }
0xb0: {  	[dreg:$0x3] =	wrdreg s24  }
0xb1: {  	[dreg:$0x4] =	wrdreg s18  }
0xb2: {  	[dreg:$0x5] =	wrdreg $0x2F000  }
0xb3: {  	[dreg:$0x6] =	wrdreg $0x9  }
0xb4: {  	_ =	task.clear_ibuf [dreg:s8], $0x7FFFF;
	_ =	strace $0x90000046  }
0xb5: {  	s29 =	simm.s32 $0x9;
	_ =	strace $0x80000048  }
0xb6: {  	_ =	swait.ge [sflag:s29], $0x1  }
0xb7: {  	[sflag:s29] =	ssyncadd.s32 $0xFFFFFFFF  }
0xb8: {  	_ =	strace $0x90000048  }
0xb9: {  	_ =	sfence  }
0xba: {  	s30 =	sld [smem:$0x0];
	_ =	sdelay $0x2  }
0xbb: {  	s31 =	sshll.u32 s1, $0xD;
	s1 =	sshrl.u32 s1, $0x2  }
0xbc: {  	s3 =	sand.u32 $0x4000, s31;
	s1 =	sadd.s32 s1, s30  }
0xbd: {  	s0 =	sor.u32 s3, s0;
	s1 =	sshll.u32 s1, $0x11  }
0xbe: {  	s0 =	sor.u32 s1, s0  }
0xbf: {  	s0 =	sadd.s32 $0x8F2B, s0  }
0xc0: {  	[sflag:s0] =	ssyncadd.remote.s32 $0x1  }
0xc1: {  	_ =	sfence.sel $0xFFFF  }
0xc2: {  	[dreg:$0x0] =	wrdreg $0xFFFFFFFF;
	(pc) =	sbr.abs _section_cstart, $3  }
0xc3: {  	[dreg:$0x1] =	wrdreg $0xFFFFFFFF  }
0xc4: {  	_ =	task.clear_ibuf [dreg:s8], $0x2FFFF;
	_ =	strace $0x9FFFFFFF  }
0xc5: {  	(tm) =	ssettm $0x7FFFFFFF  }
tec
execute0_lowered:
.L_overlay_start_1:
0x0: {  	(tag) =	ssettag $0x1  }
0x1: {  	s0 =	rddreg [dreg:$0x0]  }
0x2: {  	s4 =	rddreg [dreg:$0x1]  }
0x3: {  	s8 =	rddreg [dreg:$0x2]  }
0x4: {  	s1 =	rddreg [dreg:$0x3];
	s3 =	simm.s32 $0x0;
	s5 =	srdreg.scid  }
0x5: {  	s2 =	stileid.u32;
	s13 =	simm.s32 $0x100;
	s15 =	simm.s32 $0x2C00  }
0x6: {  	s20 =	simm.s32 $0x380;
	s21 =	simm.s32 $0x400;
	s22 =	simm.s32 $0x480  }
0x7: {  	s23 =	simm.s32 $0x500;
	s28 =	simm.s32 $0x700;
	s29 =	simm.s32 $0x780  }
0x8: {  	s30 =	simm.s32 $0x800;
	s31 =	simm.s32 $0x880;
	s14 =	simm.s32 $0x980  }
0x9: {  	s16 =	simm.s32 $0x20;
	s17 =	simm.s32 $0x10;
	[smem:$0x7FF] =	sst s3  }
0xa: {  	s5 =	sand.u32 $0x1, s5;
	s4 =	sadd.s32 $0x1800, s4;
	s7 =	smul.u32 $0xA00, s2  }
0xb: {  	s24 =	smul.u32 $0x500, s2;
	_ =	strace $0x80000047;
	s6 =	sshll.u32 s5, $0x4  }
0xc: {  	s9 =	ssub.s32 $0x2, s5;
	s5 =	sshll.u32 s5, $0x7;
	s10 =	sor.u32 s2, s6  }
0xd: {  	s11 =	sshrl.u32 s9, $0x1;
	s7 =	sshrl.u32 s7, $0x2;
	s6 =	sor.u32 s5, s24  }
0xe: {  	s24 =	simm.s32 $0x580;
	s12 =	smul.u32 $0xA00, s10;
	s9 =	ssub.s32 s9, s11  }
.Ltmp0:
0xf: {  	s5 =	sadd.s32 s7, s1;
	s26 =	sshrl.u32 s6, $0x3;
	(pc) =	sbr.rel .LBB2_1-.Ltmp0, $4  }
0x10: {  	s7 =	sadd.s32 $0x13610, s0;
	p0 =	seq.s32 s10, $0x1F;
	s10 =	simm.s32 $0x2C80  }
0x11: {  	s11 =	simm.s32 $0x1;
	s8 =	sadd.s32 s8, s26;
	s9 =	smax.u32 s9, $0x1  }
0x12: {  	s26 =	simm.s32 $0x680;
	s25 =	sadd.s32 s12, s0;
	s12 =	simm.s32 $0x80  }
0x13: {  	v0 =	vimm.f32 $0.0e+00;
	v1 =	vimm.f32 $1.000000000e+00;
	s0 =	simm.s32 $0x900;
	s6 =	sadd.s32 $0x10, s25;
	s25 =	simm.s32 $0x600  }
.LBB2_7:
0x14: {  	[sflag:s11] =	ssyncset.done $0x0  }
0x15: {  	[sflag:s11] =	ssyncadd.s32 $0xFFFFFF80  }
.LBB2_8:
0x16: {  	s3 =	sadd.s32 $0x1, s3  }
0x17: {  	s18 =	sshll.u32 s2, $0x6;
	[bflag:$0x0] =	sbarrier.arrive $0xFFFF;
	p1 =	sne.s32 s3, s9  }
.Ltmp1:
0x18: {  	s19 =	sshrl.u32 s5, $0x3;
	s18 =	sor.u32 $0x1C01, s18;
	(pc) =	sbr.rel @!p1 .LBB2_9-.Ltmp1, $4  }
0x19: {  	[hbm:s8@s16], [sflag:s18] =	dma.strided [spmem:s19@s17], $0x50, s11, $0x10   }
0x1a: {  	_ =	swait.ge [sflag:s11], $0x50  }
0x1b: {  	[sflag:s11] =	ssyncset.done $0x0  }
0x1c: {  	[sflag:s11] =	ssyncadd.s32 $0xFFFFFFB0  }
.LBB2_1:
0x1d: {  	[tilespmem:$0x2C80] =	vst v0  }
0x1e: {  	[tilespmem:$0x2C90] =	vst v0  }
0x1f: {  	[tilespmem:$0x2CA0] =	vst v0  }
0x20: {  	[tilespmem:$0x2CB0] =	vst v0  }
0x21: {  	[tilespmem:$0x2CC0] =	vst v0  }
0x22: {  	[tilespmem:$0x2CD0] =	vst v0  }
0x23: {  	[tilespmem:$0x2CE0] =	vst v0  }
0x24: {  	[tilespmem:$0x2CF0] =	vst v0  }
0x25: {  	[tilespmem:$0x2D00] =	vst v0  }
0x26: {  	[tilespmem:$0x2D10] =	vst v0  }
0x27: {  	[tilespmem:$0x2D20] =	vst v0  }
0x28: {  	[tilespmem:$0x2D30] =	vst v0  }
0x29: {  	[tilespmem:$0x2D40] =	vst v0  }
0x2a: {  	[tilespmem:$0x2D50] =	vst v0  }
0x2b: {  	[tilespmem:$0x2D60] =	vst v0  }
0x2c: {  	[tilespmem:$0x2D70] =	vst v0  }
0x2d: {  	[tilespmem:$0x2D80] =	vst v0  }
0x2e: {  	[tilespmem:$0x2D90] =	vst v0  }
0x2f: {  	[tilespmem:$0x2DA0] =	vst v0  }
0x30: {  	[tilespmem:$0x2DB0] =	vst v0  }
0x31: {  	[tilespmem:$0x2DC0] =	vst v0  }
0x32: {  	[tilespmem:$0x2DD0] =	vst v0  }
0x33: {  	[tilespmem:$0x2DE0] =	vst v0  }
0x34: {  	[tilespmem:$0x2DF0] =	vst v0  }
0x35: {  	[tilespmem:$0x2E00] =	vst v0  }
0x36: {  	[tilespmem:$0x2E10] =	vst v0  }
0x37: {  	[tilespmem:$0x2E20] =	vst v0  }
0x38: {  	[tilespmem:$0x2E30] =	vst v0  }
0x39: {  	[tilespmem:$0x2E40] =	vst v0  }
0x3a: {  	[tilespmem:$0x2E50] =	vst v0  }
0x3b: {  	[tilespmem:$0x2E60] =	vst v0  }
0x3c: {  	[tilespmem:$0x2E70] =	vst v0  }
0x3d: {  	[tilespmem:$0x2E80] =	vst v0  }
0x3e: {  	[tilespmem:$0x2E90] =	vst v0  }
0x3f: {  	[tilespmem:$0x2EA0] =	vst v0  }
0x40: {  	[tilespmem:$0x2EB0] =	vst v0  }
0x41: {  	[tilespmem:$0x2EC0] =	vst v0  }
0x42: {  	[tilespmem:$0x2ED0] =	vst v0  }
0x43: {  	[tilespmem:$0x2EE0] =	vst v0  }
0x44: {  	[tilespmem:$0x2EF0] =	vst v0  }
0x45: {  	[spmem:s5] =	stream.linear.scatter [tilespmem:s10], [sflag:$0x1], $0x280, $0x38;
	[tilespmem:$0x3180] =	vst v63  }
0x46: {  	_ =	swait.ge [sflag:s11], $0x280  }
0x47: {  	[sflag:s11] =	ssyncset.done $0x0  }
0x48: {  	[sflag:s11] =	ssyncadd.s32 $0xFFFFFD80  }
0x49: {  	[tilespmem:$0x2C00] =	vst v1  }
0x4a: {  	[tilespmem:$0x2C10] =	vst v1  }
0x4b: {  	[tilespmem:$0x2C20] =	vst v1  }
.Ltmp2:
0x4c: {  	[tilespmem:$0x2C30] =	vst v1;
	(pc) =	sbr.rel @!p0 .LBB2_2-.Ltmp2, $4  }
0x4d: {  	[tilespmem:$0x2C40] =	vst v1  }
0x4e: {  	[tilespmem:$0x2C50] =	vst v1  }
0x4f: {  	[tilespmem:$0x2C60] =	vst v1  }
0x50: {  	s18 =	simm.s32 $0x0;
	[tilespmem:$0x2C70] =	vst v1  }
0x51: {  	[tilespmem:s18], [sflag:$0x1] =	stream.strided.gather [hbm4b:s7+s12], $0xA00, s13, s12, $0x38;
	[tilespmem:$0x3180] =	vst v63  }
0x52: {  	_ =	swait.ge [sflag:s11], $0xA00  }
0x53: {  	[sflag:s11] =	ssyncset.done $0x0  }
0x54: {  	s19 =	simm.s32 $0xC00;
	[sflag:s11] =	ssyncadd.s32 $0xFFFFF600  }
0x55: {  	[tilespmem:s19], [sflag:$0x1] =	stream.linear.gather [hbm4b:s4+s18], $0x1E00, $0x38;
	[tilespmem:$0x3180] =	vst v63  }
0x56: {  	_ =	swait.ge [sflag:s11], $0x1E00  }
0x57: {  	[sflag:s11] =	ssyncset.done $0x0  }
0x58: {  	[sflag:s11] =	ssyncadd.s32 $0xFFFFE200  }
0x59: {  	[bflag:$0x0] =	sbarrier.arrive $0xFFFF  }
0x5a: {  	[spmem:s1] =	stream.indirect.scatter.add.f32 [tilespmem:s15], [sflag:$0x1], $0x1, s18, s12, $0xb8;
	[tilespmem:$0x3180] =	vst v63  }
0x5b: {  	_ =	swait.ge [sflag:s11], $0x80  }
0x5c: {  	[sflag:s11] =	ssyncset.done $0x0  }
0x5d: {  	[sflag:s11] =	ssyncadd.s32 $0xFFFFFF80  }
0x5e: {  	[spmem:s1] =	stream.indirect.scatter.add.f32 [tilespmem:s15], [sflag:$0x1], $0x1, s12, s12, $0xb8;
	[tilespmem:$0x3180] =	vst v63  }
0x5f: {  	_ =	swait.ge [sflag:s11], $0x80  }
0x60: {  	[sflag:s11] =	ssyncset.done $0x0  }
0x61: {  	[sflag:s11] =	ssyncadd.s32 $0xFFFFFF80  }
0x62: {  	[spmem:s1] =	stream.indirect.scatter.add.f32 [tilespmem:s15], [sflag:$0x1], $0x1, s13, s12, $0xb8;
	[tilespmem:$0x3180] =	vst v63  }
0x63: {  	_ =	swait.ge [sflag:s11], $0x80  }
0x64: {  	[sflag:s11] =	ssyncset.done $0x0  }
0x65: {  	s19 =	simm.s32 $0x180;
	[sflag:s11] =	ssyncadd.s32 $0xFFFFFF80  }
0x66: {  	[spmem:s1] =	stream.indirect.scatter.add.f32 [tilespmem:s15], [sflag:$0x1], $0x1, s19, s12, $0xb8;
	[tilespmem:$0x3180] =	vst v63  }
0x67: {  	_ =	swait.ge [sflag:s11], $0x80  }
0x68: {  	[sflag:s11] =	ssyncset.done $0x0  }
0x69: {  	s19 =	simm.s32 $0x200;
	[sflag:s11] =	ssyncadd.s32 $0xFFFFFF80  }
0x6a: {  	[spmem:s1] =	stream.indirect.scatter.add.f32 [tilespmem:s15], [sflag:$0x1], $0x1, s19, s12, $0xb8;
	[tilespmem:$0x3180] =	vst v63  }
0x6b: {  	_ =	swait.ge [sflag:s11], $0x80  }
0x6c: {  	[sflag:s11] =	ssyncset.done $0x0  }
0x6d: {  	s19 =	simm.s32 $0x280;
	[sflag:s11] =	ssyncadd.s32 $0xFFFFFF80  }
0x6e: {  	[spmem:s1] =	stream.indirect.scatter.add.f32 [tilespmem:s15], [sflag:$0x1], $0x1, s19, s12, $0xb8;
	[tilespmem:$0x3180] =	vst v63  }
0x6f: {  	_ =	swait.ge [sflag:s11], $0x80  }
0x70: {  	[sflag:s11] =	ssyncset.done $0x0  }
0x71: {  	s19 =	simm.s32 $0x300;
	[sflag:s11] =	ssyncadd.s32 $0xFFFFFF80  }
0x72: {  	[spmem:s1] =	stream.indirect.scatter.add.f32 [tilespmem:s15], [sflag:$0x1], $0x1, s19, s12, $0xb8;
	[tilespmem:$0x3180] =	vst v63  }
0x73: {  	_ =	swait.ge [sflag:s11], $0x80  }
0x74: {  	[sflag:s11] =	ssyncset.done $0x0  }
0x75: {  	[sflag:s11] =	ssyncadd.s32 $0xFFFFFF80  }
0x76: {  	[spmem:s1] =	stream.indirect.scatter.add.f32 [tilespmem:s15], [sflag:$0x1], $0x1, s20, s12, $0xb8;
	[tilespmem:$0x3180] =	vst v63  }
0x77: {  	_ =	swait.ge [sflag:s11], $0x80  }
0x78: {  	[sflag:s11] =	ssyncset.done $0x0  }
0x79: {  	[sflag:s11] =	ssyncadd.s32 $0xFFFFFF80  }
0x7a: {  	[spmem:s1] =	stream.indirect.scatter.add.f32 [tilespmem:s15], [sflag:$0x1], $0x1, s21, s12, $0xb8;
	[tilespmem:$0x3180] =	vst v63  }
0x7b: {  	_ =	swait.ge [sflag:s11], $0x80  }
0x7c: {  	[sflag:s11] =	ssyncset.done $0x0  }
0x7d: {  	[sflag:s11] =	ssyncadd.s32 $0xFFFFFF80  }
0x7e: {  	[spmem:s1] =	stream.indirect.scatter.add.f32 [tilespmem:s15], [sflag:$0x1], $0x1, s22, s12, $0xb8;
	[tilespmem:$0x3180] =	vst v63  }
0x7f: {  	_ =	swait.ge [sflag:s11], $0x80  }
0x80: {  	[sflag:s11] =	ssyncset.done $0x0  }
0x81: {  	[sflag:s11] =	ssyncadd.s32 $0xFFFFFF80  }
0x82: {  	[spmem:s1] =	stream.indirect.scatter.add.f32 [tilespmem:s15], [sflag:$0x1], $0x1, s23, s12, $0xb8;
	[tilespmem:$0x3180] =	vst v63  }
0x83: {  	_ =	swait.ge [sflag:s11], $0x80  }
0x84: {  	[sflag:s11] =	ssyncset.done $0x0  }
0x85: {  	[sflag:s11] =	ssyncadd.s32 $0xFFFFFF80  }
0x86: {  	[spmem:s1] =	stream.indirect.scatter.add.f32 [tilespmem:s15], [sflag:$0x1], $0x1, s24, s12, $0xb8;
	[tilespmem:$0x3180] =	vst v63  }
0x87: {  	_ =	swait.ge [sflag:s11], $0x80  }
0x88: {  	[sflag:s11] =	ssyncset.done $0x0  }
0x89: {  	[sflag:s11] =	ssyncadd.s32 $0xFFFFFF80  }
0x8a: {  	[spmem:s1] =	stream.indirect.scatter.add.f32 [tilespmem:s15], [sflag:$0x1], $0x1, s25, s12, $0xb8;
	[tilespmem:$0x3180] =	vst v63  }
0x8b: {  	_ =	swait.ge [sflag:s11], $0x80  }
0x8c: {  	[sflag:s11] =	ssyncset.done $0x0  }
0x8d: {  	[sflag:s11] =	ssyncadd.s32 $0xFFFFFF80  }
0x8e: {  	[spmem:s1] =	stream.indirect.scatter.add.f32 [tilespmem:s15], [sflag:$0x1], $0x1, s26, s12, $0xb8;
	[tilespmem:$0x3180] =	vst v63  }
0x8f: {  	_ =	swait.ge [sflag:s11], $0x80  }
0x90: {  	[sflag:s11] =	ssyncset.done $0x0  }
0x91: {  	[sflag:s11] =	ssyncadd.s32 $0xFFFFFF80  }
0x92: {  	[spmem:s1] =	stream.indirect.scatter.add.f32 [tilespmem:s15], [sflag:$0x1], $0x1, s28, s12, $0xb8;
	[tilespmem:$0x3180] =	vst v63  }
0x93: {  	_ =	swait.ge [sflag:s11], $0x80  }
0x94: {  	[sflag:s11] =	ssyncset.done $0x0  }
0x95: {  	[sflag:s11] =	ssyncadd.s32 $0xFFFFFF80  }
0x96: {  	[spmem:s1] =	stream.indirect.scatter.add.f32 [tilespmem:s15], [sflag:$0x1], $0x1, s29, s12, $0xb8;
	[tilespmem:$0x3180] =	vst v63  }
0x97: {  	_ =	swait.ge [sflag:s11], $0x80  }
0x98: {  	[sflag:s11] =	ssyncset.done $0x0  }
0x99: {  	[sflag:s11] =	ssyncadd.s32 $0xFFFFFF80  }
0x9a: {  	[spmem:s1] =	stream.indirect.scatter.add.f32 [tilespmem:s15], [sflag:$0x1], $0x1, s30, s12, $0xb8;
	[tilespmem:$0x3180] =	vst v63  }
0x9b: {  	_ =	swait.ge [sflag:s11], $0x80  }
0x9c: {  	[sflag:s11] =	ssyncset.done $0x0  }
0x9d: {  	[sflag:s11] =	ssyncadd.s32 $0xFFFFFF80  }
0x9e: {  	[spmem:s1] =	stream.indirect.scatter.add.f32 [tilespmem:s15], [sflag:$0x1], $0x1, s31, s12, $0xb8;
	[tilespmem:$0x3180] =	vst v63  }
0x9f: {  	_ =	swait.ge [sflag:s11], $0x80  }
0xa0: {  	[sflag:s11] =	ssyncset.done $0x0  }
0xa1: {  	[sflag:s11] =	ssyncadd.s32 $0xFFFFFF80  }
0xa2: {  	[spmem:s1] =	stream.indirect.scatter.add.f32 [tilespmem:s15], [sflag:$0x1], $0x1, s0, s12, $0xb8;
	[tilespmem:$0x3180] =	vst v63  }
0xa3: {  	_ =	swait.ge [sflag:s11], $0x80  }
0xa4: {  	[sflag:s11] =	ssyncset.done $0x0  }
0xa5: {  	[sflag:s11] =	ssyncadd.s32 $0xFFFFFF80  }
0xa6: {  	[spmem:s1] =	stream.indirect.scatter.add.f32 [tilespmem:s15], [sflag:$0x1], $0x1, s14, s12, $0xb8;
	[tilespmem:$0x3180] =	vst v63  }
0xa7: {  	_ =	swait.ge [sflag:s11], $0x80  }
0xa8: {  	[sflag:s11] =	ssyncset.done $0x0  }
0xa9: {  	s19 =	simm.s32 $0xC00;
	[sflag:s11] =	ssyncadd.s32 $0xFFFFFF80  }
0xaa: {  	[spmem:s1] =	stream.indirect.scatter.add.f32 [tilespmem:s15], [sflag:$0x1], $0x1, s19, s12, $0xb8;
	[tilespmem:$0x3180] =	vst v63  }
0xab: {  	s18 =	simm.s32 $0x200;
	_ =	swait.ge [sflag:s11], $0x80  }
.LBB2_6:
0xac: {  	s19 =	sshra.s32 s18, $0x2;
	[sflag:s11] =	ssyncset.done $0x0;
	p1 =	sne.s32 s18, $0x7600  }
.Ltmp3:
0xad: {  	s19 =	sadd.s32 $0xC00, s19;
	[sflag:s11] =	ssyncadd.s32 $0xFFFFFF80;
	(pc) =	sbr.rel @p1 .LBB2_6-.Ltmp3, $3  }
0xae: {  	[spmem:s1] =	stream.indirect.scatter.add.f32 [tilespmem:s15], [sflag:$0x1], $0x1, s19, s12, $0xb8;
	[tilespmem:$0x3180] =	vst v63  }
0xaf: {  	s18 =	sadd.s32 $0x200, s18;
	_ =	sdelay $0x1  }
0xb0: {  	_ =	swait.ge [sflag:s11], $0x80  }
.Ltmp4:
0xb1: {  	_ = 	snop;
	(pc) =	sbr.rel .LBB2_7-.Ltmp4, $1  }
0xb2: {  	_ =	sdelay $0x3  }
.LBB2_2:
0xb3: {  	[tilespmem:s18], [sflag:$0x1] =	stream.strided.gather [hbm4b:s6+s12], $0x2800, s13, s12, $0x38;
	[tilespmem:$0x3180] =	vst v63  }
0xb4: {  	_ =	swait.ge [sflag:s11], $0x2800  }
0xb5: {  	[sflag:s11] =	ssyncset.done $0x0  }
0xb6: {  	[sflag:s11] =	ssyncadd.s32 $0xFFFFD800  }
0xb7: {  	s19 =	simm.s32 $0x0;
	[bflag:$0x0] =	sbarrier.arrive $0xFFFF  }
0xb8: {  	[spmem:s1] =	stream.indirect.scatter.add.f32 [tilespmem:s15], [sflag:$0x1], $0x1, s19, s12, $0xb8;
	[tilespmem:$0x3180] =	vst v63  }
0xb9: {  	_ =	swait.ge [sflag:s11], $0x80  }
0xba: {  	s18 =	simm.s32 $0x200;
	[sflag:s11] =	ssyncset.done $0x0  }
.LBB2_3:
0xbb: {  	s19 =	sshra.s32 s18, $0x2;
	[sflag:s11] =	ssyncadd.s32 $0xFFFFFF80;
	p1 =	seq.s32 s18, $0x9E00  }
0xbc: {  	[spmem:s1] =	stream.indirect.scatter.add.f32 [tilespmem:s15], [sflag:$0x1], $0x1, s19, s12, $0xb8;
	[tilespmem:$0x3180] =	vst v63  }
.Ltmp5:
0xbd: {  	_ = 	snop;
	(pc) =	sbr.rel @!p1 .LBB2_3-.Ltmp5, $4  }
0xbe: {  	_ = 	snop  }
0xbf: {  	s18 =	sadd.s32 $0x200, s18  }
0xc0: {  	_ =	swait.ge [sflag:s11], $0x80  }
0xc1: {  	[sflag:s11] =	ssyncset.done $0x0  }
.Ltmp6:
0xc2: {  	(pc) =	sbr.rel .LBB2_8-.Ltmp6, $2  }
0xc3: {  	_ =	sdelay $0x2  }
0xc4: {  	[sflag:s11] =	ssyncadd.s32 $0xFFFFFF80  }
.LBB2_9:
0xc5: {  	_ =	sfence.sel $0x180000  }
0xc6: {  	[bflag:$0x0] =	sbarrier.arrive $0xFFFF  }
0xc7: {  	_ =	strace $0x90000047  }
0xc8: {  	[bflag:$0x2] =	sbarrier.arrive $0xFFFF  }
0xc9: {  	p0 =	sne.s32 s2, $0x0;
	s0 =	rddreg [dreg:$0x4]  }
0xca: {  	s0 =	sadd.s32 @!p0 $0x100000, s0  }
0xcb: {  	[sflag:s0] =	ssyncadd.tile.s32 @!p0 $0x1;
	_ =	shalt  }
.Lfunc_end2:
_tile_overlayer_lowered:
.L_overlay_start_2:
0xcc: {  	(tag) =	ssettag $0x2  }
0xcd: {  	s0 =	rddreg [dreg:$0x0];
	s2 =	stileid.u32  }
0xce: {  	s1 =	rddreg [dreg:$0x1];
	p0 =	sne.s32 s2, $0x0  }
0xcf: {  	s3 =	rddreg [dreg:$0x2];
	[bflag:$0x3] =	sbarrier.arrive $0xFFFF;
	s2 =	simm.s32 @!p0 $0x1C01  }
0xd0: {  	[timem:s3], [sflag:s2] =	dma.local @!p0 [hbm:s0], s1  }
0xd1: {  	s0 =	simm.s32 @!p0 $0x1  }
0xd2: {  	_ =	swait.ge @!p0 [sflag:s0], s1  }
0xd3: {  	s1 =	ssub.s32 @!p0 $0x0, s1;
	[sflag:s0] =	ssyncset.done @!p0 $0x0  }
0xd4: {  	[sflag:s0] =	ssyncadd.s32 @!p0 s1  }
0xd5: {  	[bflag:$0x3] =	sbarrier.arrive $0xFFFF  }
0xd6: {  	_ =	shalt  }

// kernel: kernel.9.cloned.1.call-start
scs
__scs_entry_jumppad:
0x0: {  	(pc) =	sbr.rel $0x88, $3  }
0x1: {  	(tag) =	ssettag $0x0;
	lr =	simm.s32 $0x1  }
0x2: {  	[smem:$0x3F9D] =	sst lr;
	_ =	strace $0xD0000000  }
0x3: {  	_ = 	snop  }
0x4: {  	_ = 	snop  }
0x5: {  	_ = 	snop  }
0x6: {  	_ = 	snop  }
0x7: {  	_ = 	snop  }
__scs_overlays_trampoline_lowered:
0x8: {  	[smem:$0x3FAC] =	sst s0  }
0x9: {  	[smem:$0x3FAD] =	sst s1  }
0xa: {  	[smem:$0x3FAE] =	sst s2  }
0xb: {  	[smem:$0x3FAF] =	sst s3  }
0xc: {  	[smem:$0x3FB0] =	sst s4  }
0xd: {  	[smem:$0x3FB1] =	sst s5  }
0xe: {  	[smem:$0x3FB2] =	sst s6  }
0xf: {  	[smem:$0x3FB3] =	sst s7  }
0x10: {  	[smem:$0x3FB4] =	sst s8  }
0x11: {  	[smem:$0x3FB5] =	sst s9;
	s0 =	simm.s32 @!p0 $0x0  }
0x12: {  	s1 =	sld [smem:$0x3F9B];
	s0 =	simm.s32 @p0 $0x1  }
0x13: {  	[smem:$0x3FB6] =	sst s0;
	s0 =	simm.s32 @!p1 $0x0  }
0x14: {  	s2 =	sld [smem:$0x3F9A];
	s0 =	simm.s32 @p1 $0x1  }
0x15: {  	[smem:$0x3FB7] =	sst s0;
	s0 =	simm.s32 @!p2 $0x0  }
0x16: {  	s3 =	sld [smem:$0x3FDB];
	s0 =	simm.s32 @p2 $0x1  }
0x17: {  	s4 =	simm.s32 $0x1BF5;
	[smem:$0x3FB9] =	sst s0  }
0x18: {  	s0 =	sld [smem:$0x3F9C];
	_ =	swait.ge [sflag:s4], $0x0  }
0x19: {  	s7 =	sld [smem:$0x3F9D]  }
0x1a: {  	s8 =	sadd.s32 $0xFFFFE003, lr  }
0x1b: {  	s9 =	sadd.s32 $0xFFFFFEF7, lr;
	s5 =	simm.s32 $0xFFFFFFFF;
	p2 =	slt.u32 s8, $0xFFFFF086  }
0x1c: {  	p1 =	slt.u32 s9, $0xF7A;
	s5 =	simm.s32 @!p2 $0x0  }
0x1d: {  	s5 =	simm.s32 @p1 $0x1;
	p0 =	seq.s32 s7, s2  }
0x1e: {  	s7 =	smul.u32 @!p0 $0xF7A, s2;
	p2 =	seq.s32 @!p0 s5, $0x0  }
0x1f: {  	s9 =	smul.u32 $0xF7A, s1;
	s8 =	simm.s32 @!p0 $0x1BF5;
	p2 =	por !p2, p0  }
0x20: {  	[sflag:s8] =	ssyncset.s32 @!p0 $0xFFFFF086;
	s6 =	sadd.s32 @!p0 s3, s7;
	s7 =	simm.s32 @!p0 $0x108  }
0x21: {  	s3 =	sadd.s32 s3, s9;
	s6 =	sadd.s32 @!p0 $0x88, s6;
	s7 =	simm.s32 @p2 $0x1082  }
0x22: {  	[simem:s7], [sflag:s8] =	dma.local @!p0 [hbm:s6], $0xF7A  }
0x23: {  	s9 =	sor.u32 $0xD0000000, s2;
	s6 =	simm.s32 $0x108;
	_ =	swait.ge @!p0 [sflag:s8], $0x0  }
0x24: {  	s3 =	sadd.s32 $0x88, s3;
	s6 =	simm.s32 @!p1 $0x1082;
	[sflag:s4] =	ssyncset.s32 $0xFFFFF086  }
0x25: {  	[simem:s6], [sflag:s4] =	dma.local [hbm:s3], $0xF7A  }
0x26: {  	[smem:$0x3F9D] =	sst s1;
	(tag) =	ssettag s2;
	_ =	strace s9  }
0x27: {  	s1 =	sld [smem:$0x3FAD]  }
0x28: {  	s2 =	sld [smem:$0x3FAE]  }
0x29: {  	s4 =	sld [smem:$0x3FB0]  }
0x2a: {  	p0 =	seq.s32 s5, $0x0;
	s5 =	sld [smem:$0x3FB1]  }
0x2b: {  	s6 =	sld [smem:$0x3FB2]  }
0x2c: {  	s7 =	sld [smem:$0x3FB3]  }
0x2d: {  	s3 =	simm.s32 $0x108;
	s8 =	sld [smem:$0x3FB4]  }
0x2e: {  	s3 =	simm.s32 @!p0 $0x1082;
	s9 =	sld [smem:$0x3FB5]  }
0x2f: {  	lr =	sadd.s32 s0, s3;
	s0 =	sld [smem:$0x3FAC]  }
0x30: {  	s3 =	sld [smem:$0x3FAF]  }
0x31: {  	[smem:$0x3FB8] =	sst s10  }
0x32: {  	s10 =	sld [smem:$0x3FB6];
	_ =	sdelay $0x3  }
0x33: {  	p0 =	seq.s32 s10, $0x1;
	s10 =	sld [smem:$0x3FB8];
	_ =	sdelay $0x3  }
0x34: {  	[smem:$0x3FB8] =	sst s10  }
0x35: {  	s10 =	sld [smem:$0x3FB7];
	_ =	sdelay $0x3  }
0x36: {  	p1 =	seq.s32 s10, $0x1;
	s10 =	sld [smem:$0x3FB8];
	_ =	sdelay $0x3  }
0x37: {  	[smem:$0x3FB8] =	sst s10  }
0x38: {  	s10 =	sld [smem:$0x3FB9]  }
0x39: {  	_ = 	snop;
	(pc) =	sbr.ind lr, $3  }
0x3a: {  	_ = 	snop  }
0x3b: {  	_ = 	snop  }
0x3c: {  	p2 =	seq.s32 s10, $0x1;
	s10 =	sld [smem:$0x3FB8]  }
0x3d: {  	_ =	shalt  }
0x3e: {  	_ =	shalt  }
0x3f: {  	_ =	shalt  }
0x40: {  	_ =	shalt  }
0x41: {  	_ =	shalt  }
0x42: {  	_ =	shalt  }
0x43: {  	_ =	shalt  }
0x44: {  	_ =	shalt  }
0x45: {  	_ =	shalt  }
0x46: {  	_ =	shalt  }
0x47: {  	_ =	shalt  }
0x48: {  	_ =	shalt  }
0x49: {  	_ =	shalt  }
0x4a: {  	_ =	shalt  }
0x4b: {  	_ =	shalt  }
0x4c: {  	_ =	shalt  }
0x4d: {  	_ =	shalt  }
0x4e: {  	_ =	shalt  }
0x4f: {  	_ =	shalt  }
0x50: {  	_ =	shalt  }
0x51: {  	_ =	shalt  }
0x52: {  	_ =	shalt  }
0x53: {  	_ =	shalt  }
0x54: {  	_ =	shalt  }
0x55: {  	_ =	shalt  }
0x56: {  	_ =	shalt  }
0x57: {  	_ =	shalt  }
0x58: {  	_ =	shalt  }
0x59: {  	_ =	shalt  }
0x5a: {  	_ =	shalt  }
0x5b: {  	_ =	shalt  }
0x5c: {  	_ =	shalt  }
0x5d: {  	_ =	shalt  }
0x5e: {  	_ =	shalt  }
0x5f: {  	_ =	shalt  }
0x60: {  	_ =	shalt  }
0x61: {  	_ =	shalt  }
0x62: {  	_ =	shalt  }
0x63: {  	_ =	shalt  }
0x64: {  	_ =	shalt  }
0x65: {  	_ =	shalt  }
0x66: {  	_ =	shalt  }
0x67: {  	_ =	shalt  }
0x68: {  	_ =	shalt  }
0x69: {  	_ =	shalt  }
0x6a: {  	_ =	shalt  }
0x6b: {  	_ =	shalt  }
0x6c: {  	_ =	shalt  }
0x6d: {  	_ =	shalt  }
0x6e: {  	_ =	shalt  }
0x6f: {  	_ =	shalt  }
0x70: {  	_ =	shalt  }
0x71: {  	_ =	shalt  }
0x72: {  	_ =	shalt  }
0x73: {  	_ =	shalt  }
0x74: {  	_ =	shalt  }
0x75: {  	_ =	shalt  }
0x76: {  	_ =	shalt  }
0x77: {  	_ =	shalt  }
0x78: {  	_ =	shalt  }
0x79: {  	_ =	shalt  }
0x7a: {  	_ =	shalt  }
0x7b: {  	_ =	shalt  }
0x7c: {  	_ =	shalt  }
0x7d: {  	_ =	shalt  }
0x7e: {  	_ =	shalt  }
0x7f: {  	_ =	shalt  }
0x80: {  	_ =	shalt  }
0x81: {  	_ =	shalt  }
0x82: {  	_ =	shalt  }
0x83: {  	_ =	shalt  }
0x84: {  	_ =	shalt  }
0x85: {  	_ =	shalt  }
0x86: {  	_ =	shalt  }
0x87: {  	_ =	shalt  }
.Lfunc_end0:
.L_simem_size_0:
called_computation.1_lowered:
.L_overlay_start_0:
0x88: {  	s2 =	sld [smem:$0x3FD9]  }
0x89: {  	s3 =	sld [smem:$0x3FFE];
	_ =	sdelay $0x1  }
0x8a: {  	s1 =	srdreg.scid  }
0x8b: {  	s0 =	sand.u32 $0x1, s1  }
0x8c: {  	s17 =	sshll.u32 s0, $0xA;
	s2 =	sadd.s32 s3, s2  }
0x8d: {  	s2 =	sadd.s32 s2, s17  }
0x8e: {  	[smem:$0x3FC4] =	sst s2  }
0x8f: {  	_ = 	snop  }
0x90: {  	s2 =	sld [smem:$0x3FC8];
	(tm) =	ssettm $0x1  }
0x91: {  	s18 =	sld [smem:$0x3FFB];
	_ =	sdelay $0x3  }
0x92: {  	_ =	strace s18  }
0x93: {  	s3 =	sld [smem:$0x3FFC];
	_ =	sdelay $0x3  }
0x94: {  	_ =	strace s3  }
0x95: {  	s3 =	sld [smem:$0x3FFD];
	_ =	sdelay $0x3  }
0x96: {  	_ =	strace s3  }
0x97: {  	_ =	strace $0x8FFFFFFF  }
0x98: {  	s19 =	sld [smem:$0x3FDB];
	_ =	sdelay $0x1  }
0x99: {  	s4 =	simm.s32 $_scs_section_size  }
0x9a: {  	s5 =	simm.s32 $_size__tile_overlayer_lowered;
	s6 =	simm.s32 $_tile_overlayer_lowered  }
0x9b: {  	s22 =	simm.s32 $0x1BFF;
	s21 =	sshll.u32 s6, $0x1;
	s3 =	sadd.s32 s4, s19  }
0x9c: {  	s7 =	simm.s32 $0x0;
	s20 =	sshll.u32 s5, $0x1;
	s5 =	sadd.s32 s21, s3  }
0x9d: {  	[timem:s7], [sflag:s22] =	dma.local [hbm:s5], s20  }
0x9e: {  	_ =	swait.ge [sflag:s22], s20  }
0x9f: {  	s4 =	ssub.s32 $0x0, s20;
	[sflag:s22] =	ssyncset.done $0x0  }
0xa0: {  	[sflag:s22] =	ssyncadd.s32 s4;
	_ =	sdelay $0x1  }
0xa1: {  	s23 =	simm.s32 $0x1B8B  }
0xa2: {  	_ =	swait.ge [sflag:s23], $0x1  }
0xa3: {  	[sflag:s23] =	ssyncset.done $0x0  }
0xa4: {  	s25 =	simm.s32 $0x1B8E;
	s24 =	sld [smem:$0x3FFE];
	[sflag:s23] =	ssyncadd.s32 $0xFFFFFFFF  }
0xa5: {  	s26 =	simm.s32 $execute0_lowered;
	[smem:$0x3FD2] =	sst s25  }
0xa6: {  	s5 =	sshll.u32 s26, $0x1;
	_ =	strace $0x80000049;
	[dreg:$0x1] =	wrdreg $0xFFFFFFFF  }
0xa7: {  	s28 =	simm.s32 $_size_execute0_lowered;
	s3 =	sadd.s32 s3, s5;
	[dreg:$0x0] =	wrdreg $0x0  }
0xa8: {  	s5 =	sshll.u32 s28, $0x1;
	[dreg:$0x2] =	wrdreg s3  }
0xa9: {  	[dreg:$0x3] =	wrdreg s5  }
0xaa: {  	[dreg:$0x4] =	wrdreg $0xC0  }
0xab: {  	_ =	task [dreg:s7], $0x5FFFF  }
0xac: {  	[dreg:$0x1] =	wrdreg $0xFFFFFFFF  }
0xad: {  	[dreg:$0x0] =	wrdreg $0x60  }
0xae: {  	[dreg:$0x2] =	wrdreg s24  }
0xaf: {  	[dreg:$0x3] =	wrdreg s2  }
0xb0: {  	[dreg:$0x4] =	wrdreg $0xA8000  }
0xb1: {  	[dreg:$0x5] =	wrdreg $0x9  }
0xb2: {  	_ =	task.clear_ibuf [dreg:s7], $0x6FFFF;
	_ =	strace $0x90000049  }
0xb3: {  	s29 =	simm.s32 $0x9;
	_ =	strace $0x8000004B  }
0xb4: {  	_ =	swait.ge [sflag:s29], $0x1  }
0xb5: {  	[sflag:s29] =	ssyncadd.s32 $0xFFFFFFFF  }
0xb6: {  	_ =	strace $0x9000004B  }
0xb7: {  	_ =	sfence  }
0xb8: {  	s30 =	sld [smem:$0x0];
	_ =	sdelay $0x2  }
0xb9: {  	s31 =	sshll.u32 s1, $0xD;
	s1 =	sshrl.u32 s1, $0x2  }
0xba: {  	s3 =	sand.u32 $0x4000, s31;
	s1 =	sadd.s32 s1, s30  }
0xbb: {  	s0 =	sor.u32 s3, s0;
	s1 =	sshll.u32 s1, $0x11  }
0xbc: {  	s0 =	sor.u32 s1, s0  }
0xbd: {  	s0 =	sadd.s32 $0x8F2B, s0  }
0xbe: {  	[sflag:s0] =	ssyncadd.remote.s32 $0x1  }
0xbf: {  	_ =	sfence.sel $0xFFFF  }
0xc0: {  	[dreg:$0x0] =	wrdreg $0xFFFFFFFF;
	(pc) =	sbr.abs _section_cstart, $3  }
0xc1: {  	[dreg:$0x1] =	wrdreg $0xFFFFFFFF  }
0xc2: {  	_ =	task.clear_ibuf [dreg:s7], $0x2FFFF;
	_ =	strace $0x9FFFFFFF  }
0xc3: {  	(tm) =	ssettm $0x7FFFFFFF  }
tec
execute0_lowered:
.L_overlay_start_1:
0x0: {  	(tag) =	ssettag $0x1  }
0x1: {  	s0 =	rddreg [dreg:$0x0]  }
0x2: {  	s7 =	rddreg [dreg:$0x1];
	s1 =	srdreg.scid  }
0x3: {  	s2 =	rddreg [dreg:$0x2];
	s3 =	simm.s32 $0x0;
	s28 =	simm.s32 $0x1  }
0x4: {  	s29 =	simm.s32 $0x2;
	s31 =	simm.s32 $0x1B80;
	s15 =	simm.s32 $0x900  }
0x5: {  	s16 =	simm.s32 $0x980;
	s6 =	sand.u32 $0x1, s1;
	s1 =	stileid.u32  }
0x6: {  	s17 =	simm.s32 $0x2780;
	[smem:$0x7FF] =	sst s3;
	s4 =	smul.u32 $0x140000, s6  }
0x7: {  	s30 =	sadd.s32 $0x13600, s7;
	s5 =	smul.u32 $0x14000, s1;
	_ =	strace $0x8000004A  }
0x8: {  	s9 =	sshll.u32 s6, $0x4;
	s10 =	smul.u32 $0x50000, s1;
	s11 =	ssub.s32 $0x2, s6  }
0x9: {  	s12 =	smul.u32 $0x2800, s1;
	p0 =	seq.s32 s6, $0x1;
	[dreg:$0xc] =	wrdreg s30  }
0xa: {  	s9 =	sor.u32 s1, s9;
	s13 =	sshrl.u32 s11, $0x1;
	s8 =	sadd.s32 s5, s4  }
0xb: {  	s4 =	sadd.s32 $0x1C00, s0;
	s5 =	sadd.s32 $0x1800, s0;
	s10 =	sshrl.u32 s10, $0x2  }
0xc: {  	s14 =	smul.u32 $0x5000, s9;
	s13 =	ssub.s32 s11, s13;
	p1 =	seq.s32 s9, $0x1F  }
0xd: {  	s9 =	simm.s32 $0x1C00;
	s8 =	sshrl.u32 s8, $0x3;
	s6 =	sadd.s32 s10, s2  }
0xe: {  	s18 =	sadd.s32 s4, s12;
	s10 =	simm.s32 $0x2700;
	s8 =	sadd.s32 s8, s0  }
0xf: {  	[dreg:$0x4] =	wrdreg s18;
	s19 =	sadd.s32 $0x4000, s6;
	s20 =	sshrl.u32 s14, $0x3  }
0x10: {  	s21 =	sadd.s32 $0x8000, s6;
	s22 =	sadd.s32 $0xC000, s6;
	[dreg:$0x5] =	wrdreg s19  }
0x11: {  	s23 =	sadd.s32 $0x10000, s6;
	s18 =	sadd.s32 $0x1A80, s0;
	[dreg:$0x6] =	wrdreg s21  }
0x12: {  	s14 =	simm.s32 $0x880;
	s0 =	simm.s32 $0x1C80;
	[dreg:$0x7] =	wrdreg s22  }
0x13: {  	s11 =	sadd.s32 s7, s20;
	[dreg:$0x8] =	wrdreg s23;
	s7 =	sadd.s32 $0x13610, s7  }
0x14: {  	s19 =	sadd.s32 $0x29C00, s8;
	s20 =	smax.u32 s13, $0x1;
	s21 =	simm.s32 $0x2800  }
.Ltmp0:
0x15: {  	s24 =	sadd.s32 $0x10, s11;
	[dreg:$0xd] =	wrdreg s7;
	(pc) =	sbr.rel .LBB2_1-.Ltmp0, $4  }
0x16: {  	s22 =	simm.s32 $0x3;
	s25 =	sadd.s32 $0x500, s11;
	[dreg:$0x9] =	wrdreg s24  }
0x17: {  	s23 =	simm.s32 $0x80;
	s26 =	sadd.s32 $0x510, s11;
	[dreg:$0xa] =	wrdreg s25  }
0x18: {  	s13 =	simm.s32 $0x800;
	s7 =	simm.s32 $0x0;
	[dreg:$0xb] =	wrdreg s26  }
0x19: {  	v0 =	vimm.f32 $0.0e+00;
	s24 =	simm.s32 $0x100;
	s25 =	simm.s32 $0x1400;
	s26 =	simm.s32 $0x6800  }
.LBB2_11:
0x1a: {  	[tilespmem:s26], [sflag:$0x2] =	stream.indirect.gather [hbm4b:s4+s23], $0x80, s12, s23, $0xb8;
	[tilespmem:$0x1E800] =	vst v63  }
0x1b: {  	s8 =	simm.s32 $0x2780;
	s12 =	simm.s32 $0x2700  }
.LBB2_15:
0x1c: {  	_ =	swait.ge [sflag:s28], $0x4000  }
0x1d: {  	[sflag:s28] =	ssyncset.done $0x0  }
0x1e: {  	[sflag:s28] =	ssyncadd.s32 $0xFFFFC000  }
0x1f: {  	[spmem:s2] =	stream.indirect.scatter.add.f32 [tilespmem:s21], [sflag:$0x3], $0x80, s12, s23, $0xb8;
	[tilespmem:$0x1E800] =	vst v63  }
0x20: {  	_ =	swait.ge [sflag:s22], $0x4000  }
0x21: {  	[sflag:s22] =	ssyncset.done $0x0  }
0x22: {  	[sflag:s22] =	ssyncadd.s32 $0xFFFFC000  }
0x23: {  	_ =	swait.ge [sflag:s29], $0x4000  }
0x24: {  	[sflag:s29] =	ssyncset.done $0x0  }
0x25: {  	[sflag:s29] =	ssyncadd.s32 $0xFFFFC000  }
0x26: {  	[spmem:s2] =	stream.indirect.scatter.add.f32 [tilespmem:s26], [sflag:$0x3], $0x80, s8, s23, $0xb8;
	[tilespmem:$0x1E800] =	vst v63  }
0x27: {  	_ =	swait.ge [sflag:s22], $0x4000  }
0x28: {  	s30 =	sshrl.u32 s6, $0x3;
	s7 =	sadd.s32 $0x1, s7;
	[sflag:s22] =	ssyncset.done $0x0  }
0x29: {  	p2 =	sne.s32 s7, s20;
	s12 =	sshll.u32 s1, $0x6;
	[sflag:s22] =	ssyncadd.s32 $0xFFFFC000  }
.Ltmp1:
0x2a: {  	s8 =	sor.u32 $0x1C03, s12;
	[bflag:$0x0] =	sbarrier.arrive $0xFFFF;
	(pc) =	sbr.rel @!p2 .LBB2_16-.Ltmp1, $4  }
0x2b: {  	[hbm:s19], [sflag:s8] =	dma.local [spmem:s30], $0x2800  }
0x2c: {  	_ =	swait.ge [sflag:s22], $0x2800  }
0x2d: {  	[sflag:s22] =	ssyncset.done $0x0  }
0x2e: {  	[sflag:s22] =	ssyncadd.s32 $0xFFFFD800  }
.LBB2_1:
.Ltmp2:
0x2f: {  	(pc) =	sbr.rel @!p0 .LBB2_2-.Ltmp2, $1  }
0x30: {  	_ =	sdelay $0x3  }
0x31: {  	s8 =	sshra.s32 s3, $0x2;
	s12 =	sadd.s32 $0x200, s3  }
.LBB2_4:
0x32: {  	p2 =	sne.s32 s12, $0xFE00;
	[tilespmem:s8+$0x2870] =	vst v0  }
0x33: {  	[tilespmem:s8+$0x2800] =	vst v0  }
0x34: {  	[tilespmem:s8+$0x2810] =	vst v0  }
.Ltmp3:
0x35: {  	[tilespmem:s8+$0x2820] =	vst v0;
	(pc) =	sbr.rel @p2 .LBB2_4-.Ltmp3, $4  }
0x36: {  	[tilespmem:s8+$0x2830] =	vst v0  }
0x37: {  	[tilespmem:s8+$0x2840] =	vst v0  }
0x38: {  	[tilespmem:s8+$0x2850] =	vst v0  }
0x39: {  	[tilespmem:s8+$0x2860] =	vst v0;
	s8 =	sshra.s32 s12, $0x2;
	s12 =	sadd.s32 $0x200, s12  }
0x3a: {  	[tilespmem:s8+$0x2870] =	vst v0  }
0x3b: {  	[tilespmem:s8+$0x2800] =	vst v0  }
0x3c: {  	[tilespmem:s8+$0x2810] =	vst v0  }
0x3d: {  	[tilespmem:s8+$0x2820] =	vst v0  }
0x3e: {  	[tilespmem:s8+$0x2830] =	vst v0  }
0x3f: {  	[tilespmem:s8+$0x2840] =	vst v0  }
0x40: {  	[tilespmem:s8+$0x2850] =	vst v0  }
0x41: {  	[tilespmem:s8+$0x2860] =	vst v0  }
0x42: {  	[spmem:s6] =	stream.linear.scatter [tilespmem:s21], [sflag:$0x3], $0x4000, $0x38;
	[tilespmem:$0x1E800] =	vst v63  }
0x43: {  	_ =	swait.ge [sflag:s22], $0x4000  }
0x44: {  	[sflag:s22] =	ssyncset.done $0x0  }
0x45: {  	s12 =	rddreg [dreg:$0x5];
	[sflag:s22] =	ssyncadd.s32 $0xFFFFC000  }
0x46: {  	[spmem:s12] =	stream.linear.scatter [tilespmem:s21], [sflag:$0x3], $0x4000, $0x38;
	[tilespmem:$0x1E800] =	vst v63  }
0x47: {  	_ =	swait.ge [sflag:s22], $0x4000  }
0x48: {  	[sflag:s22] =	ssyncset.done $0x0  }
0x49: {  	s30 =	rddreg [dreg:$0x6];
	[sflag:s22] =	ssyncadd.s32 $0xFFFFC000  }
0x4a: {  	[spmem:s30] =	stream.linear.scatter [tilespmem:s21], [sflag:$0x3], $0x4000, $0x38;
	[tilespmem:$0x1E800] =	vst v63  }
0x4b: {  	_ =	swait.ge [sflag:s22], $0x4000  }
0x4c: {  	[sflag:s22] =	ssyncset.done $0x0  }
0x4d: {  	s12 =	rddreg [dreg:$0x7];
	[sflag:s22] =	ssyncadd.s32 $0xFFFFC000  }
0x4e: {  	[spmem:s12] =	stream.linear.scatter [tilespmem:s21], [sflag:$0x3], $0x4000, $0x38;
	[tilespmem:$0x1E800] =	vst v63  }
0x4f: {  	_ =	swait.ge [sflag:s22], $0x4000  }
0x50: {  	[sflag:s22] =	ssyncset.done $0x0  }
.Ltmp4:
0x51: {  	s30 =	rddreg [dreg:$0x8];
	[sflag:s22] =	ssyncadd.s32 $0xFFFFC000;
	(pc) =	sbr.rel .LBB2_6-.Ltmp4, $4  }
0x52: {  	[spmem:s30] =	stream.linear.scatter [tilespmem:s21], [sflag:$0x3], $0x4000, $0x38;
	[tilespmem:$0x1E800] =	vst v63  }
0x53: {  	_ =	swait.ge [sflag:s22], $0x4000  }
0x54: {  	[sflag:s22] =	ssyncset.done $0x0  }
0x55: {  	[sflag:s22] =	ssyncadd.s32 $0xFFFFC000  }
.LBB2_2:
0x56: {  	s8 =	sshll.u32 s1, $0x6  }
0x57: {  	s12 =	sshrl.u32 s6, $0x3;
	s30 =	rddreg [dreg:$0x4];
	s8 =	sor.u32 $0x1C03, s8  }
0x58: {  	[spmem:s12], [sflag:s8] =	dma.local [hbm:s30], $0x2800  }
0x59: {  	_ =	swait.ge [sflag:s22], $0x2800  }
0x5a: {  	[sflag:s22] =	ssyncset.done $0x0  }
0x5b: {  	[sflag:s22] =	ssyncadd.s32 $0xFFFFD800  }
.LBB2_6:
.Ltmp5:
0x5c: {  	(pc) =	sbr.rel @!p1 .LBB2_7-.Ltmp5, $3  }
0x5d: {  	_ =	sdelay $0x1  }
0x5e: {  	[bflag:$0x0] =	sbarrier.arrive $0xFFFF  }
0x5f: {  	s8 =	simm.s32 $0x0  }
0x60: {  	s12 =	rddreg [dreg:$0xc]  }
0x61: {  	[tilespmem:s8], [sflag:$0x3] =	stream.strided.gather [hbm4b:s12+s23], $0xA00, s24, s23, $0x38;
	[tilespmem:$0x1E800] =	vst v63  }
0x62: {  	_ =	swait.ge [sflag:s22], $0xA00  }
0x63: {  	[sflag:s22] =	ssyncset.done $0x0  }
0x64: {  	s30 =	rddreg [dreg:$0xd];
	[sflag:s22] =	ssyncadd.s32 $0xFFFFF600  }
0x65: {  	[tilespmem:s25], [sflag:$0x3] =	stream.strided.gather [hbm4b:s30+s23], $0xA00, s24, s23, $0x38;
	[tilespmem:$0x1E800] =	vst v63  }
0x66: {  	_ =	swait.ge [sflag:s22], $0xA00  }
0x67: {  	[sflag:s22] =	ssyncset.done $0x0  }
0x68: {  	[sflag:s22] =	ssyncadd.s32 $0xFFFFF600  }
0x69: {  	[tilespmem:s21], [sflag:$0x1] =	stream.indirect.gather [hbm4b:s4+s23], $0x80, s8, s23, $0xb8;
	[tilespmem:$0x1E800] =	vst v63  }
0x6a: {  	_ = 	snop  }
0x6b: {  	[tilespmem:s26], [sflag:$0x2] =	stream.indirect.gather [hbm4b:s4+s23], $0x80, s23, s23, $0xb8;
	[tilespmem:$0x1E800] =	vst v63  }
0x6c: {  	_ =	swait.ge [sflag:s28], $0x4000  }
0x6d: {  	[sflag:s28] =	ssyncset.done $0x0  }
0x6e: {  	[sflag:s28] =	ssyncadd.s32 $0xFFFFC000  }
0x6f: {  	[spmem:s2] =	stream.indirect.scatter.add.f32 [tilespmem:s21], [sflag:$0x3], $0x80, s25, s23, $0xb8;
	[tilespmem:$0x1E800] =	vst v63  }
0x70: {  	_ =	swait.ge [sflag:s22], $0x4000  }
0x71: {  	[sflag:s22] =	ssyncset.done $0x0  }
0x72: {  	[sflag:s22] =	ssyncadd.s32 $0xFFFFC000  }
0x73: {  	[tilespmem:s21], [sflag:$0x1] =	stream.indirect.gather [hbm4b:s4+s23], $0x80, s24, s23, $0xb8;
	[tilespmem:$0x1E800] =	vst v63  }
0x74: {  	_ =	swait.ge [sflag:s29], $0x4000  }
0x75: {  	[sflag:s29] =	ssyncset.done $0x0  }
0x76: {  	s30 =	simm.s32 $0x1480;
	[sflag:s29] =	ssyncadd.s32 $0xFFFFC000  }
0x77: {  	[spmem:s2] =	stream.indirect.scatter.add.f32 [tilespmem:s26], [sflag:$0x3], $0x80, s30, s23, $0xb8;
	[tilespmem:$0x1E800] =	vst v63  }
0x78: {  	_ =	swait.ge [sflag:s22], $0x4000  }
0x79: {  	[sflag:s22] =	ssyncset.done $0x0  }
0x7a: {  	s30 =	simm.s32 $0x180;
	[sflag:s22] =	ssyncadd.s32 $0xFFFFC000  }
0x7b: {  	[tilespmem:s26], [sflag:$0x2] =	stream.indirect.gather [hbm4b:s4+s23], $0x80, s30, s23, $0xb8;
	[tilespmem:$0x1E800] =	vst v63  }
0x7c: {  	_ =	swait.ge [sflag:s28], $0x4000  }
0x7d: {  	[sflag:s28] =	ssyncset.done $0x0  }
0x7e: {  	s30 =	simm.s32 $0x1500;
	[sflag:s28] =	ssyncadd.s32 $0xFFFFC000  }
0x7f: {  	[spmem:s2] =	stream.indirect.scatter.add.f32 [tilespmem:s21], [sflag:$0x3], $0x80, s30, s23, $0xb8;
	[tilespmem:$0x1E800] =	vst v63  }
0x80: {  	_ =	swait.ge [sflag:s22], $0x4000  }
0x81: {  	[sflag:s22] =	ssyncset.done $0x0  }
0x82: {  	s30 =	simm.s32 $0x200;
	[sflag:s22] =	ssyncadd.s32 $0xFFFFC000  }
0x83: {  	[tilespmem:s21], [sflag:$0x1] =	stream.indirect.gather [hbm4b:s4+s23], $0x80, s30, s23, $0xb8;
	[tilespmem:$0x1E800] =	vst v63  }
0x84: {  	_ =	swait.ge [sflag:s29], $0x4000  }
0x85: {  	[sflag:s29] =	ssyncset.done $0x0  }
0x86: {  	s30 =	simm.s32 $0x1580;
	[sflag:s29] =	ssyncadd.s32 $0xFFFFC000  }
0x87: {  	[spmem:s2] =	stream.indirect.scatter.add.f32 [tilespmem:s26], [sflag:$0x3], $0x80, s30, s23, $0xb8;
	[tilespmem:$0x1E800] =	vst v63  }
0x88: {  	_ =	swait.ge [sflag:s22], $0x4000  }
0x89: {  	[sflag:s22] =	ssyncset.done $0x0  }
0x8a: {  	s30 =	simm.s32 $0x280;
	[sflag:s22] =	ssyncadd.s32 $0xFFFFC000  }
0x8b: {  	[tilespmem:s26], [sflag:$0x2] =	stream.indirect.gather [hbm4b:s4+s23], $0x80, s30, s23, $0xb8;
	[tilespmem:$0x1E800] =	vst v63  }
0x8c: {  	_ =	swait.ge [sflag:s28], $0x4000  }
0x8d: {  	[sflag:s28] =	ssyncset.done $0x0  }
0x8e: {  	s30 =	simm.s32 $0x1600;
	[sflag:s28] =	ssyncadd.s32 $0xFFFFC000  }
0x8f: {  	[spmem:s2] =	stream.indirect.scatter.add.f32 [tilespmem:s21], [sflag:$0x3], $0x80, s30, s23, $0xb8;
	[tilespmem:$0x1E800] =	vst v63  }
0x90: {  	_ =	swait.ge [sflag:s22], $0x4000  }
0x91: {  	[sflag:s22] =	ssyncset.done $0x0  }
0x92: {  	s30 =	simm.s32 $0x300;
	[sflag:s22] =	ssyncadd.s32 $0xFFFFC000  }
0x93: {  	[tilespmem:s21], [sflag:$0x1] =	stream.indirect.gather [hbm4b:s4+s23], $0x80, s30, s23, $0xb8;
	[tilespmem:$0x1E800] =	vst v63  }
0x94: {  	_ =	swait.ge [sflag:s29], $0x4000  }
0x95: {  	[sflag:s29] =	ssyncset.done $0x0  }
0x96: {  	s30 =	simm.s32 $0x1680;
	[sflag:s29] =	ssyncadd.s32 $0xFFFFC000  }
0x97: {  	[spmem:s2] =	stream.indirect.scatter.add.f32 [tilespmem:s26], [sflag:$0x3], $0x80, s30, s23, $0xb8;
	[tilespmem:$0x1E800] =	vst v63  }
0x98: {  	_ =	swait.ge [sflag:s22], $0x4000  }
0x99: {  	[sflag:s22] =	ssyncset.done $0x0  }
0x9a: {  	s30 =	simm.s32 $0x380;
	[sflag:s22] =	ssyncadd.s32 $0xFFFFC000  }
0x9b: {  	[tilespmem:s26], [sflag:$0x2] =	stream.indirect.gather [hbm4b:s4+s23], $0x80, s30, s23, $0xb8;
	[tilespmem:$0x1E800] =	vst v63  }
0x9c: {  	_ =	swait.ge [sflag:s28], $0x4000  }
0x9d: {  	[sflag:s28] =	ssyncset.done $0x0  }
0x9e: {  	s30 =	simm.s32 $0x1700;
	[sflag:s28] =	ssyncadd.s32 $0xFFFFC000  }
0x9f: {  	[spmem:s2] =	stream.indirect.scatter.add.f32 [tilespmem:s21], [sflag:$0x3], $0x80, s30, s23, $0xb8;
	[tilespmem:$0x1E800] =	vst v63  }
0xa0: {  	_ =	swait.ge [sflag:s22], $0x4000  }
0xa1: {  	[sflag:s22] =	ssyncset.done $0x0  }
0xa2: {  	s30 =	simm.s32 $0x400;
	[sflag:s22] =	ssyncadd.s32 $0xFFFFC000  }
0xa3: {  	[tilespmem:s21], [sflag:$0x1] =	stream.indirect.gather [hbm4b:s4+s23], $0x80, s30, s23, $0xb8;
	[tilespmem:$0x1E800] =	vst v63  }
0xa4: {  	_ =	swait.ge [sflag:s29], $0x4000  }
0xa5: {  	[sflag:s29] =	ssyncset.done $0x0  }
0xa6: {  	s30 =	simm.s32 $0x1780;
	[sflag:s29] =	ssyncadd.s32 $0xFFFFC000  }
0xa7: {  	[spmem:s2] =	stream.indirect.scatter.add.f32 [tilespmem:s26], [sflag:$0x3], $0x80, s30, s23, $0xb8;
	[tilespmem:$0x1E800] =	vst v63  }
0xa8: {  	_ =	swait.ge [sflag:s22], $0x4000  }
0xa9: {  	[sflag:s22] =	ssyncset.done $0x0  }
0xaa: {  	s30 =	simm.s32 $0x480;
	[sflag:s22] =	ssyncadd.s32 $0xFFFFC000  }
0xab: {  	[tilespmem:s26], [sflag:$0x2] =	stream.indirect.gather [hbm4b:s4+s23], $0x80, s30, s23, $0xb8;
	[tilespmem:$0x1E800] =	vst v63  }
0xac: {  	_ =	swait.ge [sflag:s28], $0x4000  }
0xad: {  	[sflag:s28] =	ssyncset.done $0x0  }
0xae: {  	s30 =	simm.s32 $0x1800;
	[sflag:s28] =	ssyncadd.s32 $0xFFFFC000  }
0xaf: {  	[spmem:s2] =	stream.indirect.scatter.add.f32 [tilespmem:s21], [sflag:$0x3], $0x80, s30, s23, $0xb8;
	[tilespmem:$0x1E800] =	vst v63  }
0xb0: {  	_ =	swait.ge [sflag:s22], $0x4000  }
0xb1: {  	[sflag:s22] =	ssyncset.done $0x0  }
0xb2: {  	s30 =	simm.s32 $0x500;
	[sflag:s22] =	ssyncadd.s32 $0xFFFFC000  }
0xb3: {  	[tilespmem:s21], [sflag:$0x1] =	stream.indirect.gather [hbm4b:s4+s23], $0x80, s30, s23, $0xb8;
	[tilespmem:$0x1E800] =	vst v63  }
0xb4: {  	_ =	swait.ge [sflag:s29], $0x4000  }
0xb5: {  	[sflag:s29] =	ssyncset.done $0x0  }
0xb6: {  	s30 =	simm.s32 $0x1880;
	[sflag:s29] =	ssyncadd.s32 $0xFFFFC000  }
0xb7: {  	[spmem:s2] =	stream.indirect.scatter.add.f32 [tilespmem:s26], [sflag:$0x3], $0x80, s30, s23, $0xb8;
	[tilespmem:$0x1E800] =	vst v63  }
0xb8: {  	_ =	swait.ge [sflag:s22], $0x4000  }
0xb9: {  	[sflag:s22] =	ssyncset.done $0x0  }
0xba: {  	s30 =	simm.s32 $0x580;
	[sflag:s22] =	ssyncadd.s32 $0xFFFFC000  }
0xbb: {  	[tilespmem:s26], [sflag:$0x2] =	stream.indirect.gather [hbm4b:s4+s23], $0x80, s30, s23, $0xb8;
	[tilespmem:$0x1E800] =	vst v63  }
0xbc: {  	_ =	swait.ge [sflag:s28], $0x4000  }
0xbd: {  	[sflag:s28] =	ssyncset.done $0x0  }
0xbe: {  	s30 =	simm.s32 $0x1900;
	[sflag:s28] =	ssyncadd.s32 $0xFFFFC000  }
0xbf: {  	[spmem:s2] =	stream.indirect.scatter.add.f32 [tilespmem:s21], [sflag:$0x3], $0x80, s30, s23, $0xb8;
	[tilespmem:$0x1E800] =	vst v63  }
0xc0: {  	_ =	swait.ge [sflag:s22], $0x4000  }
0xc1: {  	[sflag:s22] =	ssyncset.done $0x0  }
0xc2: {  	s30 =	simm.s32 $0x600;
	[sflag:s22] =	ssyncadd.s32 $0xFFFFC000  }
0xc3: {  	[tilespmem:s21], [sflag:$0x1] =	stream.indirect.gather [hbm4b:s4+s23], $0x80, s30, s23, $0xb8;
	[tilespmem:$0x1E800] =	vst v63  }
0xc4: {  	_ =	swait.ge [sflag:s29], $0x4000  }
0xc5: {  	[sflag:s29] =	ssyncset.done $0x0  }
0xc6: {  	s30 =	simm.s32 $0x1980;
	[sflag:s29] =	ssyncadd.s32 $0xFFFFC000  }
0xc7: {  	[spmem:s2] =	stream.indirect.scatter.add.f32 [tilespmem:s26], [sflag:$0x3], $0x80, s30, s23, $0xb8;
	[tilespmem:$0x1E800] =	vst v63  }
0xc8: {  	_ =	swait.ge [sflag:s22], $0x4000  }
0xc9: {  	[sflag:s22] =	ssyncset.done $0x0  }
0xca: {  	s30 =	simm.s32 $0x680;
	[sflag:s22] =	ssyncadd.s32 $0xFFFFC000  }
0xcb: {  	[tilespmem:s26], [sflag:$0x2] =	stream.indirect.gather [hbm4b:s4+s23], $0x80, s30, s23, $0xb8;
	[tilespmem:$0x1E800] =	vst v63  }
0xcc: {  	_ =	swait.ge [sflag:s28], $0x4000  }
0xcd: {  	[sflag:s28] =	ssyncset.done $0x0  }
0xce: {  	s30 =	simm.s32 $0x1A00;
	[sflag:s28] =	ssyncadd.s32 $0xFFFFC000  }
0xcf: {  	[spmem:s2] =	stream.indirect.scatter.add.f32 [tilespmem:s21], [sflag:$0x3], $0x80, s30, s23, $0xb8;
	[tilespmem:$0x1E800] =	vst v63  }
0xd0: {  	_ =	swait.ge [sflag:s22], $0x4000  }
0xd1: {  	[sflag:s22] =	ssyncset.done $0x0  }
0xd2: {  	s30 =	simm.s32 $0x700;
	[sflag:s22] =	ssyncadd.s32 $0xFFFFC000  }
0xd3: {  	[tilespmem:s21], [sflag:$0x1] =	stream.indirect.gather [hbm4b:s4+s23], $0x80, s30, s23, $0xb8;
	[tilespmem:$0x1E800] =	vst v63  }
0xd4: {  	_ =	swait.ge [sflag:s29], $0x4000  }
0xd5: {  	[sflag:s29] =	ssyncset.done $0x0  }
0xd6: {  	s30 =	simm.s32 $0x1A80;
	[sflag:s29] =	ssyncadd.s32 $0xFFFFC000  }
0xd7: {  	[spmem:s2] =	stream.indirect.scatter.add.f32 [tilespmem:s26], [sflag:$0x3], $0x80, s30, s23, $0xb8;
	[tilespmem:$0x1E800] =	vst v63  }
0xd8: {  	_ =	swait.ge [sflag:s22], $0x4000  }
0xd9: {  	[sflag:s22] =	ssyncset.done $0x0  }
0xda: {  	s30 =	simm.s32 $0x780;
	[sflag:s22] =	ssyncadd.s32 $0xFFFFC000  }
0xdb: {  	[tilespmem:s26], [sflag:$0x2] =	stream.indirect.gather [hbm4b:s4+s23], $0x80, s30, s23, $0xb8;
	[tilespmem:$0x1E800] =	vst v63  }
0xdc: {  	_ =	swait.ge [sflag:s28], $0x4000  }
0xdd: {  	[sflag:s28] =	ssyncset.done $0x0  }
0xde: {  	s30 =	simm.s32 $0x1B00;
	[sflag:s28] =	ssyncadd.s32 $0xFFFFC000  }
0xdf: {  	[spmem:s2] =	stream.indirect.scatter.add.f32 [tilespmem:s21], [sflag:$0x3], $0x80, s30, s23, $0xb8;
	[tilespmem:$0x1E800] =	vst v63  }
0xe0: {  	_ =	swait.ge [sflag:s22], $0x4000  }
0xe1: {  	[sflag:s22] =	ssyncset.done $0x0  }
0xe2: {  	[sflag:s22] =	ssyncadd.s32 $0xFFFFC000  }
0xe3: {  	[tilespmem:s21], [sflag:$0x1] =	stream.indirect.gather [hbm4b:s4+s23], $0x80, s13, s23, $0xb8;
	[tilespmem:$0x1E800] =	vst v63  }
0xe4: {  	_ =	swait.ge [sflag:s29], $0x4000  }
0xe5: {  	[sflag:s29] =	ssyncset.done $0x0  }
0xe6: {  	[sflag:s29] =	ssyncadd.s32 $0xFFFFC000  }
0xe7: {  	[spmem:s2] =	stream.indirect.scatter.add.f32 [tilespmem:s26], [sflag:$0x3], $0x80, s31, s23, $0xb8;
	[tilespmem:$0x1E800] =	vst v63  }
0xe8: {  	_ =	swait.ge [sflag:s22], $0x4000  }
0xe9: {  	[sflag:s22] =	ssyncset.done $0x0  }
0xea: {  	[sflag:s22] =	ssyncadd.s32 $0xFFFFC000  }
0xeb: {  	[tilespmem:s26], [sflag:$0x2] =	stream.indirect.gather [hbm4b:s4+s23], $0x80, s14, s23, $0xb8;
	[tilespmem:$0x1E800] =	vst v63  }
0xec: {  	_ =	swait.ge [sflag:s28], $0x4000  }
0xed: {  	[sflag:s28] =	ssyncset.done $0x0  }
0xee: {  	[sflag:s28] =	ssyncadd.s32 $0xFFFFC000  }
0xef: {  	[spmem:s2] =	stream.indirect.scatter.add.f32 [tilespmem:s21], [sflag:$0x3], $0x80, s9, s23, $0xb8;
	[tilespmem:$0x1E800] =	vst v63  }
0xf0: {  	_ =	swait.ge [sflag:s22], $0x4000  }
0xf1: {  	[sflag:s22] =	ssyncset.done $0x0  }
0xf2: {  	[sflag:s22] =	ssyncadd.s32 $0xFFFFC000  }
0xf3: {  	[tilespmem:s21], [sflag:$0x1] =	stream.indirect.gather [hbm4b:s4+s23], $0x80, s15, s23, $0xb8;
	[tilespmem:$0x1E800] =	vst v63  }
0xf4: {  	_ =	swait.ge [sflag:s29], $0x4000  }
0xf5: {  	[sflag:s29] =	ssyncset.done $0x0  }
0xf6: {  	[sflag:s29] =	ssyncadd.s32 $0xFFFFC000  }
0xf7: {  	[spmem:s2] =	stream.indirect.scatter.add.f32 [tilespmem:s26], [sflag:$0x3], $0x80, s0, s23, $0xb8;
	[tilespmem:$0x1E800] =	vst v63  }
0xf8: {  	_ =	swait.ge [sflag:s22], $0x4000  }
0xf9: {  	[sflag:s22] =	ssyncset.done $0x0  }
0xfa: {  	[sflag:s22] =	ssyncadd.s32 $0xFFFFC000  }
0xfb: {  	[tilespmem:s26], [sflag:$0x2] =	stream.indirect.gather [hbm4b:s4+s23], $0x80, s16, s23, $0xb8;
	[tilespmem:$0x1E800] =	vst v63  }
0xfc: {  	_ =	swait.ge [sflag:s28], $0x4000  }
0xfd: {  	[sflag:s28] =	ssyncset.done $0x0  }
0xfe: {  	s30 =	simm.s32 $0x1D00;
	[sflag:s28] =	ssyncadd.s32 $0xFFFFC000  }
0xff: {  	[spmem:s2] =	stream.indirect.scatter.add.f32 [tilespmem:s21], [sflag:$0x3], $0x80, s30, s23, $0xb8;
	[tilespmem:$0x1E800] =	vst v63  }
0x100: {  	_ =	swait.ge [sflag:s22], $0x4000  }
0x101: {  	[sflag:s22] =	ssyncset.done $0x0  }
0x102: {  	[sflag:s22] =	ssyncadd.s32 $0xFFFFC000  }
0x103: {  	_ =	swait.ge [sflag:s29], $0x4000  }
0x104: {  	[sflag:s29] =	ssyncset.done $0x0  }
0x105: {  	s30 =	simm.s32 $0x1D80;
	[sflag:s29] =	ssyncadd.s32 $0xFFFFC000  }
0x106: {  	[spmem:s2] =	stream.indirect.scatter.add.f32 [tilespmem:s26], [sflag:$0x3], $0x80, s30, s23, $0xb8;
	[tilespmem:$0x1E800] =	vst v63  }
0x107: {  	_ =	swait.ge [sflag:s22], $0x4000  }
0x108: {  	[sflag:s22] =	ssyncset.done $0x0  }
0x109: {  	[sflag:s22] =	ssyncadd.s32 $0xFFFFC000  }
0x10a: {  	[tilespmem:s8], [sflag:$0x3] =	stream.linear.gather [hbm4b:s5+s8], $0x1400, $0x38;
	[tilespmem:$0x1E800] =	vst v63  }
0x10b: {  	_ =	swait.ge [sflag:s22], $0x1400  }
0x10c: {  	[sflag:s22] =	ssyncset.done $0x0  }
0x10d: {  	[sflag:s22] =	ssyncadd.s32 $0xFFFFEC00  }
0x10e: {  	[tilespmem:s25], [sflag:$0x3] =	stream.linear.gather [hbm4b:s5+s8], $0x1400, $0x38;
	[tilespmem:$0x1E800] =	vst v63  }
0x10f: {  	_ =	swait.ge [sflag:s22], $0x1400  }
0x110: {  	[sflag:s22] =	ssyncset.done $0x0  }
0x111: {  	[sflag:s22] =	ssyncadd.s32 $0xFFFFEC00  }
0x112: {  	[tilespmem:s21], [sflag:$0x1] =	stream.indirect.gather [hbm4b:s4+s23], $0x80, s8, s23, $0xb8;
	[tilespmem:$0x1E800] =	vst v63  }
0x113: {  	_ = 	snop  }
0x114: {  	[tilespmem:s26], [sflag:$0x2] =	stream.indirect.gather [hbm4b:s4+s23], $0x80, s23, s23, $0xb8;
	[tilespmem:$0x1E800] =	vst v63  }
0x115: {  	_ =	swait.ge [sflag:s28], $0x4000  }
0x116: {  	[sflag:s28] =	ssyncset.done $0x0  }
0x117: {  	s30 =	simm.s32 $0x1400;
	[sflag:s28] =	ssyncadd.s32 $0xFFFFC000  }
0x118: {  	[spmem:s2] =	stream.indirect.scatter.add.f32 [tilespmem:s21], [sflag:$0x3], $0x80, s30, s23, $0xb8;
	[tilespmem:$0x1E800] =	vst v63  }
0x119: {  	_ =	swait.ge [sflag:s22], $0x4000  }
0x11a: {  	[sflag:s22] =	ssyncset.done $0x0  }
0x11b: {  	s12 =	simm.s32 $0x100;
	[sflag:s22] =	ssyncadd.s32 $0xFFFFC000  }
0x11c: {  	[tilespmem:s21], [sflag:$0x1] =	stream.indirect.gather [hbm4b:s4+s23], $0x80, s12, s23, $0xb8;
	[tilespmem:$0x1E800] =	vst v63  }
0x11d: {  	_ =	swait.ge [sflag:s29], $0x4000  }
0x11e: {  	[sflag:s29] =	ssyncset.done $0x0  }
0x11f: {  	s30 =	simm.s32 $0x1480;
	[sflag:s29] =	ssyncadd.s32 $0xFFFFC000  }
0x120: {  	[spmem:s2] =	stream.indirect.scatter.add.f32 [tilespmem:s26], [sflag:$0x3], $0x80, s30, s23, $0xb8;
	[tilespmem:$0x1E800] =	vst v63  }
0x121: {  	_ =	swait.ge [sflag:s22], $0x4000  }
0x122: {  	[sflag:s22] =	ssyncset.done $0x0  }
0x123: {  	s8 =	simm.s32 $0x400;
	s12 =	simm.s32 $0x180;
	[sflag:s22] =	ssyncadd.s32 $0xFFFFC000  }
.LBB2_13:
0x124: {  	[tilespmem:s26], [sflag:$0x2] =	stream.indirect.gather [hbm4b:s4+s23], $0x80, s12, s23, $0xb8;
	[tilespmem:$0x1E800] =	vst v63  }
0x125: {  	s12 =	smov.u32 s8  }
0x126: {  	p2 =	sne.s32 s8, $0x4800;
	s8 =	sadd.s32 $0x400, s8;
	_ =	swait.ge [sflag:s28], $0x4000  }
0x127: {  	s12 =	sshra.s32 s12, $0x2;
	[sflag:s28] =	ssyncset.done $0x0  }
0x128: {  	s30 =	sadd.s32 $0x1400, s12;
	[sflag:s28] =	ssyncadd.s32 $0xFFFFC000  }
0x129: {  	[spmem:s2] =	stream.indirect.scatter.add.f32 [tilespmem:s21], [sflag:$0x3], $0x80, s30, s23, $0xb8;
	[tilespmem:$0x1E800] =	vst v63  }
0x12a: {  	_ =	swait.ge [sflag:s22], $0x4000  }
0x12b: {  	[sflag:s22] =	ssyncset.done $0x0  }
0x12c: {  	s30 =	sadd.s32 $0x100, s12;
	[sflag:s22] =	ssyncadd.s32 $0xFFFFC000  }
0x12d: {  	[tilespmem:s21], [sflag:$0x1] =	stream.indirect.gather [hbm4b:s4+s23], $0x80, s30, s23, $0xb8;
	[tilespmem:$0x1E800] =	vst v63  }
0x12e: {  	_ =	swait.ge [sflag:s29], $0x4000  }
0x12f: {  	[sflag:s29] =	ssyncset.done $0x0  }
.Ltmp6:
0x130: {  	s30 =	sadd.s32 $0x1480, s12;
	[sflag:s29] =	ssyncadd.s32 $0xFFFFC000;
	(pc) =	sbr.rel @p2 .LBB2_13-.Ltmp6, $4  }
0x131: {  	[spmem:s2] =	stream.indirect.scatter.add.f32 [tilespmem:s26], [sflag:$0x3], $0x80, s30, s23, $0xb8;
	[tilespmem:$0x1E800] =	vst v63  }
0x132: {  	_ =	swait.ge [sflag:s22], $0x4000  }
0x133: {  	[sflag:s22] =	ssyncset.done $0x0  }
0x134: {  	s12 =	sadd.s32 $0x180, s12;
	[sflag:s22] =	ssyncadd.s32 $0xFFFFC000  }
0x135: {  	[tilespmem:s26], [sflag:$0x2] =	stream.indirect.gather [hbm4b:s4+s23], $0x80, s12, s23, $0xb8;
	[tilespmem:$0x1E800] =	vst v63  }
0x136: {  	_ =	swait.ge [sflag:s28], $0x4000  }
0x137: {  	[sflag:s28] =	ssyncset.done $0x0  }
0x138: {  	[sflag:s28] =	ssyncadd.s32 $0xFFFFC000  }
0x139: {  	[spmem:s2] =	stream.indirect.scatter.add.f32 [tilespmem:s21], [sflag:$0x3], $0x80, s10, s23, $0xb8;
	[tilespmem:$0x1E800] =	vst v63  }
0x13a: {  	_ =	swait.ge [sflag:s22], $0x4000  }
0x13b: {  	[sflag:s22] =	ssyncset.done $0x0  }
0x13c: {  	[sflag:s22] =	ssyncadd.s32 $0xFFFFC000  }
0x13d: {  	_ =	swait.ge [sflag:s29], $0x4000  }
0x13e: {  	[sflag:s29] =	ssyncset.done $0x0  }
0x13f: {  	[sflag:s29] =	ssyncadd.s32 $0xFFFFC000  }
0x140: {  	[spmem:s2] =	stream.indirect.scatter.add.f32 [tilespmem:s26], [sflag:$0x3], $0x80, s17, s23, $0xb8;
	[tilespmem:$0x1E800] =	vst v63  }
0x141: {  	_ =	swait.ge [sflag:s22], $0x4000  }
0x142: {  	[sflag:s22] =	ssyncset.done $0x0  }
0x143: {  	[sflag:s22] =	ssyncadd.s32 $0xFFFFC000  }
0x144: {  	[tilespmem:s3], [sflag:$0x3] =	stream.linear.gather [hbm4b:s18+s3], $0xA00, $0x38;
	[tilespmem:$0x1E800] =	vst v63  }
0x145: {  	_ =	swait.ge [sflag:s22], $0xA00  }
0x146: {  	[sflag:s22] =	ssyncset.done $0x0  }
0x147: {  	[sflag:s22] =	ssyncadd.s32 $0xFFFFF600  }
0x148: {  	[tilespmem:s25], [sflag:$0x3] =	stream.linear.gather [hbm4b:s18+s3], $0xA00, $0x38;
	[tilespmem:$0x1E800] =	vst v63  }
0x149: {  	_ =	swait.ge [sflag:s22], $0xA00  }
0x14a: {  	[sflag:s22] =	ssyncset.done $0x0  }
0x14b: {  	[sflag:s22] =	ssyncadd.s32 $0xFFFFF600  }
0x14c: {  	[tilespmem:s21], [sflag:$0x1] =	stream.indirect.gather [hbm4b:s4+s23], $0x80, s3, s23, $0xb8;
	[tilespmem:$0x1E800] =	vst v63  }
0x14d: {  	_ = 	snop  }
0x14e: {  	[tilespmem:s26], [sflag:$0x2] =	stream.indirect.gather [hbm4b:s4+s23], $0x80, s23, s23, $0xb8;
	[tilespmem:$0x1E800] =	vst v63  }
0x14f: {  	_ =	swait.ge [sflag:s28], $0x4000  }
0x150: {  	[sflag:s28] =	ssyncset.done $0x0  }
0x151: {  	[sflag:s28] =	ssyncadd.s32 $0xFFFFC000  }
0x152: {  	[spmem:s2] =	stream.indirect.scatter.add.f32 [tilespmem:s21], [sflag:$0x3], $0x80, s25, s23, $0xb8;
	[tilespmem:$0x1E800] =	vst v63  }
0x153: {  	_ =	swait.ge [sflag:s22], $0x4000  }
0x154: {  	[sflag:s22] =	ssyncset.done $0x0  }
0x155: {  	[sflag:s22] =	ssyncadd.s32 $0xFFFFC000  }
0x156: {  	[tilespmem:s21], [sflag:$0x1] =	stream.indirect.gather [hbm4b:s4+s23], $0x80, s24, s23, $0xb8;
	[tilespmem:$0x1E800] =	vst v63  }
0x157: {  	_ =	swait.ge [sflag:s29], $0x4000  }
0x158: {  	[sflag:s29] =	ssyncset.done $0x0  }
0x159: {  	s8 =	simm.s32 $0x1480;
	[sflag:s29] =	ssyncadd.s32 $0xFFFFC000  }
0x15a: {  	[spmem:s2] =	stream.indirect.scatter.add.f32 [tilespmem:s26], [sflag:$0x3], $0x80, s8, s23, $0xb8;
	[tilespmem:$0x1E800] =	vst v63  }
0x15b: {  	_ =	swait.ge [sflag:s22], $0x4000  }
0x15c: {  	[sflag:s22] =	ssyncset.done $0x0  }
0x15d: {  	s12 =	simm.s32 $0x180;
	[sflag:s22] =	ssyncadd.s32 $0xFFFFC000  }
0x15e: {  	[tilespmem:s26], [sflag:$0x2] =	stream.indirect.gather [hbm4b:s4+s23], $0x80, s12, s23, $0xb8;
	[tilespmem:$0x1E800] =	vst v63  }
0x15f: {  	_ =	swait.ge [sflag:s28], $0x4000  }
0x160: {  	[sflag:s28] =	ssyncset.done $0x0  }
0x161: {  	s30 =	simm.s32 $0x1500;
	[sflag:s28] =	ssyncadd.s32 $0xFFFFC000  }
0x162: {  	[spmem:s2] =	stream.indirect.scatter.add.f32 [tilespmem:s21], [sflag:$0x3], $0x80, s30, s23, $0xb8;
	[tilespmem:$0x1E800] =	vst v63  }
0x163: {  	_ =	swait.ge [sflag:s22], $0x4000  }
0x164: {  	[sflag:s22] =	ssyncset.done $0x0  }
0x165: {  	s12 =	simm.s32 $0x200;
	[sflag:s22] =	ssyncadd.s32 $0xFFFFC000  }
0x166: {  	[tilespmem:s21], [sflag:$0x1] =	stream.indirect.gather [hbm4b:s4+s23], $0x80, s12, s23, $0xb8;
	[tilespmem:$0x1E800] =	vst v63  }
0x167: {  	_ =	swait.ge [sflag:s29], $0x4000  }
0x168: {  	[sflag:s29] =	ssyncset.done $0x0  }
0x169: {  	s30 =	simm.s32 $0x1580;
	[sflag:s29] =	ssyncadd.s32 $0xFFFFC000  }
0x16a: {  	[spmem:s2] =	stream.indirect.scatter.add.f32 [tilespmem:s26], [sflag:$0x3], $0x80, s30, s23, $0xb8;
	[tilespmem:$0x1E800] =	vst v63  }
0x16b: {  	_ =	swait.ge [sflag:s22], $0x4000  }
0x16c: {  	[sflag:s22] =	ssyncset.done $0x0  }
0x16d: {  	s12 =	simm.s32 $0x280;
	[sflag:s22] =	ssyncadd.s32 $0xFFFFC000  }
0x16e: {  	[tilespmem:s26], [sflag:$0x2] =	stream.indirect.gather [hbm4b:s4+s23], $0x80, s12, s23, $0xb8;
	[tilespmem:$0x1E800] =	vst v63  }
0x16f: {  	_ =	swait.ge [sflag:s28], $0x4000  }
0x170: {  	[sflag:s28] =	ssyncset.done $0x0  }
0x171: {  	s30 =	simm.s32 $0x1600;
	[sflag:s28] =	ssyncadd.s32 $0xFFFFC000  }
0x172: {  	[spmem:s2] =	stream.indirect.scatter.add.f32 [tilespmem:s21], [sflag:$0x3], $0x80, s30, s23, $0xb8;
	[tilespmem:$0x1E800] =	vst v63  }
0x173: {  	_ =	swait.ge [sflag:s22], $0x4000  }
0x174: {  	[sflag:s22] =	ssyncset.done $0x0  }
0x175: {  	s12 =	simm.s32 $0x300;
	[sflag:s22] =	ssyncadd.s32 $0xFFFFC000  }
0x176: {  	[tilespmem:s21], [sflag:$0x1] =	stream.indirect.gather [hbm4b:s4+s23], $0x80, s12, s23, $0xb8;
	[tilespmem:$0x1E800] =	vst v63  }
0x177: {  	_ =	swait.ge [sflag:s29], $0x4000  }
0x178: {  	[sflag:s29] =	ssyncset.done $0x0  }
0x179: {  	s30 =	simm.s32 $0x1680;
	[sflag:s29] =	ssyncadd.s32 $0xFFFFC000  }
0x17a: {  	[spmem:s2] =	stream.indirect.scatter.add.f32 [tilespmem:s26], [sflag:$0x3], $0x80, s30, s23, $0xb8;
	[tilespmem:$0x1E800] =	vst v63  }
0x17b: {  	_ =	swait.ge [sflag:s22], $0x4000  }
0x17c: {  	[sflag:s22] =	ssyncset.done $0x0  }
0x17d: {  	s12 =	simm.s32 $0x380;
	[sflag:s22] =	ssyncadd.s32 $0xFFFFC000  }
0x17e: {  	[tilespmem:s26], [sflag:$0x2] =	stream.indirect.gather [hbm4b:s4+s23], $0x80, s12, s23, $0xb8;
	[tilespmem:$0x1E800] =	vst v63  }
0x17f: {  	_ =	swait.ge [sflag:s28], $0x4000  }
0x180: {  	[sflag:s28] =	ssyncset.done $0x0  }
0x181: {  	s30 =	simm.s32 $0x1700;
	[sflag:s28] =	ssyncadd.s32 $0xFFFFC000  }
0x182: {  	[spmem:s2] =	stream.indirect.scatter.add.f32 [tilespmem:s21], [sflag:$0x3], $0x80, s30, s23, $0xb8;
	[tilespmem:$0x1E800] =	vst v63  }
0x183: {  	_ =	swait.ge [sflag:s22], $0x4000  }
0x184: {  	[sflag:s22] =	ssyncset.done $0x0  }
0x185: {  	s12 =	simm.s32 $0x400;
	[sflag:s22] =	ssyncadd.s32 $0xFFFFC000  }
0x186: {  	[tilespmem:s21], [sflag:$0x1] =	stream.indirect.gather [hbm4b:s4+s23], $0x80, s12, s23, $0xb8;
	[tilespmem:$0x1E800] =	vst v63  }
0x187: {  	_ =	swait.ge [sflag:s29], $0x4000  }
0x188: {  	[sflag:s29] =	ssyncset.done $0x0  }
0x189: {  	s30 =	simm.s32 $0x1780;
	[sflag:s29] =	ssyncadd.s32 $0xFFFFC000  }
0x18a: {  	[spmem:s2] =	stream.indirect.scatter.add.f32 [tilespmem:s26], [sflag:$0x3], $0x80, s30, s23, $0xb8;
	[tilespmem:$0x1E800] =	vst v63  }
0x18b: {  	_ =	swait.ge [sflag:s22], $0x4000  }
0x18c: {  	[sflag:s22] =	ssyncset.done $0x0  }
0x18d: {  	s12 =	simm.s32 $0x480;
	[sflag:s22] =	ssyncadd.s32 $0xFFFFC000  }
0x18e: {  	[tilespmem:s26], [sflag:$0x2] =	stream.indirect.gather [hbm4b:s4+s23], $0x80, s12, s23, $0xb8;
	[tilespmem:$0x1E800] =	vst v63  }
0x18f: {  	_ =	swait.ge [sflag:s28], $0x4000  }
0x190: {  	[sflag:s28] =	ssyncset.done $0x0  }
0x191: {  	s30 =	simm.s32 $0x1800;
	[sflag:s28] =	ssyncadd.s32 $0xFFFFC000  }
0x192: {  	[spmem:s2] =	stream.indirect.scatter.add.f32 [tilespmem:s21], [sflag:$0x3], $0x80, s30, s23, $0xb8;
	[tilespmem:$0x1E800] =	vst v63  }
0x193: {  	_ =	swait.ge [sflag:s22], $0x4000  }
0x194: {  	[sflag:s22] =	ssyncset.done $0x0  }
0x195: {  	s12 =	simm.s32 $0x500;
	[sflag:s22] =	ssyncadd.s32 $0xFFFFC000  }
0x196: {  	[tilespmem:s21], [sflag:$0x1] =	stream.indirect.gather [hbm4b:s4+s23], $0x80, s12, s23, $0xb8;
	[tilespmem:$0x1E800] =	vst v63  }
0x197: {  	_ =	swait.ge [sflag:s29], $0x4000  }
0x198: {  	[sflag:s29] =	ssyncset.done $0x0  }
0x199: {  	s30 =	simm.s32 $0x1880;
	[sflag:s29] =	ssyncadd.s32 $0xFFFFC000  }
0x19a: {  	[spmem:s2] =	stream.indirect.scatter.add.f32 [tilespmem:s26], [sflag:$0x3], $0x80, s30, s23, $0xb8;
	[tilespmem:$0x1E800] =	vst v63  }
0x19b: {  	_ =	swait.ge [sflag:s22], $0x4000  }
0x19c: {  	[sflag:s22] =	ssyncset.done $0x0  }
0x19d: {  	s12 =	simm.s32 $0x580;
	[sflag:s22] =	ssyncadd.s32 $0xFFFFC000  }
0x19e: {  	[tilespmem:s26], [sflag:$0x2] =	stream.indirect.gather [hbm4b:s4+s23], $0x80, s12, s23, $0xb8;
	[tilespmem:$0x1E800] =	vst v63  }
0x19f: {  	_ =	swait.ge [sflag:s28], $0x4000  }
0x1a0: {  	[sflag:s28] =	ssyncset.done $0x0  }
0x1a1: {  	s30 =	simm.s32 $0x1900;
	[sflag:s28] =	ssyncadd.s32 $0xFFFFC000  }
0x1a2: {  	[spmem:s2] =	stream.indirect.scatter.add.f32 [tilespmem:s21], [sflag:$0x3], $0x80, s30, s23, $0xb8;
	[tilespmem:$0x1E800] =	vst v63  }
0x1a3: {  	_ =	swait.ge [sflag:s22], $0x4000  }
0x1a4: {  	[sflag:s22] =	ssyncset.done $0x0  }
0x1a5: {  	s12 =	simm.s32 $0x600;
	[sflag:s22] =	ssyncadd.s32 $0xFFFFC000  }
0x1a6: {  	[tilespmem:s21], [sflag:$0x1] =	stream.indirect.gather [hbm4b:s4+s23], $0x80, s12, s23, $0xb8;
	[tilespmem:$0x1E800] =	vst v63  }
0x1a7: {  	_ =	swait.ge [sflag:s29], $0x4000  }
0x1a8: {  	[sflag:s29] =	ssyncset.done $0x0  }
0x1a9: {  	s30 =	simm.s32 $0x1980;
	[sflag:s29] =	ssyncadd.s32 $0xFFFFC000  }
0x1aa: {  	[spmem:s2] =	stream.indirect.scatter.add.f32 [tilespmem:s26], [sflag:$0x3], $0x80, s30, s23, $0xb8;
	[tilespmem:$0x1E800] =	vst v63  }
0x1ab: {  	_ =	swait.ge [sflag:s22], $0x4000  }
0x1ac: {  	[sflag:s22] =	ssyncset.done $0x0  }
0x1ad: {  	s12 =	simm.s32 $0x680;
	[sflag:s22] =	ssyncadd.s32 $0xFFFFC000  }
0x1ae: {  	[tilespmem:s26], [sflag:$0x2] =	stream.indirect.gather [hbm4b:s4+s23], $0x80, s12, s23, $0xb8;
	[tilespmem:$0x1E800] =	vst v63  }
0x1af: {  	_ =	swait.ge [sflag:s28], $0x4000  }
0x1b0: {  	[sflag:s28] =	ssyncset.done $0x0  }
0x1b1: {  	s30 =	simm.s32 $0x1A00;
	[sflag:s28] =	ssyncadd.s32 $0xFFFFC000  }
0x1b2: {  	[spmem:s2] =	stream.indirect.scatter.add.f32 [tilespmem:s21], [sflag:$0x3], $0x80, s30, s23, $0xb8;
	[tilespmem:$0x1E800] =	vst v63  }
0x1b3: {  	_ =	swait.ge [sflag:s22], $0x4000  }
0x1b4: {  	[sflag:s22] =	ssyncset.done $0x0  }
0x1b5: {  	s12 =	simm.s32 $0x700;
	[sflag:s22] =	ssyncadd.s32 $0xFFFFC000  }
0x1b6: {  	[tilespmem:s21], [sflag:$0x1] =	stream.indirect.gather [hbm4b:s4+s23], $0x80, s12, s23, $0xb8;
	[tilespmem:$0x1E800] =	vst v63  }
0x1b7: {  	_ =	swait.ge [sflag:s29], $0x4000  }
0x1b8: {  	[sflag:s29] =	ssyncset.done $0x0  }
0x1b9: {  	s30 =	simm.s32 $0x1A80;
	[sflag:s29] =	ssyncadd.s32 $0xFFFFC000  }
0x1ba: {  	[spmem:s2] =	stream.indirect.scatter.add.f32 [tilespmem:s26], [sflag:$0x3], $0x80, s30, s23, $0xb8;
	[tilespmem:$0x1E800] =	vst v63  }
0x1bb: {  	_ =	swait.ge [sflag:s22], $0x4000  }
0x1bc: {  	[sflag:s22] =	ssyncset.done $0x0  }
0x1bd: {  	s12 =	simm.s32 $0x780;
	[sflag:s22] =	ssyncadd.s32 $0xFFFFC000  }
0x1be: {  	[tilespmem:s26], [sflag:$0x2] =	stream.indirect.gather [hbm4b:s4+s23], $0x80, s12, s23, $0xb8;
	[tilespmem:$0x1E800] =	vst v63  }
0x1bf: {  	_ =	swait.ge [sflag:s28], $0x4000  }
0x1c0: {  	[sflag:s28] =	ssyncset.done $0x0  }
0x1c1: {  	s30 =	simm.s32 $0x1B00;
	[sflag:s28] =	ssyncadd.s32 $0xFFFFC000  }
0x1c2: {  	[spmem:s2] =	stream.indirect.scatter.add.f32 [tilespmem:s21], [sflag:$0x3], $0x80, s30, s23, $0xb8;
	[tilespmem:$0x1E800] =	vst v63  }
0x1c3: {  	_ =	swait.ge [sflag:s22], $0x4000  }
0x1c4: {  	[sflag:s22] =	ssyncset.done $0x0  }
0x1c5: {  	[sflag:s22] =	ssyncadd.s32 $0xFFFFC000  }
0x1c6: {  	[tilespmem:s21], [sflag:$0x1] =	stream.indirect.gather [hbm4b:s4+s23], $0x80, s13, s23, $0xb8;
	[tilespmem:$0x1E800] =	vst v63  }
0x1c7: {  	_ =	swait.ge [sflag:s29], $0x4000  }
0x1c8: {  	[sflag:s29] =	ssyncset.done $0x0  }
0x1c9: {  	[sflag:s29] =	ssyncadd.s32 $0xFFFFC000  }
0x1ca: {  	[spmem:s2] =	stream.indirect.scatter.add.f32 [tilespmem:s26], [sflag:$0x3], $0x80, s31, s23, $0xb8;
	[tilespmem:$0x1E800] =	vst v63  }
0x1cb: {  	_ =	swait.ge [sflag:s22], $0x4000  }
0x1cc: {  	[sflag:s22] =	ssyncset.done $0x0  }
0x1cd: {  	[sflag:s22] =	ssyncadd.s32 $0xFFFFC000  }
0x1ce: {  	[tilespmem:s26], [sflag:$0x2] =	stream.indirect.gather [hbm4b:s4+s23], $0x80, s14, s23, $0xb8;
	[tilespmem:$0x1E800] =	vst v63  }
0x1cf: {  	_ =	swait.ge [sflag:s28], $0x4000  }
0x1d0: {  	[sflag:s28] =	ssyncset.done $0x0  }
0x1d1: {  	[sflag:s28] =	ssyncadd.s32 $0xFFFFC000  }
0x1d2: {  	[spmem:s2] =	stream.indirect.scatter.add.f32 [tilespmem:s21], [sflag:$0x3], $0x80, s9, s23, $0xb8;
	[tilespmem:$0x1E800] =	vst v63  }
0x1d3: {  	_ =	swait.ge [sflag:s22], $0x4000  }
0x1d4: {  	[sflag:s22] =	ssyncset.done $0x0  }
0x1d5: {  	[sflag:s22] =	ssyncadd.s32 $0xFFFFC000  }
0x1d6: {  	[tilespmem:s21], [sflag:$0x1] =	stream.indirect.gather [hbm4b:s4+s23], $0x80, s15, s23, $0xb8;
	[tilespmem:$0x1E800] =	vst v63  }
0x1d7: {  	_ =	swait.ge [sflag:s29], $0x4000  }
0x1d8: {  	[sflag:s29] =	ssyncset.done $0x0  }
0x1d9: {  	[sflag:s29] =	ssyncadd.s32 $0xFFFFC000  }
0x1da: {  	[spmem:s2] =	stream.indirect.scatter.add.f32 [tilespmem:s26], [sflag:$0x3], $0x80, s0, s23, $0xb8;
	[tilespmem:$0x1E800] =	vst v63  }
.Ltmp7:
0x1db: {  	_ = 	snop;
	(pc) =	sbr.rel .LBB2_15-.Ltmp7, $4  }
0x1dc: {  	_ =	swait.ge [sflag:s22], $0x4000  }
0x1dd: {  	[sflag:s22] =	ssyncset.done $0x0  }
0x1de: {  	s8 =	simm.s32 $0x1D80;
	s12 =	simm.s32 $0x1D00;
	[sflag:s22] =	ssyncadd.s32 $0xFFFFC000  }
0x1df: {  	[tilespmem:s26], [sflag:$0x2] =	stream.indirect.gather [hbm4b:s4+s23], $0x80, s16, s23, $0xb8;
	[tilespmem:$0x1E800] =	vst v63  }
.LBB2_7:
0x1e0: {  	[tilespmem:s8], [sflag:$0x3] =	stream.strided.gather [hbm4b:s11+s23], $0x1400, s24, s23, $0x38;
	[tilespmem:$0x1E800] =	vst v63  }
0x1e1: {  	_ =	swait.ge [sflag:s22], $0x1400  }
0x1e2: {  	[sflag:s22] =	ssyncset.done $0x0  }
0x1e3: {  	s12 =	rddreg [dreg:$0x9];
	[sflag:s22] =	ssyncadd.s32 $0xFFFFEC00  }
0x1e4: {  	[tilespmem:s25], [sflag:$0x3] =	stream.strided.gather [hbm4b:s12+s23], $0x1400, s24, s23, $0x38;
	[tilespmem:$0x1E800] =	vst v63  }
0x1e5: {  	_ =	swait.ge [sflag:s22], $0x1400  }
0x1e6: {  	[sflag:s22] =	ssyncset.done $0x0  }
0x1e7: {  	[sflag:s22] =	ssyncadd.s32 $0xFFFFEC00  }
0x1e8: {  	[tilespmem:s21], [sflag:$0x1] =	stream.indirect.gather [hbm4b:s4+s23], $0x80, s8, s23, $0xb8;
	[tilespmem:$0x1E800] =	vst v63  }
0x1e9: {  	_ = 	snop  }
0x1ea: {  	[tilespmem:s26], [sflag:$0x2] =	stream.indirect.gather [hbm4b:s4+s23], $0x80, s23, s23, $0xb8;
	[tilespmem:$0x1E800] =	vst v63  }
0x1eb: {  	_ =	swait.ge [sflag:s28], $0x4000  }
0x1ec: {  	[sflag:s28] =	ssyncset.done $0x0  }
0x1ed: {  	s30 =	simm.s32 $0x1400;
	[sflag:s28] =	ssyncadd.s32 $0xFFFFC000  }
0x1ee: {  	[spmem:s2] =	stream.indirect.scatter.add.f32 [tilespmem:s21], [sflag:$0x3], $0x80, s30, s23, $0xb8;
	[tilespmem:$0x1E800] =	vst v63  }
0x1ef: {  	_ =	swait.ge [sflag:s22], $0x4000  }
0x1f0: {  	[sflag:s22] =	ssyncset.done $0x0  }
0x1f1: {  	s12 =	simm.s32 $0x100;
	[sflag:s22] =	ssyncadd.s32 $0xFFFFC000  }
0x1f2: {  	[tilespmem:s21], [sflag:$0x1] =	stream.indirect.gather [hbm4b:s4+s23], $0x80, s12, s23, $0xb8;
	[tilespmem:$0x1E800] =	vst v63  }
0x1f3: {  	_ =	swait.ge [sflag:s29], $0x4000  }
0x1f4: {  	[sflag:s29] =	ssyncset.done $0x0  }
0x1f5: {  	s30 =	simm.s32 $0x1480;
	[sflag:s29] =	ssyncadd.s32 $0xFFFFC000  }
0x1f6: {  	[spmem:s2] =	stream.indirect.scatter.add.f32 [tilespmem:s26], [sflag:$0x3], $0x80, s30, s23, $0xb8;
	[tilespmem:$0x1E800] =	vst v63  }
0x1f7: {  	_ =	swait.ge [sflag:s22], $0x4000  }
0x1f8: {  	[sflag:s22] =	ssyncset.done $0x0  }
0x1f9: {  	s8 =	simm.s32 $0x400;
	s12 =	simm.s32 $0x180;
	[sflag:s22] =	ssyncadd.s32 $0xFFFFC000  }
.LBB2_8:
0x1fa: {  	[tilespmem:s26], [sflag:$0x2] =	stream.indirect.gather [hbm4b:s4+s23], $0x80, s12, s23, $0xb8;
	[tilespmem:$0x1E800] =	vst v63  }
0x1fb: {  	s12 =	smov.u32 s8  }
0x1fc: {  	p2 =	sne.s32 s8, $0x4800;
	s8 =	sadd.s32 $0x400, s8;
	_ =	swait.ge [sflag:s28], $0x4000  }
0x1fd: {  	s12 =	sshra.s32 s12, $0x2;
	[sflag:s28] =	ssyncset.done $0x0  }
0x1fe: {  	s30 =	sadd.s32 $0x1400, s12;
	[sflag:s28] =	ssyncadd.s32 $0xFFFFC000  }
0x1ff: {  	[spmem:s2] =	stream.indirect.scatter.add.f32 [tilespmem:s21], [sflag:$0x3], $0x80, s30, s23, $0xb8;
	[tilespmem:$0x1E800] =	vst v63  }
0x200: {  	_ =	swait.ge [sflag:s22], $0x4000  }
0x201: {  	[sflag:s22] =	ssyncset.done $0x0  }
0x202: {  	s30 =	sadd.s32 $0x100, s12;
	[sflag:s22] =	ssyncadd.s32 $0xFFFFC000  }
0x203: {  	[tilespmem:s21], [sflag:$0x1] =	stream.indirect.gather [hbm4b:s4+s23], $0x80, s30, s23, $0xb8;
	[tilespmem:$0x1E800] =	vst v63  }
0x204: {  	_ =	swait.ge [sflag:s29], $0x4000  }
0x205: {  	[sflag:s29] =	ssyncset.done $0x0  }
.Ltmp8:
0x206: {  	s30 =	sadd.s32 $0x1480, s12;
	[sflag:s29] =	ssyncadd.s32 $0xFFFFC000;
	(pc) =	sbr.rel @p2 .LBB2_8-.Ltmp8, $4  }
0x207: {  	[spmem:s2] =	stream.indirect.scatter.add.f32 [tilespmem:s26], [sflag:$0x3], $0x80, s30, s23, $0xb8;
	[tilespmem:$0x1E800] =	vst v63  }
0x208: {  	_ =	swait.ge [sflag:s22], $0x4000  }
0x209: {  	[sflag:s22] =	ssyncset.done $0x0  }
0x20a: {  	s12 =	sadd.s32 $0x180, s12;
	[sflag:s22] =	ssyncadd.s32 $0xFFFFC000  }
0x20b: {  	[tilespmem:s26], [sflag:$0x2] =	stream.indirect.gather [hbm4b:s4+s23], $0x80, s12, s23, $0xb8;
	[tilespmem:$0x1E800] =	vst v63  }
0x20c: {  	_ =	swait.ge [sflag:s28], $0x4000  }
0x20d: {  	[sflag:s28] =	ssyncset.done $0x0  }
0x20e: {  	[sflag:s28] =	ssyncadd.s32 $0xFFFFC000  }
0x20f: {  	[spmem:s2] =	stream.indirect.scatter.add.f32 [tilespmem:s21], [sflag:$0x3], $0x80, s10, s23, $0xb8;
	[tilespmem:$0x1E800] =	vst v63  }
0x210: {  	_ =	swait.ge [sflag:s22], $0x4000  }
0x211: {  	[sflag:s22] =	ssyncset.done $0x0  }
0x212: {  	[sflag:s22] =	ssyncadd.s32 $0xFFFFC000  }
0x213: {  	_ =	swait.ge [sflag:s29], $0x4000  }
0x214: {  	[sflag:s29] =	ssyncset.done $0x0  }
0x215: {  	[sflag:s29] =	ssyncadd.s32 $0xFFFFC000  }
0x216: {  	[spmem:s2] =	stream.indirect.scatter.add.f32 [tilespmem:s26], [sflag:$0x3], $0x80, s17, s23, $0xb8;
	[tilespmem:$0x1E800] =	vst v63  }
0x217: {  	_ =	swait.ge [sflag:s22], $0x4000  }
0x218: {  	[sflag:s22] =	ssyncset.done $0x0  }
0x219: {  	s8 =	simm.s32 $0x0;
	s30 =	rddreg [dreg:$0xa];
	[sflag:s22] =	ssyncadd.s32 $0xFFFFC000  }
0x21a: {  	[tilespmem:s8], [sflag:$0x3] =	stream.strided.gather [hbm4b:s30+s23], $0x1400, s24, s23, $0x38;
	[tilespmem:$0x1E800] =	vst v63  }
0x21b: {  	_ =	swait.ge [sflag:s22], $0x1400  }
0x21c: {  	[sflag:s22] =	ssyncset.done $0x0  }
0x21d: {  	s30 =	rddreg [dreg:$0xb];
	[sflag:s22] =	ssyncadd.s32 $0xFFFFEC00  }
0x21e: {  	[tilespmem:s25], [sflag:$0x3] =	stream.strided.gather [hbm4b:s30+s23], $0x1400, s24, s23, $0x38;
	[tilespmem:$0x1E800] =	vst v63  }
0x21f: {  	_ =	swait.ge [sflag:s22], $0x1400  }
0x220: {  	[sflag:s22] =	ssyncset.done $0x0  }
0x221: {  	[sflag:s22] =	ssyncadd.s32 $0xFFFFEC00  }
0x222: {  	[tilespmem:s21], [sflag:$0x1] =	stream.indirect.gather [hbm4b:s4+s23], $0x80, s8, s23, $0xb8;
	[tilespmem:$0x1E800] =	vst v63  }
0x223: {  	_ = 	snop  }
0x224: {  	[tilespmem:s26], [sflag:$0x2] =	stream.indirect.gather [hbm4b:s4+s23], $0x80, s23, s23, $0xb8;
	[tilespmem:$0x1E800] =	vst v63  }
0x225: {  	_ =	swait.ge [sflag:s28], $0x4000  }
0x226: {  	[sflag:s28] =	ssyncset.done $0x0  }
0x227: {  	s30 =	simm.s32 $0x1400;
	[sflag:s28] =	ssyncadd.s32 $0xFFFFC000  }
0x228: {  	[spmem:s2] =	stream.indirect.scatter.add.f32 [tilespmem:s21], [sflag:$0x3], $0x80, s30, s23, $0xb8;
	[tilespmem:$0x1E800] =	vst v63  }
0x229: {  	_ =	swait.ge [sflag:s22], $0x4000  }
0x22a: {  	[sflag:s22] =	ssyncset.done $0x0  }
0x22b: {  	s12 =	simm.s32 $0x100;
	[sflag:s22] =	ssyncadd.s32 $0xFFFFC000  }
0x22c: {  	[tilespmem:s21], [sflag:$0x1] =	stream.indirect.gather [hbm4b:s4+s23], $0x80, s12, s23, $0xb8;
	[tilespmem:$0x1E800] =	vst v63  }
0x22d: {  	_ =	swait.ge [sflag:s29], $0x4000  }
0x22e: {  	p2 =	por $0x0, $0x0;
	[sflag:s29] =	ssyncset.done $0x0  }
.Ltmp9:
0x22f: {  	s30 =	simm.s32 $0x1480;
	[sflag:s29] =	ssyncadd.s32 $0xFFFFC000;
	(pc) =	sbr.rel @p2 .LBB2_11-.Ltmp9, $4  }
0x230: {  	[spmem:s2] =	stream.indirect.scatter.add.f32 [tilespmem:s26], [sflag:$0x3], $0x80, s30, s23, $0xb8;
	[tilespmem:$0x1E800] =	vst v63  }
0x231: {  	_ =	swait.ge [sflag:s22], $0x4000  }
0x232: {  	[sflag:s22] =	ssyncset.done $0x0  }
0x233: {  	s8 =	simm.s32 $0x400;
	s12 =	simm.s32 $0x180;
	[sflag:s22] =	ssyncadd.s32 $0xFFFFC000  }
.LBB2_10:
0x234: {  	[tilespmem:s26], [sflag:$0x2] =	stream.indirect.gather [hbm4b:s4+s23], $0x80, s12, s23, $0xb8;
	[tilespmem:$0x1E800] =	vst v63  }
0x235: {  	s12 =	smov.u32 s8  }
0x236: {  	p2 =	seq.s32 s8, $0x4800;
	s8 =	sadd.s32 $0x400, s8;
	_ =	swait.ge [sflag:s28], $0x4000  }
0x237: {  	s12 =	sshra.s32 s12, $0x2;
	[sflag:s28] =	ssyncset.done $0x0  }
0x238: {  	s30 =	sadd.s32 $0x1400, s12;
	[sflag:s28] =	ssyncadd.s32 $0xFFFFC000  }
0x239: {  	[spmem:s2] =	stream.indirect.scatter.add.f32 [tilespmem:s21], [sflag:$0x3], $0x80, s30, s23, $0xb8;
	[tilespmem:$0x1E800] =	vst v63  }
0x23a: {  	_ =	swait.ge [sflag:s22], $0x4000  }
0x23b: {  	[sflag:s22] =	ssyncset.done $0x0  }
0x23c: {  	s30 =	sadd.s32 $0x100, s12;
	[sflag:s22] =	ssyncadd.s32 $0xFFFFC000  }
0x23d: {  	[tilespmem:s21], [sflag:$0x1] =	stream.indirect.gather [hbm4b:s4+s23], $0x80, s30, s23, $0xb8;
	[tilespmem:$0x1E800] =	vst v63  }
0x23e: {  	_ =	swait.ge [sflag:s29], $0x4000  }
0x23f: {  	[sflag:s29] =	ssyncset.done $0x0  }
.Ltmp10:
0x240: {  	s30 =	sadd.s32 $0x1480, s12;
	[sflag:s29] =	ssyncadd.s32 $0xFFFFC000;
	(pc) =	sbr.rel @!p2 .LBB2_10-.Ltmp10, $4  }
0x241: {  	[spmem:s2] =	stream.indirect.scatter.add.f32 [tilespmem:s26], [sflag:$0x3], $0x80, s30, s23, $0xb8;
	[tilespmem:$0x1E800] =	vst v63  }
0x242: {  	_ =	swait.ge [sflag:s22], $0x4000  }
0x243: {  	[sflag:s22] =	ssyncset.done $0x0  }
0x244: {  	s12 =	sadd.s32 $0x180, s12;
	[sflag:s22] =	ssyncadd.s32 $0xFFFFC000  }
.Ltmp11:
0x245: {  	_ = 	snop;
	(pc) =	sbr.rel .LBB2_11-.Ltmp11, $1  }
0x246: {  	_ =	sdelay $0x3  }
.LBB2_16:
0x247: {  	_ =	sfence.sel $0x180000  }
0x248: {  	[bflag:$0x0] =	sbarrier.arrive $0xFFFF  }
0x249: {  	_ =	strace $0x9000004A  }
0x24a: {  	[bflag:$0x2] =	sbarrier.arrive $0xFFFF  }
0x24b: {  	p0 =	sne.s32 s1, $0x0;
	s0 =	rddreg [dreg:$0x3]  }
0x24c: {  	s0 =	sadd.s32 @!p0 $0x100000, s0  }
0x24d: {  	[sflag:s0] =	ssyncadd.tile.s32 @!p0 $0x1;
	_ =	shalt  }
.Lfunc_end2:
_tile_overlayer_lowered:
.L_overlay_start_2:
0x24e: {  	(tag) =	ssettag $0x2  }
0x24f: {  	s0 =	rddreg [dreg:$0x0];
	s2 =	stileid.u32  }
0x250: {  	s1 =	rddreg [dreg:$0x1];
	p0 =	sne.s32 s2, $0x0  }
0x251: {  	s3 =	rddreg [dreg:$0x2];
	[bflag:$0x3] =	sbarrier.arrive $0xFFFF;
	s2 =	simm.s32 @!p0 $0x1C03  }
0x252: {  	[timem:s3], [sflag:s2] =	dma.local @!p0 [hbm:s0], s1  }
0x253: {  	s0 =	simm.s32 @!p0 $0x3  }
0x254: {  	_ =	swait.ge @!p0 [sflag:s0], s1  }
0x255: {  	s1 =	ssub.s32 @!p0 $0x0, s1;
	[sflag:s0] =	ssyncset.done @!p0 $0x0  }
0x256: {  	[sflag:s0] =	ssyncadd.s32 @!p0 s1  }
0x257: {  	[bflag:$0x3] =	sbarrier.arrive $0xFFFF  }
0x258: {  	_ =	shalt  }

</sc_bundles>
